<compile_context>
chip_gen: v7x
topology: tpu7x:2x2x1
jax: 0.10.2.dev20260603
libtpu: 0.0.44.dev20260713+nightly
codegen_flags: <defaults>
</compile_context>

<pallas_src>
import functools

import jax
import jax.numpy as jnp
from jax import lax
from jax.experimental import pallas as pl
from jax.experimental.pallas import tpu as pltpu
from jax.experimental.pallas import tpu_sc as plsc

_N = 10000
_E = 160000
_D = 256
_HALF = 128
_G = 16
_EPS = 1e-5

_NC = 2
_NS = 16
_RPT = 624
_TAIL0 = _RPT * _NS
_TAILN = _N - _TAIL0
_EPT = _E // _NS
_CHUNK = 128
_NCHUNK = _EPT // _CHUNK
_TEDGE = _EPT - _NCHUNK * _CHUNK
_TOFF = _NCHUNK * _CHUNK
_NPAD = 10240
_DRPT = _NPAD // _NS

def _deg_body(dst_h, ones_h, zeros_h, out_h, idx_v, ones_v, idx_t, ones_t,
              acc_sh):
    c = lax.axis_index("c")
    s = lax.axis_index("s")
    pltpu.sync_copy(zeros_h.at[pl.ds(s * _DRPT, _DRPT)],
                    acc_sh.at[pl.ds(s * _DRPT, _DRPT)])
    pltpu.sync_copy(ones_h, ones_v)
    plsc.subcore_barrier()
    base = s * _EPT

    def chunk(g, carry):
        pltpu.sync_copy(dst_h.at[pl.ds(base + g * _CHUNK, _CHUNK)], idx_v)
        pltpu.sync_copy(ones_v, acc_sh.at[idx_v], add=True)
        return carry

    lax.fori_loop(0, _NCHUNK, chunk, 0)
    pltpu.sync_copy(dst_h.at[pl.ds(base + _TOFF, _TEDGE)], idx_t)
    pltpu.sync_copy(ones_h.at[pl.ds(0, _TEDGE)], ones_t)
    pltpu.sync_copy(ones_t, acc_sh.at[idx_t], add=True)
    plsc.subcore_barrier()
    pltpu.sync_copy(acc_sh.at[pl.ds(s * _DRPT, _DRPT)],
                    out_h.at[pl.ds(c * _NPAD + s * _DRPT, _DRPT)])


@functools.cache
def _sc_kernels():
    mesh = plsc.VectorSubcoreMesh(core_axis_name="c", subcore_axis_name="s",
                                  num_cores=_NC, num_subcores=_NS)
    deg = pl.kernel(
        _deg_body,
        out_type=jax.ShapeDtypeStruct((_NC * _NPAD,), jnp.float32),
        mesh=mesh,
        scratch_types=[
            pltpu.VMEM((_CHUNK,), jnp.int32),
            pltpu.VMEM((_CHUNK,), jnp.float32),
            pltpu.VMEM((_TEDGE,), jnp.int32),
            pltpu.VMEM((_TEDGE,), jnp.float32),
            pltpu.VMEM_SHARED((_NPAD,), jnp.float32),
        ],
    )
    conv = pl.kernel(
        _conv_body,
        out_type=jax.ShapeDtypeStruct((_NC * _N, _HALF), jnp.float32),
        mesh=mesh,
        scratch_types=[
            pltpu.VMEM((_CHUNK,), jnp.int32),
            pltpu.VMEM((_CHUNK,), jnp.int32),
            pltpu.VMEM((_CHUNK, _HALF), jnp.float32),
            pltpu.VMEM((_CHUNK,), jnp.int32),
            pltpu.VMEM((_CHUNK,), jnp.int32),
            pltpu.VMEM((_CHUNK, _HALF), jnp.float32),
            pltpu.VMEM((_TEDGE,), jnp.int32),
            pltpu.VMEM((_TEDGE,), jnp.int32),
            pltpu.VMEM((_TEDGE, _HALF), jnp.float32),
            pltpu.VMEM_SHARED((_N, _HALF), jnp.float32),
            pltpu.SemaphoreType.DMA,
            pltpu.SemaphoreType.DMA,
        ],
    )
    return deg, conv


def _deg_call(*args):
    return _sc_kernels()[0](*args)


def _conv_body(p_h, srcs_h, dst_h, zeros_h, out_h, idx_sa, idx_da, rows_a,
               idx_sb, idx_db, rows_b, idx_st, idx_dt, rows_t, acc_sh,
               sem_a, sem_b):
    c = lax.axis_index("c")
    s = lax.axis_index("s")
    row0 = s * _RPT
    pltpu.sync_copy(zeros_h.at[pl.ds(row0, _RPT)], acc_sh.at[pl.ds(row0, _RPT)])

    @pl.when(s == _NS - 1)
    def _():
        pltpu.sync_copy(zeros_h.at[pl.ds(_TAIL0, _TAILN)],
                        acc_sh.at[pl.ds(_TAIL0, _TAILN)])

    plsc.subcore_barrier()

    base = s * _EPT
    pltpu.sync_copy(srcs_h.at[pl.ds(c * _E + base, _CHUNK)], idx_sa)
    pltpu.sync_copy(dst_h.at[pl.ds(base, _CHUNK)], idx_da)
    pltpu.async_copy(p_h.at[idx_sa], rows_a, sem_a)

    def chunk(g, carry):
        off = base + g * _CHUNK

        @pl.when(g % 2 == 0)
        def _():
            @pl.when(g + 1 < _NCHUNK)
            def _():
                pltpu.sync_copy(srcs_h.at[pl.ds(c * _E + off + _CHUNK, _CHUNK)],
                                idx_sb)
                pltpu.sync_copy(dst_h.at[pl.ds(off + _CHUNK, _CHUNK)], idx_db)
                pltpu.async_copy(p_h.at[idx_sb], rows_b, sem_b)

            pltpu.make_async_copy(p_h.at[idx_sa], rows_a, sem_a).wait()
            pltpu.sync_copy(rows_a, acc_sh.at[idx_da], add=True)

        @pl.when(g % 2 == 1)
        def _():
            @pl.when(g + 1 < _NCHUNK)
            def _():
                pltpu.sync_copy(srcs_h.at[pl.ds(c * _E + off + _CHUNK, _CHUNK)],
                                idx_sa)
                pltpu.sync_copy(dst_h.at[pl.ds(off + _CHUNK, _CHUNK)], idx_da)
                pltpu.async_copy(p_h.at[idx_sa], rows_a, sem_a)

            pltpu.make_async_copy(p_h.at[idx_sb], rows_b, sem_b).wait()
            pltpu.sync_copy(rows_b, acc_sh.at[idx_db], add=True)

        return carry

    lax.fori_loop(0, _NCHUNK, chunk, 0)
    pltpu.sync_copy(srcs_h.at[pl.ds(c * _E + base + _TOFF, _TEDGE)], idx_st)
    pltpu.sync_copy(dst_h.at[pl.ds(base + _TOFF, _TEDGE)], idx_dt)
    pltpu.async_copy(p_h.at[idx_st], rows_t, sem_a).wait()
    pltpu.sync_copy(rows_t, acc_sh.at[idx_dt], add=True)
    plsc.subcore_barrier()
    pltpu.sync_copy(acc_sh.at[pl.ds(row0, _RPT)],
                    out_h.at[pl.ds(c * _N + row0, _RPT)])

    @pl.when(s == _NS - 1)
    def _():
        pltpu.sync_copy(acc_sh.at[pl.ds(_TAIL0, _TAILN)],
                        out_h.at[pl.ds(c * _N + _TAIL0, _TAILN)])


def _conv_call(*args):
    return _sc_kernels()[1](*args)


_RB = 1000


def _mm_body(deg_ref, h_ref, w_ref, o_ref):
    dinv = lax.rsqrt(deg_ref[...])
    o_ref[...] = lax.dot_general(
        h_ref[...], w_ref[...], (((1,), (0,)), ((), ())),
        preferred_element_type=jnp.float32) * dinv


def _scaled_matmul(deg, h, w):
    return pl.pallas_call(
        _mm_body,
        grid=(2, _N // _RB),
        in_specs=[
            pl.BlockSpec((_RB, 1), lambda j, i: (i, 0)),
            pl.BlockSpec((_RB, _D), lambda j, i: (i, 0)),
            pl.BlockSpec((_D, _HALF), lambda j, i: (0, j)),
        ],
        out_specs=pl.BlockSpec((_RB, _HALF), lambda j, i: (j * (_N // _RB) + i, 0)),
        out_shape=jax.ShapeDtypeStruct((2 * _N, _HALF), jnp.float32),
    )(deg, h, w)


def _stats_body(acc_ref, p_ref, deg_ref, b_ref, t_ref, s1_ref, s2_ref):
    i = pl.program_id(1)
    dinv = lax.rsqrt(deg_ref[...])
    t = dinv * (acc_ref[...] + p_ref[...]) + b_ref[...]
    t_ref[...] = t

    @pl.when(i == 0)
    def _():
        s1_ref[...] = jnp.zeros_like(s1_ref)
        s2_ref[...] = jnp.zeros_like(s2_ref)

    s1_ref[...] += jnp.sum(t, axis=0, keepdims=True)
    s2_ref[...] += jnp.sum(t * t, axis=0, keepdims=True)


def _stats_call(acc, p, deg, b):
    return pl.pallas_call(
        _stats_body,
        grid=(2, _N // _RB),
        in_specs=[
            pl.BlockSpec((_RB, _HALF), lambda j, i: (j * (_N // _RB) + i, 0)),
            pl.BlockSpec((_RB, _HALF), lambda j, i: (j * (_N // _RB) + i, 0)),
            pl.BlockSpec((_RB, 1), lambda j, i: (i, 0)),
            pl.BlockSpec((1, _HALF), lambda j, i: (0, j)),
        ],
        out_specs=[
            pl.BlockSpec((_RB, _HALF), lambda j, i: (i, j)),
            pl.BlockSpec((1, _HALF), lambda j, i: (0, j)),
            pl.BlockSpec((1, _HALF), lambda j, i: (0, j)),
        ],
        out_shape=[
            jax.ShapeDtypeStruct((_N, _D), jnp.float32),
            jax.ShapeDtypeStruct((1, _D), jnp.float32),
            jax.ShapeDtypeStruct((1, _D), jnp.float32),
        ],
    )(acc, p, deg, b)


def _bn_finish(t, s1, s2, g, be):
    mean = s1 / _N
    var = s2 / _N - mean * mean
    sc = g * lax.rsqrt(var + _EPS)
    return jnp.maximum((t - mean) * sc + be, 0.0)


def _bn_body(t_ref, s1_ref, s2_ref, g_ref, be_ref, o_ref):
    o_ref[...] = _bn_finish(t_ref[...], s1_ref[...], s2_ref[...], g_ref[...],
                            be_ref[...])


def _bn_res_body(t_ref, s1_ref, s2_ref, g_ref, be_ref, id_ref, o_ref):
    o_ref[...] = _bn_finish(t_ref[...], s1_ref[...], s2_ref[...], g_ref[...],
                            be_ref[...]) + id_ref[...]


def _bn_call(t, s1, s2, g, be, identity=None):
    row_spec = pl.BlockSpec((_RB, _D), lambda i: (i, 0))
    vec_spec = pl.BlockSpec((1, _D), lambda i: (0, 0))
    if identity is None:
        body, ins, specs = _bn_body, (t, s1, s2, g, be), [row_spec] + [vec_spec] * 4
    else:
        body, ins = _bn_res_body, (t, s1, s2, g, be, identity)
        specs = [row_spec] + [vec_spec] * 4 + [row_spec]
    return pl.pallas_call(
        body,
        grid=(_N // _RB,),
        in_specs=specs,
        out_specs=row_spec,
        out_shape=jax.ShapeDtypeStruct((_N, _D), jnp.float32),
    )(*ins)


_PB = 2000


def _pool_body(batch_ref, h_ref, z_ref, ssum_ref, smax_ref, cnt_ref):
    i = pl.program_id(0)

    @pl.when(i == 0)
    def _():
        ssum_ref[...] = jnp.zeros_like(ssum_ref)
        cnt_ref[...] = jnp.zeros_like(cnt_ref)
        smax_ref[...] = jnp.full_like(smax_ref, -jnp.inf)

    b = batch_ref[...]
    h = h_ref[...]
    gids = lax.broadcasted_iota(jnp.int32, (1, _G), 1)
    onehot = (b == gids).astype(jnp.float32)
    dn = (((0,), (0,)), ((), ()))
    ssum_ref[...] += lax.dot_general(onehot, h, dn,
                                     preferred_element_type=jnp.float32, precision=lax.Precision.HIGHEST)
    cnt_ref[...] += lax.dot_general(onehot, jnp.ones_like(h), dn,
                                    preferred_element_type=jnp.float32, precision=lax.Precision.HIGHEST)
    for g in range(_G):
        cand = jnp.where(b == g, h, -jnp.inf)
        smax_ref[g:g + 1, :] = jnp.maximum(
            smax_ref[g:g + 1, :], jnp.max(cand, axis=0, keepdims=True))

    @pl.when(i == _N // _PB - 1)
    def _():
        cnt = cnt_ref[...]
        ssum = ssum_ref[...]
        mean = ssum / jnp.maximum(cnt, 1.0)
        smax = jnp.where(cnt > 0, smax_ref[...], 0.0)
        z_ref[...] = jnp.concatenate([mean, smax, ssum], axis=1)


def _pool_call(batch2d, h):
    return pl.pallas_call(
        _pool_body,
        grid=(_N // _PB,),
        in_specs=[
            pl.BlockSpec((_PB, 1), lambda i: (i, 0)),
            pl.BlockSpec((_PB, _D), lambda i: (i, 0)),
        ],
        out_specs=pl.BlockSpec((_G, 3 * _D), lambda i: (0, 0)),
        out_shape=jax.ShapeDtypeStruct((_G, 3 * _D), jnp.float32),
        scratch_shapes=[
            pltpu.VMEM((_G, _D), jnp.float32),
            pltpu.VMEM((_G, _D), jnp.float32),
            pltpu.VMEM((_G, _D), jnp.float32),
        ],
    )(batch2d, h)


def _bn_small(a, g, be):
    m = jnp.mean(a, axis=0, keepdims=True)
    v = jnp.mean((a - m) * (a - m), axis=0, keepdims=True)
    return (a - m) * lax.rsqrt(v + _EPS) * g + be


def _mlp_body(z_ref, w1_ref, b1_ref, g1_ref, be1_ref, w2_ref, b2_ref, g2_ref,
              be2_ref, w3_ref, b3_ref, o_ref):
    dn = (((1,), (0,)), ((), ()))
    a = lax.dot_general(z_ref[...], w1_ref[...], dn,
                        preferred_element_type=jnp.float32) + b1_ref[...]
    a = jnp.maximum(_bn_small(a, g1_ref[...], be1_ref[...]), 0.0)
    a = lax.dot_general(a, w2_ref[...], dn,
                        preferred_element_type=jnp.float32) + b2_ref[...]
    a = jnp.maximum(_bn_small(a, g2_ref[...], be2_ref[...]), 0.0)
    o_ref[...] = lax.dot_general(a, w3_ref[...], dn,
                                 preferred_element_type=jnp.float32) + b3_ref[...]


def _mlp_call(z, w1, b1, g1, be1, w2, b2, g2, be2, w3, b3):
    return pl.pallas_call(
        _mlp_body,
        out_shape=jax.ShapeDtypeStruct((_G, 1), jnp.float32),
    )(z, w1, b1, g1, be1, w2, b2, g2, be2, w3, b3)


def kernel(x, edge_index, batch, params):
    src = edge_index[0]
    dst = edge_index[1]
    srcs = jnp.concatenate([src, src + _N])
    zeros1 = jnp.zeros((_NPAD,), jnp.float32)
    zeros2 = jnp.zeros((_N, _HALF), jnp.float32)
    ones_c = jnp.ones((_CHUNK,), jnp.float32)

    degp = _deg_call(dst, ones_c, zeros1)
    deg = (1.0 + degp[:_N]).reshape(_N, 1)

    h = x
    identity = None
    for li in range(1, 5):
        w = params[f'W{li}']
        b = params[f'b{li}'].reshape(1, _D)
        g = params[f'g{li}'].reshape(1, _D)
        be = params[f'be{li}'].reshape(1, _D)
        p = _scaled_matmul(deg, h, w)
        acc = _conv_call(p, srcs, dst, zeros2)
        t, s1, s2 = _stats_call(acc, p, deg, b)
        h = _bn_call(t, s1, s2, g, be, identity)
        identity = h

    z = _pool_call(batch.reshape(_N, 1), h)
    pp = params
    return _mlp_call(
        z, pp['Wf1'], pp['bf1'].reshape(1, 2 * _D), pp['gf1'].reshape(1, 2 * _D),
        pp['bef1'].reshape(1, 2 * _D), pp['Wf2'], pp['bf2'].reshape(1, _D),
        pp['gf2'].reshape(1, _D), pp['bef2'].reshape(1, _D), pp['Wf3'],
        pp['bf3'].reshape(1, 1))

# --- scband reference (transcript-rebuilt; emitter-appended) ---
"""Pipeline reference for scband-gcn13-20693152432424 (READ-ONLY COPY).

The authoritative reference and input builder live on the scoring server;
editing this copy changes nothing except your own understanding.
"""

import jax, jax.numpy as jnp
import numpy as np

N = 10000
E = 160000
D = 256
H = 256
G = 16
EPS = 1e-5


def setup_inputs(seed: int = 0) -> dict:
    key = jax.random.key(seed)
    ks = jax.random.split(key, 16)
    x = jax.random.normal(ks[0], (N, D), dtype=jnp.float32)
    edge_index = jax.random.randint(ks[1], (2, E), 0, N, dtype=jnp.int32)
    batch = jnp.sort(jax.random.randint(ks[2], (N,), 0, G, dtype=jnp.int32))

    def lin(k, fan_in, fan_out):
        s = 1.0 / np.sqrt(fan_in)
        return jax.random.uniform(k, (fan_in, fan_out), dtype=jnp.float32, minval=-s, maxval=s)

    params = {
        'W1': lin(ks[3], D, H), 'b1': jnp.zeros((H,), jnp.float32),
        'g1': jnp.ones((H,), jnp.float32), 'be1': jnp.zeros((H,), jnp.float32),
        'W2': lin(ks[4], H, H), 'b2': jnp.zeros((H,), jnp.float32),
        'g2': jnp.ones((H,), jnp.float32), 'be2': jnp.zeros((H,), jnp.float32),
        'W3': lin(ks[5], H, H), 'b3': jnp.zeros((H,), jnp.float32),
        'g3': jnp.ones((H,), jnp.float32), 'be3': jnp.zeros((H,), jnp.float32),
        'W4': lin(ks[6], H, H), 'b4': jnp.zeros((H,), jnp.float32),
        'g4': jnp.ones((H,), jnp.float32), 'be4': jnp.zeros((H,), jnp.float32),
        'Wf1': lin(ks[7], 3 * H, 2 * H), 'bf1': jnp.zeros((2 * H,), jnp.float32),
        'gf1': jnp.ones((2 * H,), jnp.float32), 'bef1': jnp.zeros((2 * H,), jnp.float32),
        'Wf2': lin(ks[8], 2 * H, H), 'bf2': jnp.zeros((H,), jnp.float32),
        'gf2': jnp.ones((H,), jnp.float32), 'bef2': jnp.zeros((H,), jnp.float32),
        'Wf3': lin(ks[9], H, 1), 'bf3': jnp.zeros((1,), jnp.float32),
    }
    return {'x': x, 'edge_index': edge_index, 'batch': batch, 'params': params}


def _bn(h, g, b):
    m = jnp.mean(h, axis=0)
    v = jnp.var(h, axis=0)
    return (h - m) / jnp.sqrt(v + EPS) * g + b


def _forward(x, src, dst, batch, p):
    n = x.shape[0]
    sl = jnp.arange(n, dtype=src.dtype)
    s = jnp.concatenate([src, sl])
    d = jnp.concatenate([dst, sl])
    deg = jax.ops.segment_sum(jnp.ones(s.shape[0], dtype=x.dtype), d, num_segments=n)
    dinv = jnp.where(deg > 0, deg ** -0.5, 0.0)
    norm = (dinv[s] * dinv[d])[:, None]

    def conv(h, W, b):
        h = h @ W
        msg = h[s] * norm
        return jax.ops.segment_sum(msg, d, num_segments=n) + b

    h = jax.nn.relu(_bn(conv(x, p['W1'], p['b1']), p['g1'], p['be1']))
    identity = h
    h = jax.nn.relu(_bn(conv(h, p['W2'], p['b2']), p['g2'], p['be2'])) + identity
    identity = h
    h = jax.nn.relu(_bn(conv(h, p['W3'], p['b3']), p['g3'], p['be3'])) + identity
    identity = h
    h = jax.nn.relu(_bn(conv(h, p['W4'], p['b4']), p['g4'], p['be4'])) + identity

    counts = jax.ops.segment_sum(jnp.ones(n, dtype=h.dtype), batch, num_segments=G)
    s_sum = jax.ops.segment_sum(h, batch, num_segments=G)
    s_mean = s_sum / jnp.maximum(counts, 1.0)[:, None]
    s_max = jax.ops.segment_max(h, batch, num_segments=G)
    s_max = jnp.where(counts[:, None] > 0, s_max, 0.0)
    z = jnp.concatenate([s_mean, s_max, s_sum], axis=1)

    z = jax.nn.relu(_bn(z @ p['Wf1'] + p['bf1'], p['gf1'], p['bef1']))
    z = jax.nn.relu(_bn(z @ p['Wf2'] + p['bf2'], p['gf2'], p['bef2']))
    z = z @ p['Wf3'] + p['bf3']
    return z


def reference(x, edge_index, batch, params):
    return _forward(x, edge_index[0], edge_index[1], batch, params)

if __name__ == "__main__":
    import jax
    _d = setup_inputs()
    print(jax.jit(kernel)(*tuple(_d.values())))

</pallas_src>

<mosaic_0001>
#map = affine_map<(d0, d1) -> (0, 0)>
#map1 = affine_map<(d0, d1) -> (0)>
module attributes {stable_mosaic.version = 14 : i64} {
  func.func @_conv_body(%arg0: i32, %arg1: i32, %arg2: memref<20000x128xf32, #tpu.memory_space<hbm>>, %arg3: memref<320000xi32, #tpu.memory_space<hbm>>, %arg4: memref<160000xi32, #tpu.memory_space<hbm>>, %arg5: memref<10000x128xf32, #tpu.memory_space<hbm>>, %arg6: memref<20000x128xf32, #tpu.memory_space<hbm>>, %arg7: memref<128xi32, #tpu.memory_space<vmem>>, %arg8: memref<128xi32, #tpu.memory_space<vmem>>, %arg9: memref<128x128xf32, #tpu.memory_space<vmem>>, %arg10: memref<128xi32, #tpu.memory_space<vmem>>, %arg11: memref<128xi32, #tpu.memory_space<vmem>>, %arg12: memref<128x128xf32, #tpu.memory_space<vmem>>, %arg13: memref<16xi32, #tpu.memory_space<vmem>>, %arg14: memref<16xi32, #tpu.memory_space<vmem>>, %arg15: memref<16x128xf32, #tpu.memory_space<vmem>>, %arg16: memref<10000x128xf32, #tpu.memory_space<vmem_shared>>, %arg17: memref<!tpu.dma_semaphore, #tpu.memory_space<semaphore_mem>>, %arg18: memref<!tpu.dma_semaphore, #tpu.memory_space<semaphore_mem>>) attributes {dimension_semantics = [#tpu.dimension_semantics<core_parallel>, #tpu.dimension_semantics<subcore_parallel>], iteration_bounds = array<i64: 2, 16>, scalar_prefetch = 0 : i64, scratch_operands = 12 : i64, tpu.core_type = #tpu.core_type<sc_vector_subcore>, window_params = [{transform_indices = #map}, {transform_indices = #map1}, {transform_indices = #map1}, {transform_indices = #map}, {transform_indices = #map}]} {
    %mul3A = arith.constant 624 : i32
    %mul3A_0 = arith.muli %arg1, %mul3A : i32
    "tpu.region"() ({
      %run_scoped3A = tpu.sem_alloc : memref<!tpu.dma_semaphore, #tpu.memory_space<semaphore_mem>>
      %dma_start3A_35 = arith.constant 0 : i32
      %dma_start3A_36 = tpu.memref_slice %arg16[%mul3A_0, %dma_start3A_35] : memref<10000x128xf32, #tpu.memory_space<vmem_shared>> -> memref<624x128xf32, #tpu.memory_space<vmem_shared>>
      %dma_start3A_37 = arith.constant 0 : i32
      %dma_start3A_38 = tpu.memref_slice %arg5[%mul3A_0, %dma_start3A_37] : memref<10000x128xf32, #tpu.memory_space<hbm>> -> memref<624x128xf32, #tpu.memory_space<hbm>>
      tpu.enqueue_dma source(%dma_start3A_38 : memref<624x128xf32, #tpu.memory_space<hbm>>) target(%dma_start3A_36 : memref<624x128xf32, #tpu.memory_space<vmem_shared>>) target_semaphore(%run_scoped3A : memref<!tpu.dma_semaphore, #tpu.memory_space<semaphore_mem>>)
      %dma_wait3A_39 = arith.constant 0 : i32
      %dma_wait3A_40 = tpu.memref_slice %arg16[%mul3A_0, %dma_wait3A_39] : memref<10000x128xf32, #tpu.memory_space<vmem_shared>> -> memref<624x128xf32, #tpu.memory_space<vmem_shared>>
      %dma_wait3A_41 = arith.constant 0 : i32
      %dma_wait3A_42 = tpu.memref_slice %arg5[%mul3A_0, %dma_wait3A_41] : memref<10000x128xf32, #tpu.memory_space<hbm>> -> memref<624x128xf32, #tpu.memory_space<hbm>>
      tpu.wait_dma2 semaphore(%run_scoped3A : memref<!tpu.dma_semaphore, #tpu.memory_space<semaphore_mem>>) src(%dma_wait3A_42 : memref<624x128xf32, #tpu.memory_space<hbm>>) dst(%dma_wait3A_40 : memref<624x128xf32, #tpu.memory_space<vmem_shared>>)
      tpu.yield
    }) : () -> ()
    %eq3A = arith.constant 15 : i32
    %eq3A_1 = arith.cmpi eq, %arg1, %eq3A : i32
    %convert_element_type3A = arith.extui %eq3A_1 : i1 to i32
    %cond3A = arith.constant 0 : i32
    %cond3A_2 = arith.cmpi ne, %convert_element_type3A, %cond3A : i32
    scf.if %cond3A_2 {
      "tpu.region"() ({
        %run_scoped3A = tpu.sem_alloc : memref<!tpu.dma_semaphore, #tpu.memory_space<semaphore_mem>>
        %dma_start3A_35 = arith.constant 9984 : i32
        %dma_start3A_36 = arith.constant 0 : i32
        %dma_start3A_37 = tpu.memref_slice %arg16[%dma_start3A_35, %dma_start3A_36] : memref<10000x128xf32, #tpu.memory_space<vmem_shared>> -> memref<16x128xf32, #tpu.memory_space<vmem_shared>>
        %dma_start3A_38 = arith.constant 9984 : i32
        %dma_start3A_39 = arith.constant 0 : i32
        %dma_start3A_40 = tpu.memref_slice %arg5[%dma_start3A_38, %dma_start3A_39] : memref<10000x128xf32, #tpu.memory_space<hbm>> -> memref<16x128xf32, #tpu.memory_space<hbm>>
        tpu.enqueue_dma source(%dma_start3A_40 : memref<16x128xf32, #tpu.memory_space<hbm>>) target(%dma_start3A_37 : memref<16x128xf32, #tpu.memory_space<vmem_shared>>) target_semaphore(%run_scoped3A : memref<!tpu.dma_semaphore, #tpu.memory_space<semaphore_mem>>)
        %dma_wait3A_41 = arith.constant 9984 : i32
        %dma_wait3A_42 = arith.constant 0 : i32
        %dma_wait3A_43 = tpu.memref_slice %arg16[%dma_wait3A_41, %dma_wait3A_42] : memref<10000x128xf32, #tpu.memory_space<vmem_shared>> -> memref<16x128xf32, #tpu.memory_space<vmem_shared>>
        %dma_wait3A_44 = arith.constant 9984 : i32
        %dma_wait3A_45 = arith.constant 0 : i32
        %dma_wait3A_46 = tpu.memref_slice %arg5[%dma_wait3A_44, %dma_wait3A_45] : memref<10000x128xf32, #tpu.memory_space<hbm>> -> memref<16x128xf32, #tpu.memory_space<hbm>>
        tpu.wait_dma2 semaphore(%run_scoped3A : memref<!tpu.dma_semaphore, #tpu.memory_space<semaphore_mem>>) src(%dma_wait3A_46 : memref<16x128xf32, #tpu.memory_space<hbm>>) dst(%dma_wait3A_43 : memref<16x128xf32, #tpu.memory_space<vmem_shared>>)
        tpu.yield
      }) : () -> ()
    } else {
    }
    %barrier3A = arith.constant 0 : index
    tpu.barrier barrier_id(%barrier3A)
    %mul3A_3 = arith.constant 10000 : i32
    %mul3A_4 = arith.muli %arg1, %mul3A_3 : i32
    %mul3A_5 = arith.constant 160000 : i32
    %mul3A_6 = arith.muli %arg0, %mul3A_5 : i32
    %add3A = arith.addi %mul3A_6, %mul3A_4 : i32
    "tpu.region"() ({
      %run_scoped3A = tpu.sem_alloc : memref<!tpu.dma_semaphore, #tpu.memory_space<semaphore_mem>>
      %dma_start3A_35 = tpu.memref_slice %arg3[%add3A] : memref<320000xi32, #tpu.memory_space<hbm>> -> memref<128xi32, #tpu.memory_space<hbm>>
      %dma_start3A_36 = tpu.memref_slice %arg3[%add3A] : memref<320000xi32, #tpu.memory_space<hbm>> -> memref<128xi32, #tpu.memory_space<hbm>>
      tpu.enqueue_dma source(%dma_start3A_36 : memref<128xi32, #tpu.memory_space<hbm>>) target(%arg7 : memref<128xi32, #tpu.memory_space<vmem>>) target_semaphore(%run_scoped3A : memref<!tpu.dma_semaphore, #tpu.memory_space<semaphore_mem>>)
      %dma_wait3A_37 = tpu.memref_slice %arg3[%add3A] : memref<320000xi32, #tpu.memory_space<hbm>> -> memref<128xi32, #tpu.memory_space<hbm>>
      %dma_wait3A_38 = tpu.memref_slice %arg3[%add3A] : memref<320000xi32, #tpu.memory_space<hbm>> -> memref<128xi32, #tpu.memory_space<hbm>>
      tpu.wait_dma2 semaphore(%run_scoped3A : memref<!tpu.dma_semaphore, #tpu.memory_space<semaphore_mem>>) src(%dma_wait3A_38 : memref<128xi32, #tpu.memory_space<hbm>>) dst(%arg7 : memref<128xi32, #tpu.memory_space<vmem>>)
      tpu.yield
    }) : () -> ()
    "tpu.region"() ({
      %run_scoped3A = tpu.sem_alloc : memref<!tpu.dma_semaphore, #tpu.memory_space<semaphore_mem>>
      %dma_start3A_35 = tpu.memref_slice %arg4[%mul3A_4] : memref<160000xi32, #tpu.memory_space<hbm>> -> memref<128xi32, #tpu.memory_space<hbm>>
      %dma_start3A_36 = tpu.memref_slice %arg4[%mul3A_4] : memref<160000xi32, #tpu.memory_space<hbm>> -> memref<128xi32, #tpu.memory_space<hbm>>
      tpu.enqueue_dma source(%dma_start3A_36 : memref<128xi32, #tpu.memory_space<hbm>>) target(%arg8 : memref<128xi32, #tpu.memory_space<vmem>>) target_semaphore(%run_scoped3A : memref<!tpu.dma_semaphore, #tpu.memory_space<semaphore_mem>>)
      %dma_wait3A_37 = tpu.memref_slice %arg4[%mul3A_4] : memref<160000xi32, #tpu.memory_space<hbm>> -> memref<128xi32, #tpu.memory_space<hbm>>
      %dma_wait3A_38 = tpu.memref_slice %arg4[%mul3A_4] : memref<160000xi32, #tpu.memory_space<hbm>> -> memref<128xi32, #tpu.memory_space<hbm>>
      tpu.wait_dma2 semaphore(%run_scoped3A : memref<!tpu.dma_semaphore, #tpu.memory_space<semaphore_mem>>) src(%dma_wait3A_38 : memref<128xi32, #tpu.memory_space<hbm>>) dst(%arg8 : memref<128xi32, #tpu.memory_space<vmem>>)
      tpu.yield
    }) : () -> ()
    %dma_start3A = arith.constant 0 : i32
    %dma_start3A_7 = arith.constant 0 : i32
    %dma_start3A_8 = tpu.memref_slice %arg2[%dma_start3A, %dma_start3A_7] : memref<20000x128xf32, #tpu.memory_space<hbm>> -> memref<20000x128xf32, #tpu.memory_space<hbm>>
    tpu.enqueue_indirect_dma source(%dma_start3A_8 : memref<20000x128xf32, #tpu.memory_space<hbm>>) target(%arg9 : memref<128x128xf32, #tpu.memory_space<vmem>>) offsets(%arg7 : memref<128xi32, #tpu.memory_space<vmem>>) semaphore(%arg17 : memref<!tpu.dma_semaphore, #tpu.memory_space<semaphore_mem>>)
    %scan3A = arith.constant 0 : i32
    %scan3A_9 = arith.constant 0 : i32
    %scan3A_10 = arith.constant 78 : i32
    %scan3A_11 = arith.addi %scan3A_9, %scan3A_10 : i32
    %scan3A_12 = arith.constant 1 : i32
    scf.for %scan3A_35 = %scan3A_9 to %scan3A_11 step %scan3A_12  : i32 {
      %mul3A_36 = arith.constant 128 : i32
      %mul3A_37 = arith.muli %scan3A_35, %mul3A_36 : i32
      %add3A_38 = arith.addi %mul3A_4, %mul3A_37 : i32
      %jit3A = arith.constant 2 : i32
      %eq3A_39 = arith.constant 0 : i32
      %eq3A_40 = arith.cmpi eq, %jit3A, %eq3A_39 : i32
      %jit3A_41 = arith.constant 1 : i32
      %select_n3A = arith.select %eq3A_40, %jit3A_41, %jit3A : i32
      %rem3A = arith.remsi %scan3A_35, %select_n3A : i32
      %ne3A = arith.constant 0 : i32
      %ne3A_42 = arith.cmpi ne, %rem3A, %ne3A : i32
      %lt3A = arith.constant 0 : i32
      %lt3A_43 = arith.cmpi slt, %rem3A, %lt3A : i32
      %lt3A_44 = arith.constant 0 : i32
      %lt3A_45 = arith.cmpi slt, %select_n3A, %lt3A_44 : i32
      %ne3A_46 = arith.xori %lt3A_43, %lt3A_45 : i1
      %and3A = arith.andi %ne3A_46, %ne3A_42 : i1
      %add3A_47 = arith.addi %rem3A, %select_n3A : i32
      %select_n3A_48 = arith.select %and3A, %add3A_47, %rem3A : i32
      %eq3A_49 = arith.constant 0 : i32
      %eq3A_50 = arith.cmpi eq, %select_n3A_48, %eq3A_49 : i32
      %convert_element_type3A_51 = arith.extui %eq3A_50 : i1 to i32
      %cond3A_52 = arith.constant 0 : i32
      %cond3A_53 = arith.cmpi ne, %convert_element_type3A_51, %cond3A_52 : i32
      scf.if %cond3A_53 {
        %add3A_75 = arith.constant 1 : i32
        %add3A_76 = arith.addi %scan3A_35, %add3A_75 : i32
        %lt3A_77 = arith.constant 78 : i32
        %lt3A_78 = arith.cmpi slt, %add3A_76, %lt3A_77 : i32
        %convert_element_type3A_79 = arith.extui %lt3A_78 : i1 to i32
        %cond3A_80 = arith.constant 0 : i32
        %cond3A_81 = arith.cmpi ne, %convert_element_type3A_79, %cond3A_80 : i32
        scf.if %cond3A_81 {
          %mul3A_85 = arith.constant 160000 : i32
          %mul3A_86 = arith.muli %arg0, %mul3A_85 : i32
          %add3A_87 = arith.addi %mul3A_86, %add3A_38 : i32
          %add3A_88 = arith.constant 128 : i32
          %add3A_89 = arith.addi %add3A_87, %add3A_88 : i32
          "tpu.region"() ({
            %run_scoped3A = tpu.sem_alloc : memref<!tpu.dma_semaphore, #tpu.memory_space<semaphore_mem>>
            %dma_start3A_95 = tpu.memref_slice %arg3[%add3A_89] : memref<320000xi32, #tpu.memory_space<hbm>> -> memref<128xi32, #tpu.memory_space<hbm>>
            %dma_start3A_96 = tpu.memref_slice %arg3[%add3A_89] : memref<320000xi32, #tpu.memory_space<hbm>> -> memref<128xi32, #tpu.memory_space<hbm>>
            tpu.enqueue_dma source(%dma_start3A_96 : memref<128xi32, #tpu.memory_space<hbm>>) target(%arg10 : memref<128xi32, #tpu.memory_space<vmem>>) target_semaphore(%run_scoped3A : memref<!tpu.dma_semaphore, #tpu.memory_space<semaphore_mem>>)
            %dma_wait3A_97 = tpu.memref_slice %arg3[%add3A_89] : memref<320000xi32, #tpu.memory_space<hbm>> -> memref<128xi32, #tpu.memory_space<hbm>>
            %dma_wait3A_98 = tpu.memref_slice %arg3[%add3A_89] : memref<320000xi32, #tpu.memory_space<hbm>> -> memref<128xi32, #tpu.memory_space<hbm>>
            tpu.wait_dma2 semaphore(%run_scoped3A : memref<!tpu.dma_semaphore, #tpu.memory_space<semaphore_mem>>) src(%dma_wait3A_98 : memref<128xi32, #tpu.memory_space<hbm>>) dst(%arg10 : memref<128xi32, #tpu.memory_space<vmem>>)
            tpu.yield
          }) : () -> ()
          %add3A_90 = arith.constant 128 : i32
          %add3A_91 = arith.addi %add3A_38, %add3A_90 : i32
          "tpu.region"() ({
            %run_scoped3A = tpu.sem_alloc : memref<!tpu.dma_semaphore, #tpu.memory_space<semaphore_mem>>
            %dma_start3A_95 = tpu.memref_slice %arg4[%add3A_91] : memref<160000xi32, #tpu.memory_space<hbm>> -> memref<128xi32, #tpu.memory_space<hbm>>
            %dma_start3A_96 = tpu.memref_slice %arg4[%add3A_91] : memref<160000xi32, #tpu.memory_space<hbm>> -> memref<128xi32, #tpu.memory_space<hbm>>
            tpu.enqueue_dma source(%dma_start3A_96 : memref<128xi32, #tpu.memory_space<hbm>>) target(%arg11 : memref<128xi32, #tpu.memory_space<vmem>>) target_semaphore(%run_scoped3A : memref<!tpu.dma_semaphore, #tpu.memory_space<semaphore_mem>>)
            %dma_wait3A_97 = tpu.memref_slice %arg4[%add3A_91] : memref<160000xi32, #tpu.memory_space<hbm>> -> memref<128xi32, #tpu.memory_space<hbm>>
            %dma_wait3A_98 = tpu.memref_slice %arg4[%add3A_91] : memref<160000xi32, #tpu.memory_space<hbm>> -> memref<128xi32, #tpu.memory_space<hbm>>
            tpu.wait_dma2 semaphore(%run_scoped3A : memref<!tpu.dma_semaphore, #tpu.memory_space<semaphore_mem>>) src(%dma_wait3A_98 : memref<128xi32, #tpu.memory_space<hbm>>) dst(%arg11 : memref<128xi32, #tpu.memory_space<vmem>>)
            tpu.yield
          }) : () -> ()
          %dma_start3A_92 = arith.constant 0 : i32
          %dma_start3A_93 = arith.constant 0 : i32
          %dma_start3A_94 = tpu.memref_slice %arg2[%dma_start3A_92, %dma_start3A_93] : memref<20000x128xf32, #tpu.memory_space<hbm>> -> memref<20000x128xf32, #tpu.memory_space<hbm>>
          tpu.enqueue_indirect_dma source(%dma_start3A_94 : memref<20000x128xf32, #tpu.memory_space<hbm>>) target(%arg12 : memref<128x128xf32, #tpu.memory_space<vmem>>) offsets(%arg10 : memref<128xi32, #tpu.memory_space<vmem>>) semaphore(%arg18 : memref<!tpu.dma_semaphore, #tpu.memory_space<semaphore_mem>>)
        } else {
        }
        %dma_wait3A_82 = arith.constant 0 : i32
        %dma_wait3A_83 = arith.constant 0 : i32
        %dma_wait3A_84 = tpu.memref_slice %arg2[%dma_wait3A_82, %dma_wait3A_83] : memref<20000x128xf32, #tpu.memory_space<hbm>> -> memref<20000x128xf32, #tpu.memory_space<hbm>>
        tpu.wait_indirect_dma semaphore(%arg17 : memref<!tpu.dma_semaphore, #tpu.memory_space<semaphore_mem>>) src(%dma_wait3A_84 : memref<20000x128xf32, #tpu.memory_space<hbm>>) dst(%arg9 : memref<128x128xf32, #tpu.memory_space<vmem>>)
        "tpu.region"() ({
          %run_scoped3A = tpu.sem_alloc : memref<!tpu.dma_semaphore, #tpu.memory_space<semaphore_mem>>
          %dma_start3A_85 = arith.constant 0 : i32
          %dma_start3A_86 = arith.constant 0 : i32
          %dma_start3A_87 = tpu.memref_slice %arg16[%dma_start3A_85, %dma_start3A_86] : memref<10000x128xf32, #tpu.memory_space<vmem_shared>> -> memref<10000x128xf32, #tpu.memory_space<vmem_shared>>
          tpu.enqueue_indirect_dma source(%arg9 : memref<128x128xf32, #tpu.memory_space<vmem>>) target(%dma_start3A_87 : memref<10000x128xf32, #tpu.memory_space<vmem_shared>>) offsets(%arg8 : memref<128xi32, #tpu.memory_space<vmem>>) semaphore(%run_scoped3A : memref<!tpu.dma_semaphore, #tpu.memory_space<semaphore_mem>>) {add = true}
          %dma_wait3A_88 = arith.constant 0 : i32
          %dma_wait3A_89 = arith.constant 0 : i32
          %dma_wait3A_90 = tpu.memref_slice %arg16[%dma_wait3A_88, %dma_wait3A_89] : memref<10000x128xf32, #tpu.memory_space<vmem_shared>> -> memref<10000x128xf32, #tpu.memory_space<vmem_shared>>
          tpu.wait_indirect_dma semaphore(%run_scoped3A : memref<!tpu.dma_semaphore, #tpu.memory_space<semaphore_mem>>) src(%arg9 : memref<128x128xf32, #tpu.memory_space<vmem>>) dst(%dma_wait3A_90 : memref<10000x128xf32, #tpu.memory_space<vmem_shared>>)
          tpu.yield
        }) : () -> ()
      } else {
      }
      %jit3A_54 = arith.constant 2 : i32
      %eq3A_55 = arith.constant 0 : i32
      %eq3A_56 = arith.cmpi eq, %jit3A_54, %eq3A_55 : i32
      %jit3A_57 = arith.constant 1 : i32
      %select_n3A_58 = arith.select %eq3A_56, %jit3A_57, %jit3A_54 : i32
      %rem3A_59 = arith.remsi %scan3A_35, %select_n3A_58 : i32
      %ne3A_60 = arith.constant 0 : i32
      %ne3A_61 = arith.cmpi ne, %rem3A_59, %ne3A_60 : i32
      %lt3A_62 = arith.constant 0 : i32
      %lt3A_63 = arith.cmpi slt, %rem3A_59, %lt3A_62 : i32
      %lt3A_64 = arith.constant 0 : i32
      %lt3A_65 = arith.cmpi slt, %select_n3A_58, %lt3A_64 : i32
      %ne3A_66 = arith.xori %lt3A_63, %lt3A_65 : i1
      %and3A_67 = arith.andi %ne3A_66, %ne3A_61 : i1
      %add3A_68 = arith.addi %rem3A_59, %select_n3A_58 : i32
      %select_n3A_69 = arith.select %and3A_67, %add3A_68, %rem3A_59 : i32
      %eq3A_70 = arith.constant 1 : i32
      %eq3A_71 = arith.cmpi eq, %select_n3A_69, %eq3A_70 : i32
      %convert_element_type3A_72 = arith.extui %eq3A_71 : i1 to i32
      %cond3A_73 = arith.constant 0 : i32
      %cond3A_74 = arith.cmpi ne, %convert_element_type3A_72, %cond3A_73 : i32
      scf.if %cond3A_74 {
        %add3A_75 = arith.constant 1 : i32
        %add3A_76 = arith.addi %scan3A_35, %add3A_75 : i32
        %lt3A_77 = arith.constant 78 : i32
        %lt3A_78 = arith.cmpi slt, %add3A_76, %lt3A_77 : i32
        %convert_element_type3A_79 = arith.extui %lt3A_78 : i1 to i32
        %cond3A_80 = arith.constant 0 : i32
        %cond3A_81 = arith.cmpi ne, %convert_element_type3A_79, %cond3A_80 : i32
        scf.if %cond3A_81 {
          %mul3A_85 = arith.constant 160000 : i32
          %mul3A_86 = arith.muli %arg0, %mul3A_85 : i32
          %add3A_87 = arith.addi %mul3A_86, %add3A_38 : i32
          %add3A_88 = arith.constant 128 : i32
          %add3A_89 = arith.addi %add3A_87, %add3A_88 : i32
          "tpu.region"() ({
            %run_scoped3A = tpu.sem_alloc : memref<!tpu.dma_semaphore, #tpu.memory_space<semaphore_mem>>
            %dma_start3A_95 = tpu.memref_slice %arg3[%add3A_89] : memref<320000xi32, #tpu.memory_space<hbm>> -> memref<128xi32, #tpu.memory_space<hbm>>
            %dma_start3A_96 = tpu.memref_slice %arg3[%add3A_89] : memref<320000xi32, #tpu.memory_space<hbm>> -> memref<128xi32, #tpu.memory_space<hbm>>
            tpu.enqueue_dma source(%dma_start3A_96 : memref<128xi32, #tpu.memory_space<hbm>>) target(%arg7 : memref<128xi32, #tpu.memory_space<vmem>>) target_semaphore(%run_scoped3A : memref<!tpu.dma_semaphore, #tpu.memory_space<semaphore_mem>>)
            %dma_wait3A_97 = tpu.memref_slice %arg3[%add3A_89] : memref<320000xi32, #tpu.memory_space<hbm>> -> memref<128xi32, #tpu.memory_space<hbm>>
            %dma_wait3A_98 = tpu.memref_slice %arg3[%add3A_89] : memref<320000xi32, #tpu.memory_space<hbm>> -> memref<128xi32, #tpu.memory_space<hbm>>
            tpu.wait_dma2 semaphore(%run_scoped3A : memref<!tpu.dma_semaphore, #tpu.memory_space<semaphore_mem>>) src(%dma_wait3A_98 : memref<128xi32, #tpu.memory_space<hbm>>) dst(%arg7 : memref<128xi32, #tpu.memory_space<vmem>>)
            tpu.yield
          }) : () -> ()
          %add3A_90 = arith.constant 128 : i32
          %add3A_91 = arith.addi %add3A_38, %add3A_90 : i32
          "tpu.region"() ({
            %run_scoped3A = tpu.sem_alloc : memref<!tpu.dma_semaphore, #tpu.memory_space<semaphore_mem>>
            %dma_start3A_95 = tpu.memref_slice %arg4[%add3A_91] : memref<160000xi32, #tpu.memory_space<hbm>> -> memref<128xi32, #tpu.memory_space<hbm>>
            %dma_start3A_96 = tpu.memref_slice %arg4[%add3A_91] : memref<160000xi32, #tpu.memory_space<hbm>> -> memref<128xi32, #tpu.memory_space<hbm>>
            tpu.enqueue_dma source(%dma_start3A_96 : memref<128xi32, #tpu.memory_space<hbm>>) target(%arg8 : memref<128xi32, #tpu.memory_space<vmem>>) target_semaphore(%run_scoped3A : memref<!tpu.dma_semaphore, #tpu.memory_space<semaphore_mem>>)
            %dma_wait3A_97 = tpu.memref_slice %arg4[%add3A_91] : memref<160000xi32, #tpu.memory_space<hbm>> -> memref<128xi32, #tpu.memory_space<hbm>>
            %dma_wait3A_98 = tpu.memref_slice %arg4[%add3A_91] : memref<160000xi32, #tpu.memory_space<hbm>> -> memref<128xi32, #tpu.memory_space<hbm>>
            tpu.wait_dma2 semaphore(%run_scoped3A : memref<!tpu.dma_semaphore, #tpu.memory_space<semaphore_mem>>) src(%dma_wait3A_98 : memref<128xi32, #tpu.memory_space<hbm>>) dst(%arg8 : memref<128xi32, #tpu.memory_space<vmem>>)
            tpu.yield
          }) : () -> ()
          %dma_start3A_92 = arith.constant 0 : i32
          %dma_start3A_93 = arith.constant 0 : i32
          %dma_start3A_94 = tpu.memref_slice %arg2[%dma_start3A_92, %dma_start3A_93] : memref<20000x128xf32, #tpu.memory_space<hbm>> -> memref<20000x128xf32, #tpu.memory_space<hbm>>
          tpu.enqueue_indirect_dma source(%dma_start3A_94 : memref<20000x128xf32, #tpu.memory_space<hbm>>) target(%arg9 : memref<128x128xf32, #tpu.memory_space<vmem>>) offsets(%arg7 : memref<128xi32, #tpu.memory_space<vmem>>) semaphore(%arg17 : memref<!tpu.dma_semaphore, #tpu.memory_space<semaphore_mem>>)
        } else {
        }
        %dma_wait3A_82 = arith.constant 0 : i32
        %dma_wait3A_83 = arith.constant 0 : i32
        %dma_wait3A_84 = tpu.memref_slice %arg2[%dma_wait3A_82, %dma_wait3A_83] : memref<20000x128xf32, #tpu.memory_space<hbm>> -> memref<20000x128xf32, #tpu.memory_space<hbm>>
        tpu.wait_indirect_dma semaphore(%arg18 : memref<!tpu.dma_semaphore, #tpu.memory_space<semaphore_mem>>) src(%dma_wait3A_84 : memref<20000x128xf32, #tpu.memory_space<hbm>>) dst(%arg12 : memref<128x128xf32, #tpu.memory_space<vmem>>)
        "tpu.region"() ({
          %run_scoped3A = tpu.sem_alloc : memref<!tpu.dma_semaphore, #tpu.memory_space<semaphore_mem>>
          %dma_start3A_85 = arith.constant 0 : i32
          %dma_start3A_86 = arith.constant 0 : i32
          %dma_start3A_87 = tpu.memref_slice %arg16[%dma_start3A_85, %dma_start3A_86] : memref<10000x128xf32, #tpu.memory_space<vmem_shared>> -> memref<10000x128xf32, #tpu.memory_space<vmem_shared>>
          tpu.enqueue_indirect_dma source(%arg12 : memref<128x128xf32, #tpu.memory_space<vmem>>) target(%dma_start3A_87 : memref<10000x128xf32, #tpu.memory_space<vmem_shared>>) offsets(%arg11 : memref<128xi32, #tpu.memory_space<vmem>>) semaphore(%run_scoped3A : memref<!tpu.dma_semaphore, #tpu.memory_space<semaphore_mem>>) {add = true}
          %dma_wait3A_88 = arith.constant 0 : i32
          %dma_wait3A_89 = arith.constant 0 : i32
          %dma_wait3A_90 = tpu.memref_slice %arg16[%dma_wait3A_88, %dma_wait3A_89] : memref<10000x128xf32, #tpu.memory_space<vmem_shared>> -> memref<10000x128xf32, #tpu.memory_space<vmem_shared>>
          tpu.wait_indirect_dma semaphore(%run_scoped3A : memref<!tpu.dma_semaphore, #tpu.memory_space<semaphore_mem>>) src(%arg12 : memref<128x128xf32, #tpu.memory_space<vmem>>) dst(%dma_wait3A_90 : memref<10000x128xf32, #tpu.memory_space<vmem_shared>>)
          tpu.yield
        }) : () -> ()
      } else {
      }
    }
    %scan3A_13 = arith.constant 78 : i32
    %mul3A_14 = arith.constant 160000 : i32
    %mul3A_15 = arith.muli %arg0, %mul3A_14 : i32
    %add3A_16 = arith.addi %mul3A_15, %mul3A_4 : i32
    %add3A_17 = arith.constant 9984 : i32
    %add3A_18 = arith.addi %add3A_16, %add3A_17 : i32
    "tpu.region"() ({
      %run_scoped3A = tpu.sem_alloc : memref<!tpu.dma_semaphore, #tpu.memory_space<semaphore_mem>>
      %dma_start3A_35 = tpu.memref_slice %arg3[%add3A_18] : memref<320000xi32, #tpu.memory_space<hbm>> -> memref<16xi32, #tpu.memory_space<hbm>>
      %dma_start3A_36 = tpu.memref_slice %arg3[%add3A_18] : memref<320000xi32, #tpu.memory_space<hbm>> -> memref<16xi32, #tpu.memory_space<hbm>>
      tpu.enqueue_dma source(%dma_start3A_36 : memref<16xi32, #tpu.memory_space<hbm>>) target(%arg13 : memref<16xi32, #tpu.memory_space<vmem>>) target_semaphore(%run_scoped3A : memref<!tpu.dma_semaphore, #tpu.memory_space<semaphore_mem>>)
      %dma_wait3A_37 = tpu.memref_slice %arg3[%add3A_18] : memref<320000xi32, #tpu.memory_space<hbm>> -> memref<16xi32, #tpu.memory_space<hbm>>
      %dma_wait3A_38 = tpu.memref_slice %arg3[%add3A_18] : memref<320000xi32, #tpu.memory_space<hbm>> -> memref<16xi32, #tpu.memory_space<hbm>>
      tpu.wait_dma2 semaphore(%run_scoped3A : memref<!tpu.dma_semaphore, #tpu.memory_space<semaphore_mem>>) src(%dma_wait3A_38 : memref<16xi32, #tpu.memory_space<hbm>>) dst(%arg13 : memref<16xi32, #tpu.memory_space<vmem>>)
      tpu.yield
    }) : () -> ()
    %add3A_19 = arith.constant 9984 : i32
    %add3A_20 = arith.addi %mul3A_4, %add3A_19 : i32
    "tpu.region"() ({
      %run_scoped3A = tpu.sem_alloc : memref<!tpu.dma_semaphore, #tpu.memory_space<semaphore_mem>>
      %dma_start3A_35 = tpu.memref_slice %arg4[%add3A_20] : memref<160000xi32, #tpu.memory_space<hbm>> -> memref<16xi32, #tpu.memory_space<hbm>>
      %dma_start3A_36 = tpu.memref_slice %arg4[%add3A_20] : memref<160000xi32, #tpu.memory_space<hbm>> -> memref<16xi32, #tpu.memory_space<hbm>>
      tpu.enqueue_dma source(%dma_start3A_36 : memref<16xi32, #tpu.memory_space<hbm>>) target(%arg14 : memref<16xi32, #tpu.memory_space<vmem>>) target_semaphore(%run_scoped3A : memref<!tpu.dma_semaphore, #tpu.memory_space<semaphore_mem>>)
      %dma_wait3A_37 = tpu.memref_slice %arg4[%add3A_20] : memref<160000xi32, #tpu.memory_space<hbm>> -> memref<16xi32, #tpu.memory_space<hbm>>
      %dma_wait3A_38 = tpu.memref_slice %arg4[%add3A_20] : memref<160000xi32, #tpu.memory_space<hbm>> -> memref<16xi32, #tpu.memory_space<hbm>>
      tpu.wait_dma2 semaphore(%run_scoped3A : memref<!tpu.dma_semaphore, #tpu.memory_space<semaphore_mem>>) src(%dma_wait3A_38 : memref<16xi32, #tpu.memory_space<hbm>>) dst(%arg14 : memref<16xi32, #tpu.memory_space<vmem>>)
      tpu.yield
    }) : () -> ()
    %dma_start3A_21 = arith.constant 0 : i32
    %dma_start3A_22 = arith.constant 0 : i32
    %dma_start3A_23 = tpu.memref_slice %arg2[%dma_start3A_21, %dma_start3A_22] : memref<20000x128xf32, #tpu.memory_space<hbm>> -> memref<20000x128xf32, #tpu.memory_space<hbm>>
    tpu.enqueue_indirect_dma source(%dma_start3A_23 : memref<20000x128xf32, #tpu.memory_space<hbm>>) target(%arg15 : memref<16x128xf32, #tpu.memory_space<vmem>>) offsets(%arg13 : memref<16xi32, #tpu.memory_space<vmem>>) semaphore(%arg17 : memref<!tpu.dma_semaphore, #tpu.memory_space<semaphore_mem>>)
    %dma_wait3A = arith.constant 0 : i32
    %dma_wait3A_24 = arith.constant 0 : i32
    %dma_wait3A_25 = tpu.memref_slice %arg2[%dma_wait3A, %dma_wait3A_24] : memref<20000x128xf32, #tpu.memory_space<hbm>> -> memref<20000x128xf32, #tpu.memory_space<hbm>>
    tpu.wait_indirect_dma semaphore(%arg17 : memref<!tpu.dma_semaphore, #tpu.memory_space<semaphore_mem>>) src(%dma_wait3A_25 : memref<20000x128xf32, #tpu.memory_space<hbm>>) dst(%arg15 : memref<16x128xf32, #tpu.memory_space<vmem>>)
    "tpu.region"() ({
      %run_scoped3A = tpu.sem_alloc : memref<!tpu.dma_semaphore, #tpu.memory_space<semaphore_mem>>
      %dma_start3A_35 = arith.constant 0 : i32
      %dma_start3A_36 = arith.constant 0 : i32
      %dma_start3A_37 = tpu.memref_slice %arg16[%dma_start3A_35, %dma_start3A_36] : memref<10000x128xf32, #tpu.memory_space<vmem_shared>> -> memref<10000x128xf32, #tpu.memory_space<vmem_shared>>
      tpu.enqueue_indirect_dma source(%arg15 : memref<16x128xf32, #tpu.memory_space<vmem>>) target(%dma_start3A_37 : memref<10000x128xf32, #tpu.memory_space<vmem_shared>>) offsets(%arg14 : memref<16xi32, #tpu.memory_space<vmem>>) semaphore(%run_scoped3A : memref<!tpu.dma_semaphore, #tpu.memory_space<semaphore_mem>>) {add = true}
      %dma_wait3A_38 = arith.constant 0 : i32
      %dma_wait3A_39 = arith.constant 0 : i32
      %dma_wait3A_40 = tpu.memref_slice %arg16[%dma_wait3A_38, %dma_wait3A_39] : memref<10000x128xf32, #tpu.memory_space<vmem_shared>> -> memref<10000x128xf32, #tpu.memory_space<vmem_shared>>
      tpu.wait_indirect_dma semaphore(%run_scoped3A : memref<!tpu.dma_semaphore, #tpu.memory_space<semaphore_mem>>) src(%arg15 : memref<16x128xf32, #tpu.memory_space<vmem>>) dst(%dma_wait3A_40 : memref<10000x128xf32, #tpu.memory_space<vmem_shared>>)
      tpu.yield
    }) : () -> ()
    %barrier3A_26 = arith.constant 0 : index
    tpu.barrier barrier_id(%barrier3A_26)
    %mul3A_27 = arith.constant 10000 : i32
    %mul3A_28 = arith.muli %arg0, %mul3A_27 : i32
    %add3A_29 = arith.addi %mul3A_28, %mul3A_0 : i32
    "tpu.region"() ({
      %run_scoped3A = tpu.sem_alloc : memref<!tpu.dma_semaphore, #tpu.memory_space<semaphore_mem>>
      %dma_start3A_35 = arith.constant 0 : i32
      %dma_start3A_36 = tpu.memref_slice %arg6[%add3A_29, %dma_start3A_35] : memref<20000x128xf32, #tpu.memory_space<hbm>> -> memref<624x128xf32, #tpu.memory_space<hbm>>
      %dma_start3A_37 = arith.constant 0 : i32
      %dma_start3A_38 = tpu.memref_slice %arg16[%mul3A_0, %dma_start3A_37] : memref<10000x128xf32, #tpu.memory_space<vmem_shared>> -> memref<624x128xf32, #tpu.memory_space<vmem_shared>>
      tpu.enqueue_dma source(%dma_start3A_38 : memref<624x128xf32, #tpu.memory_space<vmem_shared>>) target(%dma_start3A_36 : memref<624x128xf32, #tpu.memory_space<hbm>>) target_semaphore(%run_scoped3A : memref<!tpu.dma_semaphore, #tpu.memory_space<semaphore_mem>>)
      %dma_wait3A_39 = arith.constant 0 : i32
      %dma_wait3A_40 = tpu.memref_slice %arg6[%add3A_29, %dma_wait3A_39] : memref<20000x128xf32, #tpu.memory_space<hbm>> -> memref<624x128xf32, #tpu.memory_space<hbm>>
      %dma_wait3A_41 = arith.constant 0 : i32
      %dma_wait3A_42 = tpu.memref_slice %arg16[%mul3A_0, %dma_wait3A_41] : memref<10000x128xf32, #tpu.memory_space<vmem_shared>> -> memref<624x128xf32, #tpu.memory_space<vmem_shared>>
      tpu.wait_dma2 semaphore(%run_scoped3A : memref<!tpu.dma_semaphore, #tpu.memory_space<semaphore_mem>>) src(%dma_wait3A_42 : memref<624x128xf32, #tpu.memory_space<vmem_shared>>) dst(%dma_wait3A_40 : memref<624x128xf32, #tpu.memory_space<hbm>>)
      tpu.yield
    }) : () -> ()
    %eq3A_30 = arith.constant 15 : i32
    %eq3A_31 = arith.cmpi eq, %arg1, %eq3A_30 : i32
    %convert_element_type3A_32 = arith.extui %eq3A_31 : i1 to i32
    %cond3A_33 = arith.constant 0 : i32
    %cond3A_34 = arith.cmpi ne, %convert_element_type3A_32, %cond3A_33 : i32
    scf.if %cond3A_34 {
      %mul3A_35 = arith.constant 10000 : i32
      %mul3A_36 = arith.muli %arg0, %mul3A_35 : i32
      %add3A_37 = arith.constant 9984 : i32
      %add3A_38 = arith.addi %mul3A_36, %add3A_37 : i32
      "tpu.region"() ({
        %run_scoped3A = tpu.sem_alloc : memref<!tpu.dma_semaphore, #tpu.memory_space<semaphore_mem>>
        %dma_start3A_39 = arith.constant 0 : i32
        %dma_start3A_40 = tpu.memref_slice %arg6[%add3A_38, %dma_start3A_39] : memref<20000x128xf32, #tpu.memory_space<hbm>> -> memref<16x128xf32, #tpu.memory_space<hbm>>
        %dma_start3A_41 = arith.constant 9984 : i32
        %dma_start3A_42 = arith.constant 0 : i32
        %dma_start3A_43 = tpu.memref_slice %arg16[%dma_start3A_41, %dma_start3A_42] : memref<10000x128xf32, #tpu.memory_space<vmem_shared>> -> memref<16x128xf32, #tpu.memory_space<vmem_shared>>
        tpu.enqueue_dma source(%dma_start3A_43 : memref<16x128xf32, #tpu.memory_space<vmem_shared>>) target(%dma_start3A_40 : memref<16x128xf32, #tpu.memory_space<hbm>>) target_semaphore(%run_scoped3A : memref<!tpu.dma_semaphore, #tpu.memory_space<semaphore_mem>>)
        %dma_wait3A_44 = arith.constant 0 : i32
        %dma_wait3A_45 = tpu.memref_slice %arg6[%add3A_38, %dma_wait3A_44] : memref<20000x128xf32, #tpu.memory_space<hbm>> -> memref<16x128xf32, #tpu.memory_space<hbm>>
        %dma_wait3A_46 = arith.constant 9984 : i32
        %dma_wait3A_47 = arith.constant 0 : i32
        %dma_wait3A_48 = tpu.memref_slice %arg16[%dma_wait3A_46, %dma_wait3A_47] : memref<10000x128xf32, #tpu.memory_space<vmem_shared>> -> memref<16x128xf32, #tpu.memory_space<vmem_shared>>
        tpu.wait_dma2 semaphore(%run_scoped3A : memref<!tpu.dma_semaphore, #tpu.memory_space<semaphore_mem>>) src(%dma_wait3A_48 : memref<16x128xf32, #tpu.memory_space<vmem_shared>>) dst(%dma_wait3A_45 : memref<16x128xf32, #tpu.memory_space<hbm>>)
        tpu.yield
      }) : () -> ()
    } else {
    }
    return
  }
}

#map = affine_map<(d0, d1) -> (0, 0)>
#map1 = affine_map<(d0, d1) -> (0)>
module attributes {stable_mosaic.version = 14 : i64} {
  func.func @_conv_body(%arg0: i32, %arg1: i32, %arg2: memref<20000x128xf32, #tpu.memory_space<hbm>>, %arg3: memref<320000xi32, #tpu.memory_space<hbm>>, %arg4: memref<160000xi32, #tpu.memory_space<hbm>>, %arg5: memref<10000x128xf32, #tpu.memory_space<hbm>>, %arg6: memref<20000x128xf32, #tpu.memory_space<hbm>>, %arg7: memref<128xi32, #tpu.memory_space<vmem>>, %arg8: memref<128xi32, #tpu.memory_space<vmem>>, %arg9: memref<128x128xf32, #tpu.memory_space<vmem>>, %arg10: memref<128xi32, #tpu.memory_space<vmem>>, %arg11: memref<128xi32, #tpu.memory_space<vmem>>, %arg12: memref<128x128xf32, #tpu.memory_space<vmem>>, %arg13: memref<16xi32, #tpu.memory_space<vmem>>, %arg14: memref<16xi32, #tpu.memory_space<vmem>>, %arg15: memref<16x128xf32, #tpu.memory_space<vmem>>, %arg16: memref<10000x128xf32, #tpu.memory_space<vmem_shared>>, %arg17: memref<!tpu.dma_semaphore, #tpu.memory_space<semaphore_mem>>, %arg18: memref<!tpu.dma_semaphore, #tpu.memory_space<semaphore_mem>>) attributes {dimension_semantics = [#tpu.dimension_semantics<core_parallel>, #tpu.dimension_semantics<subcore_parallel>], iteration_bounds = array<i64: 2, 16>, scalar_prefetch = 0 : i64, scratch_operands = 12 : i64, tpu.core_type = #tpu.core_type<sc_vector_subcore>, window_params = [{transform_indices = #map}, {transform_indices = #map1}, {transform_indices = #map1}, {transform_indices = #map}, {transform_indices = #map}]} {
    %mul3A = arith.constant 624 : i32
    %mul3A_0 = arith.muli %arg1, %mul3A : i32
    "tpu.region"() ({
      %run_scoped3A = tpu.sem_alloc : memref<!tpu.dma_semaphore, #tpu.memory_space<semaphore_mem>>
      %dma_start3A_35 = arith.constant 0 : i32
      %dma_start3A_36 = tpu.memref_slice %arg16[%mul3A_0, %dma_start3A_35] : memref<10000x128xf32, #tpu.memory_space<vmem_shared>> -> memref<624x128xf32, #tpu.memory_space<vmem_shared>>
      %dma_start3A_37 = arith.constant 0 : i32
      %dma_start3A_38 = tpu.memref_slice %arg5[%mul3A_0, %dma_start3A_37] : memref<10000x128xf32, #tpu.memory_space<hbm>> -> memref<624x128xf32, #tpu.memory_space<hbm>>
      tpu.enqueue_dma source(%dma_start3A_38 : memref<624x128xf32, #tpu.memory_space<hbm>>) target(%dma_start3A_36 : memref<624x128xf32, #tpu.memory_space<vmem_shared>>) target_semaphore(%run_scoped3A : memref<!tpu.dma_semaphore, #tpu.memory_space<semaphore_mem>>)
      %dma_wait3A_39 = arith.constant 0 : i32
      %dma_wait3A_40 = tpu.memref_slice %arg16[%mul3A_0, %dma_wait3A_39] : memref<10000x128xf32, #tpu.memory_space<vmem_shared>> -> memref<624x128xf32, #tpu.memory_space<vmem_shared>>
      %dma_wait3A_41 = arith.constant 0 : i32
      %dma_wait3A_42 = tpu.memref_slice %arg5[%mul3A_0, %dma_wait3A_41] : memref<10000x128xf32, #tpu.memory_space<hbm>> -> memref<624x128xf32, #tpu.memory_space<hbm>>
      tpu.wait_dma2 semaphore(%run_scoped3A : memref<!tpu.dma_semaphore, #tpu.memory_space<semaphore_mem>>) src(%dma_wait3A_42 : memref<624x128xf32, #tpu.memory_space<hbm>>) dst(%dma_wait3A_40 : memref<624x128xf32, #tpu.memory_space<vmem_shared>>)
      tpu.yield
    }) : () -> ()
    %eq3A = arith.constant 15 : i32
    %eq3A_1 = arith.cmpi eq, %arg1, %eq3A : i32
    %convert_element_type3A = arith.extui %eq3A_1 : i1 to i32
    %cond3A = arith.constant 0 : i32
    %cond3A_2 = arith.cmpi ne, %convert_element_type3A, %cond3A : i32
    scf.if %cond3A_2 {
      "tpu.region"() ({
        %run_scoped3A = tpu.sem_alloc : memref<!tpu.dma_semaphore, #tpu.memory_space<semaphore_mem>>
        %dma_start3A_35 = arith.constant 9984 : i32
        %dma_start3A_36 = arith.constant 0 : i32
        %dma_start3A_37 = tpu.memref_slice %arg16[%dma_start3A_35, %dma_start3A_36] : memref<10000x128xf32, #tpu.memory_space<vmem_shared>> -> memref<16x128xf32, #tpu.memory_space<vmem_shared>>
        %dma_start3A_38 = arith.constant 9984 : i32
        %dma_start3A_39 = arith.constant 0 : i32
        %dma_start3A_40 = tpu.memref_slice %arg5[%dma_start3A_38, %dma_start3A_39] : memref<10000x128xf32, #tpu.memory_space<hbm>> -> memref<16x128xf32, #tpu.memory_space<hbm>>
        tpu.enqueue_dma source(%dma_start3A_40 : memref<16x128xf32, #tpu.memory_space<hbm>>) target(%dma_start3A_37 : memref<16x128xf32, #tpu.memory_space<vmem_shared>>) target_semaphore(%run_scoped3A : memref<!tpu.dma_semaphore, #tpu.memory_space<semaphore_mem>>)
        %dma_wait3A_41 = arith.constant 9984 : i32
        %dma_wait3A_42 = arith.constant 0 : i32
        %dma_wait3A_43 = tpu.memref_slice %arg16[%dma_wait3A_41, %dma_wait3A_42] : memref<10000x128xf32, #tpu.memory_space<vmem_shared>> -> memref<16x128xf32, #tpu.memory_space<vmem_shared>>
        %dma_wait3A_44 = arith.constant 9984 : i32
        %dma_wait3A_45 = arith.constant 0 : i32
        %dma_wait3A_46 = tpu.memref_slice %arg5[%dma_wait3A_44, %dma_wait3A_45] : memref<10000x128xf32, #tpu.memory_space<hbm>> -> memref<16x128xf32, #tpu.memory_space<hbm>>
        tpu.wait_dma2 semaphore(%run_scoped3A : memref<!tpu.dma_semaphore, #tpu.memory_space<semaphore_mem>>) src(%dma_wait3A_46 : memref<16x128xf32, #tpu.memory_space<hbm>>) dst(%dma_wait3A_43 : memref<16x128xf32, #tpu.memory_space<vmem_shared>>)
        tpu.yield
      }) : () -> ()
    } else {
    }
    %barrier3A = arith.constant 0 : index
    tpu.barrier barrier_id(%barrier3A)
    %mul3A_3 = arith.constant 10000 : i32
    %mul3A_4 = arith.muli %arg1, %mul3A_3 : i32
    %mul3A_5 = arith.constant 160000 : i32
    %mul3A_6 = arith.muli %arg0, %mul3A_5 : i32
    %add3A = arith.addi %mul3A_6, %mul3A_4 : i32
    "tpu.region"() ({
      %run_scoped3A = tpu.sem_alloc : memref<!tpu.dma_semaphore, #tpu.memory_space<semaphore_mem>>
      %dma_start3A_35 = tpu.memref_slice %arg3[%add3A] : memref<320000xi32, #tpu.memory_space<hbm>> -> memref<128xi32, #tpu.memory_space<hbm>>
      %dma_start3A_36 = tpu.memref_slice %arg3[%add3A] : memref<320000xi32, #tpu.memory_space<hbm>> -> memref<128xi32, #tpu.memory_space<hbm>>
      tpu.enqueue_dma source(%dma_start3A_36 : memref<128xi32, #tpu.memory_space<hbm>>) target(%arg7 : memref<128xi32, #tpu.memory_space<vmem>>) target_semaphore(%run_scoped3A : memref<!tpu.dma_semaphore, #tpu.memory_space<semaphore_mem>>)
      %dma_wait3A_37 = tpu.memref_slice %arg3[%add3A] : memref<320000xi32, #tpu.memory_space<hbm>> -> memref<128xi32, #tpu.memory_space<hbm>>
      %dma_wait3A_38 = tpu.memref_slice %arg3[%add3A] : memref<320000xi32, #tpu.memory_space<hbm>> -> memref<128xi32, #tpu.memory_space<hbm>>
      tpu.wait_dma2 semaphore(%run_scoped3A : memref<!tpu.dma_semaphore, #tpu.memory_space<semaphore_mem>>) src(%dma_wait3A_38 : memref<128xi32, #tpu.memory_space<hbm>>) dst(%arg7 : memref<128xi32, #tpu.memory_space<vmem>>)
      tpu.yield
    }) : () -> ()
    "tpu.region"() ({
      %run_scoped3A = tpu.sem_alloc : memref<!tpu.dma_semaphore, #tpu.memory_space<semaphore_mem>>
      %dma_start3A_35 = tpu.memref_slice %arg4[%mul3A_4] : memref<160000xi32, #tpu.memory_space<hbm>> -> memref<128xi32, #tpu.memory_space<hbm>>
      %dma_start3A_36 = tpu.memref_slice %arg4[%mul3A_4] : memref<160000xi32, #tpu.memory_space<hbm>> -> memref<128xi32, #tpu.memory_space<hbm>>
      tpu.enqueue_dma source(%dma_start3A_36 : memref<128xi32, #tpu.memory_space<hbm>>) target(%arg8 : memref<128xi32, #tpu.memory_space<vmem>>) target_semaphore(%run_scoped3A : memref<!tpu.dma_semaphore, #tpu.memory_space<semaphore_mem>>)
      %dma_wait3A_37 = tpu.memref_slice %arg4[%mul3A_4] : memref<160000xi32, #tpu.memory_space<hbm>> -> memref<128xi32, #tpu.memory_space<hbm>>
      %dma_wait3A_38 = tpu.memref_slice %arg4[%mul3A_4] : memref<160000xi32, #tpu.memory_space<hbm>> -> memref<128xi32, #tpu.memory_space<hbm>>
      tpu.wait_dma2 semaphore(%run_scoped3A : memref<!tpu.dma_semaphore, #tpu.memory_space<semaphore_mem>>) src(%dma_wait3A_38 : memref<128xi32, #tpu.memory_space<hbm>>) dst(%arg8 : memref<128xi32, #tpu.memory_space<vmem>>)
      tpu.yield
    }) : () -> ()
    %dma_start3A = arith.constant 0 : i32
    %dma_start3A_7 = arith.constant 0 : i32
    %dma_start3A_8 = tpu.memref_slice %arg2[%dma_start3A, %dma_start3A_7] : memref<20000x128xf32, #tpu.memory_space<hbm>> -> memref<20000x128xf32, #tpu.memory_space<hbm>>
    tpu.enqueue_indirect_dma source(%dma_start3A_8 : memref<20000x128xf32, #tpu.memory_space<hbm>>) target(%arg9 : memref<128x128xf32, #tpu.memory_space<vmem>>) offsets(%arg7 : memref<128xi32, #tpu.memory_space<vmem>>) semaphore(%arg17 : memref<!tpu.dma_semaphore, #tpu.memory_space<semaphore_mem>>)
    %scan3A = arith.constant 0 : i32
    %scan3A_9 = arith.constant 0 : i32
    %scan3A_10 = arith.constant 78 : i32
    %scan3A_11 = arith.addi %scan3A_9, %scan3A_10 : i32
    %scan3A_12 = arith.constant 1 : i32
    scf.for %scan3A_35 = %scan3A_9 to %scan3A_11 step %scan3A_12  : i32 {
      %mul3A_36 = arith.constant 128 : i32
      %mul3A_37 = arith.muli %scan3A_35, %mul3A_36 : i32
      %add3A_38 = arith.addi %mul3A_4, %mul3A_37 : i32
      %jit3A = arith.constant 2 : i32
      %eq3A_39 = arith.constant 0 : i32
      %eq3A_40 = arith.cmpi eq, %jit3A, %eq3A_39 : i32
      %jit3A_41 = arith.constant 1 : i32
      %select_n3A = arith.select %eq3A_40, %jit3A_41, %jit3A : i32
      %rem3A = arith.remsi %scan3A_35, %select_n3A : i32
      %ne3A = arith.constant 0 : i32
      %ne3A_42 = arith.cmpi ne, %rem3A, %ne3A : i32
      %lt3A = arith.constant 0 : i32
      %lt3A_43 = arith.cmpi slt, %rem3A, %lt3A : i32
      %lt3A_44 = arith.constant 0 : i32
      %lt3A_45 = arith.cmpi slt, %select_n3A, %lt3A_44 : i32
      %ne3A_46 = arith.xori %lt3A_43, %lt3A_45 : i1
      %and3A = arith.andi %ne3A_46, %ne3A_42 : i1
      %add3A_47 = arith.addi %rem3A, %select_n3A : i32
      %select_n3A_48 = arith.select %and3A, %add3A_47, %rem3A : i32
      %eq3A_49 = arith.constant 0 : i32
      %eq3A_50 = arith.cmpi eq, %select_n3A_48, %eq3A_49 : i32
      %convert_element_type3A_51 = arith.extui %eq3A_50 : i1 to i32
      %cond3A_52 = arith.constant 0 : i32
      %cond3A_53 = arith.cmpi ne, %convert_element_type3A_51, %cond3A_52 : i32
      scf.if %cond3A_53 {
        %add3A_75 = arith.constant 1 : i32
        %add3A_76 = arith.addi %scan3A_35, %add3A_75 : i32
        %lt3A_77 = arith.constant 78 : i32
        %lt3A_78 = arith.cmpi slt, %add3A_76, %lt3A_77 : i32
        %convert_element_type3A_79 = arith.extui %lt3A_78 : i1 to i32
        %cond3A_80 = arith.constant 0 : i32
        %cond3A_81 = arith.cmpi ne, %convert_element_type3A_79, %cond3A_80 : i32
        scf.if %cond3A_81 {
          %mul3A_85 = arith.constant 160000 : i32
          %mul3A_86 = arith.muli %arg0, %mul3A_85 : i32
          %add3A_87 = arith.addi %mul3A_86, %add3A_38 : i32
          %add3A_88 = arith.constant 128 : i32
          %add3A_89 = arith.addi %add3A_87, %add3A_88 : i32
          "tpu.region"() ({
            %run_scoped3A = tpu.sem_alloc : memref<!tpu.dma_semaphore, #tpu.memory_space<semaphore_mem>>
            %dma_start3A_95 = tpu.memref_slice %arg3[%add3A_89] : memref<320000xi32, #tpu.memory_space<hbm>> -> memref<128xi32, #tpu.memory_space<hbm>>
            %dma_start3A_96 = tpu.memref_slice %arg3[%add3A_89] : memref<320000xi32, #tpu.memory_space<hbm>> -> memref<128xi32, #tpu.memory_space<hbm>>
            tpu.enqueue_dma source(%dma_start3A_96 : memref<128xi32, #tpu.memory_space<hbm>>) target(%arg10 : memref<128xi32, #tpu.memory_space<vmem>>) target_semaphore(%run_scoped3A : memref<!tpu.dma_semaphore, #tpu.memory_space<semaphore_mem>>)
            %dma_wait3A_97 = tpu.memref_slice %arg3[%add3A_89] : memref<320000xi32, #tpu.memory_space<hbm>> -> memref<128xi32, #tpu.memory_space<hbm>>
            %dma_wait3A_98 = tpu.memref_slice %arg3[%add3A_89] : memref<320000xi32, #tpu.memory_space<hbm>> -> memref<128xi32, #tpu.memory_space<hbm>>
            tpu.wait_dma2 semaphore(%run_scoped3A : memref<!tpu.dma_semaphore, #tpu.memory_space<semaphore_mem>>) src(%dma_wait3A_98 : memref<128xi32, #tpu.memory_space<hbm>>) dst(%arg10 : memref<128xi32, #tpu.memory_space<vmem>>)
            tpu.yield
          }) : () -> ()
          %add3A_90 = arith.constant 128 : i32
          %add3A_91 = arith.addi %add3A_38, %add3A_90 : i32
          "tpu.region"() ({
            %run_scoped3A = tpu.sem_alloc : memref<!tpu.dma_semaphore, #tpu.memory_space<semaphore_mem>>
            %dma_start3A_95 = tpu.memref_slice %arg4[%add3A_91] : memref<160000xi32, #tpu.memory_space<hbm>> -> memref<128xi32, #tpu.memory_space<hbm>>
            %dma_start3A_96 = tpu.memref_slice %arg4[%add3A_91] : memref<160000xi32, #tpu.memory_space<hbm>> -> memref<128xi32, #tpu.memory_space<hbm>>
            tpu.enqueue_dma source(%dma_start3A_96 : memref<128xi32, #tpu.memory_space<hbm>>) target(%arg11 : memref<128xi32, #tpu.memory_space<vmem>>) target_semaphore(%run_scoped3A : memref<!tpu.dma_semaphore, #tpu.memory_space<semaphore_mem>>)
            %dma_wait3A_97 = tpu.memref_slice %arg4[%add3A_91] : memref<160000xi32, #tpu.memory_space<hbm>> -> memref<128xi32, #tpu.memory_space<hbm>>
            %dma_wait3A_98 = tpu.memref_slice %arg4[%add3A_91] : memref<160000xi32, #tpu.memory_space<hbm>> -> memref<128xi32, #tpu.memory_space<hbm>>
            tpu.wait_dma2 semaphore(%run_scoped3A : memref<!tpu.dma_semaphore, #tpu.memory_space<semaphore_mem>>) src(%dma_wait3A_98 : memref<128xi32, #tpu.memory_space<hbm>>) dst(%arg11 : memref<128xi32, #tpu.memory_space<vmem>>)
            tpu.yield
          }) : () -> ()
          %dma_start3A_92 = arith.constant 0 : i32
          %dma_start3A_93 = arith.constant 0 : i32
          %dma_start3A_94 = tpu.memref_slice %arg2[%dma_start3A_92, %dma_start3A_93] : memref<20000x128xf32, #tpu.memory_space<hbm>> -> memref<20000x128xf32, #tpu.memory_space<hbm>>
          tpu.enqueue_indirect_dma source(%dma_start3A_94 : memref<20000x128xf32, #tpu.memory_space<hbm>>) target(%arg12 : memref<128x128xf32, #tpu.memory_space<vmem>>) offsets(%arg10 : memref<128xi32, #tpu.memory_space<vmem>>) semaphore(%arg18 : memref<!tpu.dma_semaphore, #tpu.memory_space<semaphore_mem>>)
        } else {
        }
        %dma_wait3A_82 = arith.constant 0 : i32
        %dma_wait3A_83 = arith.constant 0 : i32
        %dma_wait3A_84 = tpu.memref_slice %arg2[%dma_wait3A_82, %dma_wait3A_83] : memref<20000x128xf32, #tpu.memory_space<hbm>> -> memref<20000x128xf32, #tpu.memory_space<hbm>>
        tpu.wait_indirect_dma semaphore(%arg17 : memref<!tpu.dma_semaphore, #tpu.memory_space<semaphore_mem>>) src(%dma_wait3A_84 : memref<20000x128xf32, #tpu.memory_space<hbm>>) dst(%arg9 : memref<128x128xf32, #tpu.memory_space<vmem>>)
        "tpu.region"() ({
          %run_scoped3A = tpu.sem_alloc : memref<!tpu.dma_semaphore, #tpu.memory_space<semaphore_mem>>
          %dma_start3A_85 = arith.constant 0 : i32
          %dma_start3A_86 = arith.constant 0 : i32
          %dma_start3A_87 = tpu.memref_slice %arg16[%dma_start3A_85, %dma_start3A_86] : memref<10000x128xf32, #tpu.memory_space<vmem_shared>> -> memref<10000x128xf32, #tpu.memory_space<vmem_shared>>
          tpu.enqueue_indirect_dma source(%arg9 : memref<128x128xf32, #tpu.memory_space<vmem>>) target(%dma_start3A_87 : memref<10000x128xf32, #tpu.memory_space<vmem_shared>>) offsets(%arg8 : memref<128xi32, #tpu.memory_space<vmem>>) semaphore(%run_scoped3A : memref<!tpu.dma_semaphore, #tpu.memory_space<semaphore_mem>>) {add = true}
          %dma_wait3A_88 = arith.constant 0 : i32
          %dma_wait3A_89 = arith.constant 0 : i32
          %dma_wait3A_90 = tpu.memref_slice %arg16[%dma_wait3A_88, %dma_wait3A_89] : memref<10000x128xf32, #tpu.memory_space<vmem_shared>> -> memref<10000x128xf32, #tpu.memory_space<vmem_shared>>
          tpu.wait_indirect_dma semaphore(%run_scoped3A : memref<!tpu.dma_semaphore, #tpu.memory_space<semaphore_mem>>) src(%arg9 : memref<128x128xf32, #tpu.memory_space<vmem>>) dst(%dma_wait3A_90 : memref<10000x128xf32, #tpu.memory_space<vmem_shared>>)
          tpu.yield
        }) : () -> ()
      } else {
      }
      %jit3A_54 = arith.constant 2 : i32
      %eq3A_55 = arith.constant 0 : i32
      %eq3A_56 = arith.cmpi eq, %jit3A_54, %eq3A_55 : i32
      %jit3A_57 = arith.constant 1 : i32
      %select_n3A_58 = arith.select %eq3A_56, %jit3A_57, %jit3A_54 : i32
      %rem3A_59 = arith.remsi %scan3A_35, %select_n3A_58 : i32
      %ne3A_60 = arith.constant 0 : i32
      %ne3A_61 = arith.cmpi ne, %rem3A_59, %ne3A_60 : i32
      %lt3A_62 = arith.constant 0 : i32
      %lt3A_63 = arith.cmpi slt, %rem3A_59, %lt3A_62 : i32
      %lt3A_64 = arith.constant 0 : i32
      %lt3A_65 = arith.cmpi slt, %select_n3A_58, %lt3A_64 : i32
      %ne3A_66 = arith.xori %lt3A_63, %lt3A_65 : i1
      %and3A_67 = arith.andi %ne3A_66, %ne3A_61 : i1
      %add3A_68 = arith.addi %rem3A_59, %select_n3A_58 : i32
      %select_n3A_69 = arith.select %and3A_67, %add3A_68, %rem3A_59 : i32
      %eq3A_70 = arith.constant 1 : i32
      %eq3A_71 = arith.cmpi eq, %select_n3A_69, %eq3A_70 : i32
      %convert_element_type3A_72 = arith.extui %eq3A_71 : i1 to i32
      %cond3A_73 = arith.constant 0 : i32
      %cond3A_74 = arith.cmpi ne, %convert_element_type3A_72, %cond3A_73 : i32
      scf.if %cond3A_74 {
        %add3A_75 = arith.constant 1 : i32
        %add3A_76 = arith.addi %scan3A_35, %add3A_75 : i32
        %lt3A_77 = arith.constant 78 : i32
        %lt3A_78 = arith.cmpi slt, %add3A_76, %lt3A_77 : i32
        %convert_element_type3A_79 = arith.extui %lt3A_78 : i1 to i32
        %cond3A_80 = arith.constant 0 : i32
        %cond3A_81 = arith.cmpi ne, %convert_element_type3A_79, %cond3A_80 : i32
        scf.if %cond3A_81 {
          %mul3A_85 = arith.constant 160000 : i32
          %mul3A_86 = arith.muli %arg0, %mul3A_85 : i32
          %add3A_87 = arith.addi %mul3A_86, %add3A_38 : i32
          %add3A_88 = arith.constant 128 : i32
          %add3A_89 = arith.addi %add3A_87, %add3A_88 : i32
          "tpu.region"() ({
            %run_scoped3A = tpu.sem_alloc : memref<!tpu.dma_semaphore, #tpu.memory_space<semaphore_mem>>
            %dma_start3A_95 = tpu.memref_slice %arg3[%add3A_89] : memref<320000xi32, #tpu.memory_space<hbm>> -> memref<128xi32, #tpu.memory_space<hbm>>
            %dma_start3A_96 = tpu.memref_slice %arg3[%add3A_89] : memref<320000xi32, #tpu.memory_space<hbm>> -> memref<128xi32, #tpu.memory_space<hbm>>
            tpu.enqueue_dma source(%dma_start3A_96 : memref<128xi32, #tpu.memory_space<hbm>>) target(%arg7 : memref<128xi32, #tpu.memory_space<vmem>>) target_semaphore(%run_scoped3A : memref<!tpu.dma_semaphore, #tpu.memory_space<semaphore_mem>>)
            %dma_wait3A_97 = tpu.memref_slice %arg3[%add3A_89] : memref<320000xi32, #tpu.memory_space<hbm>> -> memref<128xi32, #tpu.memory_space<hbm>>
            %dma_wait3A_98 = tpu.memref_slice %arg3[%add3A_89] : memref<320000xi32, #tpu.memory_space<hbm>> -> memref<128xi32, #tpu.memory_space<hbm>>
            tpu.wait_dma2 semaphore(%run_scoped3A : memref<!tpu.dma_semaphore, #tpu.memory_space<semaphore_mem>>) src(%dma_wait3A_98 : memref<128xi32, #tpu.memory_space<hbm>>) dst(%arg7 : memref<128xi32, #tpu.memory_space<vmem>>)
            tpu.yield
          }) : () -> ()
          %add3A_90 = arith.constant 128 : i32
          %add3A_91 = arith.addi %add3A_38, %add3A_90 : i32
          "tpu.region"() ({
            %run_scoped3A = tpu.sem_alloc : memref<!tpu.dma_semaphore, #tpu.memory_space<semaphore_mem>>
            %dma_start3A_95 = tpu.memref_slice %arg4[%add3A_91] : memref<160000xi32, #tpu.memory_space<hbm>> -> memref<128xi32, #tpu.memory_space<hbm>>
            %dma_start3A_96 = tpu.memref_slice %arg4[%add3A_91] : memref<160000xi32, #tpu.memory_space<hbm>> -> memref<128xi32, #tpu.memory_space<hbm>>
            tpu.enqueue_dma source(%dma_start3A_96 : memref<128xi32, #tpu.memory_space<hbm>>) target(%arg8 : memref<128xi32, #tpu.memory_space<vmem>>) target_semaphore(%run_scoped3A : memref<!tpu.dma_semaphore, #tpu.memory_space<semaphore_mem>>)
            %dma_wait3A_97 = tpu.memref_slice %arg4[%add3A_91] : memref<160000xi32, #tpu.memory_space<hbm>> -> memref<128xi32, #tpu.memory_space<hbm>>
            %dma_wait3A_98 = tpu.memref_slice %arg4[%add3A_91] : memref<160000xi32, #tpu.memory_space<hbm>> -> memref<128xi32, #tpu.memory_space<hbm>>
            tpu.wait_dma2 semaphore(%run_scoped3A : memref<!tpu.dma_semaphore, #tpu.memory_space<semaphore_mem>>) src(%dma_wait3A_98 : memref<128xi32, #tpu.memory_space<hbm>>) dst(%arg8 : memref<128xi32, #tpu.memory_space<vmem>>)
            tpu.yield
          }) : () -> ()
          %dma_start3A_92 = arith.constant 0 : i32
          %dma_start3A_93 = arith.constant 0 : i32
          %dma_start3A_94 = tpu.memref_slice %arg2[%dma_start3A_92, %dma_start3A_93] : memref<20000x128xf32, #tpu.memory_space<hbm>> -> memref<20000x128xf32, #tpu.memory_space<hbm>>
          tpu.enqueue_indirect_dma source(%dma_start3A_94 : memref<20000x128xf32, #tpu.memory_space<hbm>>) target(%arg9 : memref<128x128xf32, #tpu.memory_space<vmem>>) offsets(%arg7 : memref<128xi32, #tpu.memory_space<vmem>>) semaphore(%arg17 : memref<!tpu.dma_semaphore, #tpu.memory_space<semaphore_mem>>)
        } else {
        }
        %dma_wait3A_82 = arith.constant 0 : i32
        %dma_wait3A_83 = arith.constant 0 : i32
        %dma_wait3A_84 = tpu.memref_slice %arg2[%dma_wait3A_82, %dma_wait3A_83] : memref<20000x128xf32, #tpu.memory_space<hbm>> -> memref<20000x128xf32, #tpu.memory_space<hbm>>
        tpu.wait_indirect_dma semaphore(%arg18 : memref<!tpu.dma_semaphore, #tpu.memory_space<semaphore_mem>>) src(%dma_wait3A_84 : memref<20000x128xf32, #tpu.memory_space<hbm>>) dst(%arg12 : memref<128x128xf32, #tpu.memory_space<vmem>>)
        "tpu.region"() ({
          %run_scoped3A = tpu.sem_alloc : memref<!tpu.dma_semaphore, #tpu.memory_space<semaphore_mem>>
          %dma_start3A_85 = arith.constant 0 : i32
          %dma_start3A_86 = arith.constant 0 : i32
          %dma_start3A_87 = tpu.memref_slice %arg16[%dma_start3A_85, %dma_start3A_86] : memref<10000x128xf32, #tpu.memory_space<vmem_shared>> -> memref<10000x128xf32, #tpu.memory_space<vmem_shared>>
          tpu.enqueue_indirect_dma source(%arg12 : memref<128x128xf32, #tpu.memory_space<vmem>>) target(%dma_start3A_87 : memref<10000x128xf32, #tpu.memory_space<vmem_shared>>) offsets(%arg11 : memref<128xi32, #tpu.memory_space<vmem>>) semaphore(%run_scoped3A : memref<!tpu.dma_semaphore, #tpu.memory_space<semaphore_mem>>) {add = true}
          %dma_wait3A_88 = arith.constant 0 : i32
          %dma_wait3A_89 = arith.constant 0 : i32
          %dma_wait3A_90 = tpu.memref_slice %arg16[%dma_wait3A_88, %dma_wait3A_89] : memref<10000x128xf32, #tpu.memory_space<vmem_shared>> -> memref<10000x128xf32, #tpu.memory_space<vmem_shared>>
          tpu.wait_indirect_dma semaphore(%run_scoped3A : memref<!tpu.dma_semaphore, #tpu.memory_space<semaphore_mem>>) src(%arg12 : memref<128x128xf32, #tpu.memory_space<vmem>>) dst(%dma_wait3A_90 : memref<10000x128xf32, #tpu.memory_space<vmem_shared>>)
          tpu.yield
        }) : () -> ()
      } else {
      }
    }
    %scan3A_13 = arith.constant 78 : i32
    %mul3A_14 = arith.constant 160000 : i32
    %mul3A_15 = arith.muli %arg0, %mul3A_14 : i32
    %add3A_16 = arith.addi %mul3A_15, %mul3A_4 : i32
    %add3A_17 = arith.constant 9984 : i32
    %add3A_18 = arith.addi %add3A_16, %add3A_17 : i32
    "tpu.region"() ({
      %run_scoped3A = tpu.sem_alloc : memref<!tpu.dma_semaphore, #tpu.memory_space<semaphore_mem>>
      %dma_start3A_35 = tpu.memref_slice %arg3[%add3A_18] : memref<320000xi32, #tpu.memory_space<hbm>> -> memref<16xi32, #tpu.memory_space<hbm>>
      %dma_start3A_36 = tpu.memref_slice %arg3[%add3A_18] : memref<320000xi32, #tpu.memory_space<hbm>> -> memref<16xi32, #tpu.memory_space<hbm>>
      tpu.enqueue_dma source(%dma_start3A_36 : memref<16xi32, #tpu.memory_space<hbm>>) target(%arg13 : memref<16xi32, #tpu.memory_space<vmem>>) target_semaphore(%run_scoped3A : memref<!tpu.dma_semaphore, #tpu.memory_space<semaphore_mem>>)
      %dma_wait3A_37 = tpu.memref_slice %arg3[%add3A_18] : memref<320000xi32, #tpu.memory_space<hbm>> -> memref<16xi32, #tpu.memory_space<hbm>>
      %dma_wait3A_38 = tpu.memref_slice %arg3[%add3A_18] : memref<320000xi32, #tpu.memory_space<hbm>> -> memref<16xi32, #tpu.memory_space<hbm>>
      tpu.wait_dma2 semaphore(%run_scoped3A : memref<!tpu.dma_semaphore, #tpu.memory_space<semaphore_mem>>) src(%dma_wait3A_38 : memref<16xi32, #tpu.memory_space<hbm>>) dst(%arg13 : memref<16xi32, #tpu.memory_space<vmem>>)
      tpu.yield
    }) : () -> ()
    %add3A_19 = arith.constant 9984 : i32
    %add3A_20 = arith.addi %mul3A_4, %add3A_19 : i32
    "tpu.region"() ({
      %run_scoped3A = tpu.sem_alloc : memref<!tpu.dma_semaphore, #tpu.memory_space<semaphore_mem>>
      %dma_start3A_35 = tpu.memref_slice %arg4[%add3A_20] : memref<160000xi32, #tpu.memory_space<hbm>> -> memref<16xi32, #tpu.memory_space<hbm>>
      %dma_start3A_36 = tpu.memref_slice %arg4[%add3A_20] : memref<160000xi32, #tpu.memory_space<hbm>> -> memref<16xi32, #tpu.memory_space<hbm>>
      tpu.enqueue_dma source(%dma_start3A_36 : memref<16xi32, #tpu.memory_space<hbm>>) target(%arg14 : memref<16xi32, #tpu.memory_space<vmem>>) target_semaphore(%run_scoped3A : memref<!tpu.dma_semaphore, #tpu.memory_space<semaphore_mem>>)
      %dma_wait3A_37 = tpu.memref_slice %arg4[%add3A_20] : memref<160000xi32, #tpu.memory_space<hbm>> -> memref<16xi32, #tpu.memory_space<hbm>>
      %dma_wait3A_38 = tpu.memref_slice %arg4[%add3A_20] : memref<160000xi32, #tpu.memory_space<hbm>> -> memref<16xi32, #tpu.memory_space<hbm>>
      tpu.wait_dma2 semaphore(%run_scoped3A : memref<!tpu.dma_semaphore, #tpu.memory_space<semaphore_mem>>) src(%dma_wait3A_38 : memref<16xi32, #tpu.memory_space<hbm>>) dst(%arg14 : memref<16xi32, #tpu.memory_space<vmem>>)
      tpu.yield
    }) : () -> ()
    %dma_start3A_21 = arith.constant 0 : i32
    %dma_start3A_22 = arith.constant 0 : i32
    %dma_start3A_23 = tpu.memref_slice %arg2[%dma_start3A_21, %dma_start3A_22] : memref<20000x128xf32, #tpu.memory_space<hbm>> -> memref<20000x128xf32, #tpu.memory_space<hbm>>
    tpu.enqueue_indirect_dma source(%dma_start3A_23 : memref<20000x128xf32, #tpu.memory_space<hbm>>) target(%arg15 : memref<16x128xf32, #tpu.memory_space<vmem>>) offsets(%arg13 : memref<16xi32, #tpu.memory_space<vmem>>) semaphore(%arg17 : memref<!tpu.dma_semaphore, #tpu.memory_space<semaphore_mem>>)
    %dma_wait3A = arith.constant 0 : i32
    %dma_wait3A_24 = arith.constant 0 : i32
    %dma_wait3A_25 = tpu.memref_slice %arg2[%dma_wait3A, %dma_wait3A_24] : memref<20000x128xf32, #tpu.memory_space<hbm>> -> memref<20000x128xf32, #tpu.memory_space<hbm>>
    tpu.wait_indirect_dma semaphore(%arg17 : memref<!tpu.dma_semaphore, #tpu.memory_space<semaphore_mem>>) src(%dma_wait3A_25 : memref<20000x128xf32, #tpu.memory_space<hbm>>) dst(%arg15 : memref<16x128xf32, #tpu.memory_space<vmem>>)
    "tpu.region"() ({
      %run_scoped3A = tpu.sem_alloc : memref<!tpu.dma_semaphore, #tpu.memory_space<semaphore_mem>>
      %dma_start3A_35 = arith.constant 0 : i32
      %dma_start3A_36 = arith.constant 0 : i32
      %dma_start3A_37 = tpu.memref_slice %arg16[%dma_start3A_35, %dma_start3A_36] : memref<10000x128xf32, #tpu.memory_space<vmem_shared>> -> memref<10000x128xf32, #tpu.memory_space<vmem_shared>>
      tpu.enqueue_indirect_dma source(%arg15 : memref<16x128xf32, #tpu.memory_space<vmem>>) target(%dma_start3A_37 : memref<10000x128xf32, #tpu.memory_space<vmem_shared>>) offsets(%arg14 : memref<16xi32, #tpu.memory_space<vmem>>) semaphore(%run_scoped3A : memref<!tpu.dma_semaphore, #tpu.memory_space<semaphore_mem>>) {add = true}
      %dma_wait3A_38 = arith.constant 0 : i32
      %dma_wait3A_39 = arith.constant 0 : i32
      %dma_wait3A_40 = tpu.memref_slice %arg16[%dma_wait3A_38, %dma_wait3A_39] : memref<10000x128xf32, #tpu.memory_space<vmem_shared>> -> memref<10000x128xf32, #tpu.memory_space<vmem_shared>>
      tpu.wait_indirect_dma semaphore(%run_scoped3A : memref<!tpu.dma_semaphore, #tpu.memory_space<semaphore_mem>>) src(%arg15 : memref<16x128xf32, #tpu.memory_space<vmem>>) dst(%dma_wait3A_40 : memref<10000x128xf32, #tpu.memory_space<vmem_shared>>)
      tpu.yield
    }) : () -> ()
    %barrier3A_26 = arith.constant 0 : index
    tpu.barrier barrier_id(%barrier3A_26)
    %mul3A_27 = arith.constant 10000 : i32
    %mul3A_28 = arith.muli %arg0, %mul3A_27 : i32
    %add3A_29 = arith.addi %mul3A_28, %mul3A_0 : i32
    "tpu.region"() ({
      %run_scoped3A = tpu.sem_alloc : memref<!tpu.dma_semaphore, #tpu.memory_space<semaphore_mem>>
      %dma_start3A_35 = arith.constant 0 : i32
      %dma_start3A_36 = tpu.memref_slice %arg6[%add3A_29, %dma_start3A_35] : memref<20000x128xf32, #tpu.memory_space<hbm>> -> memref<624x128xf32, #tpu.memory_space<hbm>>
      %dma_start3A_37 = arith.constant 0 : i32
      %dma_start3A_38 = tpu.memref_slice %arg16[%mul3A_0, %dma_start3A_37] : memref<10000x128xf32, #tpu.memory_space<vmem_shared>> -> memref<624x128xf32, #tpu.memory_space<vmem_shared>>
      tpu.enqueue_dma source(%dma_start3A_38 : memref<624x128xf32, #tpu.memory_space<vmem_shared>>) target(%dma_start3A_36 : memref<624x128xf32, #tpu.memory_space<hbm>>) target_semaphore(%run_scoped3A : memref<!tpu.dma_semaphore, #tpu.memory_space<semaphore_mem>>)
      %dma_wait3A_39 = arith.constant 0 : i32
      %dma_wait3A_40 = tpu.memref_slice %arg6[%add3A_29, %dma_wait3A_39] : memref<20000x128xf32, #tpu.memory_space<hbm>> -> memref<624x128xf32, #tpu.memory_space<hbm>>
      %dma_wait3A_41 = arith.constant 0 : i32
      %dma_wait3A_42 = tpu.memref_slice %arg16[%mul3A_0, %dma_wait3A_41] : memref<10000x128xf32, #tpu.memory_space<vmem_shared>> -> memref<624x128xf32, #tpu.memory_space<vmem_shared>>
      tpu.wait_dma2 semaphore(%run_scoped3A : memref<!tpu.dma_semaphore, #tpu.memory_space<semaphore_mem>>) src(%dma_wait3A_42 : memref<624x128xf32, #tpu.memory_space<vmem_shared>>) dst(%dma_wait3A_40 : memref<624x128xf32, #tpu.memory_space<hbm>>)
      tpu.yield
    }) : () -> ()
    %eq3A_30 = arith.constant 15 : i32
    %eq3A_31 = arith.cmpi eq, %arg1, %eq3A_30 : i32
    %convert_element_type3A_32 = arith.extui %eq3A_31 : i1 to i32
    %cond3A_33 = arith.constant 0 : i32
    %cond3A_34 = arith.cmpi ne, %convert_element_type3A_32, %cond3A_33 : i32
    scf.if %cond3A_34 {
      %mul3A_35 = arith.constant 10000 : i32
      %mul3A_36 = arith.muli %arg0, %mul3A_35 : i32
      %add3A_37 = arith.constant 9984 : i32
      %add3A_38 = arith.addi %mul3A_36, %add3A_37 : i32
      "tpu.region"() ({
        %run_scoped3A = tpu.sem_alloc : memref<!tpu.dma_semaphore, #tpu.memory_space<semaphore_mem>>
        %dma_start3A_39 = arith.constant 0 : i32
        %dma_start3A_40 = tpu.memref_slice %arg6[%add3A_38, %dma_start3A_39] : memref<20000x128xf32, #tpu.memory_space<hbm>> -> memref<16x128xf32, #tpu.memory_space<hbm>>
        %dma_start3A_41 = arith.constant 9984 : i32
        %dma_start3A_42 = arith.constant 0 : i32
        %dma_start3A_43 = tpu.memref_slice %arg16[%dma_start3A_41, %dma_start3A_42] : memref<10000x128xf32, #tpu.memory_space<vmem_shared>> -> memref<16x128xf32, #tpu.memory_space<vmem_shared>>
        tpu.enqueue_dma source(%dma_start3A_43 : memref<16x128xf32, #tpu.memory_space<vmem_shared>>) target(%dma_start3A_40 : memref<16x128xf32, #tpu.memory_space<hbm>>) target_semaphore(%run_scoped3A : memref<!tpu.dma_semaphore, #tpu.memory_space<semaphore_mem>>)
        %dma_wait3A_44 = arith.constant 0 : i32
        %dma_wait3A_45 = tpu.memref_slice %arg6[%add3A_38, %dma_wait3A_44] : memref<20000x128xf32, #tpu.memory_space<hbm>> -> memref<16x128xf32, #tpu.memory_space<hbm>>
        %dma_wait3A_46 = arith.constant 9984 : i32
        %dma_wait3A_47 = arith.constant 0 : i32
        %dma_wait3A_48 = tpu.memref_slice %arg16[%dma_wait3A_46, %dma_wait3A_47] : memref<10000x128xf32, #tpu.memory_space<vmem_shared>> -> memref<16x128xf32, #tpu.memory_space<vmem_shared>>
        tpu.wait_dma2 semaphore(%run_scoped3A : memref<!tpu.dma_semaphore, #tpu.memory_space<semaphore_mem>>) src(%dma_wait3A_48 : memref<16x128xf32, #tpu.memory_space<vmem_shared>>) dst(%dma_wait3A_45 : memref<16x128xf32, #tpu.memory_space<hbm>>)
        tpu.yield
      }) : () -> ()
    } else {
    }
    return
  }
}

#map = affine_map<(d0, d1) -> (0)>
module attributes {stable_mosaic.version = 14 : i64} {
  func.func @_deg_body(%arg0: i32, %arg1: i32, %arg2: memref<160000xi32, #tpu.memory_space<hbm>>, %arg3: memref<128xf32, #tpu.memory_space<hbm>>, %arg4: memref<10240xf32, #tpu.memory_space<hbm>>, %arg5: memref<20480xf32, #tpu.memory_space<hbm>>, %arg6: memref<128xi32, #tpu.memory_space<vmem>>, %arg7: memref<128xf32, #tpu.memory_space<vmem>>, %arg8: memref<16xi32, #tpu.memory_space<vmem>>, %arg9: memref<16xf32, #tpu.memory_space<vmem>>, %arg10: memref<10240xf32, #tpu.memory_space<vmem_shared>>) attributes {dimension_semantics = [#tpu.dimension_semantics<core_parallel>, #tpu.dimension_semantics<subcore_parallel>], iteration_bounds = array<i64: 2, 16>, scalar_prefetch = 0 : i64, scratch_operands = 5 : i64, tpu.core_type = #tpu.core_type<sc_vector_subcore>, window_params = [{transform_indices = #map}, {transform_indices = #map}, {transform_indices = #map}, {transform_indices = #map}]} {
    %mul3A = arith.constant 640 : i32
    %mul3A_0 = arith.muli %arg1, %mul3A : i32
    %mul3A_1 = arith.constant 640 : i32
    %mul3A_2 = arith.muli %arg1, %mul3A_1 : i32
    "tpu.region"() ({
      %run_scoped3A = tpu.sem_alloc : memref<!tpu.dma_semaphore, #tpu.memory_space<semaphore_mem>>
      %dma_start3A = tpu.memref_slice %arg10[%mul3A_2] : memref<10240xf32, #tpu.memory_space<vmem_shared>> -> memref<640xf32, #tpu.memory_space<vmem_shared>>
      %dma_start3A_19 = tpu.memref_slice %arg4[%mul3A_0] : memref<10240xf32, #tpu.memory_space<hbm>> -> memref<640xf32, #tpu.memory_space<hbm>>
      tpu.enqueue_dma source(%dma_start3A_19 : memref<640xf32, #tpu.memory_space<hbm>>) target(%dma_start3A : memref<640xf32, #tpu.memory_space<vmem_shared>>) target_semaphore(%run_scoped3A : memref<!tpu.dma_semaphore, #tpu.memory_space<semaphore_mem>>)
      %dma_wait3A = tpu.memref_slice %arg10[%mul3A_2] : memref<10240xf32, #tpu.memory_space<vmem_shared>> -> memref<640xf32, #tpu.memory_space<vmem_shared>>
      %dma_wait3A_20 = tpu.memref_slice %arg4[%mul3A_0] : memref<10240xf32, #tpu.memory_space<hbm>> -> memref<640xf32, #tpu.memory_space<hbm>>
      tpu.wait_dma2 semaphore(%run_scoped3A : memref<!tpu.dma_semaphore, #tpu.memory_space<semaphore_mem>>) src(%dma_wait3A_20 : memref<640xf32, #tpu.memory_space<hbm>>) dst(%dma_wait3A : memref<640xf32, #tpu.memory_space<vmem_shared>>)
      tpu.yield
    }) : () -> ()
    "tpu.region"() ({
      %run_scoped3A = tpu.sem_alloc : memref<!tpu.dma_semaphore, #tpu.memory_space<semaphore_mem>>
      tpu.enqueue_dma source(%arg3 : memref<128xf32, #tpu.memory_space<hbm>>) target(%arg7 : memref<128xf32, #tpu.memory_space<vmem>>) target_semaphore(%run_scoped3A : memref<!tpu.dma_semaphore, #tpu.memory_space<semaphore_mem>>)
      tpu.wait_dma2 semaphore(%run_scoped3A : memref<!tpu.dma_semaphore, #tpu.memory_space<semaphore_mem>>) src(%arg3 : memref<128xf32, #tpu.memory_space<hbm>>) dst(%arg7 : memref<128xf32, #tpu.memory_space<vmem>>)
      tpu.yield
    }) : () -> ()
    %barrier3A = arith.constant 0 : index
    tpu.barrier barrier_id(%barrier3A)
    %mul3A_3 = arith.constant 10000 : i32
    %mul3A_4 = arith.muli %arg1, %mul3A_3 : i32
    %scan3A = arith.constant 0 : i32
    %scan3A_5 = arith.constant 0 : i32
    %scan3A_6 = arith.constant 78 : i32
    %scan3A_7 = arith.addi %scan3A_5, %scan3A_6 : i32
    %scan3A_8 = arith.constant 1 : i32
    scf.for %scan3A_19 = %scan3A_5 to %scan3A_7 step %scan3A_8  : i32 {
      %mul3A_20 = arith.constant 128 : i32
      %mul3A_21 = arith.muli %scan3A_19, %mul3A_20 : i32
      %add3A_22 = arith.addi %mul3A_4, %mul3A_21 : i32
      "tpu.region"() ({
        %run_scoped3A = tpu.sem_alloc : memref<!tpu.dma_semaphore, #tpu.memory_space<semaphore_mem>>
        %dma_start3A = tpu.memref_slice %arg2[%add3A_22] : memref<160000xi32, #tpu.memory_space<hbm>> -> memref<128xi32, #tpu.memory_space<hbm>>
        %dma_start3A_23 = tpu.memref_slice %arg2[%add3A_22] : memref<160000xi32, #tpu.memory_space<hbm>> -> memref<128xi32, #tpu.memory_space<hbm>>
        tpu.enqueue_dma source(%dma_start3A_23 : memref<128xi32, #tpu.memory_space<hbm>>) target(%arg6 : memref<128xi32, #tpu.memory_space<vmem>>) target_semaphore(%run_scoped3A : memref<!tpu.dma_semaphore, #tpu.memory_space<semaphore_mem>>)
        %dma_wait3A = tpu.memref_slice %arg2[%add3A_22] : memref<160000xi32, #tpu.memory_space<hbm>> -> memref<128xi32, #tpu.memory_space<hbm>>
        %dma_wait3A_24 = tpu.memref_slice %arg2[%add3A_22] : memref<160000xi32, #tpu.memory_space<hbm>> -> memref<128xi32, #tpu.memory_space<hbm>>
        tpu.wait_dma2 semaphore(%run_scoped3A : memref<!tpu.dma_semaphore, #tpu.memory_space<semaphore_mem>>) src(%dma_wait3A_24 : memref<128xi32, #tpu.memory_space<hbm>>) dst(%arg6 : memref<128xi32, #tpu.memory_space<vmem>>)
        tpu.yield
      }) : () -> ()
      "tpu.region"() ({
        %run_scoped3A = tpu.sem_alloc : memref<!tpu.dma_semaphore, #tpu.memory_space<semaphore_mem>>
        %dma_start3A = arith.constant 0 : i32
        %dma_start3A_23 = tpu.memref_slice %arg10[%dma_start3A] : memref<10240xf32, #tpu.memory_space<vmem_shared>> -> memref<10240xf32, #tpu.memory_space<vmem_shared>>
        tpu.enqueue_indirect_dma source(%arg7 : memref<128xf32, #tpu.memory_space<vmem>>) target(%dma_start3A_23 : memref<10240xf32, #tpu.memory_space<vmem_shared>>) offsets(%arg6 : memref<128xi32, #tpu.memory_space<vmem>>) semaphore(%run_scoped3A : memref<!tpu.dma_semaphore, #tpu.memory_space<semaphore_mem>>) {add = true}
        %dma_wait3A = arith.constant 0 : i32
        %dma_wait3A_24 = tpu.memref_slice %arg10[%dma_wait3A] : memref<10240xf32, #tpu.memory_space<vmem_shared>> -> memref<10240xf32, #tpu.memory_space<vmem_shared>>
        tpu.wait_indirect_dma semaphore(%run_scoped3A : memref<!tpu.dma_semaphore, #tpu.memory_space<semaphore_mem>>) src(%arg7 : memref<128xf32, #tpu.memory_space<vmem>>) dst(%dma_wait3A_24 : memref<10240xf32, #tpu.memory_space<vmem_shared>>)
        tpu.yield
      }) : () -> ()
    }
    %scan3A_9 = arith.constant 78 : i32
    %add3A = arith.constant 9984 : i32
    %add3A_10 = arith.addi %mul3A_4, %add3A : i32
    "tpu.region"() ({
      %run_scoped3A = tpu.sem_alloc : memref<!tpu.dma_semaphore, #tpu.memory_space<semaphore_mem>>
      %dma_start3A = tpu.memref_slice %arg2[%add3A_10] : memref<160000xi32, #tpu.memory_space<hbm>> -> memref<16xi32, #tpu.memory_space<hbm>>
      %dma_start3A_19 = tpu.memref_slice %arg2[%add3A_10] : memref<160000xi32, #tpu.memory_space<hbm>> -> memref<16xi32, #tpu.memory_space<hbm>>
      tpu.enqueue_dma source(%dma_start3A_19 : memref<16xi32, #tpu.memory_space<hbm>>) target(%arg8 : memref<16xi32, #tpu.memory_space<vmem>>) target_semaphore(%run_scoped3A : memref<!tpu.dma_semaphore, #tpu.memory_space<semaphore_mem>>)
      %dma_wait3A = tpu.memref_slice %arg2[%add3A_10] : memref<160000xi32, #tpu.memory_space<hbm>> -> memref<16xi32, #tpu.memory_space<hbm>>
      %dma_wait3A_20 = tpu.memref_slice %arg2[%add3A_10] : memref<160000xi32, #tpu.memory_space<hbm>> -> memref<16xi32, #tpu.memory_space<hbm>>
      tpu.wait_dma2 semaphore(%run_scoped3A : memref<!tpu.dma_semaphore, #tpu.memory_space<semaphore_mem>>) src(%dma_wait3A_20 : memref<16xi32, #tpu.memory_space<hbm>>) dst(%arg8 : memref<16xi32, #tpu.memory_space<vmem>>)
      tpu.yield
    }) : () -> ()
    "tpu.region"() ({
      %run_scoped3A = tpu.sem_alloc : memref<!tpu.dma_semaphore, #tpu.memory_space<semaphore_mem>>
      %dma_start3A = arith.constant 0 : i32
      %dma_start3A_19 = tpu.memref_slice %arg3[%dma_start3A] : memref<128xf32, #tpu.memory_space<hbm>> -> memref<16xf32, #tpu.memory_space<hbm>>
      %dma_start3A_20 = arith.constant 0 : i32
      %dma_start3A_21 = tpu.memref_slice %arg3[%dma_start3A_20] : memref<128xf32, #tpu.memory_space<hbm>> -> memref<16xf32, #tpu.memory_space<hbm>>
      tpu.enqueue_dma source(%dma_start3A_21 : memref<16xf32, #tpu.memory_space<hbm>>) target(%arg9 : memref<16xf32, #tpu.memory_space<vmem>>) target_semaphore(%run_scoped3A : memref<!tpu.dma_semaphore, #tpu.memory_space<semaphore_mem>>)
      %dma_wait3A = arith.constant 0 : i32
      %dma_wait3A_22 = tpu.memref_slice %arg3[%dma_wait3A] : memref<128xf32, #tpu.memory_space<hbm>> -> memref<16xf32, #tpu.memory_space<hbm>>
      %dma_wait3A_23 = arith.constant 0 : i32
      %dma_wait3A_24 = tpu.memref_slice %arg3[%dma_wait3A_23] : memref<128xf32, #tpu.memory_space<hbm>> -> memref<16xf32, #tpu.memory_space<hbm>>
      tpu.wait_dma2 semaphore(%run_scoped3A : memref<!tpu.dma_semaphore, #tpu.memory_space<semaphore_mem>>) src(%dma_wait3A_24 : memref<16xf32, #tpu.memory_space<hbm>>) dst(%arg9 : memref<16xf32, #tpu.memory_space<vmem>>)
      tpu.yield
    }) : () -> ()
    "tpu.region"() ({
      %run_scoped3A = tpu.sem_alloc : memref<!tpu.dma_semaphore, #tpu.memory_space<semaphore_mem>>
      %dma_start3A = arith.constant 0 : i32
      %dma_start3A_19 = tpu.memref_slice %arg10[%dma_start3A] : memref<10240xf32, #tpu.memory_space<vmem_shared>> -> memref<10240xf32, #tpu.memory_space<vmem_shared>>
      tpu.enqueue_indirect_dma source(%arg9 : memref<16xf32, #tpu.memory_space<vmem>>) target(%dma_start3A_19 : memref<10240xf32, #tpu.memory_space<vmem_shared>>) offsets(%arg8 : memref<16xi32, #tpu.memory_space<vmem>>) semaphore(%run_scoped3A : memref<!tpu.dma_semaphore, #tpu.memory_space<semaphore_mem>>) {add = true}
      %dma_wait3A = arith.constant 0 : i32
      %dma_wait3A_20 = tpu.memref_slice %arg10[%dma_wait3A] : memref<10240xf32, #tpu.memory_space<vmem_shared>> -> memref<10240xf32, #tpu.memory_space<vmem_shared>>
      tpu.wait_indirect_dma semaphore(%run_scoped3A : memref<!tpu.dma_semaphore, #tpu.memory_space<semaphore_mem>>) src(%arg9 : memref<16xf32, #tpu.memory_space<vmem>>) dst(%dma_wait3A_20 : memref<10240xf32, #tpu.memory_space<vmem_shared>>)
      tpu.yield
    }) : () -> ()
    %barrier3A_11 = arith.constant 0 : index
    tpu.barrier barrier_id(%barrier3A_11)
    %mul3A_12 = arith.constant 640 : i32
    %mul3A_13 = arith.muli %arg1, %mul3A_12 : i32
    %mul3A_14 = arith.constant 10240 : i32
    %mul3A_15 = arith.muli %arg0, %mul3A_14 : i32
    %mul3A_16 = arith.constant 640 : i32
    %mul3A_17 = arith.muli %arg1, %mul3A_16 : i32
    %add3A_18 = arith.addi %mul3A_15, %mul3A_17 : i32
    "tpu.region"() ({
      %run_scoped3A = tpu.sem_alloc : memref<!tpu.dma_semaphore, #tpu.memory_space<semaphore_mem>>
      %dma_start3A = tpu.memref_slice %arg5[%add3A_18] : memref<20480xf32, #tpu.memory_space<hbm>> -> memref<640xf32, #tpu.memory_space<hbm>>
      %dma_start3A_19 = tpu.memref_slice %arg10[%mul3A_13] : memref<10240xf32, #tpu.memory_space<vmem_shared>> -> memref<640xf32, #tpu.memory_space<vmem_shared>>
      tpu.enqueue_dma source(%dma_start3A_19 : memref<640xf32, #tpu.memory_space<vmem_shared>>) target(%dma_start3A : memref<640xf32, #tpu.memory_space<hbm>>) target_semaphore(%run_scoped3A : memref<!tpu.dma_semaphore, #tpu.memory_space<semaphore_mem>>)
      %dma_wait3A = tpu.memref_slice %arg5[%add3A_18] : memref<20480xf32, #tpu.memory_space<hbm>> -> memref<640xf32, #tpu.memory_space<hbm>>
      %dma_wait3A_20 = tpu.memref_slice %arg10[%mul3A_13] : memref<10240xf32, #tpu.memory_space<vmem_shared>> -> memref<640xf32, #tpu.memory_space<vmem_shared>>
      tpu.wait_dma2 semaphore(%run_scoped3A : memref<!tpu.dma_semaphore, #tpu.memory_space<semaphore_mem>>) src(%dma_wait3A_20 : memref<640xf32, #tpu.memory_space<vmem_shared>>) dst(%dma_wait3A : memref<640xf32, #tpu.memory_space<hbm>>)
      tpu.yield
    }) : () -> ()
    return
  }
}

#map = affine_map<(d0, d1) -> (0, 0)>
#map1 = affine_map<(d0, d1) -> (0)>
module attributes {stable_mosaic.version = 14 : i64} {
  func.func @_conv_body(%arg0: i32, %arg1: i32, %arg2: memref<20000x128xf32, #tpu.memory_space<hbm>>, %arg3: memref<320000xi32, #tpu.memory_space<hbm>>, %arg4: memref<160000xi32, #tpu.memory_space<hbm>>, %arg5: memref<10000x128xf32, #tpu.memory_space<hbm>>, %arg6: memref<20000x128xf32, #tpu.memory_space<hbm>>, %arg7: memref<128xi32, #tpu.memory_space<vmem>>, %arg8: memref<128xi32, #tpu.memory_space<vmem>>, %arg9: memref<128x128xf32, #tpu.memory_space<vmem>>, %arg10: memref<128xi32, #tpu.memory_space<vmem>>, %arg11: memref<128xi32, #tpu.memory_space<vmem>>, %arg12: memref<128x128xf32, #tpu.memory_space<vmem>>, %arg13: memref<16xi32, #tpu.memory_space<vmem>>, %arg14: memref<16xi32, #tpu.memory_space<vmem>>, %arg15: memref<16x128xf32, #tpu.memory_space<vmem>>, %arg16: memref<10000x128xf32, #tpu.memory_space<vmem_shared>>, %arg17: memref<!tpu.dma_semaphore, #tpu.memory_space<semaphore_mem>>, %arg18: memref<!tpu.dma_semaphore, #tpu.memory_space<semaphore_mem>>) attributes {dimension_semantics = [#tpu.dimension_semantics<core_parallel>, #tpu.dimension_semantics<subcore_parallel>], iteration_bounds = array<i64: 2, 16>, scalar_prefetch = 0 : i64, scratch_operands = 12 : i64, tpu.core_type = #tpu.core_type<sc_vector_subcore>, window_params = [{transform_indices = #map}, {transform_indices = #map1}, {transform_indices = #map1}, {transform_indices = #map}, {transform_indices = #map}]} {
    %mul3A = arith.constant 624 : i32
    %mul3A_0 = arith.muli %arg1, %mul3A : i32
    "tpu.region"() ({
      %run_scoped3A = tpu.sem_alloc : memref<!tpu.dma_semaphore, #tpu.memory_space<semaphore_mem>>
      %dma_start3A_35 = arith.constant 0 : i32
      %dma_start3A_36 = tpu.memref_slice %arg16[%mul3A_0, %dma_start3A_35] : memref<10000x128xf32, #tpu.memory_space<vmem_shared>> -> memref<624x128xf32, #tpu.memory_space<vmem_shared>>
      %dma_start3A_37 = arith.constant 0 : i32
      %dma_start3A_38 = tpu.memref_slice %arg5[%mul3A_0, %dma_start3A_37] : memref<10000x128xf32, #tpu.memory_space<hbm>> -> memref<624x128xf32, #tpu.memory_space<hbm>>
      tpu.enqueue_dma source(%dma_start3A_38 : memref<624x128xf32, #tpu.memory_space<hbm>>) target(%dma_start3A_36 : memref<624x128xf32, #tpu.memory_space<vmem_shared>>) target_semaphore(%run_scoped3A : memref<!tpu.dma_semaphore, #tpu.memory_space<semaphore_mem>>)
      %dma_wait3A_39 = arith.constant 0 : i32
      %dma_wait3A_40 = tpu.memref_slice %arg16[%mul3A_0, %dma_wait3A_39] : memref<10000x128xf32, #tpu.memory_space<vmem_shared>> -> memref<624x128xf32, #tpu.memory_space<vmem_shared>>
      %dma_wait3A_41 = arith.constant 0 : i32
      %dma_wait3A_42 = tpu.memref_slice %arg5[%mul3A_0, %dma_wait3A_41] : memref<10000x128xf32, #tpu.memory_space<hbm>> -> memref<624x128xf32, #tpu.memory_space<hbm>>
      tpu.wait_dma2 semaphore(%run_scoped3A : memref<!tpu.dma_semaphore, #tpu.memory_space<semaphore_mem>>) src(%dma_wait3A_42 : memref<624x128xf32, #tpu.memory_space<hbm>>) dst(%dma_wait3A_40 : memref<624x128xf32, #tpu.memory_space<vmem_shared>>)
      tpu.yield
    }) : () -> ()
    %eq3A = arith.constant 15 : i32
    %eq3A_1 = arith.cmpi eq, %arg1, %eq3A : i32
    %convert_element_type3A = arith.extui %eq3A_1 : i1 to i32
    %cond3A = arith.constant 0 : i32
    %cond3A_2 = arith.cmpi ne, %convert_element_type3A, %cond3A : i32
    scf.if %cond3A_2 {
      "tpu.region"() ({
        %run_scoped3A = tpu.sem_alloc : memref<!tpu.dma_semaphore, #tpu.memory_space<semaphore_mem>>
        %dma_start3A_35 = arith.constant 9984 : i32
        %dma_start3A_36 = arith.constant 0 : i32
        %dma_start3A_37 = tpu.memref_slice %arg16[%dma_start3A_35, %dma_start3A_36] : memref<10000x128xf32, #tpu.memory_space<vmem_shared>> -> memref<16x128xf32, #tpu.memory_space<vmem_shared>>
        %dma_start3A_38 = arith.constant 9984 : i32
        %dma_start3A_39 = arith.constant 0 : i32
        %dma_start3A_40 = tpu.memref_slice %arg5[%dma_start3A_38, %dma_start3A_39] : memref<10000x128xf32, #tpu.memory_space<hbm>> -> memref<16x128xf32, #tpu.memory_space<hbm>>
        tpu.enqueue_dma source(%dma_start3A_40 : memref<16x128xf32, #tpu.memory_space<hbm>>) target(%dma_start3A_37 : memref<16x128xf32, #tpu.memory_space<vmem_shared>>) target_semaphore(%run_scoped3A : memref<!tpu.dma_semaphore, #tpu.memory_space<semaphore_mem>>)
        %dma_wait3A_41 = arith.constant 9984 : i32
        %dma_wait3A_42 = arith.constant 0 : i32
        %dma_wait3A_43 = tpu.memref_slice %arg16[%dma_wait3A_41, %dma_wait3A_42] : memref<10000x128xf32, #tpu.memory_space<vmem_shared>> -> memref<16x128xf32, #tpu.memory_space<vmem_shared>>
        %dma_wait3A_44 = arith.constant 9984 : i32
        %dma_wait3A_45 = arith.constant 0 : i32
        %dma_wait3A_46 = tpu.memref_slice %arg5[%dma_wait3A_44, %dma_wait3A_45] : memref<10000x128xf32, #tpu.memory_space<hbm>> -> memref<16x128xf32, #tpu.memory_space<hbm>>
        tpu.wait_dma2 semaphore(%run_scoped3A : memref<!tpu.dma_semaphore, #tpu.memory_space<semaphore_mem>>) src(%dma_wait3A_46 : memref<16x128xf32, #tpu.memory_space<hbm>>) dst(%dma_wait3A_43 : memref<16x128xf32, #tpu.memory_space<vmem_shared>>)
        tpu.yield
      }) : () -> ()
    } else {
    }
    %barrier3A = arith.constant 0 : index
    tpu.barrier barrier_id(%barrier3A)
    %mul3A_3 = arith.constant 10000 : i32
    %mul3A_4 = arith.muli %arg1, %mul3A_3 : i32
    %mul3A_5 = arith.constant 160000 : i32
    %mul3A_6 = arith.muli %arg0, %mul3A_5 : i32
    %add3A = arith.addi %mul3A_6, %mul3A_4 : i32
    "tpu.region"() ({
      %run_scoped3A = tpu.sem_alloc : memref<!tpu.dma_semaphore, #tpu.memory_space<semaphore_mem>>
      %dma_start3A_35 = tpu.memref_slice %arg3[%add3A] : memref<320000xi32, #tpu.memory_space<hbm>> -> memref<128xi32, #tpu.memory_space<hbm>>
      %dma_start3A_36 = tpu.memref_slice %arg3[%add3A] : memref<320000xi32, #tpu.memory_space<hbm>> -> memref<128xi32, #tpu.memory_space<hbm>>
      tpu.enqueue_dma source(%dma_start3A_36 : memref<128xi32, #tpu.memory_space<hbm>>) target(%arg7 : memref<128xi32, #tpu.memory_space<vmem>>) target_semaphore(%run_scoped3A : memref<!tpu.dma_semaphore, #tpu.memory_space<semaphore_mem>>)
      %dma_wait3A_37 = tpu.memref_slice %arg3[%add3A] : memref<320000xi32, #tpu.memory_space<hbm>> -> memref<128xi32, #tpu.memory_space<hbm>>
      %dma_wait3A_38 = tpu.memref_slice %arg3[%add3A] : memref<320000xi32, #tpu.memory_space<hbm>> -> memref<128xi32, #tpu.memory_space<hbm>>
      tpu.wait_dma2 semaphore(%run_scoped3A : memref<!tpu.dma_semaphore, #tpu.memory_space<semaphore_mem>>) src(%dma_wait3A_38 : memref<128xi32, #tpu.memory_space<hbm>>) dst(%arg7 : memref<128xi32, #tpu.memory_space<vmem>>)
      tpu.yield
    }) : () -> ()
    "tpu.region"() ({
      %run_scoped3A = tpu.sem_alloc : memref<!tpu.dma_semaphore, #tpu.memory_space<semaphore_mem>>
      %dma_start3A_35 = tpu.memref_slice %arg4[%mul3A_4] : memref<160000xi32, #tpu.memory_space<hbm>> -> memref<128xi32, #tpu.memory_space<hbm>>
      %dma_start3A_36 = tpu.memref_slice %arg4[%mul3A_4] : memref<160000xi32, #tpu.memory_space<hbm>> -> memref<128xi32, #tpu.memory_space<hbm>>
      tpu.enqueue_dma source(%dma_start3A_36 : memref<128xi32, #tpu.memory_space<hbm>>) target(%arg8 : memref<128xi32, #tpu.memory_space<vmem>>) target_semaphore(%run_scoped3A : memref<!tpu.dma_semaphore, #tpu.memory_space<semaphore_mem>>)
      %dma_wait3A_37 = tpu.memref_slice %arg4[%mul3A_4] : memref<160000xi32, #tpu.memory_space<hbm>> -> memref<128xi32, #tpu.memory_space<hbm>>
      %dma_wait3A_38 = tpu.memref_slice %arg4[%mul3A_4] : memref<160000xi32, #tpu.memory_space<hbm>> -> memref<128xi32, #tpu.memory_space<hbm>>
      tpu.wait_dma2 semaphore(%run_scoped3A : memref<!tpu.dma_semaphore, #tpu.memory_space<semaphore_mem>>) src(%dma_wait3A_38 : memref<128xi32, #tpu.memory_space<hbm>>) dst(%arg8 : memref<128xi32, #tpu.memory_space<vmem>>)
      tpu.yield
    }) : () -> ()
    %dma_start3A = arith.constant 0 : i32
    %dma_start3A_7 = arith.constant 0 : i32
    %dma_start3A_8 = tpu.memref_slice %arg2[%dma_start3A, %dma_start3A_7] : memref<20000x128xf32, #tpu.memory_space<hbm>> -> memref<20000x128xf32, #tpu.memory_space<hbm>>
    tpu.enqueue_indirect_dma source(%dma_start3A_8 : memref<20000x128xf32, #tpu.memory_space<hbm>>) target(%arg9 : memref<128x128xf32, #tpu.memory_space<vmem>>) offsets(%arg7 : memref<128xi32, #tpu.memory_space<vmem>>) semaphore(%arg17 : memref<!tpu.dma_semaphore, #tpu.memory_space<semaphore_mem>>)
    %scan3A = arith.constant 0 : i32
    %scan3A_9 = arith.constant 0 : i32
    %scan3A_10 = arith.constant 78 : i32
    %scan3A_11 = arith.addi %scan3A_9, %scan3A_10 : i32
    %scan3A_12 = arith.constant 1 : i32
    scf.for %scan3A_35 = %scan3A_9 to %scan3A_11 step %scan3A_12  : i32 {
      %mul3A_36 = arith.constant 128 : i32
      %mul3A_37 = arith.muli %scan3A_35, %mul3A_36 : i32
      %add3A_38 = arith.addi %mul3A_4, %mul3A_37 : i32
      %jit3A = arith.constant 2 : i32
      %eq3A_39 = arith.constant 0 : i32
      %eq3A_40 = arith.cmpi eq, %jit3A, %eq3A_39 : i32
      %jit3A_41 = arith.constant 1 : i32
      %select_n3A = arith.select %eq3A_40, %jit3A_41, %jit3A : i32
      %rem3A = arith.remsi %scan3A_35, %select_n3A : i32
      %ne3A = arith.constant 0 : i32
      %ne3A_42 = arith.cmpi ne, %rem3A, %ne3A : i32
      %lt3A = arith.constant 0 : i32
      %lt3A_43 = arith.cmpi slt, %rem3A, %lt3A : i32
      %lt3A_44 = arith.constant 0 : i32
      %lt3A_45 = arith.cmpi slt, %select_n3A, %lt3A_44 : i32
      %ne3A_46 = arith.xori %lt3A_43, %lt3A_45 : i1
      %and3A = arith.andi %ne3A_46, %ne3A_42 : i1
      %add3A_47 = arith.addi %rem3A, %select_n3A : i32
      %select_n3A_48 = arith.select %and3A, %add3A_47, %rem3A : i32
      %eq3A_49 = arith.constant 0 : i32
      %eq3A_50 = arith.cmpi eq, %select_n3A_48, %eq3A_49 : i32
      %convert_element_type3A_51 = arith.extui %eq3A_50 : i1 to i32
      %cond3A_52 = arith.constant 0 : i32
      %cond3A_53 = arith.cmpi ne, %convert_element_type3A_51, %cond3A_52 : i32
      scf.if %cond3A_53 {
        %add3A_75 = arith.constant 1 : i32
        %add3A_76 = arith.addi %scan3A_35, %add3A_75 : i32
        %lt3A_77 = arith.constant 78 : i32
        %lt3A_78 = arith.cmpi slt, %add3A_76, %lt3A_77 : i32
        %convert_element_type3A_79 = arith.extui %lt3A_78 : i1 to i32
        %cond3A_80 = arith.constant 0 : i32
        %cond3A_81 = arith.cmpi ne, %convert_element_type3A_79, %cond3A_80 : i32
        scf.if %cond3A_81 {
          %mul3A_85 = arith.constant 160000 : i32
          %mul3A_86 = arith.muli %arg0, %mul3A_85 : i32
          %add3A_87 = arith.addi %mul3A_86, %add3A_38 : i32
          %add3A_88 = arith.constant 128 : i32
          %add3A_89 = arith.addi %add3A_87, %add3A_88 : i32
          "tpu.region"() ({
            %run_scoped3A = tpu.sem_alloc : memref<!tpu.dma_semaphore, #tpu.memory_space<semaphore_mem>>
            %dma_start3A_95 = tpu.memref_slice %arg3[%add3A_89] : memref<320000xi32, #tpu.memory_space<hbm>> -> memref<128xi32, #tpu.memory_space<hbm>>
            %dma_start3A_96 = tpu.memref_slice %arg3[%add3A_89] : memref<320000xi32, #tpu.memory_space<hbm>> -> memref<128xi32, #tpu.memory_space<hbm>>
            tpu.enqueue_dma source(%dma_start3A_96 : memref<128xi32, #tpu.memory_space<hbm>>) target(%arg10 : memref<128xi32, #tpu.memory_space<vmem>>) target_semaphore(%run_scoped3A : memref<!tpu.dma_semaphore, #tpu.memory_space<semaphore_mem>>)
            %dma_wait3A_97 = tpu.memref_slice %arg3[%add3A_89] : memref<320000xi32, #tpu.memory_space<hbm>> -> memref<128xi32, #tpu.memory_space<hbm>>
            %dma_wait3A_98 = tpu.memref_slice %arg3[%add3A_89] : memref<320000xi32, #tpu.memory_space<hbm>> -> memref<128xi32, #tpu.memory_space<hbm>>
            tpu.wait_dma2 semaphore(%run_scoped3A : memref<!tpu.dma_semaphore, #tpu.memory_space<semaphore_mem>>) src(%dma_wait3A_98 : memref<128xi32, #tpu.memory_space<hbm>>) dst(%arg10 : memref<128xi32, #tpu.memory_space<vmem>>)
            tpu.yield
          }) : () -> ()
          %add3A_90 = arith.constant 128 : i32
          %add3A_91 = arith.addi %add3A_38, %add3A_90 : i32
          "tpu.region"() ({
            %run_scoped3A = tpu.sem_alloc : memref<!tpu.dma_semaphore, #tpu.memory_space<semaphore_mem>>
            %dma_start3A_95 = tpu.memref_slice %arg4[%add3A_91] : memref<160000xi32, #tpu.memory_space<hbm>> -> memref<128xi32, #tpu.memory_space<hbm>>
            %dma_start3A_96 = tpu.memref_slice %arg4[%add3A_91] : memref<160000xi32, #tpu.memory_space<hbm>> -> memref<128xi32, #tpu.memory_space<hbm>>
            tpu.enqueue_dma source(%dma_start3A_96 : memref<128xi32, #tpu.memory_space<hbm>>) target(%arg11 : memref<128xi32, #tpu.memory_space<vmem>>) target_semaphore(%run_scoped3A : memref<!tpu.dma_semaphore, #tpu.memory_space<semaphore_mem>>)
            %dma_wait3A_97 = tpu.memref_slice %arg4[%add3A_91] : memref<160000xi32, #tpu.memory_space<hbm>> -> memref<128xi32, #tpu.memory_space<hbm>>
            %dma_wait3A_98 = tpu.memref_slice %arg4[%add3A_91] : memref<160000xi32, #tpu.memory_space<hbm>> -> memref<128xi32, #tpu.memory_space<hbm>>
            tpu.wait_dma2 semaphore(%run_scoped3A : memref<!tpu.dma_semaphore, #tpu.memory_space<semaphore_mem>>) src(%dma_wait3A_98 : memref<128xi32, #tpu.memory_space<hbm>>) dst(%arg11 : memref<128xi32, #tpu.memory_space<vmem>>)
            tpu.yield
          }) : () -> ()
          %dma_start3A_92 = arith.constant 0 : i32
          %dma_start3A_93 = arith.constant 0 : i32
          %dma_start3A_94 = tpu.memref_slice %arg2[%dma_start3A_92, %dma_start3A_93] : memref<20000x128xf32, #tpu.memory_space<hbm>> -> memref<20000x128xf32, #tpu.memory_space<hbm>>
          tpu.enqueue_indirect_dma source(%dma_start3A_94 : memref<20000x128xf32, #tpu.memory_space<hbm>>) target(%arg12 : memref<128x128xf32, #tpu.memory_space<vmem>>) offsets(%arg10 : memref<128xi32, #tpu.memory_space<vmem>>) semaphore(%arg18 : memref<!tpu.dma_semaphore, #tpu.memory_space<semaphore_mem>>)
        } else {
        }
        %dma_wait3A_82 = arith.constant 0 : i32
        %dma_wait3A_83 = arith.constant 0 : i32
        %dma_wait3A_84 = tpu.memref_slice %arg2[%dma_wait3A_82, %dma_wait3A_83] : memref<20000x128xf32, #tpu.memory_space<hbm>> -> memref<20000x128xf32, #tpu.memory_space<hbm>>
        tpu.wait_indirect_dma semaphore(%arg17 : memref<!tpu.dma_semaphore, #tpu.memory_space<semaphore_mem>>) src(%dma_wait3A_84 : memref<20000x128xf32, #tpu.memory_space<hbm>>) dst(%arg9 : memref<128x128xf32, #tpu.memory_space<vmem>>)
        "tpu.region"() ({
          %run_scoped3A = tpu.sem_alloc : memref<!tpu.dma_semaphore, #tpu.memory_space<semaphore_mem>>
          %dma_start3A_85 = arith.constant 0 : i32
          %dma_start3A_86 = arith.constant 0 : i32
          %dma_start3A_87 = tpu.memref_slice %arg16[%dma_start3A_85, %dma_start3A_86] : memref<10000x128xf32, #tpu.memory_space<vmem_shared>> -> memref<10000x128xf32, #tpu.memory_space<vmem_shared>>
          tpu.enqueue_indirect_dma source(%arg9 : memref<128x128xf32, #tpu.memory_space<vmem>>) target(%dma_start3A_87 : memref<10000x128xf32, #tpu.memory_space<vmem_shared>>) offsets(%arg8 : memref<128xi32, #tpu.memory_space<vmem>>) semaphore(%run_scoped3A : memref<!tpu.dma_semaphore, #tpu.memory_space<semaphore_mem>>) {add = true}
          %dma_wait3A_88 = arith.constant 0 : i32
          %dma_wait3A_89 = arith.constant 0 : i32
          %dma_wait3A_90 = tpu.memref_slice %arg16[%dma_wait3A_88, %dma_wait3A_89] : memref<10000x128xf32, #tpu.memory_space<vmem_shared>> -> memref<10000x128xf32, #tpu.memory_space<vmem_shared>>
          tpu.wait_indirect_dma semaphore(%run_scoped3A : memref<!tpu.dma_semaphore, #tpu.memory_space<semaphore_mem>>) src(%arg9 : memref<128x128xf32, #tpu.memory_space<vmem>>) dst(%dma_wait3A_90 : memref<10000x128xf32, #tpu.memory_space<vmem_shared>>)
          tpu.yield
        }) : () -> ()
      } else {
      }
      %jit3A_54 = arith.constant 2 : i32
      %eq3A_55 = arith.constant 0 : i32
      %eq3A_56 = arith.cmpi eq, %jit3A_54, %eq3A_55 : i32
      %jit3A_57 = arith.constant 1 : i32
      %select_n3A_58 = arith.select %eq3A_56, %jit3A_57, %jit3A_54 : i32
      %rem3A_59 = arith.remsi %scan3A_35, %select_n3A_58 : i32
      %ne3A_60 = arith.constant 0 : i32
      %ne3A_61 = arith.cmpi ne, %rem3A_59, %ne3A_60 : i32
      %lt3A_62 = arith.constant 0 : i32
      %lt3A_63 = arith.cmpi slt, %rem3A_59, %lt3A_62 : i32
      %lt3A_64 = arith.constant 0 : i32
      %lt3A_65 = arith.cmpi slt, %select_n3A_58, %lt3A_64 : i32
      %ne3A_66 = arith.xori %lt3A_63, %lt3A_65 : i1
      %and3A_67 = arith.andi %ne3A_66, %ne3A_61 : i1
      %add3A_68 = arith.addi %rem3A_59, %select_n3A_58 : i32
      %select_n3A_69 = arith.select %and3A_67, %add3A_68, %rem3A_59 : i32
      %eq3A_70 = arith.constant 1 : i32
      %eq3A_71 = arith.cmpi eq, %select_n3A_69, %eq3A_70 : i32
      %convert_element_type3A_72 = arith.extui %eq3A_71 : i1 to i32
      %cond3A_73 = arith.constant 0 : i32
      %cond3A_74 = arith.cmpi ne, %convert_element_type3A_72, %cond3A_73 : i32
      scf.if %cond3A_74 {
        %add3A_75 = arith.constant 1 : i32
        %add3A_76 = arith.addi %scan3A_35, %add3A_75 : i32
        %lt3A_77 = arith.constant 78 : i32
        %lt3A_78 = arith.cmpi slt, %add3A_76, %lt3A_77 : i32
        %convert_element_type3A_79 = arith.extui %lt3A_78 : i1 to i32
        %cond3A_80 = arith.constant 0 : i32
        %cond3A_81 = arith.cmpi ne, %convert_element_type3A_79, %cond3A_80 : i32
        scf.if %cond3A_81 {
          %mul3A_85 = arith.constant 160000 : i32
          %mul3A_86 = arith.muli %arg0, %mul3A_85 : i32
          %add3A_87 = arith.addi %mul3A_86, %add3A_38 : i32
          %add3A_88 = arith.constant 128 : i32
          %add3A_89 = arith.addi %add3A_87, %add3A_88 : i32
          "tpu.region"() ({
            %run_scoped3A = tpu.sem_alloc : memref<!tpu.dma_semaphore, #tpu.memory_space<semaphore_mem>>
            %dma_start3A_95 = tpu.memref_slice %arg3[%add3A_89] : memref<320000xi32, #tpu.memory_space<hbm>> -> memref<128xi32, #tpu.memory_space<hbm>>
            %dma_start3A_96 = tpu.memref_slice %arg3[%add3A_89] : memref<320000xi32, #tpu.memory_space<hbm>> -> memref<128xi32, #tpu.memory_space<hbm>>
            tpu.enqueue_dma source(%dma_start3A_96 : memref<128xi32, #tpu.memory_space<hbm>>) target(%arg7 : memref<128xi32, #tpu.memory_space<vmem>>) target_semaphore(%run_scoped3A : memref<!tpu.dma_semaphore, #tpu.memory_space<semaphore_mem>>)
            %dma_wait3A_97 = tpu.memref_slice %arg3[%add3A_89] : memref<320000xi32, #tpu.memory_space<hbm>> -> memref<128xi32, #tpu.memory_space<hbm>>
            %dma_wait3A_98 = tpu.memref_slice %arg3[%add3A_89] : memref<320000xi32, #tpu.memory_space<hbm>> -> memref<128xi32, #tpu.memory_space<hbm>>
            tpu.wait_dma2 semaphore(%run_scoped3A : memref<!tpu.dma_semaphore, #tpu.memory_space<semaphore_mem>>) src(%dma_wait3A_98 : memref<128xi32, #tpu.memory_space<hbm>>) dst(%arg7 : memref<128xi32, #tpu.memory_space<vmem>>)
            tpu.yield
          }) : () -> ()
          %add3A_90 = arith.constant 128 : i32
          %add3A_91 = arith.addi %add3A_38, %add3A_90 : i32
          "tpu.region"() ({
            %run_scoped3A = tpu.sem_alloc : memref<!tpu.dma_semaphore, #tpu.memory_space<semaphore_mem>>
            %dma_start3A_95 = tpu.memref_slice %arg4[%add3A_91] : memref<160000xi32, #tpu.memory_space<hbm>> -> memref<128xi32, #tpu.memory_space<hbm>>
            %dma_start3A_96 = tpu.memref_slice %arg4[%add3A_91] : memref<160000xi32, #tpu.memory_space<hbm>> -> memref<128xi32, #tpu.memory_space<hbm>>
            tpu.enqueue_dma source(%dma_start3A_96 : memref<128xi32, #tpu.memory_space<hbm>>) target(%arg8 : memref<128xi32, #tpu.memory_space<vmem>>) target_semaphore(%run_scoped3A : memref<!tpu.dma_semaphore, #tpu.memory_space<semaphore_mem>>)
            %dma_wait3A_97 = tpu.memref_slice %arg4[%add3A_91] : memref<160000xi32, #tpu.memory_space<hbm>> -> memref<128xi32, #tpu.memory_space<hbm>>
            %dma_wait3A_98 = tpu.memref_slice %arg4[%add3A_91] : memref<160000xi32, #tpu.memory_space<hbm>> -> memref<128xi32, #tpu.memory_space<hbm>>
            tpu.wait_dma2 semaphore(%run_scoped3A : memref<!tpu.dma_semaphore, #tpu.memory_space<semaphore_mem>>) src(%dma_wait3A_98 : memref<128xi32, #tpu.memory_space<hbm>>) dst(%arg8 : memref<128xi32, #tpu.memory_space<vmem>>)
            tpu.yield
          }) : () -> ()
          %dma_start3A_92 = arith.constant 0 : i32
          %dma_start3A_93 = arith.constant 0 : i32
          %dma_start3A_94 = tpu.memref_slice %arg2[%dma_start3A_92, %dma_start3A_93] : memref<20000x128xf32, #tpu.memory_space<hbm>> -> memref<20000x128xf32, #tpu.memory_space<hbm>>
          tpu.enqueue_indirect_dma source(%dma_start3A_94 : memref<20000x128xf32, #tpu.memory_space<hbm>>) target(%arg9 : memref<128x128xf32, #tpu.memory_space<vmem>>) offsets(%arg7 : memref<128xi32, #tpu.memory_space<vmem>>) semaphore(%arg17 : memref<!tpu.dma_semaphore, #tpu.memory_space<semaphore_mem>>)
        } else {
        }
        %dma_wait3A_82 = arith.constant 0 : i32
        %dma_wait3A_83 = arith.constant 0 : i32
        %dma_wait3A_84 = tpu.memref_slice %arg2[%dma_wait3A_82, %dma_wait3A_83] : memref<20000x128xf32, #tpu.memory_space<hbm>> -> memref<20000x128xf32, #tpu.memory_space<hbm>>
        tpu.wait_indirect_dma semaphore(%arg18 : memref<!tpu.dma_semaphore, #tpu.memory_space<semaphore_mem>>) src(%dma_wait3A_84 : memref<20000x128xf32, #tpu.memory_space<hbm>>) dst(%arg12 : memref<128x128xf32, #tpu.memory_space<vmem>>)
        "tpu.region"() ({
          %run_scoped3A = tpu.sem_alloc : memref<!tpu.dma_semaphore, #tpu.memory_space<semaphore_mem>>
          %dma_start3A_85 = arith.constant 0 : i32
          %dma_start3A_86 = arith.constant 0 : i32
          %dma_start3A_87 = tpu.memref_slice %arg16[%dma_start3A_85, %dma_start3A_86] : memref<10000x128xf32, #tpu.memory_space<vmem_shared>> -> memref<10000x128xf32, #tpu.memory_space<vmem_shared>>
          tpu.enqueue_indirect_dma source(%arg12 : memref<128x128xf32, #tpu.memory_space<vmem>>) target(%dma_start3A_87 : memref<10000x128xf32, #tpu.memory_space<vmem_shared>>) offsets(%arg11 : memref<128xi32, #tpu.memory_space<vmem>>) semaphore(%run_scoped3A : memref<!tpu.dma_semaphore, #tpu.memory_space<semaphore_mem>>) {add = true}
          %dma_wait3A_88 = arith.constant 0 : i32
          %dma_wait3A_89 = arith.constant 0 : i32
          %dma_wait3A_90 = tpu.memref_slice %arg16[%dma_wait3A_88, %dma_wait3A_89] : memref<10000x128xf32, #tpu.memory_space<vmem_shared>> -> memref<10000x128xf32, #tpu.memory_space<vmem_shared>>
          tpu.wait_indirect_dma semaphore(%run_scoped3A : memref<!tpu.dma_semaphore, #tpu.memory_space<semaphore_mem>>) src(%arg12 : memref<128x128xf32, #tpu.memory_space<vmem>>) dst(%dma_wait3A_90 : memref<10000x128xf32, #tpu.memory_space<vmem_shared>>)
          tpu.yield
        }) : () -> ()
      } else {
      }
    }
    %scan3A_13 = arith.constant 78 : i32
    %mul3A_14 = arith.constant 160000 : i32
    %mul3A_15 = arith.muli %arg0, %mul3A_14 : i32
    %add3A_16 = arith.addi %mul3A_15, %mul3A_4 : i32
    %add3A_17 = arith.constant 9984 : i32
    %add3A_18 = arith.addi %add3A_16, %add3A_17 : i32
    "tpu.region"() ({
      %run_scoped3A = tpu.sem_alloc : memref<!tpu.dma_semaphore, #tpu.memory_space<semaphore_mem>>
      %dma_start3A_35 = tpu.memref_slice %arg3[%add3A_18] : memref<320000xi32, #tpu.memory_space<hbm>> -> memref<16xi32, #tpu.memory_space<hbm>>
      %dma_start3A_36 = tpu.memref_slice %arg3[%add3A_18] : memref<320000xi32, #tpu.memory_space<hbm>> -> memref<16xi32, #tpu.memory_space<hbm>>
      tpu.enqueue_dma source(%dma_start3A_36 : memref<16xi32, #tpu.memory_space<hbm>>) target(%arg13 : memref<16xi32, #tpu.memory_space<vmem>>) target_semaphore(%run_scoped3A : memref<!tpu.dma_semaphore, #tpu.memory_space<semaphore_mem>>)
      %dma_wait3A_37 = tpu.memref_slice %arg3[%add3A_18] : memref<320000xi32, #tpu.memory_space<hbm>> -> memref<16xi32, #tpu.memory_space<hbm>>
      %dma_wait3A_38 = tpu.memref_slice %arg3[%add3A_18] : memref<320000xi32, #tpu.memory_space<hbm>> -> memref<16xi32, #tpu.memory_space<hbm>>
      tpu.wait_dma2 semaphore(%run_scoped3A : memref<!tpu.dma_semaphore, #tpu.memory_space<semaphore_mem>>) src(%dma_wait3A_38 : memref<16xi32, #tpu.memory_space<hbm>>) dst(%arg13 : memref<16xi32, #tpu.memory_space<vmem>>)
      tpu.yield
    }) : () -> ()
    %add3A_19 = arith.constant 9984 : i32
    %add3A_20 = arith.addi %mul3A_4, %add3A_19 : i32
    "tpu.region"() ({
      %run_scoped3A = tpu.sem_alloc : memref<!tpu.dma_semaphore, #tpu.memory_space<semaphore_mem>>
      %dma_start3A_35 = tpu.memref_slice %arg4[%add3A_20] : memref<160000xi32, #tpu.memory_space<hbm>> -> memref<16xi32, #tpu.memory_space<hbm>>
      %dma_start3A_36 = tpu.memref_slice %arg4[%add3A_20] : memref<160000xi32, #tpu.memory_space<hbm>> -> memref<16xi32, #tpu.memory_space<hbm>>
      tpu.enqueue_dma source(%dma_start3A_36 : memref<16xi32, #tpu.memory_space<hbm>>) target(%arg14 : memref<16xi32, #tpu.memory_space<vmem>>) target_semaphore(%run_scoped3A : memref<!tpu.dma_semaphore, #tpu.memory_space<semaphore_mem>>)
      %dma_wait3A_37 = tpu.memref_slice %arg4[%add3A_20] : memref<160000xi32, #tpu.memory_space<hbm>> -> memref<16xi32, #tpu.memory_space<hbm>>
      %dma_wait3A_38 = tpu.memref_slice %arg4[%add3A_20] : memref<160000xi32, #tpu.memory_space<hbm>> -> memref<16xi32, #tpu.memory_space<hbm>>
      tpu.wait_dma2 semaphore(%run_scoped3A : memref<!tpu.dma_semaphore, #tpu.memory_space<semaphore_mem>>) src(%dma_wait3A_38 : memref<16xi32, #tpu.memory_space<hbm>>) dst(%arg14 : memref<16xi32, #tpu.memory_space<vmem>>)
      tpu.yield
    }) : () -> ()
    %dma_start3A_21 = arith.constant 0 : i32
    %dma_start3A_22 = arith.constant 0 : i32
    %dma_start3A_23 = tpu.memref_slice %arg2[%dma_start3A_21, %dma_start3A_22] : memref<20000x128xf32, #tpu.memory_space<hbm>> -> memref<20000x128xf32, #tpu.memory_space<hbm>>
    tpu.enqueue_indirect_dma source(%dma_start3A_23 : memref<20000x128xf32, #tpu.memory_space<hbm>>) target(%arg15 : memref<16x128xf32, #tpu.memory_space<vmem>>) offsets(%arg13 : memref<16xi32, #tpu.memory_space<vmem>>) semaphore(%arg17 : memref<!tpu.dma_semaphore, #tpu.memory_space<semaphore_mem>>)
    %dma_wait3A = arith.constant 0 : i32
    %dma_wait3A_24 = arith.constant 0 : i32
    %dma_wait3A_25 = tpu.memref_slice %arg2[%dma_wait3A, %dma_wait3A_24] : memref<20000x128xf32, #tpu.memory_space<hbm>> -> memref<20000x128xf32, #tpu.memory_space<hbm>>
    tpu.wait_indirect_dma semaphore(%arg17 : memref<!tpu.dma_semaphore, #tpu.memory_space<semaphore_mem>>) src(%dma_wait3A_25 : memref<20000x128xf32, #tpu.memory_space<hbm>>) dst(%arg15 : memref<16x128xf32, #tpu.memory_space<vmem>>)
    "tpu.region"() ({
      %run_scoped3A = tpu.sem_alloc : memref<!tpu.dma_semaphore, #tpu.memory_space<semaphore_mem>>
      %dma_start3A_35 = arith.constant 0 : i32
      %dma_start3A_36 = arith.constant 0 : i32
      %dma_start3A_37 = tpu.memref_slice %arg16[%dma_start3A_35, %dma_start3A_36] : memref<10000x128xf32, #tpu.memory_space<vmem_shared>> -> memref<10000x128xf32, #tpu.memory_space<vmem_shared>>
      tpu.enqueue_indirect_dma source(%arg15 : memref<16x128xf32, #tpu.memory_space<vmem>>) target(%dma_start3A_37 : memref<10000x128xf32, #tpu.memory_space<vmem_shared>>) offsets(%arg14 : memref<16xi32, #tpu.memory_space<vmem>>) semaphore(%run_scoped3A : memref<!tpu.dma_semaphore, #tpu.memory_space<semaphore_mem>>) {add = true}
      %dma_wait3A_38 = arith.constant 0 : i32
      %dma_wait3A_39 = arith.constant 0 : i32
      %dma_wait3A_40 = tpu.memref_slice %arg16[%dma_wait3A_38, %dma_wait3A_39] : memref<10000x128xf32, #tpu.memory_space<vmem_shared>> -> memref<10000x128xf32, #tpu.memory_space<vmem_shared>>
      tpu.wait_indirect_dma semaphore(%run_scoped3A : memref<!tpu.dma_semaphore, #tpu.memory_space<semaphore_mem>>) src(%arg15 : memref<16x128xf32, #tpu.memory_space<vmem>>) dst(%dma_wait3A_40 : memref<10000x128xf32, #tpu.memory_space<vmem_shared>>)
      tpu.yield
    }) : () -> ()
    %barrier3A_26 = arith.constant 0 : index
    tpu.barrier barrier_id(%barrier3A_26)
    %mul3A_27 = arith.constant 10000 : i32
    %mul3A_28 = arith.muli %arg0, %mul3A_27 : i32
    %add3A_29 = arith.addi %mul3A_28, %mul3A_0 : i32
    "tpu.region"() ({
      %run_scoped3A = tpu.sem_alloc : memref<!tpu.dma_semaphore, #tpu.memory_space<semaphore_mem>>
      %dma_start3A_35 = arith.constant 0 : i32
      %dma_start3A_36 = tpu.memref_slice %arg6[%add3A_29, %dma_start3A_35] : memref<20000x128xf32, #tpu.memory_space<hbm>> -> memref<624x128xf32, #tpu.memory_space<hbm>>
      %dma_start3A_37 = arith.constant 0 : i32
      %dma_start3A_38 = tpu.memref_slice %arg16[%mul3A_0, %dma_start3A_37] : memref<10000x128xf32, #tpu.memory_space<vmem_shared>> -> memref<624x128xf32, #tpu.memory_space<vmem_shared>>
      tpu.enqueue_dma source(%dma_start3A_38 : memref<624x128xf32, #tpu.memory_space<vmem_shared>>) target(%dma_start3A_36 : memref<624x128xf32, #tpu.memory_space<hbm>>) target_semaphore(%run_scoped3A : memref<!tpu.dma_semaphore, #tpu.memory_space<semaphore_mem>>)
      %dma_wait3A_39 = arith.constant 0 : i32
      %dma_wait3A_40 = tpu.memref_slice %arg6[%add3A_29, %dma_wait3A_39] : memref<20000x128xf32, #tpu.memory_space<hbm>> -> memref<624x128xf32, #tpu.memory_space<hbm>>
      %dma_wait3A_41 = arith.constant 0 : i32
      %dma_wait3A_42 = tpu.memref_slice %arg16[%mul3A_0, %dma_wait3A_41] : memref<10000x128xf32, #tpu.memory_space<vmem_shared>> -> memref<624x128xf32, #tpu.memory_space<vmem_shared>>
      tpu.wait_dma2 semaphore(%run_scoped3A : memref<!tpu.dma_semaphore, #tpu.memory_space<semaphore_mem>>) src(%dma_wait3A_42 : memref<624x128xf32, #tpu.memory_space<vmem_shared>>) dst(%dma_wait3A_40 : memref<624x128xf32, #tpu.memory_space<hbm>>)
      tpu.yield
    }) : () -> ()
    %eq3A_30 = arith.constant 15 : i32
    %eq3A_31 = arith.cmpi eq, %arg1, %eq3A_30 : i32
    %convert_element_type3A_32 = arith.extui %eq3A_31 : i1 to i32
    %cond3A_33 = arith.constant 0 : i32
    %cond3A_34 = arith.cmpi ne, %convert_element_type3A_32, %cond3A_33 : i32
    scf.if %cond3A_34 {
      %mul3A_35 = arith.constant 10000 : i32
      %mul3A_36 = arith.muli %arg0, %mul3A_35 : i32
      %add3A_37 = arith.constant 9984 : i32
      %add3A_38 = arith.addi %mul3A_36, %add3A_37 : i32
      "tpu.region"() ({
        %run_scoped3A = tpu.sem_alloc : memref<!tpu.dma_semaphore, #tpu.memory_space<semaphore_mem>>
        %dma_start3A_39 = arith.constant 0 : i32
        %dma_start3A_40 = tpu.memref_slice %arg6[%add3A_38, %dma_start3A_39] : memref<20000x128xf32, #tpu.memory_space<hbm>> -> memref<16x128xf32, #tpu.memory_space<hbm>>
        %dma_start3A_41 = arith.constant 9984 : i32
        %dma_start3A_42 = arith.constant 0 : i32
        %dma_start3A_43 = tpu.memref_slice %arg16[%dma_start3A_41, %dma_start3A_42] : memref<10000x128xf32, #tpu.memory_space<vmem_shared>> -> memref<16x128xf32, #tpu.memory_space<vmem_shared>>
        tpu.enqueue_dma source(%dma_start3A_43 : memref<16x128xf32, #tpu.memory_space<vmem_shared>>) target(%dma_start3A_40 : memref<16x128xf32, #tpu.memory_space<hbm>>) target_semaphore(%run_scoped3A : memref<!tpu.dma_semaphore, #tpu.memory_space<semaphore_mem>>)
        %dma_wait3A_44 = arith.constant 0 : i32
        %dma_wait3A_45 = tpu.memref_slice %arg6[%add3A_38, %dma_wait3A_44] : memref<20000x128xf32, #tpu.memory_space<hbm>> -> memref<16x128xf32, #tpu.memory_space<hbm>>
        %dma_wait3A_46 = arith.constant 9984 : i32
        %dma_wait3A_47 = arith.constant 0 : i32
        %dma_wait3A_48 = tpu.memref_slice %arg16[%dma_wait3A_46, %dma_wait3A_47] : memref<10000x128xf32, #tpu.memory_space<vmem_shared>> -> memref<16x128xf32, #tpu.memory_space<vmem_shared>>
        tpu.wait_dma2 semaphore(%run_scoped3A : memref<!tpu.dma_semaphore, #tpu.memory_space<semaphore_mem>>) src(%dma_wait3A_48 : memref<16x128xf32, #tpu.memory_space<vmem_shared>>) dst(%dma_wait3A_45 : memref<16x128xf32, #tpu.memory_space<hbm>>)
        tpu.yield
      }) : () -> ()
    } else {
    }
    return
  }
}

#map = affine_map<(d0, d1) -> (0, 0)>
#map1 = affine_map<(d0, d1) -> (0)>
module attributes {stable_mosaic.version = 14 : i64} {
  func.func @_conv_body(%arg0: i32, %arg1: i32, %arg2: memref<20000x128xf32, #tpu.memory_space<hbm>>, %arg3: memref<320000xi32, #tpu.memory_space<hbm>>, %arg4: memref<160000xi32, #tpu.memory_space<hbm>>, %arg5: memref<10000x128xf32, #tpu.memory_space<hbm>>, %arg6: memref<20000x128xf32, #tpu.memory_space<hbm>>, %arg7: memref<128xi32, #tpu.memory_space<vmem>>, %arg8: memref<128xi32, #tpu.memory_space<vmem>>, %arg9: memref<128x128xf32, #tpu.memory_space<vmem>>, %arg10: memref<128xi32, #tpu.memory_space<vmem>>, %arg11: memref<128xi32, #tpu.memory_space<vmem>>, %arg12: memref<128x128xf32, #tpu.memory_space<vmem>>, %arg13: memref<16xi32, #tpu.memory_space<vmem>>, %arg14: memref<16xi32, #tpu.memory_space<vmem>>, %arg15: memref<16x128xf32, #tpu.memory_space<vmem>>, %arg16: memref<10000x128xf32, #tpu.memory_space<vmem_shared>>, %arg17: memref<!tpu.dma_semaphore, #tpu.memory_space<semaphore_mem>>, %arg18: memref<!tpu.dma_semaphore, #tpu.memory_space<semaphore_mem>>) attributes {dimension_semantics = [#tpu.dimension_semantics<core_parallel>, #tpu.dimension_semantics<subcore_parallel>], iteration_bounds = array<i64: 2, 16>, scalar_prefetch = 0 : i64, scratch_operands = 12 : i64, tpu.core_type = #tpu.core_type<sc_vector_subcore>, window_params = [{transform_indices = #map}, {transform_indices = #map1}, {transform_indices = #map1}, {transform_indices = #map}, {transform_indices = #map}]} {
    %mul3A = arith.constant 624 : i32
    %mul3A_0 = arith.muli %arg1, %mul3A : i32
    "tpu.region"() ({
      %run_scoped3A = tpu.sem_alloc : memref<!tpu.dma_semaphore, #tpu.memory_space<semaphore_mem>>
      %dma_start3A_35 = arith.constant 0 : i32
      %dma_start3A_36 = tpu.memref_slice %arg16[%mul3A_0, %dma_start3A_35] : memref<10000x128xf32, #tpu.memory_space<vmem_shared>> -> memref<624x128xf32, #tpu.memory_space<vmem_shared>>
      %dma_start3A_37 = arith.constant 0 : i32
      %dma_start3A_38 = tpu.memref_slice %arg5[%mul3A_0, %dma_start3A_37] : memref<10000x128xf32, #tpu.memory_space<hbm>> -> memref<624x128xf32, #tpu.memory_space<hbm>>
      tpu.enqueue_dma source(%dma_start3A_38 : memref<624x128xf32, #tpu.memory_space<hbm>>) target(%dma_start3A_36 : memref<624x128xf32, #tpu.memory_space<vmem_shared>>) target_semaphore(%run_scoped3A : memref<!tpu.dma_semaphore, #tpu.memory_space<semaphore_mem>>)
      %dma_wait3A_39 = arith.constant 0 : i32
      %dma_wait3A_40 = tpu.memref_slice %arg16[%mul3A_0, %dma_wait3A_39] : memref<10000x128xf32, #tpu.memory_space<vmem_shared>> -> memref<624x128xf32, #tpu.memory_space<vmem_shared>>
      %dma_wait3A_41 = arith.constant 0 : i32
      %dma_wait3A_42 = tpu.memref_slice %arg5[%mul3A_0, %dma_wait3A_41] : memref<10000x128xf32, #tpu.memory_space<hbm>> -> memref<624x128xf32, #tpu.memory_space<hbm>>
      tpu.wait_dma2 semaphore(%run_scoped3A : memref<!tpu.dma_semaphore, #tpu.memory_space<semaphore_mem>>) src(%dma_wait3A_42 : memref<624x128xf32, #tpu.memory_space<hbm>>) dst(%dma_wait3A_40 : memref<624x128xf32, #tpu.memory_space<vmem_shared>>)
      tpu.yield
    }) : () -> ()
    %eq3A = arith.constant 15 : i32
    %eq3A_1 = arith.cmpi eq, %arg1, %eq3A : i32
    %convert_element_type3A = arith.extui %eq3A_1 : i1 to i32
    %cond3A = arith.constant 0 : i32
    %cond3A_2 = arith.cmpi ne, %convert_element_type3A, %cond3A : i32
    scf.if %cond3A_2 {
      "tpu.region"() ({
        %run_scoped3A = tpu.sem_alloc : memref<!tpu.dma_semaphore, #tpu.memory_space<semaphore_mem>>
        %dma_start3A_35 = arith.constant 9984 : i32
        %dma_start3A_36 = arith.constant 0 : i32
        %dma_start3A_37 = tpu.memref_slice %arg16[%dma_start3A_35, %dma_start3A_36] : memref<10000x128xf32, #tpu.memory_space<vmem_shared>> -> memref<16x128xf32, #tpu.memory_space<vmem_shared>>
        %dma_start3A_38 = arith.constant 9984 : i32
        %dma_start3A_39 = arith.constant 0 : i32
        %dma_start3A_40 = tpu.memref_slice %arg5[%dma_start3A_38, %dma_start3A_39] : memref<10000x128xf32, #tpu.memory_space<hbm>> -> memref<16x128xf32, #tpu.memory_space<hbm>>
        tpu.enqueue_dma source(%dma_start3A_40 : memref<16x128xf32, #tpu.memory_space<hbm>>) target(%dma_start3A_37 : memref<16x128xf32, #tpu.memory_space<vmem_shared>>) target_semaphore(%run_scoped3A : memref<!tpu.dma_semaphore, #tpu.memory_space<semaphore_mem>>)
        %dma_wait3A_41 = arith.constant 9984 : i32
        %dma_wait3A_42 = arith.constant 0 : i32
        %dma_wait3A_43 = tpu.memref_slice %arg16[%dma_wait3A_41, %dma_wait3A_42] : memref<10000x128xf32, #tpu.memory_space<vmem_shared>> -> memref<16x128xf32, #tpu.memory_space<vmem_shared>>
        %dma_wait3A_44 = arith.constant 9984 : i32
        %dma_wait3A_45 = arith.constant 0 : i32
        %dma_wait3A_46 = tpu.memref_slice %arg5[%dma_wait3A_44, %dma_wait3A_45] : memref<10000x128xf32, #tpu.memory_space<hbm>> -> memref<16x128xf32, #tpu.memory_space<hbm>>
        tpu.wait_dma2 semaphore(%run_scoped3A : memref<!tpu.dma_semaphore, #tpu.memory_space<semaphore_mem>>) src(%dma_wait3A_46 : memref<16x128xf32, #tpu.memory_space<hbm>>) dst(%dma_wait3A_43 : memref<16x128xf32, #tpu.memory_space<vmem_shared>>)
        tpu.yield
      }) : () -> ()
    } else {
    }
    %barrier3A = arith.constant 0 : index
    tpu.barrier barrier_id(%barrier3A)
    %mul3A_3 = arith.constant 10000 : i32
    %mul3A_4 = arith.muli %arg1, %mul3A_3 : i32
    %mul3A_5 = arith.constant 160000 : i32
    %mul3A_6 = arith.muli %arg0, %mul3A_5 : i32
    %add3A = arith.addi %mul3A_6, %mul3A_4 : i32
    "tpu.region"() ({
      %run_scoped3A = tpu.sem_alloc : memref<!tpu.dma_semaphore, #tpu.memory_space<semaphore_mem>>
      %dma_start3A_35 = tpu.memref_slice %arg3[%add3A] : memref<320000xi32, #tpu.memory_space<hbm>> -> memref<128xi32, #tpu.memory_space<hbm>>
      %dma_start3A_36 = tpu.memref_slice %arg3[%add3A] : memref<320000xi32, #tpu.memory_space<hbm>> -> memref<128xi32, #tpu.memory_space<hbm>>
      tpu.enqueue_dma source(%dma_start3A_36 : memref<128xi32, #tpu.memory_space<hbm>>) target(%arg7 : memref<128xi32, #tpu.memory_space<vmem>>) target_semaphore(%run_scoped3A : memref<!tpu.dma_semaphore, #tpu.memory_space<semaphore_mem>>)
      %dma_wait3A_37 = tpu.memref_slice %arg3[%add3A] : memref<320000xi32, #tpu.memory_space<hbm>> -> memref<128xi32, #tpu.memory_space<hbm>>
      %dma_wait3A_38 = tpu.memref_slice %arg3[%add3A] : memref<320000xi32, #tpu.memory_space<hbm>> -> memref<128xi32, #tpu.memory_space<hbm>>
      tpu.wait_dma2 semaphore(%run_scoped3A : memref<!tpu.dma_semaphore, #tpu.memory_space<semaphore_mem>>) src(%dma_wait3A_38 : memref<128xi32, #tpu.memory_space<hbm>>) dst(%arg7 : memref<128xi32, #tpu.memory_space<vmem>>)
      tpu.yield
    }) : () -> ()
    "tpu.region"() ({
      %run_scoped3A = tpu.sem_alloc : memref<!tpu.dma_semaphore, #tpu.memory_space<semaphore_mem>>
      %dma_start3A_35 = tpu.memref_slice %arg4[%mul3A_4] : memref<160000xi32, #tpu.memory_space<hbm>> -> memref<128xi32, #tpu.memory_space<hbm>>
      %dma_start3A_36 = tpu.memref_slice %arg4[%mul3A_4] : memref<160000xi32, #tpu.memory_space<hbm>> -> memref<128xi32, #tpu.memory_space<hbm>>
      tpu.enqueue_dma source(%dma_start3A_36 : memref<128xi32, #tpu.memory_space<hbm>>) target(%arg8 : memref<128xi32, #tpu.memory_space<vmem>>) target_semaphore(%run_scoped3A : memref<!tpu.dma_semaphore, #tpu.memory_space<semaphore_mem>>)
      %dma_wait3A_37 = tpu.memref_slice %arg4[%mul3A_4] : memref<160000xi32, #tpu.memory_space<hbm>> -> memref<128xi32, #tpu.memory_space<hbm>>
      %dma_wait3A_38 = tpu.memref_slice %arg4[%mul3A_4] : memref<160000xi32, #tpu.memory_space<hbm>> -> memref<128xi32, #tpu.memory_space<hbm>>
      tpu.wait_dma2 semaphore(%run_scoped3A : memref<!tpu.dma_semaphore, #tpu.memory_space<semaphore_mem>>) src(%dma_wait3A_38 : memref<128xi32, #tpu.memory_space<hbm>>) dst(%arg8 : memref<128xi32, #tpu.memory_space<vmem>>)
      tpu.yield
    }) : () -> ()
    %dma_start3A = arith.constant 0 : i32
    %dma_start3A_7 = arith.constant 0 : i32
    %dma_start3A_8 = tpu.memref_slice %arg2[%dma_start3A, %dma_start3A_7] : memref<20000x128xf32, #tpu.memory_space<hbm>> -> memref<20000x128xf32, #tpu.memory_space<hbm>>
    tpu.enqueue_indirect_dma source(%dma_start3A_8 : memref<20000x128xf32, #tpu.memory_space<hbm>>) target(%arg9 : memref<128x128xf32, #tpu.memory_space<vmem>>) offsets(%arg7 : memref<128xi32, #tpu.memory_space<vmem>>) semaphore(%arg17 : memref<!tpu.dma_semaphore, #tpu.memory_space<semaphore_mem>>)
    %scan3A = arith.constant 0 : i32
    %scan3A_9 = arith.constant 0 : i32
    %scan3A_10 = arith.constant 78 : i32
    %scan3A_11 = arith.addi %scan3A_9, %scan3A_10 : i32
    %scan3A_12 = arith.constant 1 : i32
    scf.for %scan3A_35 = %scan3A_9 to %scan3A_11 step %scan3A_12  : i32 {
      %mul3A_36 = arith.constant 128 : i32
      %mul3A_37 = arith.muli %scan3A_35, %mul3A_36 : i32
      %add3A_38 = arith.addi %mul3A_4, %mul3A_37 : i32
      %jit3A = arith.constant 2 : i32
      %eq3A_39 = arith.constant 0 : i32
      %eq3A_40 = arith.cmpi eq, %jit3A, %eq3A_39 : i32
      %jit3A_41 = arith.constant 1 : i32
      %select_n3A = arith.select %eq3A_40, %jit3A_41, %jit3A : i32
      %rem3A = arith.remsi %scan3A_35, %select_n3A : i32
      %ne3A = arith.constant 0 : i32
      %ne3A_42 = arith.cmpi ne, %rem3A, %ne3A : i32
      %lt3A = arith.constant 0 : i32
      %lt3A_43 = arith.cmpi slt, %rem3A, %lt3A : i32
      %lt3A_44 = arith.constant 0 : i32
      %lt3A_45 = arith.cmpi slt, %select_n3A, %lt3A_44 : i32
      %ne3A_46 = arith.xori %lt3A_43, %lt3A_45 : i1
      %and3A = arith.andi %ne3A_46, %ne3A_42 : i1
      %add3A_47 = arith.addi %rem3A, %select_n3A : i32
      %select_n3A_48 = arith.select %and3A, %add3A_47, %rem3A : i32
      %eq3A_49 = arith.constant 0 : i32
      %eq3A_50 = arith.cmpi eq, %select_n3A_48, %eq3A_49 : i32
      %convert_element_type3A_51 = arith.extui %eq3A_50 : i1 to i32
      %cond3A_52 = arith.constant 0 : i32
      %cond3A_53 = arith.cmpi ne, %convert_element_type3A_51, %cond3A_52 : i32
      scf.if %cond3A_53 {
        %add3A_75 = arith.constant 1 : i32
        %add3A_76 = arith.addi %scan3A_35, %add3A_75 : i32
        %lt3A_77 = arith.constant 78 : i32
        %lt3A_78 = arith.cmpi slt, %add3A_76, %lt3A_77 : i32
        %convert_element_type3A_79 = arith.extui %lt3A_78 : i1 to i32
        %cond3A_80 = arith.constant 0 : i32
        %cond3A_81 = arith.cmpi ne, %convert_element_type3A_79, %cond3A_80 : i32
        scf.if %cond3A_81 {
          %mul3A_85 = arith.constant 160000 : i32
          %mul3A_86 = arith.muli %arg0, %mul3A_85 : i32
          %add3A_87 = arith.addi %mul3A_86, %add3A_38 : i32
          %add3A_88 = arith.constant 128 : i32
          %add3A_89 = arith.addi %add3A_87, %add3A_88 : i32
          "tpu.region"() ({
            %run_scoped3A = tpu.sem_alloc : memref<!tpu.dma_semaphore, #tpu.memory_space<semaphore_mem>>
            %dma_start3A_95 = tpu.memref_slice %arg3[%add3A_89] : memref<320000xi32, #tpu.memory_space<hbm>> -> memref<128xi32, #tpu.memory_space<hbm>>
            %dma_start3A_96 = tpu.memref_slice %arg3[%add3A_89] : memref<320000xi32, #tpu.memory_space<hbm>> -> memref<128xi32, #tpu.memory_space<hbm>>
            tpu.enqueue_dma source(%dma_start3A_96 : memref<128xi32, #tpu.memory_space<hbm>>) target(%arg10 : memref<128xi32, #tpu.memory_space<vmem>>) target_semaphore(%run_scoped3A : memref<!tpu.dma_semaphore, #tpu.memory_space<semaphore_mem>>)
            %dma_wait3A_97 = tpu.memref_slice %arg3[%add3A_89] : memref<320000xi32, #tpu.memory_space<hbm>> -> memref<128xi32, #tpu.memory_space<hbm>>
            %dma_wait3A_98 = tpu.memref_slice %arg3[%add3A_89] : memref<320000xi32, #tpu.memory_space<hbm>> -> memref<128xi32, #tpu.memory_space<hbm>>
            tpu.wait_dma2 semaphore(%run_scoped3A : memref<!tpu.dma_semaphore, #tpu.memory_space<semaphore_mem>>) src(%dma_wait3A_98 : memref<128xi32, #tpu.memory_space<hbm>>) dst(%arg10 : memref<128xi32, #tpu.memory_space<vmem>>)
            tpu.yield
          }) : () -> ()
          %add3A_90 = arith.constant 128 : i32
          %add3A_91 = arith.addi %add3A_38, %add3A_90 : i32
          "tpu.region"() ({
            %run_scoped3A = tpu.sem_alloc : memref<!tpu.dma_semaphore, #tpu.memory_space<semaphore_mem>>
            %dma_start3A_95 = tpu.memref_slice %arg4[%add3A_91] : memref<160000xi32, #tpu.memory_space<hbm>> -> memref<128xi32, #tpu.memory_space<hbm>>
            %dma_start3A_96 = tpu.memref_slice %arg4[%add3A_91] : memref<160000xi32, #tpu.memory_space<hbm>> -> memref<128xi32, #tpu.memory_space<hbm>>
            tpu.enqueue_dma source(%dma_start3A_96 : memref<128xi32, #tpu.memory_space<hbm>>) target(%arg11 : memref<128xi32, #tpu.memory_space<vmem>>) target_semaphore(%run_scoped3A : memref<!tpu.dma_semaphore, #tpu.memory_space<semaphore_mem>>)
            %dma_wait3A_97 = tpu.memref_slice %arg4[%add3A_91] : memref<160000xi32, #tpu.memory_space<hbm>> -> memref<128xi32, #tpu.memory_space<hbm>>
            %dma_wait3A_98 = tpu.memref_slice %arg4[%add3A_91] : memref<160000xi32, #tpu.memory_space<hbm>> -> memref<128xi32, #tpu.memory_space<hbm>>
            tpu.wait_dma2 semaphore(%run_scoped3A : memref<!tpu.dma_semaphore, #tpu.memory_space<semaphore_mem>>) src(%dma_wait3A_98 : memref<128xi32, #tpu.memory_space<hbm>>) dst(%arg11 : memref<128xi32, #tpu.memory_space<vmem>>)
            tpu.yield
          }) : () -> ()
          %dma_start3A_92 = arith.constant 0 : i32
          %dma_start3A_93 = arith.constant 0 : i32
          %dma_start3A_94 = tpu.memref_slice %arg2[%dma_start3A_92, %dma_start3A_93] : memref<20000x128xf32, #tpu.memory_space<hbm>> -> memref<20000x128xf32, #tpu.memory_space<hbm>>
          tpu.enqueue_indirect_dma source(%dma_start3A_94 : memref<20000x128xf32, #tpu.memory_space<hbm>>) target(%arg12 : memref<128x128xf32, #tpu.memory_space<vmem>>) offsets(%arg10 : memref<128xi32, #tpu.memory_space<vmem>>) semaphore(%arg18 : memref<!tpu.dma_semaphore, #tpu.memory_space<semaphore_mem>>)
        } else {
        }
        %dma_wait3A_82 = arith.constant 0 : i32
        %dma_wait3A_83 = arith.constant 0 : i32
        %dma_wait3A_84 = tpu.memref_slice %arg2[%dma_wait3A_82, %dma_wait3A_83] : memref<20000x128xf32, #tpu.memory_space<hbm>> -> memref<20000x128xf32, #tpu.memory_space<hbm>>
        tpu.wait_indirect_dma semaphore(%arg17 : memref<!tpu.dma_semaphore, #tpu.memory_space<semaphore_mem>>) src(%dma_wait3A_84 : memref<20000x128xf32, #tpu.memory_space<hbm>>) dst(%arg9 : memref<128x128xf32, #tpu.memory_space<vmem>>)
        "tpu.region"() ({
          %run_scoped3A = tpu.sem_alloc : memref<!tpu.dma_semaphore, #tpu.memory_space<semaphore_mem>>
          %dma_start3A_85 = arith.constant 0 : i32
          %dma_start3A_86 = arith.constant 0 : i32
          %dma_start3A_87 = tpu.memref_slice %arg16[%dma_start3A_85, %dma_start3A_86] : memref<10000x128xf32, #tpu.memory_space<vmem_shared>> -> memref<10000x128xf32, #tpu.memory_space<vmem_shared>>
          tpu.enqueue_indirect_dma source(%arg9 : memref<128x128xf32, #tpu.memory_space<vmem>>) target(%dma_start3A_87 : memref<10000x128xf32, #tpu.memory_space<vmem_shared>>) offsets(%arg8 : memref<128xi32, #tpu.memory_space<vmem>>) semaphore(%run_scoped3A : memref<!tpu.dma_semaphore, #tpu.memory_space<semaphore_mem>>) {add = true}
          %dma_wait3A_88 = arith.constant 0 : i32
          %dma_wait3A_89 = arith.constant 0 : i32
          %dma_wait3A_90 = tpu.memref_slice %arg16[%dma_wait3A_88, %dma_wait3A_89] : memref<10000x128xf32, #tpu.memory_space<vmem_shared>> -> memref<10000x128xf32, #tpu.memory_space<vmem_shared>>
          tpu.wait_indirect_dma semaphore(%run_scoped3A : memref<!tpu.dma_semaphore, #tpu.memory_space<semaphore_mem>>) src(%arg9 : memref<128x128xf32, #tpu.memory_space<vmem>>) dst(%dma_wait3A_90 : memref<10000x128xf32, #tpu.memory_space<vmem_shared>>)
          tpu.yield
        }) : () -> ()
      } else {
      }
      %jit3A_54 = arith.constant 2 : i32
      %eq3A_55 = arith.constant 0 : i32
      %eq3A_56 = arith.cmpi eq, %jit3A_54, %eq3A_55 : i32
      %jit3A_57 = arith.constant 1 : i32
      %select_n3A_58 = arith.select %eq3A_56, %jit3A_57, %jit3A_54 : i32
      %rem3A_59 = arith.remsi %scan3A_35, %select_n3A_58 : i32
      %ne3A_60 = arith.constant 0 : i32
      %ne3A_61 = arith.cmpi ne, %rem3A_59, %ne3A_60 : i32
      %lt3A_62 = arith.constant 0 : i32
      %lt3A_63 = arith.cmpi slt, %rem3A_59, %lt3A_62 : i32
      %lt3A_64 = arith.constant 0 : i32
      %lt3A_65 = arith.cmpi slt, %select_n3A_58, %lt3A_64 : i32
      %ne3A_66 = arith.xori %lt3A_63, %lt3A_65 : i1
      %and3A_67 = arith.andi %ne3A_66, %ne3A_61 : i1
      %add3A_68 = arith.addi %rem3A_59, %select_n3A_58 : i32
      %select_n3A_69 = arith.select %and3A_67, %add3A_68, %rem3A_59 : i32
      %eq3A_70 = arith.constant 1 : i32
      %eq3A_71 = arith.cmpi eq, %select_n3A_69, %eq3A_70 : i32
      %convert_element_type3A_72 = arith.extui %eq3A_71 : i1 to i32
      %cond3A_73 = arith.constant 0 : i32
      %cond3A_74 = arith.cmpi ne, %convert_element_type3A_72, %cond3A_73 : i32
      scf.if %cond3A_74 {
        %add3A_75 = arith.constant 1 : i32
        %add3A_76 = arith.addi %scan3A_35, %add3A_75 : i32
        %lt3A_77 = arith.constant 78 : i32
        %lt3A_78 = arith.cmpi slt, %add3A_76, %lt3A_77 : i32
        %convert_element_type3A_79 = arith.extui %lt3A_78 : i1 to i32
        %cond3A_80 = arith.constant 0 : i32
        %cond3A_81 = arith.cmpi ne, %convert_element_type3A_79, %cond3A_80 : i32
        scf.if %cond3A_81 {
          %mul3A_85 = arith.constant 160000 : i32
          %mul3A_86 = arith.muli %arg0, %mul3A_85 : i32
          %add3A_87 = arith.addi %mul3A_86, %add3A_38 : i32
          %add3A_88 = arith.constant 128 : i32
          %add3A_89 = arith.addi %add3A_87, %add3A_88 : i32
          "tpu.region"() ({
            %run_scoped3A = tpu.sem_alloc : memref<!tpu.dma_semaphore, #tpu.memory_space<semaphore_mem>>
            %dma_start3A_95 = tpu.memref_slice %arg3[%add3A_89] : memref<320000xi32, #tpu.memory_space<hbm>> -> memref<128xi32, #tpu.memory_space<hbm>>
            %dma_start3A_96 = tpu.memref_slice %arg3[%add3A_89] : memref<320000xi32, #tpu.memory_space<hbm>> -> memref<128xi32, #tpu.memory_space<hbm>>
            tpu.enqueue_dma source(%dma_start3A_96 : memref<128xi32, #tpu.memory_space<hbm>>) target(%arg7 : memref<128xi32, #tpu.memory_space<vmem>>) target_semaphore(%run_scoped3A : memref<!tpu.dma_semaphore, #tpu.memory_space<semaphore_mem>>)
            %dma_wait3A_97 = tpu.memref_slice %arg3[%add3A_89] : memref<320000xi32, #tpu.memory_space<hbm>> -> memref<128xi32, #tpu.memory_space<hbm>>
            %dma_wait3A_98 = tpu.memref_slice %arg3[%add3A_89] : memref<320000xi32, #tpu.memory_space<hbm>> -> memref<128xi32, #tpu.memory_space<hbm>>
            tpu.wait_dma2 semaphore(%run_scoped3A : memref<!tpu.dma_semaphore, #tpu.memory_space<semaphore_mem>>) src(%dma_wait3A_98 : memref<128xi32, #tpu.memory_space<hbm>>) dst(%arg7 : memref<128xi32, #tpu.memory_space<vmem>>)
            tpu.yield
          }) : () -> ()
          %add3A_90 = arith.constant 128 : i32
          %add3A_91 = arith.addi %add3A_38, %add3A_90 : i32
          "tpu.region"() ({
            %run_scoped3A = tpu.sem_alloc : memref<!tpu.dma_semaphore, #tpu.memory_space<semaphore_mem>>
            %dma_start3A_95 = tpu.memref_slice %arg4[%add3A_91] : memref<160000xi32, #tpu.memory_space<hbm>> -> memref<128xi32, #tpu.memory_space<hbm>>
            %dma_start3A_96 = tpu.memref_slice %arg4[%add3A_91] : memref<160000xi32, #tpu.memory_space<hbm>> -> memref<128xi32, #tpu.memory_space<hbm>>
            tpu.enqueue_dma source(%dma_start3A_96 : memref<128xi32, #tpu.memory_space<hbm>>) target(%arg8 : memref<128xi32, #tpu.memory_space<vmem>>) target_semaphore(%run_scoped3A : memref<!tpu.dma_semaphore, #tpu.memory_space<semaphore_mem>>)
            %dma_wait3A_97 = tpu.memref_slice %arg4[%add3A_91] : memref<160000xi32, #tpu.memory_space<hbm>> -> memref<128xi32, #tpu.memory_space<hbm>>
            %dma_wait3A_98 = tpu.memref_slice %arg4[%add3A_91] : memref<160000xi32, #tpu.memory_space<hbm>> -> memref<128xi32, #tpu.memory_space<hbm>>
            tpu.wait_dma2 semaphore(%run_scoped3A : memref<!tpu.dma_semaphore, #tpu.memory_space<semaphore_mem>>) src(%dma_wait3A_98 : memref<128xi32, #tpu.memory_space<hbm>>) dst(%arg8 : memref<128xi32, #tpu.memory_space<vmem>>)
            tpu.yield
          }) : () -> ()
          %dma_start3A_92 = arith.constant 0 : i32
          %dma_start3A_93 = arith.constant 0 : i32
          %dma_start3A_94 = tpu.memref_slice %arg2[%dma_start3A_92, %dma_start3A_93] : memref<20000x128xf32, #tpu.memory_space<hbm>> -> memref<20000x128xf32, #tpu.memory_space<hbm>>
          tpu.enqueue_indirect_dma source(%dma_start3A_94 : memref<20000x128xf32, #tpu.memory_space<hbm>>) target(%arg9 : memref<128x128xf32, #tpu.memory_space<vmem>>) offsets(%arg7 : memref<128xi32, #tpu.memory_space<vmem>>) semaphore(%arg17 : memref<!tpu.dma_semaphore, #tpu.memory_space<semaphore_mem>>)
        } else {
        }
        %dma_wait3A_82 = arith.constant 0 : i32
        %dma_wait3A_83 = arith.constant 0 : i32
        %dma_wait3A_84 = tpu.memref_slice %arg2[%dma_wait3A_82, %dma_wait3A_83] : memref<20000x128xf32, #tpu.memory_space<hbm>> -> memref<20000x128xf32, #tpu.memory_space<hbm>>
        tpu.wait_indirect_dma semaphore(%arg18 : memref<!tpu.dma_semaphore, #tpu.memory_space<semaphore_mem>>) src(%dma_wait3A_84 : memref<20000x128xf32, #tpu.memory_space<hbm>>) dst(%arg12 : memref<128x128xf32, #tpu.memory_space<vmem>>)
        "tpu.region"() ({
          %run_scoped3A = tpu.sem_alloc : memref<!tpu.dma_semaphore, #tpu.memory_space<semaphore_mem>>
          %dma_start3A_85 = arith.constant 0 : i32
          %dma_start3A_86 = arith.constant 0 : i32
          %dma_start3A_87 = tpu.memref_slice %arg16[%dma_start3A_85, %dma_start3A_86] : memref<10000x128xf32, #tpu.memory_space<vmem_shared>> -> memref<10000x128xf32, #tpu.memory_space<vmem_shared>>
          tpu.enqueue_indirect_dma source(%arg12 : memref<128x128xf32, #tpu.memory_space<vmem>>) target(%dma_start3A_87 : memref<10000x128xf32, #tpu.memory_space<vmem_shared>>) offsets(%arg11 : memref<128xi32, #tpu.memory_space<vmem>>) semaphore(%run_scoped3A : memref<!tpu.dma_semaphore, #tpu.memory_space<semaphore_mem>>) {add = true}
          %dma_wait3A_88 = arith.constant 0 : i32
          %dma_wait3A_89 = arith.constant 0 : i32
          %dma_wait3A_90 = tpu.memref_slice %arg16[%dma_wait3A_88, %dma_wait3A_89] : memref<10000x128xf32, #tpu.memory_space<vmem_shared>> -> memref<10000x128xf32, #tpu.memory_space<vmem_shared>>
          tpu.wait_indirect_dma semaphore(%run_scoped3A : memref<!tpu.dma_semaphore, #tpu.memory_space<semaphore_mem>>) src(%arg12 : memref<128x128xf32, #tpu.memory_space<vmem>>) dst(%dma_wait3A_90 : memref<10000x128xf32, #tpu.memory_space<vmem_shared>>)
          tpu.yield
        }) : () -> ()
      } else {
      }
    }
    %scan3A_13 = arith.constant 78 : i32
    %mul3A_14 = arith.constant 160000 : i32
    %mul3A_15 = arith.muli %arg0, %mul3A_14 : i32
    %add3A_16 = arith.addi %mul3A_15, %mul3A_4 : i32
    %add3A_17 = arith.constant 9984 : i32
    %add3A_18 = arith.addi %add3A_16, %add3A_17 : i32
    "tpu.region"() ({
      %run_scoped3A = tpu.sem_alloc : memref<!tpu.dma_semaphore, #tpu.memory_space<semaphore_mem>>
      %dma_start3A_35 = tpu.memref_slice %arg3[%add3A_18] : memref<320000xi32, #tpu.memory_space<hbm>> -> memref<16xi32, #tpu.memory_space<hbm>>
      %dma_start3A_36 = tpu.memref_slice %arg3[%add3A_18] : memref<320000xi32, #tpu.memory_space<hbm>> -> memref<16xi32, #tpu.memory_space<hbm>>
      tpu.enqueue_dma source(%dma_start3A_36 : memref<16xi32, #tpu.memory_space<hbm>>) target(%arg13 : memref<16xi32, #tpu.memory_space<vmem>>) target_semaphore(%run_scoped3A : memref<!tpu.dma_semaphore, #tpu.memory_space<semaphore_mem>>)
      %dma_wait3A_37 = tpu.memref_slice %arg3[%add3A_18] : memref<320000xi32, #tpu.memory_space<hbm>> -> memref<16xi32, #tpu.memory_space<hbm>>
      %dma_wait3A_38 = tpu.memref_slice %arg3[%add3A_18] : memref<320000xi32, #tpu.memory_space<hbm>> -> memref<16xi32, #tpu.memory_space<hbm>>
      tpu.wait_dma2 semaphore(%run_scoped3A : memref<!tpu.dma_semaphore, #tpu.memory_space<semaphore_mem>>) src(%dma_wait3A_38 : memref<16xi32, #tpu.memory_space<hbm>>) dst(%arg13 : memref<16xi32, #tpu.memory_space<vmem>>)
      tpu.yield
    }) : () -> ()
    %add3A_19 = arith.constant 9984 : i32
    %add3A_20 = arith.addi %mul3A_4, %add3A_19 : i32
    "tpu.region"() ({
      %run_scoped3A = tpu.sem_alloc : memref<!tpu.dma_semaphore, #tpu.memory_space<semaphore_mem>>
      %dma_start3A_35 = tpu.memref_slice %arg4[%add3A_20] : memref<160000xi32, #tpu.memory_space<hbm>> -> memref<16xi32, #tpu.memory_space<hbm>>
      %dma_start3A_36 = tpu.memref_slice %arg4[%add3A_20] : memref<160000xi32, #tpu.memory_space<hbm>> -> memref<16xi32, #tpu.memory_space<hbm>>
      tpu.enqueue_dma source(%dma_start3A_36 : memref<16xi32, #tpu.memory_space<hbm>>) target(%arg14 : memref<16xi32, #tpu.memory_space<vmem>>) target_semaphore(%run_scoped3A : memref<!tpu.dma_semaphore, #tpu.memory_space<semaphore_mem>>)
      %dma_wait3A_37 = tpu.memref_slice %arg4[%add3A_20] : memref<160000xi32, #tpu.memory_space<hbm>> -> memref<16xi32, #tpu.memory_space<hbm>>
      %dma_wait3A_38 = tpu.memref_slice %arg4[%add3A_20] : memref<160000xi32, #tpu.memory_space<hbm>> -> memref<16xi32, #tpu.memory_space<hbm>>
      tpu.wait_dma2 semaphore(%run_scoped3A : memref<!tpu.dma_semaphore, #tpu.memory_space<semaphore_mem>>) src(%dma_wait3A_38 : memref<16xi32, #tpu.memory_space<hbm>>) dst(%arg14 : memref<16xi32, #tpu.memory_space<vmem>>)
      tpu.yield
    }) : () -> ()
    %dma_start3A_21 = arith.constant 0 : i32
    %dma_start3A_22 = arith.constant 0 : i32
    %dma_start3A_23 = tpu.memref_slice %arg2[%dma_start3A_21, %dma_start3A_22] : memref<20000x128xf32, #tpu.memory_space<hbm>> -> memref<20000x128xf32, #tpu.memory_space<hbm>>
    tpu.enqueue_indirect_dma source(%dma_start3A_23 : memref<20000x128xf32, #tpu.memory_space<hbm>>) target(%arg15 : memref<16x128xf32, #tpu.memory_space<vmem>>) offsets(%arg13 : memref<16xi32, #tpu.memory_space<vmem>>) semaphore(%arg17 : memref<!tpu.dma_semaphore, #tpu.memory_space<semaphore_mem>>)
    %dma_wait3A = arith.constant 0 : i32
    %dma_wait3A_24 = arith.constant 0 : i32
    %dma_wait3A_25 = tpu.memref_slice %arg2[%dma_wait3A, %dma_wait3A_24] : memref<20000x128xf32, #tpu.memory_space<hbm>> -> memref<20000x128xf32, #tpu.memory_space<hbm>>
    tpu.wait_indirect_dma semaphore(%arg17 : memref<!tpu.dma_semaphore, #tpu.memory_space<semaphore_mem>>) src(%dma_wait3A_25 : memref<20000x128xf32, #tpu.memory_space<hbm>>) dst(%arg15 : memref<16x128xf32, #tpu.memory_space<vmem>>)
    "tpu.region"() ({
      %run_scoped3A = tpu.sem_alloc : memref<!tpu.dma_semaphore, #tpu.memory_space<semaphore_mem>>
      %dma_start3A_35 = arith.constant 0 : i32
      %dma_start3A_36 = arith.constant 0 : i32
      %dma_start3A_37 = tpu.memref_slice %arg16[%dma_start3A_35, %dma_start3A_36] : memref<10000x128xf32, #tpu.memory_space<vmem_shared>> -> memref<10000x128xf32, #tpu.memory_space<vmem_shared>>
      tpu.enqueue_indirect_dma source(%arg15 : memref<16x128xf32, #tpu.memory_space<vmem>>) target(%dma_start3A_37 : memref<10000x128xf32, #tpu.memory_space<vmem_shared>>) offsets(%arg14 : memref<16xi32, #tpu.memory_space<vmem>>) semaphore(%run_scoped3A : memref<!tpu.dma_semaphore, #tpu.memory_space<semaphore_mem>>) {add = true}
      %dma_wait3A_38 = arith.constant 0 : i32
      %dma_wait3A_39 = arith.constant 0 : i32
      %dma_wait3A_40 = tpu.memref_slice %arg16[%dma_wait3A_38, %dma_wait3A_39] : memref<10000x128xf32, #tpu.memory_space<vmem_shared>> -> memref<10000x128xf32, #tpu.memory_space<vmem_shared>>
      tpu.wait_indirect_dma semaphore(%run_scoped3A : memref<!tpu.dma_semaphore, #tpu.memory_space<semaphore_mem>>) src(%arg15 : memref<16x128xf32, #tpu.memory_space<vmem>>) dst(%dma_wait3A_40 : memref<10000x128xf32, #tpu.memory_space<vmem_shared>>)
      tpu.yield
    }) : () -> ()
    %barrier3A_26 = arith.constant 0 : index
    tpu.barrier barrier_id(%barrier3A_26)
    %mul3A_27 = arith.constant 10000 : i32
    %mul3A_28 = arith.muli %arg0, %mul3A_27 : i32
    %add3A_29 = arith.addi %mul3A_28, %mul3A_0 : i32
    "tpu.region"() ({
      %run_scoped3A = tpu.sem_alloc : memref<!tpu.dma_semaphore, #tpu.memory_space<semaphore_mem>>
      %dma_start3A_35 = arith.constant 0 : i32
      %dma_start3A_36 = tpu.memref_slice %arg6[%add3A_29, %dma_start3A_35] : memref<20000x128xf32, #tpu.memory_space<hbm>> -> memref<624x128xf32, #tpu.memory_space<hbm>>
      %dma_start3A_37 = arith.constant 0 : i32
      %dma_start3A_38 = tpu.memref_slice %arg16[%mul3A_0, %dma_start3A_37] : memref<10000x128xf32, #tpu.memory_space<vmem_shared>> -> memref<624x128xf32, #tpu.memory_space<vmem_shared>>
      tpu.enqueue_dma source(%dma_start3A_38 : memref<624x128xf32, #tpu.memory_space<vmem_shared>>) target(%dma_start3A_36 : memref<624x128xf32, #tpu.memory_space<hbm>>) target_semaphore(%run_scoped3A : memref<!tpu.dma_semaphore, #tpu.memory_space<semaphore_mem>>)
      %dma_wait3A_39 = arith.constant 0 : i32
      %dma_wait3A_40 = tpu.memref_slice %arg6[%add3A_29, %dma_wait3A_39] : memref<20000x128xf32, #tpu.memory_space<hbm>> -> memref<624x128xf32, #tpu.memory_space<hbm>>
      %dma_wait3A_41 = arith.constant 0 : i32
      %dma_wait3A_42 = tpu.memref_slice %arg16[%mul3A_0, %dma_wait3A_41] : memref<10000x128xf32, #tpu.memory_space<vmem_shared>> -> memref<624x128xf32, #tpu.memory_space<vmem_shared>>
      tpu.wait_dma2 semaphore(%run_scoped3A : memref<!tpu.dma_semaphore, #tpu.memory_space<semaphore_mem>>) src(%dma_wait3A_42 : memref<624x128xf32, #tpu.memory_space<vmem_shared>>) dst(%dma_wait3A_40 : memref<624x128xf32, #tpu.memory_space<hbm>>)
      tpu.yield
    }) : () -> ()
    %eq3A_30 = arith.constant 15 : i32
    %eq3A_31 = arith.cmpi eq, %arg1, %eq3A_30 : i32
    %convert_element_type3A_32 = arith.extui %eq3A_31 : i1 to i32
    %cond3A_33 = arith.constant 0 : i32
    %cond3A_34 = arith.cmpi ne, %convert_element_type3A_32, %cond3A_33 : i32
    scf.if %cond3A_34 {
      %mul3A_35 = arith.constant 10000 : i32
      %mul3A_36 = arith.muli %arg0, %mul3A_35 : i32
      %add3A_37 = arith.constant 9984 : i32
      %add3A_38 = arith.addi %mul3A_36, %add3A_37 : i32
      "tpu.region"() ({
        %run_scoped3A = tpu.sem_alloc : memref<!tpu.dma_semaphore, #tpu.memory_space<semaphore_mem>>
        %dma_start3A_39 = arith.constant 0 : i32
        %dma_start3A_40 = tpu.memref_slice %arg6[%add3A_38, %dma_start3A_39] : memref<20000x128xf32, #tpu.memory_space<hbm>> -> memref<16x128xf32, #tpu.memory_space<hbm>>
        %dma_start3A_41 = arith.constant 9984 : i32
        %dma_start3A_42 = arith.constant 0 : i32
        %dma_start3A_43 = tpu.memref_slice %arg16[%dma_start3A_41, %dma_start3A_42] : memref<10000x128xf32, #tpu.memory_space<vmem_shared>> -> memref<16x128xf32, #tpu.memory_space<vmem_shared>>
        tpu.enqueue_dma source(%dma_start3A_43 : memref<16x128xf32, #tpu.memory_space<vmem_shared>>) target(%dma_start3A_40 : memref<16x128xf32, #tpu.memory_space<hbm>>) target_semaphore(%run_scoped3A : memref<!tpu.dma_semaphore, #tpu.memory_space<semaphore_mem>>)
        %dma_wait3A_44 = arith.constant 0 : i32
        %dma_wait3A_45 = tpu.memref_slice %arg6[%add3A_38, %dma_wait3A_44] : memref<20000x128xf32, #tpu.memory_space<hbm>> -> memref<16x128xf32, #tpu.memory_space<hbm>>
        %dma_wait3A_46 = arith.constant 9984 : i32
        %dma_wait3A_47 = arith.constant 0 : i32
        %dma_wait3A_48 = tpu.memref_slice %arg16[%dma_wait3A_46, %dma_wait3A_47] : memref<10000x128xf32, #tpu.memory_space<vmem_shared>> -> memref<16x128xf32, #tpu.memory_space<vmem_shared>>
        tpu.wait_dma2 semaphore(%run_scoped3A : memref<!tpu.dma_semaphore, #tpu.memory_space<semaphore_mem>>) src(%dma_wait3A_48 : memref<16x128xf32, #tpu.memory_space<vmem_shared>>) dst(%dma_wait3A_45 : memref<16x128xf32, #tpu.memory_space<hbm>>)
        tpu.yield
      }) : () -> ()
    } else {
    }
    return
  }
}

module attributes {stable_mosaic.version = 14 : i64} {
  func.func @_mm_body(%arg0: i32, %arg1: i32, %arg2: memref<1000x1xf32, #tpu.memory_space<vmem>>, %arg3: memref<1000x256xf32, #tpu.memory_space<vmem>>, %arg4: memref<256x128xf32, #tpu.memory_space<vmem>>, %arg5: memref<1000x128xf32, #tpu.memory_space<vmem>>) attributes {dimension_semantics = [#tpu.dimension_semantics<arbitrary>, #tpu.dimension_semantics<arbitrary>], iteration_bounds = array<i64: 2, 10>, scalar_prefetch = 0 : i64, scratch_operands = 0 : i64, tpu.core_type = #tpu.core_type<tc>, window_params = [{transform_indices = @transform_0, window_bounds = array<i64: 1000, 1>}, {transform_indices = @transform_1, window_bounds = array<i64: 1000, 256>}, {transform_indices = @transform_2, window_bounds = array<i64: 256, 128>}, {transform_indices = @transform_3, window_bounds = array<i64: 1000, 128>}]} {
    %get3A = arith.constant 0 : index
    %get3A_0 = arith.constant 0 : index
    %get3A_1 = vector.load %arg2[%get3A, %get3A_0] : memref<1000x1xf32, #tpu.memory_space<vmem>>, vector<1000x1xf32>
    %rsqrt3A = math.rsqrt %get3A_1 : vector<1000x1xf32>
    %get3A_2 = arith.constant 0 : index
    %get3A_3 = arith.constant 0 : index
    %get3A_4 = vector.load %arg3[%get3A_2, %get3A_3] : memref<1000x256xf32, #tpu.memory_space<vmem>>, vector<1000x256xf32>
    %get3A_5 = arith.constant 0 : index
    %get3A_6 = arith.constant 0 : index
    %get3A_7 = vector.load %arg4[%get3A_5, %get3A_6] : memref<256x128xf32, #tpu.memory_space<vmem>>, vector<256x128xf32>
    %dot_general3A = arith.constant dense<0.000000e+00> : vector<1000x128xf32>
    %dot_general3A_8 = tpu.matmul %get3A_4, %get3A_7, %dot_general3A {dimension_numbers = #tpu.dot_dimension_numbers<[1], [0], [0], [1], [0, 0, 1, 1], [], []>, transpose_lhs_hint = false} : vector<1000x256xf32>, vector<256x128xf32>, vector<1000x128xf32> -> vector<1000x128xf32>
    %mul3A = vector.broadcast %rsqrt3A : vector<1000x1xf32> to vector<1000x128xf32>
    %mul3A_9 = arith.mulf %dot_general3A_8, %mul3A : vector<1000x128xf32>
    %swap3A = arith.constant 0 : index
    %swap3A_10 = arith.constant 0 : index
    %swap3A_11 = vector.load %arg5[%swap3A, %swap3A_10] : memref<1000x128xf32, #tpu.memory_space<vmem>>, vector<1000x128xf32>
    tpu.vector_store %arg5[%swap3A, %swap3A_10], %mul3A_9 {strides = array<i32>} : memref<1000x128xf32, #tpu.memory_space<vmem>>, vector<1000x128xf32>,
    return
  }
  func.func @transform_0(%arg0: i32, %arg1: i32) -> (i32, i32) {
    %c0_i32 = arith.constant 0 : i32
    %c0_i32_0 = arith.constant 0 : i32
    return %arg1, %c0_i32 : i32, i32
  }
  func.func @transform_1(%arg0: i32, %arg1: i32) -> (i32, i32) {
    %c0_i32 = arith.constant 0 : i32
    %c0_i32_0 = arith.constant 0 : i32
    return %arg1, %c0_i32 : i32, i32
  }
  func.func @transform_2(%arg0: i32, %arg1: i32) -> (i32, i32) {
    %c0_i32 = arith.constant 0 : i32
    %c0_i32_0 = arith.constant 0 : i32
    return %c0_i32, %arg0 : i32, i32
  }
  func.func @transform_3(%arg0: i32, %arg1: i32) -> (i32, i32) {
    %mul3A = arith.constant 10 : i32
    %mul3A_0 = arith.muli %arg0, %mul3A : i32
    %add3A = arith.addi %mul3A_0, %arg1 : i32
    %c0_i32 = arith.constant 0 : i32
    %c0_i32_1 = arith.constant 0 : i32
    return %add3A, %c0_i32 : i32, i32
  }
}

module attributes {stable_mosaic.version = 14 : i64} {
  func.func @_stats_body(%arg0: i32, %arg1: i32, %arg2: memref<1000x128xf32, #tpu.memory_space<vmem>>, %arg3: memref<1000x128xf32, #tpu.memory_space<vmem>>, %arg4: memref<1000x1xf32, #tpu.memory_space<vmem>>, %arg5: memref<1x128xf32, #tpu.memory_space<vmem>>, %arg6: memref<1000x128xf32, #tpu.memory_space<vmem>>, %arg7: memref<1x128xf32, #tpu.memory_space<vmem>>, %arg8: memref<1x128xf32, #tpu.memory_space<vmem>>) attributes {dimension_semantics = [#tpu.dimension_semantics<arbitrary>, #tpu.dimension_semantics<arbitrary>], iteration_bounds = array<i64: 2, 10>, scalar_prefetch = 0 : i64, scratch_operands = 0 : i64, tpu.core_type = #tpu.core_type<tc>, window_params = [{transform_indices = @transform_0, window_bounds = array<i64: 1000, 128>}, {transform_indices = @transform_1, window_bounds = array<i64: 1000, 128>}, {transform_indices = @transform_2, window_bounds = array<i64: 1000, 1>}, {transform_indices = @transform_3, window_bounds = array<i64: 1, 128>}, {transform_indices = @transform_4, window_bounds = array<i64: 1000, 128>}, {transform_indices = @transform_5, window_bounds = array<i64: 1, 128>}, {transform_indices = @transform_6, window_bounds = array<i64: 1, 128>}]} {
    %get3A = arith.constant 0 : index
    %get3A_0 = arith.constant 0 : index
    %get3A_1 = vector.load %arg4[%get3A, %get3A_0] : memref<1000x1xf32, #tpu.memory_space<vmem>>, vector<1000x1xf32>
    %rsqrt3A = math.rsqrt %get3A_1 : vector<1000x1xf32>
    %get3A_2 = arith.constant 0 : index
    %get3A_3 = arith.constant 0 : index
    %get3A_4 = vector.load %arg2[%get3A_2, %get3A_3] : memref<1000x128xf32, #tpu.memory_space<vmem>>, vector<1000x128xf32>
    %get3A_5 = arith.constant 0 : index
    %get3A_6 = arith.constant 0 : index
    %get3A_7 = vector.load %arg3[%get3A_5, %get3A_6] : memref<1000x128xf32, #tpu.memory_space<vmem>>, vector<1000x128xf32>
    %add3A = arith.addf %get3A_4, %get3A_7 : vector<1000x128xf32>
    %mul3A = vector.broadcast %rsqrt3A : vector<1000x1xf32> to vector<1000x128xf32>
    %mul3A_8 = arith.mulf %mul3A, %add3A : vector<1000x128xf32>
    %get3A_9 = arith.constant 0 : index
    %get3A_10 = arith.constant 0 : index
    %get3A_11 = vector.load %arg5[%get3A_9, %get3A_10] : memref<1x128xf32, #tpu.memory_space<vmem>>, vector<1x128xf32>
    %add3A_12 = vector.broadcast %get3A_11 : vector<1x128xf32> to vector<1000x128xf32>
    %add3A_13 = arith.addf %mul3A_8, %add3A_12 : vector<1000x128xf32>
    %swap3A = arith.constant 0 : index
    %swap3A_14 = arith.constant 0 : index
    %swap3A_15 = vector.load %arg6[%swap3A, %swap3A_14] : memref<1000x128xf32, #tpu.memory_space<vmem>>, vector<1000x128xf32>
    tpu.vector_store %arg6[%swap3A, %swap3A_14], %add3A_13 {strides = array<i32>} : memref<1000x128xf32, #tpu.memory_space<vmem>>, vector<1000x128xf32>,
    %eq3A = arith.constant 0 : i32
    %eq3A_16 = arith.cmpi eq, %arg1, %eq3A : i32
    %convert_element_type3A = arith.extui %eq3A_16 : i1 to i32
    %cond3A = arith.constant 0 : i32
    %cond3A_17 = arith.cmpi ne, %convert_element_type3A, %cond3A : i32
    scf.if %cond3A_17 {
      %broadcast_in_dim3A_37 = arith.constant 0.000000e+00 : f32
      %broadcast_in_dim3A_38 = vector.broadcast %broadcast_in_dim3A_37 : f32 to vector<1x128xf32>
      %swap3A_39 = arith.constant 0 : index
      %swap3A_40 = arith.constant 0 : index
      %swap3A_41 = vector.load %arg7[%swap3A_39, %swap3A_40] : memref<1x128xf32, #tpu.memory_space<vmem>>, vector<1x128xf32>
      tpu.vector_store %arg7[%swap3A_39, %swap3A_40], %broadcast_in_dim3A_38 {strides = array<i32>} : memref<1x128xf32, #tpu.memory_space<vmem>>, vector<1x128xf32>,
      %broadcast_in_dim3A_42 = arith.constant 0.000000e+00 : f32
      %broadcast_in_dim3A_43 = vector.broadcast %broadcast_in_dim3A_42 : f32 to vector<1x128xf32>
      %swap3A_44 = arith.constant 0 : index
      %swap3A_45 = arith.constant 0 : index
      %swap3A_46 = vector.load %arg8[%swap3A_44, %swap3A_45] : memref<1x128xf32, #tpu.memory_space<vmem>>, vector<1x128xf32>
      tpu.vector_store %arg8[%swap3A_44, %swap3A_45], %broadcast_in_dim3A_43 {strides = array<i32>} : memref<1x128xf32, #tpu.memory_space<vmem>>, vector<1x128xf32>,
    } else {
    }
    %get3A_18 = arith.constant 0 : index
    %get3A_19 = arith.constant 0 : index
    %get3A_20 = vector.load %arg7[%get3A_18, %get3A_19] : memref<1x128xf32, #tpu.memory_space<vmem>>, vector<1x128xf32>
    %reduce_sum3A = arith.constant dense<0.000000e+00> : vector<128xf32>
    %reduce_sum3A_21 = vector.multi_reduction <add>, %add3A_13, %reduce_sum3A [0] : vector<1000x128xf32> to vector<128xf32>
    %broadcast_in_dim3A = vector.shape_cast %reduce_sum3A_21 : vector<128xf32> to vector<1x128xf32>
    %add3A_22 = arith.addf %get3A_20, %broadcast_in_dim3A : vector<1x128xf32>
    %swap3A_23 = arith.constant 0 : index
    %swap3A_24 = arith.constant 0 : index
    %swap3A_25 = vector.load %arg7[%swap3A_23, %swap3A_24] : memref<1x128xf32, #tpu.memory_space<vmem>>, vector<1x128xf32>
    tpu.vector_store %arg7[%swap3A_23, %swap3A_24], %add3A_22 {strides = array<i32>} : memref<1x128xf32, #tpu.memory_space<vmem>>, vector<1x128xf32>,
    %get3A_26 = arith.constant 0 : index
    %get3A_27 = arith.constant 0 : index
    %get3A_28 = vector.load %arg8[%get3A_26, %get3A_27] : memref<1x128xf32, #tpu.memory_space<vmem>>, vector<1x128xf32>
    %mul3A_29 = arith.mulf %add3A_13, %add3A_13 : vector<1000x128xf32>
    %reduce_sum3A_30 = arith.constant dense<0.000000e+00> : vector<128xf32>
    %reduce_sum3A_31 = vector.multi_reduction <add>, %mul3A_29, %reduce_sum3A_30 [0] : vector<1000x128xf32> to vector<128xf32>
    %broadcast_in_dim3A_32 = vector.shape_cast %reduce_sum3A_31 : vector<128xf32> to vector<1x128xf32>
    %add3A_33 = arith.addf %get3A_28, %broadcast_in_dim3A_32 : vector<1x128xf32>
    %swap3A_34 = arith.constant 0 : index
    %swap3A_35 = arith.constant 0 : index
    %swap3A_36 = vector.load %arg8[%swap3A_34, %swap3A_35] : memref<1x128xf32, #tpu.memory_space<vmem>>, vector<1x128xf32>
    tpu.vector_store %arg8[%swap3A_34, %swap3A_35], %add3A_33 {strides = array<i32>} : memref<1x128xf32, #tpu.memory_space<vmem>>, vector<1x128xf32>,
    return
  }
  func.func @transform_0(%arg0: i32, %arg1: i32) -> (i32, i32) {
    %mul3A = arith.constant 10 : i32
    %mul3A_0 = arith.muli %arg0, %mul3A : i32
    %add3A = arith.addi %mul3A_0, %arg1 : i32
    %c0_i32 = arith.constant 0 : i32
    %c0_i32_1 = arith.constant 0 : i32
    return %add3A, %c0_i32 : i32, i32
  }
  func.func @transform_1(%arg0: i32, %arg1: i32) -> (i32, i32) {
    %mul3A = arith.constant 10 : i32
    %mul3A_0 = arith.muli %arg0, %mul3A : i32
    %add3A = arith.addi %mul3A_0, %arg1 : i32
    %c0_i32 = arith.constant 0 : i32
    %c0_i32_1 = arith.constant 0 : i32
    return %add3A, %c0_i32 : i32, i32
  }
  func.func @transform_2(%arg0: i32, %arg1: i32) -> (i32, i32) {
    %c0_i32 = arith.constant 0 : i32
    %c0_i32_0 = arith.constant 0 : i32
    return %arg1, %c0_i32 : i32, i32
  }
  func.func @transform_3(%arg0: i32, %arg1: i32) -> (i32, i32) {
    %c0_i32 = arith.constant 0 : i32
    %c0_i32_0 = arith.constant 0 : i32
    return %c0_i32, %arg0 : i32, i32
  }
  func.func @transform_4(%arg0: i32, %arg1: i32) -> (i32, i32) {
    %c0_i32 = arith.constant 0 : i32
    return %arg1, %arg0 : i32, i32
  }
  func.func @transform_5(%arg0: i32, %arg1: i32) -> (i32, i32) {
    %c0_i32 = arith.constant 0 : i32
    %c0_i32_0 = arith.constant 0 : i32
    return %c0_i32, %arg0 : i32, i32
  }
  func.func @transform_6(%arg0: i32, %arg1: i32) -> (i32, i32) {
    %c0_i32 = arith.constant 0 : i32
    %c0_i32_0 = arith.constant 0 : i32
    return %c0_i32, %arg0 : i32, i32
  }
}

module attributes {stable_mosaic.version = 14 : i64} {
  func.func @_bn_body(%arg0: i32, %arg1: memref<1000x256xf32, #tpu.memory_space<vmem>>, %arg2: memref<1x256xf32, #tpu.memory_space<vmem>>, %arg3: memref<1x256xf32, #tpu.memory_space<vmem>>, %arg4: memref<1x256xf32, #tpu.memory_space<vmem>>, %arg5: memref<1x256xf32, #tpu.memory_space<vmem>>, %arg6: memref<1000x256xf32, #tpu.memory_space<vmem>>) attributes {dimension_semantics = [#tpu.dimension_semantics<arbitrary>], iteration_bounds = array<i64: 10>, scalar_prefetch = 0 : i64, scratch_operands = 0 : i64, tpu.core_type = #tpu.core_type<tc>, window_params = [{transform_indices = @transform_0, window_bounds = array<i64: 1000, 256>}, {pipeline_mode = #tpu.pipeline_mode<synchronous>, transform_indices = @transform_1, window_bounds = array<i64: 1, 256>}, {pipeline_mode = #tpu.pipeline_mode<synchronous>, transform_indices = @transform_2, window_bounds = array<i64: 1, 256>}, {pipeline_mode = #tpu.pipeline_mode<synchronous>, transform_indices = @transform_3, window_bounds = array<i64: 1, 256>}, {pipeline_mode = #tpu.pipeline_mode<synchronous>, transform_indices = @transform_4, window_bounds = array<i64: 1, 256>}, {transform_indices = @transform_5, window_bounds = array<i64: 1000, 256>}]} {
    %get3A = arith.constant 0 : index
    %get3A_0 = arith.constant 0 : index
    %get3A_1 = vector.load %arg1[%get3A, %get3A_0] : memref<1000x256xf32, #tpu.memory_space<vmem>>, vector<1000x256xf32>
    %get3A_2 = arith.constant 0 : index
    %get3A_3 = arith.constant 0 : index
    %get3A_4 = vector.load %arg2[%get3A_2, %get3A_3] : memref<1x256xf32, #tpu.memory_space<vmem>>, vector<1x256xf32>
    %get3A_5 = arith.constant 0 : index
    %get3A_6 = arith.constant 0 : index
    %get3A_7 = vector.load %arg3[%get3A_5, %get3A_6] : memref<1x256xf32, #tpu.memory_space<vmem>>, vector<1x256xf32>
    %get3A_8 = arith.constant 0 : index
    %get3A_9 = arith.constant 0 : index
    %get3A_10 = vector.load %arg4[%get3A_8, %get3A_9] : memref<1x256xf32, #tpu.memory_space<vmem>>, vector<1x256xf32>
    %get3A_11 = arith.constant 0 : index
    %get3A_12 = arith.constant 0 : index
    %get3A_13 = vector.load %arg5[%get3A_11, %get3A_12] : memref<1x256xf32, #tpu.memory_space<vmem>>, vector<1x256xf32>
    %div3A = arith.constant 1.000000e+04 : f32
    %div3A_14 = vector.broadcast %div3A : f32 to vector<1x256xf32>
    %div3A_15 = arith.divf %get3A_4, %div3A_14 : vector<1x256xf32>
    %div3A_16 = arith.constant 1.000000e+04 : f32
    %div3A_17 = vector.broadcast %div3A_16 : f32 to vector<1x256xf32>
    %div3A_18 = arith.divf %get3A_7, %div3A_17 : vector<1x256xf32>
    %mul3A = arith.mulf %div3A_15, %div3A_15 : vector<1x256xf32>
    %sub3A = arith.subf %div3A_18, %mul3A : vector<1x256xf32>
    %add3A = arith.constant 9.99999974E-6 : f32
    %add3A_19 = vector.broadcast %add3A : f32 to vector<1x256xf32>
    %add3A_20 = arith.addf %sub3A, %add3A_19 : vector<1x256xf32>
    %rsqrt3A = math.rsqrt %add3A_20 : vector<1x256xf32>
    %mul3A_21 = arith.mulf %get3A_10, %rsqrt3A : vector<1x256xf32>
    %sub3A_22 = vector.broadcast %div3A_15 : vector<1x256xf32> to vector<1000x256xf32>
    %sub3A_23 = arith.subf %get3A_1, %sub3A_22 : vector<1000x256xf32>
    %mul3A_24 = vector.broadcast %mul3A_21 : vector<1x256xf32> to vector<1000x256xf32>
    %mul3A_25 = arith.mulf %sub3A_23, %mul3A_24 : vector<1000x256xf32>
    %add3A_26 = vector.broadcast %get3A_13 : vector<1x256xf32> to vector<1000x256xf32>
    %add3A_27 = arith.addf %mul3A_25, %add3A_26 : vector<1000x256xf32>
    %max3A = arith.constant 0.000000e+00 : f32
    %max3A_28 = vector.broadcast %max3A : f32 to vector<1000x256xf32>
    %max3A_29 = arith.maximumf %add3A_27, %max3A_28 : vector<1000x256xf32>
    %swap3A = arith.constant 0 : index
    %swap3A_30 = arith.constant 0 : index
    %swap3A_31 = vector.load %arg6[%swap3A, %swap3A_30] : memref<1000x256xf32, #tpu.memory_space<vmem>>, vector<1000x256xf32>
    tpu.vector_store %arg6[%swap3A, %swap3A_30], %max3A_29 {strides = array<i32>} : memref<1000x256xf32, #tpu.memory_space<vmem>>, vector<1000x256xf32>,
    return
  }
  func.func @transform_0(%arg0: i32) -> (i32, i32) {
    %c0_i32 = arith.constant 0 : i32
    %c0_i32_0 = arith.constant 0 : i32
    return %arg0, %c0_i32 : i32, i32
  }
  func.func @transform_1(%arg0: i32) -> (i32, i32) {
    %c0_i32 = arith.constant 0 : i32
    %c0_i32_0 = arith.constant 0 : i32
    %c0_i32_1 = arith.constant 0 : i32
    return %c0_i32, %c0_i32_0 : i32, i32
  }
  func.func @transform_2(%arg0: i32) -> (i32, i32) {
    %c0_i32 = arith.constant 0 : i32
    %c0_i32_0 = arith.constant 0 : i32
    %c0_i32_1 = arith.constant 0 : i32
    return %c0_i32, %c0_i32_0 : i32, i32
  }
  func.func @transform_3(%arg0: i32) -> (i32, i32) {
    %c0_i32 = arith.constant 0 : i32
    %c0_i32_0 = arith.constant 0 : i32
    %c0_i32_1 = arith.constant 0 : i32
    return %c0_i32, %c0_i32_0 : i32, i32
  }
  func.func @transform_4(%arg0: i32) -> (i32, i32) {
    %c0_i32 = arith.constant 0 : i32
    %c0_i32_0 = arith.constant 0 : i32
    %c0_i32_1 = arith.constant 0 : i32
    return %c0_i32, %c0_i32_0 : i32, i32
  }
  func.func @transform_5(%arg0: i32) -> (i32, i32) {
    %c0_i32 = arith.constant 0 : i32
    %c0_i32_0 = arith.constant 0 : i32
    return %arg0, %c0_i32 : i32, i32
  }
}

module attributes {stable_mosaic.version = 14 : i64} {
  func.func @_bn_res_body(%arg0: i32, %arg1: memref<1000x256xf32, #tpu.memory_space<vmem>>, %arg2: memref<1x256xf32, #tpu.memory_space<vmem>>, %arg3: memref<1x256xf32, #tpu.memory_space<vmem>>, %arg4: memref<1x256xf32, #tpu.memory_space<vmem>>, %arg5: memref<1x256xf32, #tpu.memory_space<vmem>>, %arg6: memref<1000x256xf32, #tpu.memory_space<vmem>>, %arg7: memref<1000x256xf32, #tpu.memory_space<vmem>>) attributes {dimension_semantics = [#tpu.dimension_semantics<arbitrary>], iteration_bounds = array<i64: 10>, scalar_prefetch = 0 : i64, scratch_operands = 0 : i64, tpu.core_type = #tpu.core_type<tc>, window_params = [{transform_indices = @transform_0, window_bounds = array<i64: 1000, 256>}, {pipeline_mode = #tpu.pipeline_mode<synchronous>, transform_indices = @transform_1, window_bounds = array<i64: 1, 256>}, {pipeline_mode = #tpu.pipeline_mode<synchronous>, transform_indices = @transform_2, window_bounds = array<i64: 1, 256>}, {pipeline_mode = #tpu.pipeline_mode<synchronous>, transform_indices = @transform_3, window_bounds = array<i64: 1, 256>}, {pipeline_mode = #tpu.pipeline_mode<synchronous>, transform_indices = @transform_4, window_bounds = array<i64: 1, 256>}, {transform_indices = @transform_5, window_bounds = array<i64: 1000, 256>}, {transform_indices = @transform_6, window_bounds = array<i64: 1000, 256>}]} {
    %get3A = arith.constant 0 : index
    %get3A_0 = arith.constant 0 : index
    %get3A_1 = vector.load %arg1[%get3A, %get3A_0] : memref<1000x256xf32, #tpu.memory_space<vmem>>, vector<1000x256xf32>
    %get3A_2 = arith.constant 0 : index
    %get3A_3 = arith.constant 0 : index
    %get3A_4 = vector.load %arg2[%get3A_2, %get3A_3] : memref<1x256xf32, #tpu.memory_space<vmem>>, vector<1x256xf32>
    %get3A_5 = arith.constant 0 : index
    %get3A_6 = arith.constant 0 : index
    %get3A_7 = vector.load %arg3[%get3A_5, %get3A_6] : memref<1x256xf32, #tpu.memory_space<vmem>>, vector<1x256xf32>
    %get3A_8 = arith.constant 0 : index
    %get3A_9 = arith.constant 0 : index
    %get3A_10 = vector.load %arg4[%get3A_8, %get3A_9] : memref<1x256xf32, #tpu.memory_space<vmem>>, vector<1x256xf32>
    %get3A_11 = arith.constant 0 : index
    %get3A_12 = arith.constant 0 : index
    %get3A_13 = vector.load %arg5[%get3A_11, %get3A_12] : memref<1x256xf32, #tpu.memory_space<vmem>>, vector<1x256xf32>
    %div3A = arith.constant 1.000000e+04 : f32
    %div3A_14 = vector.broadcast %div3A : f32 to vector<1x256xf32>
    %div3A_15 = arith.divf %get3A_4, %div3A_14 : vector<1x256xf32>
    %div3A_16 = arith.constant 1.000000e+04 : f32
    %div3A_17 = vector.broadcast %div3A_16 : f32 to vector<1x256xf32>
    %div3A_18 = arith.divf %get3A_7, %div3A_17 : vector<1x256xf32>
    %mul3A = arith.mulf %div3A_15, %div3A_15 : vector<1x256xf32>
    %sub3A = arith.subf %div3A_18, %mul3A : vector<1x256xf32>
    %add3A = arith.constant 9.99999974E-6 : f32
    %add3A_19 = vector.broadcast %add3A : f32 to vector<1x256xf32>
    %add3A_20 = arith.addf %sub3A, %add3A_19 : vector<1x256xf32>
    %rsqrt3A = math.rsqrt %add3A_20 : vector<1x256xf32>
    %mul3A_21 = arith.mulf %get3A_10, %rsqrt3A : vector<1x256xf32>
    %sub3A_22 = vector.broadcast %div3A_15 : vector<1x256xf32> to vector<1000x256xf32>
    %sub3A_23 = arith.subf %get3A_1, %sub3A_22 : vector<1000x256xf32>
    %mul3A_24 = vector.broadcast %mul3A_21 : vector<1x256xf32> to vector<1000x256xf32>
    %mul3A_25 = arith.mulf %sub3A_23, %mul3A_24 : vector<1000x256xf32>
    %add3A_26 = vector.broadcast %get3A_13 : vector<1x256xf32> to vector<1000x256xf32>
    %add3A_27 = arith.addf %mul3A_25, %add3A_26 : vector<1000x256xf32>
    %max3A = arith.constant 0.000000e+00 : f32
    %max3A_28 = vector.broadcast %max3A : f32 to vector<1000x256xf32>
    %max3A_29 = arith.maximumf %add3A_27, %max3A_28 : vector<1000x256xf32>
    %get3A_30 = arith.constant 0 : index
    %get3A_31 = arith.constant 0 : index
    %get3A_32 = vector.load %arg6[%get3A_30, %get3A_31] : memref<1000x256xf32, #tpu.memory_space<vmem>>, vector<1000x256xf32>
    %add3A_33 = arith.addf %max3A_29, %get3A_32 : vector<1000x256xf32>
    %swap3A = arith.constant 0 : index
    %swap3A_34 = arith.constant 0 : index
    %swap3A_35 = vector.load %arg7[%swap3A, %swap3A_34] : memref<1000x256xf32, #tpu.memory_space<vmem>>, vector<1000x256xf32>
    tpu.vector_store %arg7[%swap3A, %swap3A_34], %add3A_33 {strides = array<i32>} : memref<1000x256xf32, #tpu.memory_space<vmem>>, vector<1000x256xf32>,
    return
  }
  func.func @transform_0(%arg0: i32) -> (i32, i32) {
    %c0_i32 = arith.constant 0 : i32
    %c0_i32_0 = arith.constant 0 : i32
    return %arg0, %c0_i32 : i32, i32
  }
  func.func @transform_1(%arg0: i32) -> (i32, i32) {
    %c0_i32 = arith.constant 0 : i32
    %c0_i32_0 = arith.constant 0 : i32
    %c0_i32_1 = arith.constant 0 : i32
    return %c0_i32, %c0_i32_0 : i32, i32
  }
  func.func @transform_2(%arg0: i32) -> (i32, i32) {
    %c0_i32 = arith.constant 0 : i32
    %c0_i32_0 = arith.constant 0 : i32
    %c0_i32_1 = arith.constant 0 : i32
    return %c0_i32, %c0_i32_0 : i32, i32
  }
  func.func @transform_3(%arg0: i32) -> (i32, i32) {
    %c0_i32 = arith.constant 0 : i32
    %c0_i32_0 = arith.constant 0 : i32
    %c0_i32_1 = arith.constant 0 : i32
    return %c0_i32, %c0_i32_0 : i32, i32
  }
  func.func @transform_4(%arg0: i32) -> (i32, i32) {
    %c0_i32 = arith.constant 0 : i32
    %c0_i32_0 = arith.constant 0 : i32
    %c0_i32_1 = arith.constant 0 : i32
    return %c0_i32, %c0_i32_0 : i32, i32
  }
  func.func @transform_5(%arg0: i32) -> (i32, i32) {
    %c0_i32 = arith.constant 0 : i32
    %c0_i32_0 = arith.constant 0 : i32
    return %arg0, %c0_i32 : i32, i32
  }
  func.func @transform_6(%arg0: i32) -> (i32, i32) {
    %c0_i32 = arith.constant 0 : i32
    %c0_i32_0 = arith.constant 0 : i32
    return %arg0, %c0_i32 : i32, i32
  }
}

module attributes {stable_mosaic.version = 14 : i64} {
  func.func @_pool_body(%arg0: i32, %arg1: memref<2000x1xi32, #tpu.memory_space<vmem>>, %arg2: memref<2000x256xf32, #tpu.memory_space<vmem>>, %arg3: memref<16x768xf32, #tpu.memory_space<vmem>>, %arg4: memref<16x256xf32, #tpu.memory_space<vmem>>, %arg5: memref<16x256xf32, #tpu.memory_space<vmem>>, %arg6: memref<16x256xf32, #tpu.memory_space<vmem>>) attributes {dimension_semantics = [#tpu.dimension_semantics<arbitrary>], iteration_bounds = array<i64: 5>, scalar_prefetch = 0 : i64, scratch_operands = 3 : i64, tpu.core_type = #tpu.core_type<tc>, window_params = [{transform_indices = @transform_0, window_bounds = array<i64: 2000, 1>}, {transform_indices = @transform_1, window_bounds = array<i64: 2000, 256>}, {pipeline_mode = #tpu.pipeline_mode<synchronous>, transform_indices = @transform_2, window_bounds = array<i64: 16, 768>}]} {
    %eq3A = arith.constant 0 : i32
    %eq3A_0 = arith.cmpi eq, %arg0, %eq3A : i32
    %convert_element_type3A = arith.extui %eq3A_0 : i1 to i32
    %cond3A = arith.constant 0 : i32
    %cond3A_1 = arith.cmpi ne, %convert_element_type3A, %cond3A : i32
    scf.if %cond3A_1 {
      %broadcast_in_dim3A_317 = arith.constant 0.000000e+00 : f32
      %broadcast_in_dim3A_318 = vector.broadcast %broadcast_in_dim3A_317 : f32 to vector<16x256xf32>
      %swap3A_319 = arith.constant 0 : index
      %swap3A_320 = arith.constant 0 : index
      %swap3A_321 = vector.load %arg4[%swap3A_319, %swap3A_320] : memref<16x256xf32, #tpu.memory_space<vmem>>, vector<16x256xf32>
      tpu.vector_store %arg4[%swap3A_319, %swap3A_320], %broadcast_in_dim3A_318 {strides = array<i32>} : memref<16x256xf32, #tpu.memory_space<vmem>>, vector<16x256xf32>,
      %broadcast_in_dim3A_322 = arith.constant 0.000000e+00 : f32
      %broadcast_in_dim3A_323 = vector.broadcast %broadcast_in_dim3A_322 : f32 to vector<16x256xf32>
      %swap3A_324 = arith.constant 0 : index
      %swap3A_325 = arith.constant 0 : index
      %swap3A_326 = vector.load %arg6[%swap3A_324, %swap3A_325] : memref<16x256xf32, #tpu.memory_space<vmem>>, vector<16x256xf32>
      tpu.vector_store %arg6[%swap3A_324, %swap3A_325], %broadcast_in_dim3A_323 {strides = array<i32>} : memref<16x256xf32, #tpu.memory_space<vmem>>, vector<16x256xf32>,
      %broadcast_in_dim3A_327 = arith.constant 0xFF800000 : f32
      %broadcast_in_dim3A_328 = vector.broadcast %broadcast_in_dim3A_327 : f32 to vector<16x256xf32>
      %swap3A_329 = arith.constant 0 : index
      %swap3A_330 = arith.constant 0 : index
      %swap3A_331 = vector.load %arg5[%swap3A_329, %swap3A_330] : memref<16x256xf32, #tpu.memory_space<vmem>>, vector<16x256xf32>
      tpu.vector_store %arg5[%swap3A_329, %swap3A_330], %broadcast_in_dim3A_328 {strides = array<i32>} : memref<16x256xf32, #tpu.memory_space<vmem>>, vector<16x256xf32>,
    } else {
    }
    %get3A = arith.constant 0 : index
    %get3A_2 = arith.constant 0 : index
    %get3A_3 = vector.load %arg1[%get3A, %get3A_2] : memref<2000x1xi32, #tpu.memory_space<vmem>>, vector<2000x1xi32>
    %get3A_4 = arith.constant 0 : index
    %get3A_5 = arith.constant 0 : index
    %get3A_6 = vector.load %arg2[%get3A_4, %get3A_5] : memref<2000x256xf32, #tpu.memory_space<vmem>>, vector<2000x256xf32>
    %iota3A = tpu.iota {dimensions = array<i32: 1>} : vector<1x16xi32>
    %eq3A_7 = vector.broadcast %get3A_3 : vector<2000x1xi32> to vector<2000x16xi32>
    %eq3A_8 = vector.broadcast %iota3A : vector<1x16xi32> to vector<2000x16xi32>
    %eq3A_9 = arith.cmpi eq, %eq3A_7, %eq3A_8 : vector<2000x16xi32>
    %convert_element_type3A_10 = arith.extui %eq3A_9 : vector<2000x16xi1> to vector<2000x16xi32>
    %convert_element_type3A_11 = arith.sitofp %convert_element_type3A_10 : vector<2000x16xi32> to vector<2000x16xf32>
    %get3A_12 = arith.constant 0 : index
    %get3A_13 = arith.constant 0 : index
    %get3A_14 = vector.load %arg4[%get3A_12, %get3A_13] : memref<16x256xf32, #tpu.memory_space<vmem>>, vector<16x256xf32>
    %dot_general3A = arith.constant dense<0.000000e+00> : vector<16x256xf32>
    %dot_general3A_15 = tpu.matmul %convert_element_type3A_11, %get3A_6, %dot_general3A {dimension_numbers = #tpu.dot_dimension_numbers<[0], [0], [1], [1], [0, 1, 1, 1], [], []>, precision = #tpu.contract_precision<fp32>, transpose_lhs_hint = false} : vector<2000x16xf32>, vector<2000x256xf32>, vector<16x256xf32> -> vector<16x256xf32>
    %add3A = arith.addf %get3A_14, %dot_general3A_15 : vector<16x256xf32>
    %swap3A = arith.constant 0 : index
    %swap3A_16 = arith.constant 0 : index
    %swap3A_17 = vector.load %arg4[%swap3A, %swap3A_16] : memref<16x256xf32, #tpu.memory_space<vmem>>, vector<16x256xf32>
    tpu.vector_store %arg4[%swap3A, %swap3A_16], %add3A {strides = array<i32>} : memref<16x256xf32, #tpu.memory_space<vmem>>, vector<16x256xf32>,
    %get3A_18 = arith.constant 0 : index
    %get3A_19 = arith.constant 0 : index
    %get3A_20 = vector.load %arg6[%get3A_18, %get3A_19] : memref<16x256xf32, #tpu.memory_space<vmem>>, vector<16x256xf32>
    %broadcast_in_dim3A = arith.constant 1.000000e+00 : f32
    %broadcast_in_dim3A_21 = vector.broadcast %broadcast_in_dim3A : f32 to vector<2000x256xf32>
    %dot_general3A_22 = arith.constant dense<0.000000e+00> : vector<16x256xf32>
    %dot_general3A_23 = tpu.matmul %convert_element_type3A_11, %broadcast_in_dim3A_21, %dot_general3A_22 {dimension_numbers = #tpu.dot_dimension_numbers<[0], [0], [1], [1], [0, 1, 1, 1], [], []>, precision = #tpu.contract_precision<fp32>, transpose_lhs_hint = false} : vector<2000x16xf32>, vector<2000x256xf32>, vector<16x256xf32> -> vector<16x256xf32>
    %add3A_24 = arith.addf %get3A_20, %dot_general3A_23 : vector<16x256xf32>
    %swap3A_25 = arith.constant 0 : index
    %swap3A_26 = arith.constant 0 : index
    %swap3A_27 = vector.load %arg6[%swap3A_25, %swap3A_26] : memref<16x256xf32, #tpu.memory_space<vmem>>, vector<16x256xf32>
    tpu.vector_store %arg6[%swap3A_25, %swap3A_26], %add3A_24 {strides = array<i32>} : memref<16x256xf32, #tpu.memory_space<vmem>>, vector<16x256xf32>,
    %eq3A_28 = arith.constant 0 : i32
    %eq3A_29 = vector.broadcast %eq3A_28 : i32 to vector<2000x1xi32>
    %eq3A_30 = arith.cmpi eq, %get3A_3, %eq3A_29 : vector<2000x1xi32>
    %jit3A = arith.constant 0xFF800000 : f32
    %broadcast_in_dim3A_31 = vector.shape_cast %eq3A_30 : vector<2000x1xi1> to vector<2000x1xi1>
    %broadcast_in_dim3A_32 = vector.broadcast %broadcast_in_dim3A_31 : vector<2000x1xi1> to vector<2000x256xi1>
    %broadcast_in_dim3A_33 = vector.broadcast %jit3A : f32 to vector<2000x256xf32>
    %select_n3A = arith.select %broadcast_in_dim3A_32, %get3A_6, %broadcast_in_dim3A_33 : vector<2000x256xi1>, vector<2000x256xf32>
    %get3A_34 = arith.constant 0 : index
    %get3A_35 = arith.constant 0 : index
    %get3A_36 = vector.load %arg5[%get3A_34, %get3A_35] : memref<16x256xf32, #tpu.memory_space<vmem>>, vector<1x256xf32>
    %reduce_max3A = arith.constant dense<0xFF800000> : vector<256xf32>
    %reduce_max3A_37 = vector.multi_reduction <maximumf>, %select_n3A, %reduce_max3A [0] : vector<2000x256xf32> to vector<256xf32>
    %broadcast_in_dim3A_38 = vector.shape_cast %reduce_max3A_37 : vector<256xf32> to vector<1x256xf32>
    %max3A = arith.maximumf %get3A_36, %broadcast_in_dim3A_38 : vector<1x256xf32>
    %swap3A_39 = arith.constant 0 : index
    %swap3A_40 = arith.constant 0 : index
    %swap3A_41 = vector.load %arg5[%swap3A_39, %swap3A_40] : memref<16x256xf32, #tpu.memory_space<vmem>>, vector<1x256xf32>
    tpu.vector_store %arg5[%swap3A_39, %swap3A_40], %max3A {strides = array<i32>} : memref<16x256xf32, #tpu.memory_space<vmem>>, vector<1x256xf32>,
    %eq3A_42 = arith.constant 1 : i32
    %eq3A_43 = vector.broadcast %eq3A_42 : i32 to vector<2000x1xi32>
    %eq3A_44 = arith.cmpi eq, %get3A_3, %eq3A_43 : vector<2000x1xi32>
    %jit3A_45 = arith.constant 0xFF800000 : f32
    %broadcast_in_dim3A_46 = vector.shape_cast %eq3A_44 : vector<2000x1xi1> to vector<2000x1xi1>
    %broadcast_in_dim3A_47 = vector.broadcast %broadcast_in_dim3A_46 : vector<2000x1xi1> to vector<2000x256xi1>
    %broadcast_in_dim3A_48 = vector.broadcast %jit3A_45 : f32 to vector<2000x256xf32>
    %select_n3A_49 = arith.select %broadcast_in_dim3A_47, %get3A_6, %broadcast_in_dim3A_48 : vector<2000x256xi1>, vector<2000x256xf32>
    %get3A_50 = arith.constant 1 : index
    %get3A_51 = arith.constant 0 : index
    %get3A_52 = vector.load %arg5[%get3A_50, %get3A_51] : memref<16x256xf32, #tpu.memory_space<vmem>>, vector<1x256xf32>
    %reduce_max3A_53 = arith.constant dense<0xFF800000> : vector<256xf32>
    %reduce_max3A_54 = vector.multi_reduction <maximumf>, %select_n3A_49, %reduce_max3A_53 [0] : vector<2000x256xf32> to vector<256xf32>
    %broadcast_in_dim3A_55 = vector.shape_cast %reduce_max3A_54 : vector<256xf32> to vector<1x256xf32>
    %max3A_56 = arith.maximumf %get3A_52, %broadcast_in_dim3A_55 : vector<1x256xf32>
    %swap3A_57 = arith.constant 1 : index
    %swap3A_58 = arith.constant 0 : index
    %swap3A_59 = vector.load %arg5[%swap3A_57, %swap3A_58] : memref<16x256xf32, #tpu.memory_space<vmem>>, vector<1x256xf32>
    tpu.vector_store %arg5[%swap3A_57, %swap3A_58], %max3A_56 {strides = array<i32>} : memref<16x256xf32, #tpu.memory_space<vmem>>, vector<1x256xf32>,
    %eq3A_60 = arith.constant 2 : i32
    %eq3A_61 = vector.broadcast %eq3A_60 : i32 to vector<2000x1xi32>
    %eq3A_62 = arith.cmpi eq, %get3A_3, %eq3A_61 : vector<2000x1xi32>
    %jit3A_63 = arith.constant 0xFF800000 : f32
    %broadcast_in_dim3A_64 = vector.shape_cast %eq3A_62 : vector<2000x1xi1> to vector<2000x1xi1>
    %broadcast_in_dim3A_65 = vector.broadcast %broadcast_in_dim3A_64 : vector<2000x1xi1> to vector<2000x256xi1>
    %broadcast_in_dim3A_66 = vector.broadcast %jit3A_63 : f32 to vector<2000x256xf32>
    %select_n3A_67 = arith.select %broadcast_in_dim3A_65, %get3A_6, %broadcast_in_dim3A_66 : vector<2000x256xi1>, vector<2000x256xf32>
    %get3A_68 = arith.constant 2 : index
    %get3A_69 = arith.constant 0 : index
    %get3A_70 = vector.load %arg5[%get3A_68, %get3A_69] : memref<16x256xf32, #tpu.memory_space<vmem>>, vector<1x256xf32>
    %reduce_max3A_71 = arith.constant dense<0xFF800000> : vector<256xf32>
    %reduce_max3A_72 = vector.multi_reduction <maximumf>, %select_n3A_67, %reduce_max3A_71 [0] : vector<2000x256xf32> to vector<256xf32>
    %broadcast_in_dim3A_73 = vector.shape_cast %reduce_max3A_72 : vector<256xf32> to vector<1x256xf32>
    %max3A_74 = arith.maximumf %get3A_70, %broadcast_in_dim3A_73 : vector<1x256xf32>
    %swap3A_75 = arith.constant 2 : index
    %swap3A_76 = arith.constant 0 : index
    %swap3A_77 = vector.load %arg5[%swap3A_75, %swap3A_76] : memref<16x256xf32, #tpu.memory_space<vmem>>, vector<1x256xf32>
    tpu.vector_store %arg5[%swap3A_75, %swap3A_76], %max3A_74 {strides = array<i32>} : memref<16x256xf32, #tpu.memory_space<vmem>>, vector<1x256xf32>,
    %eq3A_78 = arith.constant 3 : i32
    %eq3A_79 = vector.broadcast %eq3A_78 : i32 to vector<2000x1xi32>
    %eq3A_80 = arith.cmpi eq, %get3A_3, %eq3A_79 : vector<2000x1xi32>
    %jit3A_81 = arith.constant 0xFF800000 : f32
    %broadcast_in_dim3A_82 = vector.shape_cast %eq3A_80 : vector<2000x1xi1> to vector<2000x1xi1>
    %broadcast_in_dim3A_83 = vector.broadcast %broadcast_in_dim3A_82 : vector<2000x1xi1> to vector<2000x256xi1>
    %broadcast_in_dim3A_84 = vector.broadcast %jit3A_81 : f32 to vector<2000x256xf32>
    %select_n3A_85 = arith.select %broadcast_in_dim3A_83, %get3A_6, %broadcast_in_dim3A_84 : vector<2000x256xi1>, vector<2000x256xf32>
    %get3A_86 = arith.constant 3 : index
    %get3A_87 = arith.constant 0 : index
    %get3A_88 = vector.load %arg5[%get3A_86, %get3A_87] : memref<16x256xf32, #tpu.memory_space<vmem>>, vector<1x256xf32>
    %reduce_max3A_89 = arith.constant dense<0xFF800000> : vector<256xf32>
    %reduce_max3A_90 = vector.multi_reduction <maximumf>, %select_n3A_85, %reduce_max3A_89 [0] : vector<2000x256xf32> to vector<256xf32>
    %broadcast_in_dim3A_91 = vector.shape_cast %reduce_max3A_90 : vector<256xf32> to vector<1x256xf32>
    %max3A_92 = arith.maximumf %get3A_88, %broadcast_in_dim3A_91 : vector<1x256xf32>
    %swap3A_93 = arith.constant 3 : index
    %swap3A_94 = arith.constant 0 : index
    %swap3A_95 = vector.load %arg5[%swap3A_93, %swap3A_94] : memref<16x256xf32, #tpu.memory_space<vmem>>, vector<1x256xf32>
    tpu.vector_store %arg5[%swap3A_93, %swap3A_94], %max3A_92 {strides = array<i32>} : memref<16x256xf32, #tpu.memory_space<vmem>>, vector<1x256xf32>,
    %eq3A_96 = arith.constant 4 : i32
    %eq3A_97 = vector.broadcast %eq3A_96 : i32 to vector<2000x1xi32>
    %eq3A_98 = arith.cmpi eq, %get3A_3, %eq3A_97 : vector<2000x1xi32>
    %jit3A_99 = arith.constant 0xFF800000 : f32
    %broadcast_in_dim3A_100 = vector.shape_cast %eq3A_98 : vector<2000x1xi1> to vector<2000x1xi1>
    %broadcast_in_dim3A_101 = vector.broadcast %broadcast_in_dim3A_100 : vector<2000x1xi1> to vector<2000x256xi1>
    %broadcast_in_dim3A_102 = vector.broadcast %jit3A_99 : f32 to vector<2000x256xf32>
    %select_n3A_103 = arith.select %broadcast_in_dim3A_101, %get3A_6, %broadcast_in_dim3A_102 : vector<2000x256xi1>, vector<2000x256xf32>
    %get3A_104 = arith.constant 4 : index
    %get3A_105 = arith.constant 0 : index
    %get3A_106 = vector.load %arg5[%get3A_104, %get3A_105] : memref<16x256xf32, #tpu.memory_space<vmem>>, vector<1x256xf32>
    %reduce_max3A_107 = arith.constant dense<0xFF800000> : vector<256xf32>
    %reduce_max3A_108 = vector.multi_reduction <maximumf>, %select_n3A_103, %reduce_max3A_107 [0] : vector<2000x256xf32> to vector<256xf32>
    %broadcast_in_dim3A_109 = vector.shape_cast %reduce_max3A_108 : vector<256xf32> to vector<1x256xf32>
    %max3A_110 = arith.maximumf %get3A_106, %broadcast_in_dim3A_109 : vector<1x256xf32>
    %swap3A_111 = arith.constant 4 : index
    %swap3A_112 = arith.constant 0 : index
    %swap3A_113 = vector.load %arg5[%swap3A_111, %swap3A_112] : memref<16x256xf32, #tpu.memory_space<vmem>>, vector<1x256xf32>
    tpu.vector_store %arg5[%swap3A_111, %swap3A_112], %max3A_110 {strides = array<i32>} : memref<16x256xf32, #tpu.memory_space<vmem>>, vector<1x256xf32>,
    %eq3A_114 = arith.constant 5 : i32
    %eq3A_115 = vector.broadcast %eq3A_114 : i32 to vector<2000x1xi32>
    %eq3A_116 = arith.cmpi eq, %get3A_3, %eq3A_115 : vector<2000x1xi32>
    %jit3A_117 = arith.constant 0xFF800000 : f32
    %broadcast_in_dim3A_118 = vector.shape_cast %eq3A_116 : vector<2000x1xi1> to vector<2000x1xi1>
    %broadcast_in_dim3A_119 = vector.broadcast %broadcast_in_dim3A_118 : vector<2000x1xi1> to vector<2000x256xi1>
    %broadcast_in_dim3A_120 = vector.broadcast %jit3A_117 : f32 to vector<2000x256xf32>
    %select_n3A_121 = arith.select %broadcast_in_dim3A_119, %get3A_6, %broadcast_in_dim3A_120 : vector<2000x256xi1>, vector<2000x256xf32>
    %get3A_122 = arith.constant 5 : index
    %get3A_123 = arith.constant 0 : index
    %get3A_124 = vector.load %arg5[%get3A_122, %get3A_123] : memref<16x256xf32, #tpu.memory_space<vmem>>, vector<1x256xf32>
    %reduce_max3A_125 = arith.constant dense<0xFF800000> : vector<256xf32>
    %reduce_max3A_126 = vector.multi_reduction <maximumf>, %select_n3A_121, %reduce_max3A_125 [0] : vector<2000x256xf32> to vector<256xf32>
    %broadcast_in_dim3A_127 = vector.shape_cast %reduce_max3A_126 : vector<256xf32> to vector<1x256xf32>
    %max3A_128 = arith.maximumf %get3A_124, %broadcast_in_dim3A_127 : vector<1x256xf32>
    %swap3A_129 = arith.constant 5 : index
    %swap3A_130 = arith.constant 0 : index
    %swap3A_131 = vector.load %arg5[%swap3A_129, %swap3A_130] : memref<16x256xf32, #tpu.memory_space<vmem>>, vector<1x256xf32>
    tpu.vector_store %arg5[%swap3A_129, %swap3A_130], %max3A_128 {strides = array<i32>} : memref<16x256xf32, #tpu.memory_space<vmem>>, vector<1x256xf32>,
    %eq3A_132 = arith.constant 6 : i32
    %eq3A_133 = vector.broadcast %eq3A_132 : i32 to vector<2000x1xi32>
    %eq3A_134 = arith.cmpi eq, %get3A_3, %eq3A_133 : vector<2000x1xi32>
    %jit3A_135 = arith.constant 0xFF800000 : f32
    %broadcast_in_dim3A_136 = vector.shape_cast %eq3A_134 : vector<2000x1xi1> to vector<2000x1xi1>
    %broadcast_in_dim3A_137 = vector.broadcast %broadcast_in_dim3A_136 : vector<2000x1xi1> to vector<2000x256xi1>
    %broadcast_in_dim3A_138 = vector.broadcast %jit3A_135 : f32 to vector<2000x256xf32>
    %select_n3A_139 = arith.select %broadcast_in_dim3A_137, %get3A_6, %broadcast_in_dim3A_138 : vector<2000x256xi1>, vector<2000x256xf32>
    %get3A_140 = arith.constant 6 : index
    %get3A_141 = arith.constant 0 : index
    %get3A_142 = vector.load %arg5[%get3A_140, %get3A_141] : memref<16x256xf32, #tpu.memory_space<vmem>>, vector<1x256xf32>
    %reduce_max3A_143 = arith.constant dense<0xFF800000> : vector<256xf32>
    %reduce_max3A_144 = vector.multi_reduction <maximumf>, %select_n3A_139, %reduce_max3A_143 [0] : vector<2000x256xf32> to vector<256xf32>
    %broadcast_in_dim3A_145 = vector.shape_cast %reduce_max3A_144 : vector<256xf32> to vector<1x256xf32>
    %max3A_146 = arith.maximumf %get3A_142, %broadcast_in_dim3A_145 : vector<1x256xf32>
    %swap3A_147 = arith.constant 6 : index
    %swap3A_148 = arith.constant 0 : index
    %swap3A_149 = vector.load %arg5[%swap3A_147, %swap3A_148] : memref<16x256xf32, #tpu.memory_space<vmem>>, vector<1x256xf32>
    tpu.vector_store %arg5[%swap3A_147, %swap3A_148], %max3A_146 {strides = array<i32>} : memref<16x256xf32, #tpu.memory_space<vmem>>, vector<1x256xf32>,
    %eq3A_150 = arith.constant 7 : i32
    %eq3A_151 = vector.broadcast %eq3A_150 : i32 to vector<2000x1xi32>
    %eq3A_152 = arith.cmpi eq, %get3A_3, %eq3A_151 : vector<2000x1xi32>
    %jit3A_153 = arith.constant 0xFF800000 : f32
    %broadcast_in_dim3A_154 = vector.shape_cast %eq3A_152 : vector<2000x1xi1> to vector<2000x1xi1>
    %broadcast_in_dim3A_155 = vector.broadcast %broadcast_in_dim3A_154 : vector<2000x1xi1> to vector<2000x256xi1>
    %broadcast_in_dim3A_156 = vector.broadcast %jit3A_153 : f32 to vector<2000x256xf32>
    %select_n3A_157 = arith.select %broadcast_in_dim3A_155, %get3A_6, %broadcast_in_dim3A_156 : vector<2000x256xi1>, vector<2000x256xf32>
    %get3A_158 = arith.constant 7 : index
    %get3A_159 = arith.constant 0 : index
    %get3A_160 = vector.load %arg5[%get3A_158, %get3A_159] : memref<16x256xf32, #tpu.memory_space<vmem>>, vector<1x256xf32>
    %reduce_max3A_161 = arith.constant dense<0xFF800000> : vector<256xf32>
    %reduce_max3A_162 = vector.multi_reduction <maximumf>, %select_n3A_157, %reduce_max3A_161 [0] : vector<2000x256xf32> to vector<256xf32>
    %broadcast_in_dim3A_163 = vector.shape_cast %reduce_max3A_162 : vector<256xf32> to vector<1x256xf32>
    %max3A_164 = arith.maximumf %get3A_160, %broadcast_in_dim3A_163 : vector<1x256xf32>
    %swap3A_165 = arith.constant 7 : index
    %swap3A_166 = arith.constant 0 : index
    %swap3A_167 = vector.load %arg5[%swap3A_165, %swap3A_166] : memref<16x256xf32, #tpu.memory_space<vmem>>, vector<1x256xf32>
    tpu.vector_store %arg5[%swap3A_165, %swap3A_166], %max3A_164 {strides = array<i32>} : memref<16x256xf32, #tpu.memory_space<vmem>>, vector<1x256xf32>,
    %eq3A_168 = arith.constant 8 : i32
    %eq3A_169 = vector.broadcast %eq3A_168 : i32 to vector<2000x1xi32>
    %eq3A_170 = arith.cmpi eq, %get3A_3, %eq3A_169 : vector<2000x1xi32>
    %jit3A_171 = arith.constant 0xFF800000 : f32
    %broadcast_in_dim3A_172 = vector.shape_cast %eq3A_170 : vector<2000x1xi1> to vector<2000x1xi1>
    %broadcast_in_dim3A_173 = vector.broadcast %broadcast_in_dim3A_172 : vector<2000x1xi1> to vector<2000x256xi1>
    %broadcast_in_dim3A_174 = vector.broadcast %jit3A_171 : f32 to vector<2000x256xf32>
    %select_n3A_175 = arith.select %broadcast_in_dim3A_173, %get3A_6, %broadcast_in_dim3A_174 : vector<2000x256xi1>, vector<2000x256xf32>
    %get3A_176 = arith.constant 8 : index
    %get3A_177 = arith.constant 0 : index
    %get3A_178 = vector.load %arg5[%get3A_176, %get3A_177] : memref<16x256xf32, #tpu.memory_space<vmem>>, vector<1x256xf32>
    %reduce_max3A_179 = arith.constant dense<0xFF800000> : vector<256xf32>
    %reduce_max3A_180 = vector.multi_reduction <maximumf>, %select_n3A_175, %reduce_max3A_179 [0] : vector<2000x256xf32> to vector<256xf32>
    %broadcast_in_dim3A_181 = vector.shape_cast %reduce_max3A_180 : vector<256xf32> to vector<1x256xf32>
    %max3A_182 = arith.maximumf %get3A_178, %broadcast_in_dim3A_181 : vector<1x256xf32>
    %swap3A_183 = arith.constant 8 : index
    %swap3A_184 = arith.constant 0 : index
    %swap3A_185 = vector.load %arg5[%swap3A_183, %swap3A_184] : memref<16x256xf32, #tpu.memory_space<vmem>>, vector<1x256xf32>
    tpu.vector_store %arg5[%swap3A_183, %swap3A_184], %max3A_182 {strides = array<i32>} : memref<16x256xf32, #tpu.memory_space<vmem>>, vector<1x256xf32>,
    %eq3A_186 = arith.constant 9 : i32
    %eq3A_187 = vector.broadcast %eq3A_186 : i32 to vector<2000x1xi32>
    %eq3A_188 = arith.cmpi eq, %get3A_3, %eq3A_187 : vector<2000x1xi32>
    %jit3A_189 = arith.constant 0xFF800000 : f32
    %broadcast_in_dim3A_190 = vector.shape_cast %eq3A_188 : vector<2000x1xi1> to vector<2000x1xi1>
    %broadcast_in_dim3A_191 = vector.broadcast %broadcast_in_dim3A_190 : vector<2000x1xi1> to vector<2000x256xi1>
    %broadcast_in_dim3A_192 = vector.broadcast %jit3A_189 : f32 to vector<2000x256xf32>
    %select_n3A_193 = arith.select %broadcast_in_dim3A_191, %get3A_6, %broadcast_in_dim3A_192 : vector<2000x256xi1>, vector<2000x256xf32>
    %get3A_194 = arith.constant 9 : index
    %get3A_195 = arith.constant 0 : index
    %get3A_196 = vector.load %arg5[%get3A_194, %get3A_195] : memref<16x256xf32, #tpu.memory_space<vmem>>, vector<1x256xf32>
    %reduce_max3A_197 = arith.constant dense<0xFF800000> : vector<256xf32>
    %reduce_max3A_198 = vector.multi_reduction <maximumf>, %select_n3A_193, %reduce_max3A_197 [0] : vector<2000x256xf32> to vector<256xf32>
    %broadcast_in_dim3A_199 = vector.shape_cast %reduce_max3A_198 : vector<256xf32> to vector<1x256xf32>
    %max3A_200 = arith.maximumf %get3A_196, %broadcast_in_dim3A_199 : vector<1x256xf32>
    %swap3A_201 = arith.constant 9 : index
    %swap3A_202 = arith.constant 0 : index
    %swap3A_203 = vector.load %arg5[%swap3A_201, %swap3A_202] : memref<16x256xf32, #tpu.memory_space<vmem>>, vector<1x256xf32>
    tpu.vector_store %arg5[%swap3A_201, %swap3A_202], %max3A_200 {strides = array<i32>} : memref<16x256xf32, #tpu.memory_space<vmem>>, vector<1x256xf32>,
    %eq3A_204 = arith.constant 10 : i32
    %eq3A_205 = vector.broadcast %eq3A_204 : i32 to vector<2000x1xi32>
    %eq3A_206 = arith.cmpi eq, %get3A_3, %eq3A_205 : vector<2000x1xi32>
    %jit3A_207 = arith.constant 0xFF800000 : f32
    %broadcast_in_dim3A_208 = vector.shape_cast %eq3A_206 : vector<2000x1xi1> to vector<2000x1xi1>
    %broadcast_in_dim3A_209 = vector.broadcast %broadcast_in_dim3A_208 : vector<2000x1xi1> to vector<2000x256xi1>
    %broadcast_in_dim3A_210 = vector.broadcast %jit3A_207 : f32 to vector<2000x256xf32>
    %select_n3A_211 = arith.select %broadcast_in_dim3A_209, %get3A_6, %broadcast_in_dim3A_210 : vector<2000x256xi1>, vector<2000x256xf32>
    %get3A_212 = arith.constant 10 : index
    %get3A_213 = arith.constant 0 : index
    %get3A_214 = vector.load %arg5[%get3A_212, %get3A_213] : memref<16x256xf32, #tpu.memory_space<vmem>>, vector<1x256xf32>
    %reduce_max3A_215 = arith.constant dense<0xFF800000> : vector<256xf32>
    %reduce_max3A_216 = vector.multi_reduction <maximumf>, %select_n3A_211, %reduce_max3A_215 [0] : vector<2000x256xf32> to vector<256xf32>
    %broadcast_in_dim3A_217 = vector.shape_cast %reduce_max3A_216 : vector<256xf32> to vector<1x256xf32>
    %max3A_218 = arith.maximumf %get3A_214, %broadcast_in_dim3A_217 : vector<1x256xf32>
    %swap3A_219 = arith.constant 10 : index
    %swap3A_220 = arith.constant 0 : index
    %swap3A_221 = vector.load %arg5[%swap3A_219, %swap3A_220] : memref<16x256xf32, #tpu.memory_space<vmem>>, vector<1x256xf32>
    tpu.vector_store %arg5[%swap3A_219, %swap3A_220], %max3A_218 {strides = array<i32>} : memref<16x256xf32, #tpu.memory_space<vmem>>, vector<1x256xf32>,
    %eq3A_222 = arith.constant 11 : i32
    %eq3A_223 = vector.broadcast %eq3A_222 : i32 to vector<2000x1xi32>
    %eq3A_224 = arith.cmpi eq, %get3A_3, %eq3A_223 : vector<2000x1xi32>
    %jit3A_225 = arith.constant 0xFF800000 : f32
    %broadcast_in_dim3A_226 = vector.shape_cast %eq3A_224 : vector<2000x1xi1> to vector<2000x1xi1>
    %broadcast_in_dim3A_227 = vector.broadcast %broadcast_in_dim3A_226 : vector<2000x1xi1> to vector<2000x256xi1>
    %broadcast_in_dim3A_228 = vector.broadcast %jit3A_225 : f32 to vector<2000x256xf32>
    %select_n3A_229 = arith.select %broadcast_in_dim3A_227, %get3A_6, %broadcast_in_dim3A_228 : vector<2000x256xi1>, vector<2000x256xf32>
    %get3A_230 = arith.constant 11 : index
    %get3A_231 = arith.constant 0 : index
    %get3A_232 = vector.load %arg5[%get3A_230, %get3A_231] : memref<16x256xf32, #tpu.memory_space<vmem>>, vector<1x256xf32>
    %reduce_max3A_233 = arith.constant dense<0xFF800000> : vector<256xf32>
    %reduce_max3A_234 = vector.multi_reduction <maximumf>, %select_n3A_229, %reduce_max3A_233 [0] : vector<2000x256xf32> to vector<256xf32>
    %broadcast_in_dim3A_235 = vector.shape_cast %reduce_max3A_234 : vector<256xf32> to vector<1x256xf32>
    %max3A_236 = arith.maximumf %get3A_232, %broadcast_in_dim3A_235 : vector<1x256xf32>
    %swap3A_237 = arith.constant 11 : index
    %swap3A_238 = arith.constant 0 : index
    %swap3A_239 = vector.load %arg5[%swap3A_237, %swap3A_238] : memref<16x256xf32, #tpu.memory_space<vmem>>, vector<1x256xf32>
    tpu.vector_store %arg5[%swap3A_237, %swap3A_238], %max3A_236 {strides = array<i32>} : memref<16x256xf32, #tpu.memory_space<vmem>>, vector<1x256xf32>,
    %eq3A_240 = arith.constant 12 : i32
    %eq3A_241 = vector.broadcast %eq3A_240 : i32 to vector<2000x1xi32>
    %eq3A_242 = arith.cmpi eq, %get3A_3, %eq3A_241 : vector<2000x1xi32>
    %jit3A_243 = arith.constant 0xFF800000 : f32
    %broadcast_in_dim3A_244 = vector.shape_cast %eq3A_242 : vector<2000x1xi1> to vector<2000x1xi1>
    %broadcast_in_dim3A_245 = vector.broadcast %broadcast_in_dim3A_244 : vector<2000x1xi1> to vector<2000x256xi1>
    %broadcast_in_dim3A_246 = vector.broadcast %jit3A_243 : f32 to vector<2000x256xf32>
    %select_n3A_247 = arith.select %broadcast_in_dim3A_245, %get3A_6, %broadcast_in_dim3A_246 : vector<2000x256xi1>, vector<2000x256xf32>
    %get3A_248 = arith.constant 12 : index
    %get3A_249 = arith.constant 0 : index
    %get3A_250 = vector.load %arg5[%get3A_248, %get3A_249] : memref<16x256xf32, #tpu.memory_space<vmem>>, vector<1x256xf32>
    %reduce_max3A_251 = arith.constant dense<0xFF800000> : vector<256xf32>
    %reduce_max3A_252 = vector.multi_reduction <maximumf>, %select_n3A_247, %reduce_max3A_251 [0] : vector<2000x256xf32> to vector<256xf32>
    %broadcast_in_dim3A_253 = vector.shape_cast %reduce_max3A_252 : vector<256xf32> to vector<1x256xf32>
    %max3A_254 = arith.maximumf %get3A_250, %broadcast_in_dim3A_253 : vector<1x256xf32>
    %swap3A_255 = arith.constant 12 : index
    %swap3A_256 = arith.constant 0 : index
    %swap3A_257 = vector.load %arg5[%swap3A_255, %swap3A_256] : memref<16x256xf32, #tpu.memory_space<vmem>>, vector<1x256xf32>
    tpu.vector_store %arg5[%swap3A_255, %swap3A_256], %max3A_254 {strides = array<i32>} : memref<16x256xf32, #tpu.memory_space<vmem>>, vector<1x256xf32>,
    %eq3A_258 = arith.constant 13 : i32
    %eq3A_259 = vector.broadcast %eq3A_258 : i32 to vector<2000x1xi32>
    %eq3A_260 = arith.cmpi eq, %get3A_3, %eq3A_259 : vector<2000x1xi32>
    %jit3A_261 = arith.constant 0xFF800000 : f32
    %broadcast_in_dim3A_262 = vector.shape_cast %eq3A_260 : vector<2000x1xi1> to vector<2000x1xi1>
    %broadcast_in_dim3A_263 = vector.broadcast %broadcast_in_dim3A_262 : vector<2000x1xi1> to vector<2000x256xi1>
    %broadcast_in_dim3A_264 = vector.broadcast %jit3A_261 : f32 to vector<2000x256xf32>
    %select_n3A_265 = arith.select %broadcast_in_dim3A_263, %get3A_6, %broadcast_in_dim3A_264 : vector<2000x256xi1>, vector<2000x256xf32>
    %get3A_266 = arith.constant 13 : index
    %get3A_267 = arith.constant 0 : index
    %get3A_268 = vector.load %arg5[%get3A_266, %get3A_267] : memref<16x256xf32, #tpu.memory_space<vmem>>, vector<1x256xf32>
    %reduce_max3A_269 = arith.constant dense<0xFF800000> : vector<256xf32>
    %reduce_max3A_270 = vector.multi_reduction <maximumf>, %select_n3A_265, %reduce_max3A_269 [0] : vector<2000x256xf32> to vector<256xf32>
    %broadcast_in_dim3A_271 = vector.shape_cast %reduce_max3A_270 : vector<256xf32> to vector<1x256xf32>
    %max3A_272 = arith.maximumf %get3A_268, %broadcast_in_dim3A_271 : vector<1x256xf32>
    %swap3A_273 = arith.constant 13 : index
    %swap3A_274 = arith.constant 0 : index
    %swap3A_275 = vector.load %arg5[%swap3A_273, %swap3A_274] : memref<16x256xf32, #tpu.memory_space<vmem>>, vector<1x256xf32>
    tpu.vector_store %arg5[%swap3A_273, %swap3A_274], %max3A_272 {strides = array<i32>} : memref<16x256xf32, #tpu.memory_space<vmem>>, vector<1x256xf32>,
    %eq3A_276 = arith.constant 14 : i32
    %eq3A_277 = vector.broadcast %eq3A_276 : i32 to vector<2000x1xi32>
    %eq3A_278 = arith.cmpi eq, %get3A_3, %eq3A_277 : vector<2000x1xi32>
    %jit3A_279 = arith.constant 0xFF800000 : f32
    %broadcast_in_dim3A_280 = vector.shape_cast %eq3A_278 : vector<2000x1xi1> to vector<2000x1xi1>
    %broadcast_in_dim3A_281 = vector.broadcast %broadcast_in_dim3A_280 : vector<2000x1xi1> to vector<2000x256xi1>
    %broadcast_in_dim3A_282 = vector.broadcast %jit3A_279 : f32 to vector<2000x256xf32>
    %select_n3A_283 = arith.select %broadcast_in_dim3A_281, %get3A_6, %broadcast_in_dim3A_282 : vector<2000x256xi1>, vector<2000x256xf32>
    %get3A_284 = arith.constant 14 : index
    %get3A_285 = arith.constant 0 : index
    %get3A_286 = vector.load %arg5[%get3A_284, %get3A_285] : memref<16x256xf32, #tpu.memory_space<vmem>>, vector<1x256xf32>
    %reduce_max3A_287 = arith.constant dense<0xFF800000> : vector<256xf32>
    %reduce_max3A_288 = vector.multi_reduction <maximumf>, %select_n3A_283, %reduce_max3A_287 [0] : vector<2000x256xf32> to vector<256xf32>
    %broadcast_in_dim3A_289 = vector.shape_cast %reduce_max3A_288 : vector<256xf32> to vector<1x256xf32>
    %max3A_290 = arith.maximumf %get3A_286, %broadcast_in_dim3A_289 : vector<1x256xf32>
    %swap3A_291 = arith.constant 14 : index
    %swap3A_292 = arith.constant 0 : index
    %swap3A_293 = vector.load %arg5[%swap3A_291, %swap3A_292] : memref<16x256xf32, #tpu.memory_space<vmem>>, vector<1x256xf32>
    tpu.vector_store %arg5[%swap3A_291, %swap3A_292], %max3A_290 {strides = array<i32>} : memref<16x256xf32, #tpu.memory_space<vmem>>, vector<1x256xf32>,
    %eq3A_294 = arith.constant 15 : i32
    %eq3A_295 = vector.broadcast %eq3A_294 : i32 to vector<2000x1xi32>
    %eq3A_296 = arith.cmpi eq, %get3A_3, %eq3A_295 : vector<2000x1xi32>
    %jit3A_297 = arith.constant 0xFF800000 : f32
    %broadcast_in_dim3A_298 = vector.shape_cast %eq3A_296 : vector<2000x1xi1> to vector<2000x1xi1>
    %broadcast_in_dim3A_299 = vector.broadcast %broadcast_in_dim3A_298 : vector<2000x1xi1> to vector<2000x256xi1>
    %broadcast_in_dim3A_300 = vector.broadcast %jit3A_297 : f32 to vector<2000x256xf32>
    %select_n3A_301 = arith.select %broadcast_in_dim3A_299, %get3A_6, %broadcast_in_dim3A_300 : vector<2000x256xi1>, vector<2000x256xf32>
    %get3A_302 = arith.constant 15 : index
    %get3A_303 = arith.constant 0 : index
    %get3A_304 = vector.load %arg5[%get3A_302, %get3A_303] : memref<16x256xf32, #tpu.memory_space<vmem>>, vector<1x256xf32>
    %reduce_max3A_305 = arith.constant dense<0xFF800000> : vector<256xf32>
    %reduce_max3A_306 = vector.multi_reduction <maximumf>, %select_n3A_301, %reduce_max3A_305 [0] : vector<2000x256xf32> to vector<256xf32>
    %broadcast_in_dim3A_307 = vector.shape_cast %reduce_max3A_306 : vector<256xf32> to vector<1x256xf32>
    %max3A_308 = arith.maximumf %get3A_304, %broadcast_in_dim3A_307 : vector<1x256xf32>
    %swap3A_309 = arith.constant 15 : index
    %swap3A_310 = arith.constant 0 : index
    %swap3A_311 = vector.load %arg5[%swap3A_309, %swap3A_310] : memref<16x256xf32, #tpu.memory_space<vmem>>, vector<1x256xf32>
    tpu.vector_store %arg5[%swap3A_309, %swap3A_310], %max3A_308 {strides = array<i32>} : memref<16x256xf32, #tpu.memory_space<vmem>>, vector<1x256xf32>,
    %eq3A_312 = arith.constant 4 : i32
    %eq3A_313 = arith.cmpi eq, %arg0, %eq3A_312 : i32
    %convert_element_type3A_314 = arith.extui %eq3A_313 : i1 to i32
    %cond3A_315 = arith.constant 0 : i32
    %cond3A_316 = arith.cmpi ne, %convert_element_type3A_314, %cond3A_315 : i32
    scf.if %cond3A_316 {
      %get3A_317 = arith.constant 0 : index
      %get3A_318 = arith.constant 0 : index
      %get3A_319 = vector.load %arg6[%get3A_317, %get3A_318] : memref<16x256xf32, #tpu.memory_space<vmem>>, vector<16x256xf32>
      %get3A_320 = arith.constant 0 : index
      %get3A_321 = arith.constant 0 : index
      %get3A_322 = vector.load %arg4[%get3A_320, %get3A_321] : memref<16x256xf32, #tpu.memory_space<vmem>>, vector<16x256xf32>
      %max3A_323 = arith.constant 1.000000e+00 : f32
      %max3A_324 = vector.broadcast %max3A_323 : f32 to vector<16x256xf32>
      %max3A_325 = arith.maximumf %get3A_319, %max3A_324 : vector<16x256xf32>
      %div3A = arith.divf %get3A_322, %max3A_325 : vector<16x256xf32>
      %gt3A = arith.constant 0.000000e+00 : f32
      %gt3A_326 = vector.broadcast %gt3A : f32 to vector<16x256xf32>
      %gt3A_327 = arith.cmpf ogt, %get3A_319, %gt3A_326 : vector<16x256xf32>
      %get3A_328 = arith.constant 0 : index
      %get3A_329 = arith.constant 0 : index
      %get3A_330 = vector.load %arg5[%get3A_328, %get3A_329] : memref<16x256xf32, #tpu.memory_space<vmem>>, vector<16x256xf32>
      %jit3A_331 = arith.constant 0.000000e+00 : f32
      %broadcast_in_dim3A_332 = vector.broadcast %jit3A_331 : f32 to vector<16x256xf32>
      %select_n3A_333 = arith.select %gt3A_327, %get3A_330, %broadcast_in_dim3A_332 : vector<16x256xi1>, vector<16x256xf32>
      %concatenate3A = tpu.concatenate %div3A, %select_n3A_333, %get3A_322 in 1 : vector<16x256xf32>, vector<16x256xf32>, vector<16x256xf32> -> vector<16x768xf32>
      %swap3A_334 = arith.constant 0 : index
      %swap3A_335 = arith.constant 0 : index
      %swap3A_336 = vector.load %arg3[%swap3A_334, %swap3A_335] : memref<16x768xf32, #tpu.memory_space<vmem>>, vector<16x768xf32>
      tpu.vector_store %arg3[%swap3A_334, %swap3A_335], %concatenate3A {strides = array<i32>} : memref<16x768xf32, #tpu.memory_space<vmem>>, vector<16x768xf32>,
    } else {
    }
    return
  }
  func.func @transform_0(%arg0: i32) -> (i32, i32) {
    %c0_i32 = arith.constant 0 : i32
    %c0_i32_0 = arith.constant 0 : i32
    return %arg0, %c0_i32 : i32, i32
  }
  func.func @transform_1(%arg0: i32) -> (i32, i32) {
    %c0_i32 = arith.constant 0 : i32
    %c0_i32_0 = arith.constant 0 : i32
    return %arg0, %c0_i32 : i32, i32
  }
  func.func @transform_2(%arg0: i32) -> (i32, i32) {
    %c0_i32 = arith.constant 0 : i32
    %c0_i32_0 = arith.constant 0 : i32
    %c0_i32_1 = arith.constant 0 : i32
    return %c0_i32, %c0_i32_0 : i32, i32
  }
}

module attributes {stable_mosaic.version = 14 : i64} {
  func.func @_mlp_body(%arg0: memref<16x768xf32, #tpu.memory_space<vmem>>, %arg1: memref<768x512xf32, #tpu.memory_space<vmem>>, %arg2: memref<1x512xf32, #tpu.memory_space<vmem>>, %arg3: memref<1x512xf32, #tpu.memory_space<vmem>>, %arg4: memref<1x512xf32, #tpu.memory_space<vmem>>, %arg5: memref<512x256xf32, #tpu.memory_space<vmem>>, %arg6: memref<1x256xf32, #tpu.memory_space<vmem>>, %arg7: memref<1x256xf32, #tpu.memory_space<vmem>>, %arg8: memref<1x256xf32, #tpu.memory_space<vmem>>, %arg9: memref<256x1xf32, #tpu.memory_space<vmem>>, %arg10: memref<1x1xf32, #tpu.memory_space<vmem>>, %arg11: memref<16x1xf32, #tpu.memory_space<vmem>>) attributes {dimension_semantics = [], scalar_prefetch = 0 : i64, scratch_operands = 0 : i64, tpu.core_type = #tpu.core_type<tc>} {
    %get3A = arith.constant 0 : index
    %get3A_0 = arith.constant 0 : index
    %get3A_1 = vector.load %arg0[%get3A, %get3A_0] : memref<16x768xf32, #tpu.memory_space<vmem>>, vector<16x768xf32>
    %get3A_2 = arith.constant 0 : index
    %get3A_3 = arith.constant 0 : index
    %get3A_4 = vector.load %arg1[%get3A_2, %get3A_3] : memref<768x512xf32, #tpu.memory_space<vmem>>, vector<768x512xf32>
    %dot_general3A = arith.constant dense<0.000000e+00> : vector<16x512xf32>
    %dot_general3A_5 = tpu.matmul %get3A_1, %get3A_4, %dot_general3A {dimension_numbers = #tpu.dot_dimension_numbers<[1], [0], [0], [1], [0, 0, 1, 1], [], []>, transpose_lhs_hint = false} : vector<16x768xf32>, vector<768x512xf32>, vector<16x512xf32> -> vector<16x512xf32>
    %get3A_6 = arith.constant 0 : index
    %get3A_7 = arith.constant 0 : index
    %get3A_8 = vector.load %arg2[%get3A_6, %get3A_7] : memref<1x512xf32, #tpu.memory_space<vmem>>, vector<1x512xf32>
    %add3A = vector.broadcast %get3A_8 : vector<1x512xf32> to vector<16x512xf32>
    %add3A_9 = arith.addf %dot_general3A_5, %add3A : vector<16x512xf32>
    %get3A_10 = arith.constant 0 : index
    %get3A_11 = arith.constant 0 : index
    %get3A_12 = vector.load %arg3[%get3A_10, %get3A_11] : memref<1x512xf32, #tpu.memory_space<vmem>>, vector<1x512xf32>
    %get3A_13 = arith.constant 0 : index
    %get3A_14 = arith.constant 0 : index
    %get3A_15 = vector.load %arg4[%get3A_13, %get3A_14] : memref<1x512xf32, #tpu.memory_space<vmem>>, vector<1x512xf32>
    %reduce_sum3A = arith.constant dense<0.000000e+00> : vector<512xf32>
    %reduce_sum3A_16 = vector.multi_reduction <add>, %add3A_9, %reduce_sum3A [0] : vector<16x512xf32> to vector<512xf32>
    %broadcast_in_dim3A = vector.shape_cast %reduce_sum3A_16 : vector<512xf32> to vector<1x512xf32>
    %div3A = arith.constant 1.600000e+01 : f32
    %div3A_17 = vector.broadcast %div3A : f32 to vector<1x512xf32>
    %div3A_18 = arith.divf %broadcast_in_dim3A, %div3A_17 : vector<1x512xf32>
    %sub3A = vector.broadcast %div3A_18 : vector<1x512xf32> to vector<16x512xf32>
    %sub3A_19 = arith.subf %add3A_9, %sub3A : vector<16x512xf32>
    %sub3A_20 = vector.broadcast %div3A_18 : vector<1x512xf32> to vector<16x512xf32>
    %sub3A_21 = arith.subf %add3A_9, %sub3A_20 : vector<16x512xf32>
    %mul3A = arith.mulf %sub3A_19, %sub3A_21 : vector<16x512xf32>
    %reduce_sum3A_22 = arith.constant dense<0.000000e+00> : vector<512xf32>
    %reduce_sum3A_23 = vector.multi_reduction <add>, %mul3A, %reduce_sum3A_22 [0] : vector<16x512xf32> to vector<512xf32>
    %broadcast_in_dim3A_24 = vector.shape_cast %reduce_sum3A_23 : vector<512xf32> to vector<1x512xf32>
    %div3A_25 = arith.constant 1.600000e+01 : f32
    %div3A_26 = vector.broadcast %div3A_25 : f32 to vector<1x512xf32>
    %div3A_27 = arith.divf %broadcast_in_dim3A_24, %div3A_26 : vector<1x512xf32>
    %sub3A_28 = vector.broadcast %div3A_18 : vector<1x512xf32> to vector<16x512xf32>
    %sub3A_29 = arith.subf %add3A_9, %sub3A_28 : vector<16x512xf32>
    %add3A_30 = arith.constant 9.99999974E-6 : f32
    %add3A_31 = vector.broadcast %add3A_30 : f32 to vector<1x512xf32>
    %add3A_32 = arith.addf %div3A_27, %add3A_31 : vector<1x512xf32>
    %rsqrt3A = math.rsqrt %add3A_32 : vector<1x512xf32>
    %mul3A_33 = vector.broadcast %rsqrt3A : vector<1x512xf32> to vector<16x512xf32>
    %mul3A_34 = arith.mulf %sub3A_29, %mul3A_33 : vector<16x512xf32>
    %mul3A_35 = vector.broadcast %get3A_12 : vector<1x512xf32> to vector<16x512xf32>
    %mul3A_36 = arith.mulf %mul3A_34, %mul3A_35 : vector<16x512xf32>
    %add3A_37 = vector.broadcast %get3A_15 : vector<1x512xf32> to vector<16x512xf32>
    %add3A_38 = arith.addf %mul3A_36, %add3A_37 : vector<16x512xf32>
    %max3A = arith.constant 0.000000e+00 : f32
    %max3A_39 = vector.broadcast %max3A : f32 to vector<16x512xf32>
    %max3A_40 = arith.maximumf %add3A_38, %max3A_39 : vector<16x512xf32>
    %get3A_41 = arith.constant 0 : index
    %get3A_42 = arith.constant 0 : index
    %get3A_43 = vector.load %arg5[%get3A_41, %get3A_42] : memref<512x256xf32, #tpu.memory_space<vmem>>, vector<512x256xf32>
    %dot_general3A_44 = arith.constant dense<0.000000e+00> : vector<16x256xf32>
    %dot_general3A_45 = tpu.matmul %max3A_40, %get3A_43, %dot_general3A_44 {dimension_numbers = #tpu.dot_dimension_numbers<[1], [0], [0], [1], [0, 0, 1, 1], [], []>, transpose_lhs_hint = false} : vector<16x512xf32>, vector<512x256xf32>, vector<16x256xf32> -> vector<16x256xf32>
    %get3A_46 = arith.constant 0 : index
    %get3A_47 = arith.constant 0 : index
    %get3A_48 = vector.load %arg6[%get3A_46, %get3A_47] : memref<1x256xf32, #tpu.memory_space<vmem>>, vector<1x256xf32>
    %add3A_49 = vector.broadcast %get3A_48 : vector<1x256xf32> to vector<16x256xf32>
    %add3A_50 = arith.addf %dot_general3A_45, %add3A_49 : vector<16x256xf32>
    %get3A_51 = arith.constant 0 : index
    %get3A_52 = arith.constant 0 : index
    %get3A_53 = vector.load %arg7[%get3A_51, %get3A_52] : memref<1x256xf32, #tpu.memory_space<vmem>>, vector<1x256xf32>
    %get3A_54 = arith.constant 0 : index
    %get3A_55 = arith.constant 0 : index
    %get3A_56 = vector.load %arg8[%get3A_54, %get3A_55] : memref<1x256xf32, #tpu.memory_space<vmem>>, vector<1x256xf32>
    %reduce_sum3A_57 = arith.constant dense<0.000000e+00> : vector<256xf32>
    %reduce_sum3A_58 = vector.multi_reduction <add>, %add3A_50, %reduce_sum3A_57 [0] : vector<16x256xf32> to vector<256xf32>
    %broadcast_in_dim3A_59 = vector.shape_cast %reduce_sum3A_58 : vector<256xf32> to vector<1x256xf32>
    %div3A_60 = arith.constant 1.600000e+01 : f32
    %div3A_61 = vector.broadcast %div3A_60 : f32 to vector<1x256xf32>
    %div3A_62 = arith.divf %broadcast_in_dim3A_59, %div3A_61 : vector<1x256xf32>
    %sub3A_63 = vector.broadcast %div3A_62 : vector<1x256xf32> to vector<16x256xf32>
    %sub3A_64 = arith.subf %add3A_50, %sub3A_63 : vector<16x256xf32>
    %sub3A_65 = vector.broadcast %div3A_62 : vector<1x256xf32> to vector<16x256xf32>
    %sub3A_66 = arith.subf %add3A_50, %sub3A_65 : vector<16x256xf32>
    %mul3A_67 = arith.mulf %sub3A_64, %sub3A_66 : vector<16x256xf32>
    %reduce_sum3A_68 = arith.constant dense<0.000000e+00> : vector<256xf32>
    %reduce_sum3A_69 = vector.multi_reduction <add>, %mul3A_67, %reduce_sum3A_68 [0] : vector<16x256xf32> to vector<256xf32>
    %broadcast_in_dim3A_70 = vector.shape_cast %reduce_sum3A_69 : vector<256xf32> to vector<1x256xf32>
    %div3A_71 = arith.constant 1.600000e+01 : f32
    %div3A_72 = vector.broadcast %div3A_71 : f32 to vector<1x256xf32>
    %div3A_73 = arith.divf %broadcast_in_dim3A_70, %div3A_72 : vector<1x256xf32>
    %sub3A_74 = vector.broadcast %div3A_62 : vector<1x256xf32> to vector<16x256xf32>
    %sub3A_75 = arith.subf %add3A_50, %sub3A_74 : vector<16x256xf32>
    %add3A_76 = arith.constant 9.99999974E-6 : f32
    %add3A_77 = vector.broadcast %add3A_76 : f32 to vector<1x256xf32>
    %add3A_78 = arith.addf %div3A_73, %add3A_77 : vector<1x256xf32>
    %rsqrt3A_79 = math.rsqrt %add3A_78 : vector<1x256xf32>
    %mul3A_80 = vector.broadcast %rsqrt3A_79 : vector<1x256xf32> to vector<16x256xf32>
    %mul3A_81 = arith.mulf %sub3A_75, %mul3A_80 : vector<16x256xf32>
    %mul3A_82 = vector.broadcast %get3A_53 : vector<1x256xf32> to vector<16x256xf32>
    %mul3A_83 = arith.mulf %mul3A_81, %mul3A_82 : vector<16x256xf32>
    %add3A_84 = vector.broadcast %get3A_56 : vector<1x256xf32> to vector<16x256xf32>
    %add3A_85 = arith.addf %mul3A_83, %add3A_84 : vector<16x256xf32>
    %max3A_86 = arith.constant 0.000000e+00 : f32
    %max3A_87 = vector.broadcast %max3A_86 : f32 to vector<16x256xf32>
    %max3A_88 = arith.maximumf %add3A_85, %max3A_87 : vector<16x256xf32>
    %get3A_89 = arith.constant 0 : index
    %get3A_90 = arith.constant 0 : index
    %get3A_91 = vector.load %arg9[%get3A_89, %get3A_90] : memref<256x1xf32, #tpu.memory_space<vmem>>, vector<256x1xf32>
    %dot_general3A_92 = arith.constant dense<0.000000e+00> : vector<16x1xf32>
    %dot_general3A_93 = tpu.matmul %max3A_88, %get3A_91, %dot_general3A_92 {dimension_numbers = #tpu.dot_dimension_numbers<[1], [0], [0], [1], [0, 0, 1, 1], [], []>, transpose_lhs_hint = false} : vector<16x256xf32>, vector<256x1xf32>, vector<16x1xf32> -> vector<16x1xf32>
    %get3A_94 = arith.constant 0 : index
    %get3A_95 = arith.constant 0 : index
    %get3A_96 = vector.load %arg10[%get3A_94, %get3A_95] : memref<1x1xf32, #tpu.memory_space<vmem>>, vector<1x1xf32>
    %add3A_97 = vector.broadcast %get3A_96 : vector<1x1xf32> to vector<16x1xf32>
    %add3A_98 = arith.addf %dot_general3A_93, %add3A_97 : vector<16x1xf32>
    %swap3A = arith.constant 0 : index
    %swap3A_99 = arith.constant 0 : index
    %swap3A_100 = vector.load %arg11[%swap3A, %swap3A_99] : memref<16x1xf32, #tpu.memory_space<vmem>>, vector<16x1xf32>
    tpu.vector_store %arg11[%swap3A, %swap3A_99], %add3A_98 {strides = array<i32>} : memref<16x1xf32, #tpu.memory_space<vmem>>, vector<16x1xf32>,
    return
  }
}

</mosaic_0001>

<sc_bundles>
// kernel: kernel.21.cloned.1.call-start
scs
__scs_entry_jumppad:
0x0: {  	(pc) =	sbr.rel $0x88, $3  }
0x1: {  	(tag) =	ssettag $0x0;
	lr =	simm.s32 $0x1  }
0x2: {  	[smem:$0x3F84] =	sst lr;
	_ =	strace $0xD0000000  }
0x3: {  	_ = 	snop  }
0x4: {  	_ = 	snop  }
0x5: {  	_ = 	snop  }
0x6: {  	_ = 	snop  }
0x7: {  	_ = 	snop  }
__scs_overlays_trampoline_lowered:
0x8: {  	[smem:$0x3F93] =	sst s0  }
0x9: {  	[smem:$0x3F94] =	sst s1  }
0xa: {  	[smem:$0x3F95] =	sst s2  }
0xb: {  	[smem:$0x3F96] =	sst s3  }
0xc: {  	[smem:$0x3F97] =	sst s4  }
0xd: {  	[smem:$0x3F98] =	sst s5  }
0xe: {  	[smem:$0x3F99] =	sst s6  }
0xf: {  	[smem:$0x3F9A] =	sst s7  }
0x10: {  	[smem:$0x3F9B] =	sst s8  }
0x11: {  	[smem:$0x3F9C] =	sst s9;
	s0 =	simm.s32 @!p0 $0x0  }
0x12: {  	s1 =	sld [smem:$0x3F82];
	s0 =	simm.s32 @p0 $0x1  }
0x13: {  	[smem:$0x3F9D] =	sst s0;
	s0 =	simm.s32 @!p1 $0x0  }
0x14: {  	s2 =	sld [smem:$0x3F81];
	s0 =	simm.s32 @p1 $0x1  }
0x15: {  	[smem:$0x3F9E] =	sst s0;
	s0 =	simm.s32 @!p2 $0x0  }
0x16: {  	s3 =	sld [smem:$0x3FDB];
	s0 =	simm.s32 @p2 $0x1  }
0x17: {  	s4 =	simm.s32 $0x1BF5;
	[smem:$0x3FA0] =	sst s0  }
0x18: {  	s0 =	sld [smem:$0x3F83];
	_ =	swait.ge [sflag:s4], $0x0  }
0x19: {  	s7 =	sld [smem:$0x3F84]  }
0x1a: {  	s8 =	sadd.s32 $0xFFFFE003, lr  }
0x1b: {  	s9 =	sadd.s32 $0xFFFFFEF7, lr;
	s5 =	simm.s32 $0xFFFFFFFF;
	p2 =	slt.u32 s8, $0xFFFFF086  }
0x1c: {  	p1 =	slt.u32 s9, $0xF7A;
	s5 =	simm.s32 @!p2 $0x0  }
0x1d: {  	s5 =	simm.s32 @p1 $0x1;
	p0 =	seq.s32 s7, s2  }
0x1e: {  	s7 =	smul.u32 @!p0 $0xF7A, s2;
	p2 =	seq.s32 @!p0 s5, $0x0  }
0x1f: {  	s9 =	smul.u32 $0xF7A, s1;
	s8 =	simm.s32 @!p0 $0x1BF5;
	p2 =	por !p2, p0  }
0x20: {  	[sflag:s8] =	ssyncset.s32 @!p0 $0xFFFFF086;
	s6 =	sadd.s32 @!p0 s3, s7;
	s7 =	simm.s32 @!p0 $0x108  }
0x21: {  	s3 =	sadd.s32 s3, s9;
	s6 =	sadd.s32 @!p0 $0x88, s6;
	s7 =	simm.s32 @p2 $0x1082  }
0x22: {  	[simem:s7], [sflag:s8] =	dma.local @!p0 [hbm:s6], $0xF7A  }
0x23: {  	s9 =	sor.u32 $0xD0000000, s2;
	s6 =	simm.s32 $0x108;
	_ =	swait.ge @!p0 [sflag:s8], $0x0  }
0x24: {  	s3 =	sadd.s32 $0x88, s3;
	s6 =	simm.s32 @!p1 $0x1082;
	[sflag:s4] =	ssyncset.s32 $0xFFFFF086  }
0x25: {  	[simem:s6], [sflag:s4] =	dma.local [hbm:s3], $0xF7A  }
0x26: {  	[smem:$0x3F84] =	sst s1;
	(tag) =	ssettag s2;
	_ =	strace s9  }
0x27: {  	s1 =	sld [smem:$0x3F94]  }
0x28: {  	s2 =	sld [smem:$0x3F95]  }
0x29: {  	s4 =	sld [smem:$0x3F97]  }
0x2a: {  	p0 =	seq.s32 s5, $0x0;
	s5 =	sld [smem:$0x3F98]  }
0x2b: {  	s6 =	sld [smem:$0x3F99]  }
0x2c: {  	s7 =	sld [smem:$0x3F9A]  }
0x2d: {  	s3 =	simm.s32 $0x108;
	s8 =	sld [smem:$0x3F9B]  }
0x2e: {  	s3 =	simm.s32 @!p0 $0x1082;
	s9 =	sld [smem:$0x3F9C]  }
0x2f: {  	lr =	sadd.s32 s0, s3;
	s0 =	sld [smem:$0x3F93]  }
0x30: {  	s3 =	sld [smem:$0x3F96]  }
0x31: {  	[smem:$0x3F9F] =	sst s10  }
0x32: {  	s10 =	sld [smem:$0x3F9D];
	_ =	sdelay $0x3  }
0x33: {  	p0 =	seq.s32 s10, $0x1;
	s10 =	sld [smem:$0x3F9F];
	_ =	sdelay $0x3  }
0x34: {  	[smem:$0x3F9F] =	sst s10  }
0x35: {  	s10 =	sld [smem:$0x3F9E];
	_ =	sdelay $0x3  }
0x36: {  	p1 =	seq.s32 s10, $0x1;
	s10 =	sld [smem:$0x3F9F];
	_ =	sdelay $0x3  }
0x37: {  	[smem:$0x3F9F] =	sst s10  }
0x38: {  	s10 =	sld [smem:$0x3FA0]  }
0x39: {  	_ = 	snop;
	(pc) =	sbr.ind lr, $3  }
0x3a: {  	_ = 	snop  }
0x3b: {  	_ = 	snop  }
0x3c: {  	p2 =	seq.s32 s10, $0x1;
	s10 =	sld [smem:$0x3F9F]  }
0x3d: {  	_ =	shalt  }
0x3e: {  	_ =	shalt  }
0x3f: {  	_ =	shalt  }
0x40: {  	_ =	shalt  }
0x41: {  	_ =	shalt  }
0x42: {  	_ =	shalt  }
0x43: {  	_ =	shalt  }
0x44: {  	_ =	shalt  }
0x45: {  	_ =	shalt  }
0x46: {  	_ =	shalt  }
0x47: {  	_ =	shalt  }
0x48: {  	_ =	shalt  }
0x49: {  	_ =	shalt  }
0x4a: {  	_ =	shalt  }
0x4b: {  	_ =	shalt  }
0x4c: {  	_ =	shalt  }
0x4d: {  	_ =	shalt  }
0x4e: {  	_ =	shalt  }
0x4f: {  	_ =	shalt  }
0x50: {  	_ =	shalt  }
0x51: {  	_ =	shalt  }
0x52: {  	_ =	shalt  }
0x53: {  	_ =	shalt  }
0x54: {  	_ =	shalt  }
0x55: {  	_ =	shalt  }
0x56: {  	_ =	shalt  }
0x57: {  	_ =	shalt  }
0x58: {  	_ =	shalt  }
0x59: {  	_ =	shalt  }
0x5a: {  	_ =	shalt  }
0x5b: {  	_ =	shalt  }
0x5c: {  	_ =	shalt  }
0x5d: {  	_ =	shalt  }
0x5e: {  	_ =	shalt  }
0x5f: {  	_ =	shalt  }
0x60: {  	_ =	shalt  }
0x61: {  	_ =	shalt  }
0x62: {  	_ =	shalt  }
0x63: {  	_ =	shalt  }
0x64: {  	_ =	shalt  }
0x65: {  	_ =	shalt  }
0x66: {  	_ =	shalt  }
0x67: {  	_ =	shalt  }
0x68: {  	_ =	shalt  }
0x69: {  	_ =	shalt  }
0x6a: {  	_ =	shalt  }
0x6b: {  	_ =	shalt  }
0x6c: {  	_ =	shalt  }
0x6d: {  	_ =	shalt  }
0x6e: {  	_ =	shalt  }
0x6f: {  	_ =	shalt  }
0x70: {  	_ =	shalt  }
0x71: {  	_ =	shalt  }
0x72: {  	_ =	shalt  }
0x73: {  	_ =	shalt  }
0x74: {  	_ =	shalt  }
0x75: {  	_ =	shalt  }
0x76: {  	_ =	shalt  }
0x77: {  	_ =	shalt  }
0x78: {  	_ =	shalt  }
0x79: {  	_ =	shalt  }
0x7a: {  	_ =	shalt  }
0x7b: {  	_ =	shalt  }
0x7c: {  	_ =	shalt  }
0x7d: {  	_ =	shalt  }
0x7e: {  	_ =	shalt  }
0x7f: {  	_ =	shalt  }
0x80: {  	_ =	shalt  }
0x81: {  	_ =	shalt  }
0x82: {  	_ =	shalt  }
0x83: {  	_ =	shalt  }
0x84: {  	_ =	shalt  }
0x85: {  	_ =	shalt  }
0x86: {  	_ =	shalt  }
0x87: {  	_ =	shalt  }
.Lfunc_end0:
.L_simem_size_0:
called_computation_lowered:
.L_overlay_start_0:
0x88: {  	s2 =	sld [smem:$0x3FD9]  }
0x89: {  	s3 =	sld [smem:$0x3FFE];
	_ =	sdelay $0x1  }
0x8a: {  	s1 =	srdreg.scid  }
0x8b: {  	s0 =	sand.u32 $0x1, s1  }
0x8c: {  	s17 =	sshll.u32 s0, $0xA;
	s2 =	sadd.s32 s3, s2  }
0x8d: {  	s2 =	sadd.s32 s2, s17  }
0x8e: {  	[smem:$0x3FAB] =	sst s2  }
0x8f: {  	_ = 	snop  }
0x90: {  	s2 =	sld [smem:$0x3FD0];
	(tm) =	ssettm $0x1  }
0x91: {  	s18 =	sld [smem:$0x3FFB];
	_ =	sdelay $0x3  }
0x92: {  	_ =	strace s18  }
0x93: {  	s3 =	sld [smem:$0x3FFC];
	_ =	sdelay $0x3  }
0x94: {  	_ =	strace s3  }
0x95: {  	s3 =	sld [smem:$0x3FFD];
	_ =	sdelay $0x3  }
0x96: {  	_ =	strace s3  }
0x97: {  	_ =	strace $0x8FFFFFFF  }
0x98: {  	s19 =	sld [smem:$0x3FDB];
	_ =	sdelay $0x1  }
0x99: {  	s4 =	simm.s32 $_scs_section_size  }
0x9a: {  	s5 =	simm.s32 $_size__tile_overlayer_lowered;
	s6 =	simm.s32 $_tile_overlayer_lowered  }
0x9b: {  	s22 =	simm.s32 $0x1BFF;
	s21 =	sshll.u32 s6, $0x1;
	s3 =	sadd.s32 s4, s19  }
0x9c: {  	s7 =	simm.s32 $0x0;
	s20 =	sshll.u32 s5, $0x1;
	s5 =	sadd.s32 s21, s3  }
0x9d: {  	[timem:s7], [sflag:s22] =	dma.local [hbm:s5], s20  }
0x9e: {  	_ =	swait.ge [sflag:s22], s20  }
0x9f: {  	s4 =	ssub.s32 $0x0, s20;
	[sflag:s22] =	ssyncset.done $0x0  }
0xa0: {  	[sflag:s22] =	ssyncadd.s32 s4;
	_ =	sdelay $0x1  }
0xa1: {  	s23 =	simm.s32 $0x1B8B  }
0xa2: {  	_ =	swait.ge [sflag:s23], $0x1  }
0xa3: {  	[sflag:s23] =	ssyncset.done $0x0  }
0xa4: {  	s25 =	simm.s32 $0x1B8E;
	s24 =	sld [smem:$0x3FFE];
	[sflag:s23] =	ssyncadd.s32 $0xFFFFFFFF  }
0xa5: {  	s26 =	simm.s32 $execute0_lowered;
	[smem:$0x3FD2] =	sst s25  }
0xa6: {  	s5 =	sshll.u32 s26, $0x1;
	_ =	strace $0x80000046;
	[dreg:$0x1] =	wrdreg $0xFFFFFFFF  }
0xa7: {  	s28 =	simm.s32 $_size_execute0_lowered;
	s3 =	sadd.s32 s3, s5;
	[dreg:$0x0] =	wrdreg $0x0  }
0xa8: {  	s5 =	sshll.u32 s28, $0x1;
	[dreg:$0x2] =	wrdreg s3  }
0xa9: {  	[dreg:$0x3] =	wrdreg s5  }
0xaa: {  	[dreg:$0x4] =	wrdreg $0xC0  }
0xab: {  	_ =	task [dreg:s7], $0x5FFFF  }
0xac: {  	[dreg:$0x1] =	wrdreg $0xFFFFFFFF  }
0xad: {  	[dreg:$0x0] =	wrdreg $0x60  }
0xae: {  	[dreg:$0x2] =	wrdreg s24  }
0xaf: {  	[dreg:$0x3] =	wrdreg s2  }
0xb0: {  	[dreg:$0x4] =	wrdreg $0x2000  }
0xb1: {  	[dreg:$0x5] =	wrdreg $0x9  }
0xb2: {  	_ =	task.clear_ibuf [dreg:s7], $0x6FFFF;
	_ =	strace $0x90000046  }
0xb3: {  	s29 =	simm.s32 $0x9;
	_ =	strace $0x80000048  }
0xb4: {  	_ =	swait.ge [sflag:s29], $0x1  }
0xb5: {  	[sflag:s29] =	ssyncadd.s32 $0xFFFFFFFF  }
0xb6: {  	_ =	strace $0x90000048  }
0xb7: {  	_ =	sfence  }
0xb8: {  	s30 =	sld [smem:$0x0];
	_ =	sdelay $0x2  }
0xb9: {  	s31 =	sshll.u32 s1, $0xD;
	s1 =	sshrl.u32 s1, $0x2  }
0xba: {  	s3 =	sand.u32 $0x4000, s31;
	s1 =	sadd.s32 s1, s30  }
0xbb: {  	s0 =	sor.u32 s3, s0;
	s1 =	sshll.u32 s1, $0x11  }
0xbc: {  	s0 =	sor.u32 s1, s0  }
0xbd: {  	s0 =	sadd.s32 $0x8F2B, s0  }
0xbe: {  	[sflag:s0] =	ssyncadd.remote.s32 $0x1  }
0xbf: {  	_ =	sfence.sel $0xFFFF  }
0xc0: {  	[dreg:$0x0] =	wrdreg $0xFFFFFFFF;
	(pc) =	sbr.abs _section_cstart, $3  }
0xc1: {  	[dreg:$0x1] =	wrdreg $0xFFFFFFFF  }
0xc2: {  	_ =	task.clear_ibuf [dreg:s7], $0x2FFFF;
	_ =	strace $0x9FFFFFFF  }
0xc3: {  	(tm) =	ssettm $0x7FFFFFFF  }
tec
execute0_lowered:
.L_overlay_start_1:
0x0: {  	(tag) =	ssettag $0x1  }
0x1: {  	s5 =	rddreg [dreg:$0x0]  }
0x2: {  	s2 =	rddreg [dreg:$0x1]  }
0x3: {  	s3 =	rddreg [dreg:$0x2]  }
0x4: {  	s0 =	rddreg [dreg:$0x3]  }
0x5: {  	s1 =	stileid.u32;
	s6 =	srdreg.scid;
	s4 =	simm.s32 $0x0  }
0x6: {  	s14 =	simm.s32 $0x100;
	s15 =	simm.s32 $0x180;
	s7 =	smul.u32 $0x280, s1  }
0x7: {  	s16 =	simm.s32 $0x10;
	s17 =	simm.s32 $0x0;
	s12 =	smul.u32 $0x2710, s1  }
0x8: {  	s6 =	sand.u32 $0x1, s6;
	[smem:$0x7FF] =	sst s4;
	s31 =	smul.u32 $0x4E2, s1  }
0x9: {  	s10 =	sadd.s32 $0x6600, s5;
	s29 =	sshll.u32 s1, $0x6;
	s8 =	smul.u32 $0x2800, s6  }
0xa: {  	_ =	strace $0x80000047;
	s6 =	ssub.s32 $0x2, s6;
	s9 =	sshrl.u32 s7, $0x3  }
0xb: {  	s11 =	sshrl.u32 s6, $0x1;
	s13 =	sadd.s32 s7, s3;
	s28 =	sshrl.u32 s12, $0x3  }
0xc: {  	s12 =	simm.s32 $0x1;
	s8 =	sadd.s32 s7, s8;
	s9 =	sadd.s32 s9, s5  }
0xd: {  	s11 =	ssub.s32 s6, s11;
	s30 =	sadd.s32 s10, s28;
	s6 =	sor.u32 $0x1C01, s29  }
0xe: {  	s10 =	sadd.s32 s31, s10;
	s8 =	sshrl.u32 s8, $0x3;
	s7 =	sadd.s32 $0x4E0, s30  }
0xf: {  	s8 =	sadd.s32 s8, s5;
	s5 =	sadd.s32 $0xB600, s9;
	s9 =	smax.u32 s11, $0x1  }
0x10: {  	s11 =	sshrl.u32 s13, $0x3;
	s13 =	simm.s32 $0x80;
	s8 =	sadd.s32 $0xBC00, s8  }
.LBB2_1:
0x11: {  	[spmem:s11], [sflag:s6] =	dma.local [hbm:s5], $0x50  }
0x12: {  	_ =	swait.ge [sflag:s12], $0x50  }
0x13: {  	[sflag:s12] =	ssyncset.done $0x0  }
0x14: {  	[sflag:s12] =	ssyncadd.s32 $0xFFFFFFB0  }
0x15: {  	[tilespmem:s13], [sflag:$0x1] =	stream.linear.gather [hbm4b:s2+s4], $0x80, $0x38;
	[tilespmem:$0x480] =	vst v63  }
0x16: {  	_ =	swait.ge [sflag:s12], $0x80  }
0x17: {  	[sflag:s12] =	ssyncset.done $0x0  }
0x18: {  	[sflag:s12] =	ssyncadd.s32 $0xFFFFFF80  }
0x19: {  	s18 =	sadd.s32 $0x0, s10;
	[bflag:$0x0] =	sbarrier.arrive $0xFFFF  }
0x1a: {  	[tilespmem:s4], [sflag:$0x1] =	stream.linear.gather [hbm4b:s18+s4], $0x80, $0x38;
	[tilespmem:$0x480] =	vst v63  }
0x1b: {  	_ =	swait.ge [sflag:s12], $0x80  }
0x1c: {  	[sflag:s12] =	ssyncset.done $0x0  }
0x1d: {  	[sflag:s12] =	ssyncadd.s32 $0xFFFFFF80  }
0x1e: {  	[spmem:s3] =	stream.indirect.scatter.add.f32 [tilespmem:s13], [sflag:$0x1], $0x1, s4, s13, $0xb8;
	[tilespmem:$0x480] =	vst v63  }
0x1f: {  	_ =	swait.ge [sflag:s12], $0x80  }
0x20: {  	s19 =	simm.s32 $0x20;
	s18 =	simm.s32 $0x10;
	[sflag:s12] =	ssyncset.done $0x0  }
.LBB2_2:
0x21: {  	s20 =	sadd.s32 s18, s10  }
0x22: {  	[sflag:s12] =	ssyncadd.s32 $0xFFFFFF80;
	s18 =	smov.u32 s19;
	s21 =	sadd.s32 $0x10, s19  }
0x23: {  	[tilespmem:s4], [sflag:$0x1] =	stream.linear.gather [hbm4b:s20+s4], $0x80, $0x38;
	[tilespmem:$0x480] =	vst v63  }
0x24: {  	p0 =	sne.s32 s19, $0x4D0;
	_ =	swait.ge [sflag:s12], $0x80  }
.Ltmp0:
0x25: {  	[sflag:s12] =	ssyncset.done $0x0;
	(pc) =	sbr.rel @p0 .LBB2_2-.Ltmp0, $4  }
0x26: {  	[sflag:s12] =	ssyncadd.s32 $0xFFFFFF80  }
0x27: {  	[spmem:s3] =	stream.indirect.scatter.add.f32 [tilespmem:s13], [sflag:$0x1], $0x1, s4, s13, $0xb8;
	[tilespmem:$0x480] =	vst v63  }
0x28: {  	_ =	swait.ge [sflag:s12], $0x80  }
0x29: {  	s19 =	smov.u32 s21;
	[sflag:s12] =	ssyncset.done $0x0  }
0x2a: {  	s18 =	sadd.s32 s18, s10;
	[sflag:s12] =	ssyncadd.s32 $0xFFFFFF80  }
0x2b: {  	[tilespmem:s4], [sflag:$0x1] =	stream.linear.gather [hbm4b:s18+s4], $0x80, $0x38;
	[tilespmem:$0x480] =	vst v63  }
0x2c: {  	_ =	swait.ge [sflag:s12], $0x80  }
0x2d: {  	[sflag:s12] =	ssyncset.done $0x0  }
0x2e: {  	[sflag:s12] =	ssyncadd.s32 $0xFFFFFF80  }
0x2f: {  	[spmem:s3] =	stream.indirect.scatter.add.f32 [tilespmem:s13], [sflag:$0x1], $0x1, s4, s13, $0xb8;
	[tilespmem:$0x480] =	vst v63  }
0x30: {  	_ =	swait.ge [sflag:s12], $0x80  }
0x31: {  	[sflag:s12] =	ssyncset.done $0x0  }
0x32: {  	[sflag:s12] =	ssyncadd.s32 $0xFFFFFF80  }
0x33: {  	[tilespmem:s14], [sflag:$0x1] =	stream.linear.gather [hbm4b:s7+s4], $0x10, $0x38;
	[tilespmem:$0x480] =	vst v63  }
0x34: {  	_ =	swait.ge [sflag:s12], $0x10  }
0x35: {  	[sflag:s12] =	ssyncset.done $0x0  }
0x36: {  	[sflag:s12] =	ssyncadd.s32 $0xFFFFFFF0  }
0x37: {  	[tilespmem:s15], [sflag:$0x1] =	stream.linear.gather [hbm4b:s2+s4], $0x10, $0x38;
	[tilespmem:$0x480] =	vst v63  }
0x38: {  	_ =	swait.ge [sflag:s12], $0x10  }
0x39: {  	[sflag:s12] =	ssyncset.done $0x0  }
0x3a: {  	[sflag:s12] =	ssyncadd.s32 $0xFFFFFFF0  }
0x3b: {  	[spmem:s3] =	stream.indirect.scatter.add.f32 [tilespmem:s15], [sflag:$0x1], $0x1, s14, s16, $0xb8;
	[tilespmem:$0x480] =	vst v63  }
0x3c: {  	_ =	swait.ge [sflag:s12], $0x10  }
0x3d: {  	s17 =	sadd.s32 $0x1, s17;
	[sflag:s12] =	ssyncset.done $0x0  }
0x3e: {  	p0 =	sne.s32 s17, s9;
	[sflag:s12] =	ssyncadd.s32 $0xFFFFFFF0  }
.Ltmp1:
0x3f: {  	[bflag:$0x0] =	sbarrier.arrive $0xFFFF;
	(pc) =	sbr.rel @p0 .LBB2_1-.Ltmp1, $4  }
0x40: {  	[hbm:s8], [sflag:s6] =	dma.local [spmem:s11], $0x50  }
0x41: {  	_ =	swait.ge [sflag:s12], $0x50  }
0x42: {  	[sflag:s12] =	ssyncset.done $0x0  }
0x43: {  	[sflag:s12] =	ssyncadd.s32 $0xFFFFFFB0  }
0x44: {  	_ =	sfence.sel $0x180000  }
0x45: {  	[bflag:$0x0] =	sbarrier.arrive $0xFFFF  }
0x46: {  	p0 =	sne.s32 s1, $0x0;
	_ =	strace $0x90000047  }
0x47: {  	s0 =	sadd.s32 @!p0 $0x100000, s0;
	[bflag:$0x2] =	sbarrier.arrive $0xFFFF  }
0x48: {  	[sflag:s0] =	ssyncadd.tile.s32 @!p0 $0x1;
	_ =	shalt  }
.Lfunc_end2:
_tile_overlayer_lowered:
.L_overlay_start_2:
0x49: {  	(tag) =	ssettag $0x2  }
0x4a: {  	s0 =	rddreg [dreg:$0x0];
	s2 =	stileid.u32  }
0x4b: {  	s1 =	rddreg [dreg:$0x1];
	p0 =	sne.s32 s2, $0x0  }
0x4c: {  	s3 =	rddreg [dreg:$0x2];
	[bflag:$0x3] =	sbarrier.arrive $0xFFFF;
	s2 =	simm.s32 @!p0 $0x1C01  }
0x4d: {  	[timem:s3], [sflag:s2] =	dma.local @!p0 [hbm:s0], s1  }
0x4e: {  	s0 =	simm.s32 @!p0 $0x1  }
0x4f: {  	_ =	swait.ge @!p0 [sflag:s0], s1  }
0x50: {  	s1 =	ssub.s32 @!p0 $0x0, s1;
	[sflag:s0] =	ssyncset.done @!p0 $0x0  }
0x51: {  	[sflag:s0] =	ssyncadd.s32 @!p0 s1  }
0x52: {  	[bflag:$0x3] =	sbarrier.arrive $0xFFFF  }
0x53: {  	_ =	shalt  }

// kernel: kernel.24.cloned.1.call-start
scs
__scs_entry_jumppad:
0x0: {  	(pc) =	sbr.rel $0x88, $3  }
0x1: {  	(tag) =	ssettag $0x0;
	lr =	simm.s32 $0x1  }
0x2: {  	[smem:$0x3F84] =	sst lr;
	_ =	strace $0xD0000000  }
0x3: {  	_ = 	snop  }
0x4: {  	_ = 	snop  }
0x5: {  	_ = 	snop  }
0x6: {  	_ = 	snop  }
0x7: {  	_ = 	snop  }
__scs_overlays_trampoline_lowered:
0x8: {  	[smem:$0x3F93] =	sst s0  }
0x9: {  	[smem:$0x3F94] =	sst s1  }
0xa: {  	[smem:$0x3F95] =	sst s2  }
0xb: {  	[smem:$0x3F96] =	sst s3  }
0xc: {  	[smem:$0x3F97] =	sst s4  }
0xd: {  	[smem:$0x3F98] =	sst s5  }
0xe: {  	[smem:$0x3F99] =	sst s6  }
0xf: {  	[smem:$0x3F9A] =	sst s7  }
0x10: {  	[smem:$0x3F9B] =	sst s8  }
0x11: {  	[smem:$0x3F9C] =	sst s9;
	s0 =	simm.s32 @!p0 $0x0  }
0x12: {  	s1 =	sld [smem:$0x3F82];
	s0 =	simm.s32 @p0 $0x1  }
0x13: {  	[smem:$0x3F9D] =	sst s0;
	s0 =	simm.s32 @!p1 $0x0  }
0x14: {  	s2 =	sld [smem:$0x3F81];
	s0 =	simm.s32 @p1 $0x1  }
0x15: {  	[smem:$0x3F9E] =	sst s0;
	s0 =	simm.s32 @!p2 $0x0  }
0x16: {  	s3 =	sld [smem:$0x3FDB];
	s0 =	simm.s32 @p2 $0x1  }
0x17: {  	s4 =	simm.s32 $0x1BF5;
	[smem:$0x3FA0] =	sst s0  }
0x18: {  	s0 =	sld [smem:$0x3F83];
	_ =	swait.ge [sflag:s4], $0x0  }
0x19: {  	s7 =	sld [smem:$0x3F84]  }
0x1a: {  	s8 =	sadd.s32 $0xFFFFE003, lr  }
0x1b: {  	s9 =	sadd.s32 $0xFFFFFEF7, lr;
	s5 =	simm.s32 $0xFFFFFFFF;
	p2 =	slt.u32 s8, $0xFFFFF086  }
0x1c: {  	p1 =	slt.u32 s9, $0xF7A;
	s5 =	simm.s32 @!p2 $0x0  }
0x1d: {  	s5 =	simm.s32 @p1 $0x1;
	p0 =	seq.s32 s7, s2  }
0x1e: {  	s7 =	smul.u32 @!p0 $0xF7A, s2;
	p2 =	seq.s32 @!p0 s5, $0x0  }
0x1f: {  	s9 =	smul.u32 $0xF7A, s1;
	s8 =	simm.s32 @!p0 $0x1BF5;
	p2 =	por !p2, p0  }
0x20: {  	[sflag:s8] =	ssyncset.s32 @!p0 $0xFFFFF086;
	s6 =	sadd.s32 @!p0 s3, s7;
	s7 =	simm.s32 @!p0 $0x108  }
0x21: {  	s3 =	sadd.s32 s3, s9;
	s6 =	sadd.s32 @!p0 $0x88, s6;
	s7 =	simm.s32 @p2 $0x1082  }
0x22: {  	[simem:s7], [sflag:s8] =	dma.local @!p0 [hbm:s6], $0xF7A  }
0x23: {  	s9 =	sor.u32 $0xD0000000, s2;
	s6 =	simm.s32 $0x108;
	_ =	swait.ge @!p0 [sflag:s8], $0x0  }
0x24: {  	s3 =	sadd.s32 $0x88, s3;
	s6 =	simm.s32 @!p1 $0x1082;
	[sflag:s4] =	ssyncset.s32 $0xFFFFF086  }
0x25: {  	[simem:s6], [sflag:s4] =	dma.local [hbm:s3], $0xF7A  }
0x26: {  	[smem:$0x3F84] =	sst s1;
	(tag) =	ssettag s2;
	_ =	strace s9  }
0x27: {  	s1 =	sld [smem:$0x3F94]  }
0x28: {  	s2 =	sld [smem:$0x3F95]  }
0x29: {  	s4 =	sld [smem:$0x3F97]  }
0x2a: {  	p0 =	seq.s32 s5, $0x0;
	s5 =	sld [smem:$0x3F98]  }
0x2b: {  	s6 =	sld [smem:$0x3F99]  }
0x2c: {  	s7 =	sld [smem:$0x3F9A]  }
0x2d: {  	s3 =	simm.s32 $0x108;
	s8 =	sld [smem:$0x3F9B]  }
0x2e: {  	s3 =	simm.s32 @!p0 $0x1082;
	s9 =	sld [smem:$0x3F9C]  }
0x2f: {  	lr =	sadd.s32 s0, s3;
	s0 =	sld [smem:$0x3F93]  }
0x30: {  	s3 =	sld [smem:$0x3F96]  }
0x31: {  	[smem:$0x3F9F] =	sst s10  }
0x32: {  	s10 =	sld [smem:$0x3F9D];
	_ =	sdelay $0x3  }
0x33: {  	p0 =	seq.s32 s10, $0x1;
	s10 =	sld [smem:$0x3F9F];
	_ =	sdelay $0x3  }
0x34: {  	[smem:$0x3F9F] =	sst s10  }
0x35: {  	s10 =	sld [smem:$0x3F9E];
	_ =	sdelay $0x3  }
0x36: {  	p1 =	seq.s32 s10, $0x1;
	s10 =	sld [smem:$0x3F9F];
	_ =	sdelay $0x3  }
0x37: {  	[smem:$0x3F9F] =	sst s10  }
0x38: {  	s10 =	sld [smem:$0x3FA0]  }
0x39: {  	_ = 	snop;
	(pc) =	sbr.ind lr, $3  }
0x3a: {  	_ = 	snop  }
0x3b: {  	_ = 	snop  }
0x3c: {  	p2 =	seq.s32 s10, $0x1;
	s10 =	sld [smem:$0x3F9F]  }
0x3d: {  	_ =	shalt  }
0x3e: {  	_ =	shalt  }
0x3f: {  	_ =	shalt  }
0x40: {  	_ =	shalt  }
0x41: {  	_ =	shalt  }
0x42: {  	_ =	shalt  }
0x43: {  	_ =	shalt  }
0x44: {  	_ =	shalt  }
0x45: {  	_ =	shalt  }
0x46: {  	_ =	shalt  }
0x47: {  	_ =	shalt  }
0x48: {  	_ =	shalt  }
0x49: {  	_ =	shalt  }
0x4a: {  	_ =	shalt  }
0x4b: {  	_ =	shalt  }
0x4c: {  	_ =	shalt  }
0x4d: {  	_ =	shalt  }
0x4e: {  	_ =	shalt  }
0x4f: {  	_ =	shalt  }
0x50: {  	_ =	shalt  }
0x51: {  	_ =	shalt  }
0x52: {  	_ =	shalt  }
0x53: {  	_ =	shalt  }
0x54: {  	_ =	shalt  }
0x55: {  	_ =	shalt  }
0x56: {  	_ =	shalt  }
0x57: {  	_ =	shalt  }
0x58: {  	_ =	shalt  }
0x59: {  	_ =	shalt  }
0x5a: {  	_ =	shalt  }
0x5b: {  	_ =	shalt  }
0x5c: {  	_ =	shalt  }
0x5d: {  	_ =	shalt  }
0x5e: {  	_ =	shalt  }
0x5f: {  	_ =	shalt  }
0x60: {  	_ =	shalt  }
0x61: {  	_ =	shalt  }
0x62: {  	_ =	shalt  }
0x63: {  	_ =	shalt  }
0x64: {  	_ =	shalt  }
0x65: {  	_ =	shalt  }
0x66: {  	_ =	shalt  }
0x67: {  	_ =	shalt  }
0x68: {  	_ =	shalt  }
0x69: {  	_ =	shalt  }
0x6a: {  	_ =	shalt  }
0x6b: {  	_ =	shalt  }
0x6c: {  	_ =	shalt  }
0x6d: {  	_ =	shalt  }
0x6e: {  	_ =	shalt  }
0x6f: {  	_ =	shalt  }
0x70: {  	_ =	shalt  }
0x71: {  	_ =	shalt  }
0x72: {  	_ =	shalt  }
0x73: {  	_ =	shalt  }
0x74: {  	_ =	shalt  }
0x75: {  	_ =	shalt  }
0x76: {  	_ =	shalt  }
0x77: {  	_ =	shalt  }
0x78: {  	_ =	shalt  }
0x79: {  	_ =	shalt  }
0x7a: {  	_ =	shalt  }
0x7b: {  	_ =	shalt  }
0x7c: {  	_ =	shalt  }
0x7d: {  	_ =	shalt  }
0x7e: {  	_ =	shalt  }
0x7f: {  	_ =	shalt  }
0x80: {  	_ =	shalt  }
0x81: {  	_ =	shalt  }
0x82: {  	_ =	shalt  }
0x83: {  	_ =	shalt  }
0x84: {  	_ =	shalt  }
0x85: {  	_ =	shalt  }
0x86: {  	_ =	shalt  }
0x87: {  	_ =	shalt  }
.Lfunc_end0:
.L_simem_size_0:
called_computation.1_lowered:
.L_overlay_start_0:
0x88: {  	s2 =	sld [smem:$0x3FD9]  }
0x89: {  	s3 =	sld [smem:$0x3FFE];
	_ =	sdelay $0x1  }
0x8a: {  	s1 =	srdreg.scid  }
0x8b: {  	s0 =	sand.u32 $0x1, s1  }
0x8c: {  	s16 =	sshll.u32 s0, $0xA;
	s2 =	sadd.s32 s3, s2  }
0x8d: {  	s2 =	sadd.s32 s2, s16  }
0x8e: {  	[smem:$0x3FAB] =	sst s2  }
0x8f: {  	_ = 	snop  }
0x90: {  	(tm) =	ssettm $0x1  }
0x91: {  	s17 =	sld [smem:$0x3FFB];
	_ =	sdelay $0x3  }
0x92: {  	_ =	strace s17  }
0x93: {  	s2 =	sld [smem:$0x3FFC];
	_ =	sdelay $0x3  }
0x94: {  	_ =	strace s2  }
0x95: {  	s2 =	sld [smem:$0x3FFD];
	_ =	sdelay $0x3  }
0x96: {  	_ =	strace s2  }
0x97: {  	_ =	strace $0x8FFFFFFF  }
0x98: {  	s18 =	sld [smem:$0x3FDB];
	_ =	sdelay $0x1  }
0x99: {  	s19 =	simm.s32 $_scs_section_size  }
0x9a: {  	s4 =	simm.s32 $_size__tile_overlayer_lowered;
	s5 =	simm.s32 $_tile_overlayer_lowered  }
0x9b: {  	s22 =	simm.s32 $0x1BFF;
	s21 =	sshll.u32 s5, $0x1;
	s2 =	sadd.s32 s19, s18  }
0x9c: {  	s6 =	simm.s32 $0x0;
	s20 =	sshll.u32 s4, $0x1;
	s4 =	sadd.s32 s21, s2  }
0x9d: {  	[timem:s6], [sflag:s22] =	dma.local [hbm:s4], s20  }
0x9e: {  	_ =	swait.ge [sflag:s22], s20  }
0x9f: {  	s3 =	ssub.s32 $0x0, s20;
	[sflag:s22] =	ssyncset.done $0x0  }
0xa0: {  	[sflag:s22] =	ssyncadd.s32 s3;
	_ =	sdelay $0x1  }
0xa1: {  	s23 =	simm.s32 $0x1B8B  }
0xa2: {  	_ =	swait.ge [sflag:s23], $0x1  }
0xa3: {  	[sflag:s23] =	ssyncset.done $0x0  }
0xa4: {  	s25 =	simm.s32 $0x1B8E;
	s24 =	sld [smem:$0x3FFE];
	[sflag:s23] =	ssyncadd.s32 $0xFFFFFFFF  }
0xa5: {  	s26 =	simm.s32 $execute0_lowered;
	[smem:$0x3FD2] =	sst s25  }
0xa6: {  	s4 =	sshll.u32 s26, $0x1;
	_ =	strace $0x80000049;
	[dreg:$0x1] =	wrdreg $0xFFFFFFFF  }
0xa7: {  	s28 =	simm.s32 $_size_execute0_lowered;
	s2 =	sadd.s32 s2, s4;
	[dreg:$0x0] =	wrdreg $0x0  }
0xa8: {  	s4 =	sshll.u32 s28, $0x1;
	[dreg:$0x2] =	wrdreg s2  }
0xa9: {  	[dreg:$0x3] =	wrdreg s4  }
0xaa: {  	[dreg:$0x4] =	wrdreg $0xC0  }
0xab: {  	_ =	task [dreg:s6], $0x5FFFF  }
0xac: {  	[dreg:$0x1] =	wrdreg $0xFFFFFFFF  }
0xad: {  	[dreg:$0x0] =	wrdreg $0x60  }
0xae: {  	[dreg:$0x2] =	wrdreg s24  }
0xaf: {  	[dreg:$0x3] =	wrdreg $0x8B000  }
0xb0: {  	[dreg:$0x4] =	wrdreg $0x9  }
0xb1: {  	_ =	task.clear_ibuf [dreg:s6], $0x5FFFF;
	_ =	strace $0x90000049  }
0xb2: {  	s29 =	simm.s32 $0x9;
	_ =	strace $0x8000004B  }
0xb3: {  	_ =	swait.ge [sflag:s29], $0x1  }
0xb4: {  	[sflag:s29] =	ssyncadd.s32 $0xFFFFFFFF  }
0xb5: {  	_ =	strace $0x9000004B  }
0xb6: {  	_ =	sfence  }
0xb7: {  	s30 =	sld [smem:$0x0];
	_ =	sdelay $0x2  }
0xb8: {  	s31 =	sshll.u32 s1, $0xD;
	s1 =	sshrl.u32 s1, $0x2  }
0xb9: {  	s3 =	sand.u32 $0x4000, s31;
	s1 =	sadd.s32 s1, s30  }
0xba: {  	s0 =	sor.u32 s3, s0;
	s1 =	sshll.u32 s1, $0x11  }
0xbb: {  	s0 =	sor.u32 s1, s0  }
0xbc: {  	s0 =	sadd.s32 $0x8F2B, s0  }
0xbd: {  	[sflag:s0] =	ssyncadd.remote.s32 $0x1  }
0xbe: {  	_ =	sfence.sel $0xFFFF  }
0xbf: {  	[dreg:$0x0] =	wrdreg $0xFFFFFFFF;
	(pc) =	sbr.abs _section_cstart, $3  }
0xc0: {  	[dreg:$0x1] =	wrdreg $0xFFFFFFFF  }
0xc1: {  	_ =	task.clear_ibuf [dreg:s6], $0x2FFFF;
	_ =	strace $0x9FFFFFFF  }
0xc2: {  	(tm) =	ssettm $0x7FFFFFFF  }
0xc3: {  	_ =	shalt  }
tec
execute0_lowered:
.L_overlay_start_1:
0x0: {  	(tag) =	ssettag $0x1  }
0x1: {  	s0 =	rddreg [dreg:$0x0]  }
0x2: {  	s2 =	rddreg [dreg:$0x1];
	s3 =	simm.s32 $0x0  }
0x3: {  	s20 =	stileid.u32;
	s7 =	srdreg.scid;
	s28 =	simm.s32 $0x8280  }
0x4: {  	s29 =	simm.s32 $0x10;
	s30 =	simm.s32 $0x8300;
	s31 =	simm.s32 $0x1  }
0x5: {  	[smem:$0x7FF] =	sst s3;
	s4 =	sadd.s32 $0x16400, s0;
	s1 =	smul.u32 $0x2700, s20  }
0x6: {  	s5 =	sadd.s32 $0xC600, s0;
	s6 =	sadd.s32 $0x6600, s0;
	s26 =	smul.u32 $0x4E000, s20  }
0x7: {  	s9 =	sand.u32 $0x1, s7;
	s14 =	sadd.s32 $0x8B800, s0;
	s11 =	smul.u32 $0x2710, s20  }
0x8: {  	s17 =	sadd.s32 $0x138000, s2;
	s24 =	smul.u32 $0x4E2, s20;
	p0 =	sne.s32 s20, $0xF  }
0x9: {  	_ =	strace $0x8000004A;
	s10 =	ssub.s32 $0x2, s9;
	s13 =	smul.u32 $0x27100, s9  }
0xa: {  	[dreg:$0x4] =	wrdreg s17;
	s9 =	smul.u32 $0x138800, s9;
	s8 =	sadd.s32 s1, s0  }
0xb: {  	s12 =	sshrl.u32 s10, $0x1;
	s7 =	sshrl.u32 s26, $0x2;
	s0 =	sadd.s32 $0x8B600, s0  }
0xc: {  	s21 =	sshrl.u32 s11, $0x3;
	s26 =	sadd.s32 s24, s6;
	s16 =	ssub.s32 s10, s12  }
0xd: {  	s19 =	sadd.s32 s7, s2;
	s10 =	sshll.u32 s20, $0x6;
	s8 =	sadd.s32 $0x64600, s8  }
0xe: {  	s12 =	sadd.s32 s11, s13;
	[dreg:$0x5] =	wrdreg s0;
	s11 =	sadd.s32 s6, s21  }
0xf: {  	s23 =	sshrl.u32 s9, $0x3;
	s1 =	sadd.s32 s1, s13;
	s20 =	simm.s32 $0x3  }
0x10: {  	s21 =	simm.s32 $0x80;
	[dreg:$0x3] =	wrdreg s8;
	s7 =	sor.u32 $0x1C03, s10  }
0x11: {  	s18 =	sshrl.u32 s12, $0x3;
	s0 =	sadd.s32 s14, s23;
	s25 =	sadd.s32 $0x4E0, s11  }
0x12: {  	s1 =	sadd.s32 s14, s1;
	s16 =	smax.u32 s16, $0x1;
	s17 =	sadd.s32 $0x80, s12  }
0x13: {  	s19 =	sshrl.u32 s19, $0x3;
	s23 =	simm.s32 $0x2;
	[dreg:$0x8] =	wrdreg s25  }
0x14: {  	s10 =	sadd.s32 s5, s18;
	[dreg:$0x9] =	wrdreg s1;
	s15 =	sadd.s32 $0x27000, s0  }
0x15: {  	s18 =	sadd.s32 $0x10, s26;
	[dreg:$0x6] =	wrdreg s10;
	s22 =	sadd.s32 $0x4E0, s10  }
0x16: {  	s26 =	simm.s32 $0x8200;
	s0 =	simm.s32 $0x0;
	[dreg:$0x7] =	wrdreg s22  }
.LBB2_1:
0x17: {  	s1 =	rddreg [dreg:$0x3]  }
0x18: {  	[spmem:s19], [sflag:s7] =	dma.local [hbm:s1], $0x2700  }
0x19: {  	_ =	swait.ge [sflag:s20], $0x2700  }
0x1a: {  	[sflag:s20] =	ssyncset.done $0x0;
	s1 =	rddreg [dreg:$0x4]  }
0x1b: {  	s6 =	rddreg [dreg:$0x5];
	[sflag:s20] =	ssyncadd.s32 $0xFFFFD900;
	s1 =	sshrl.u32 @!p0 s1, $0x3  }
0x1c: {  	[spmem:s1], [sflag:s7] =	dma.local @!p0 [hbm:s6], $0x100  }
0x1d: {  	s6 =	simm.s32 @!p0 $0x3  }
0x1e: {  	_ =	swait.ge @!p0 [sflag:s6], $0x100  }
0x1f: {  	[sflag:s6] =	ssyncset.done @!p0 $0x0  }
0x20: {  	[sflag:s6] =	ssyncadd.s32 @!p0 $0xFFFFFF00  }
0x21: {  	[bflag:$0x0] =	sbarrier.arrive $0xFFFF  }
0x22: {  	s8 =	rddreg [dreg:$0x6]  }
0x23: {  	[tilespmem:s3], [sflag:$0x3] =	stream.linear.gather [hbm4b:s8+s3], $0x80, $0x38;
	[tilespmem:$0x1C380] =	vst v63  }
0x24: {  	_ =	swait.ge [sflag:s20], $0x80  }
0x25: {  	[sflag:s20] =	ssyncset.done $0x0  }
0x26: {  	[sflag:s20] =	ssyncadd.s32 $0xFFFFFF80  }
0x27: {  	[tilespmem:s21], [sflag:$0x3] =	stream.linear.gather [hbm4b:s11+s3], $0x80, $0x38;
	[tilespmem:$0x1C380] =	vst v63  }
0x28: {  	_ =	swait.ge [sflag:s20], $0x80  }
0x29: {  	s9 =	simm.s32 $0x100;
	s10 =	sand.u32 $0x1, s3;
	[sflag:s20] =	ssyncset.done $0x0  }
0x2a: {  	s12 =	sshrl.u32 s17, $0x3;
	p1 =	seq.s32 s10, $0x1;
	[sflag:s20] =	ssyncadd.s32 $0xFFFFFF80  }
0x2b: {  	[tilespmem:s9], [sflag:$0x1] =	stream.indirect.gather [hbm4b:s4+s21], $0x80, s3, s21, $0xb8;
	[tilespmem:$0x1C380] =	vst v63  }
0x2c: {  	s22 =	sadd.s32 s5, s12;
	s8 =	simm.s32 @p1 $0x0;
	s9 =	simm.s32 @p1 $0x4  }
0x2d: {  	[tilespmem:s8], [sflag:$0x4] =	stream.linear.gather @p1 [hbm4b:s22+s8], $0x80, $0x38;
	[tilespmem:$0x1C380] =	vst v63  }
0x2e: {  	_ =	swait.ge @p1 [sflag:s9], $0x80  }
0x2f: {  	[sflag:s9] =	ssyncset.done @p1 $0x0  }
0x30: {  	s6 =	simm.s32 @p1 $0x80;
	[sflag:s9] =	ssyncadd.s32 @p1 $0xFFFFFF80  }
0x31: {  	[tilespmem:s6], [sflag:$0x4] =	stream.linear.gather @p1 [hbm4b:s18+s8], $0x80, $0x38;
	[tilespmem:$0x1C380] =	vst v63  }
0x32: {  	_ =	swait.ge @p1 [sflag:s9], $0x80  }
0x33: {  	[sflag:s9] =	ssyncset.done @p1 $0x0  }
0x34: {  	s24 =	simm.s32 @p1 $0x100;
	s25 =	simm.s32 @p1 $0x2;
	[sflag:s9] =	ssyncadd.s32 @p1 $0xFFFFFF80  }
0x35: {  	[tilespmem:s24], [sflag:$0x1] =	stream.indirect.gather @p1 [hbm4b:s4+s6], $0x80, s8, s6, $0xb8;
	[tilespmem:$0x1C380] =	vst v63  }
0x36: {  	_ =	swait.ge @p1 [sflag:s25], $0x4000  }
0x37: {  	[sflag:s25] =	ssyncset.done @p1 $0x0  }
0x38: {  	s9 =	simm.s32 @p1 $0x4200;
	s8 =	simm.s32 @p1 $0x4180;
	[sflag:s25] =	ssyncadd.s32 @p1 $0xFFFFC000  }
0x39: {  	[spmem:s2] =	stream.indirect.scatter.add.f32 @p1 [tilespmem:s9], [sflag:$0x3], $0x80, s8, s6, $0xb8;
	[tilespmem:$0x1C380] =	vst v63  }
0x3a: {  	s8 =	simm.s32 @!p1 $0x0;
	s9 =	simm.s32 @!p1 $0x4100;
	s6 =	simm.s32 @!p1 $0x4  }
0x3b: {  	[tilespmem:s9], [sflag:$0x4] =	stream.linear.gather @!p1 [hbm4b:s22+s8], $0x80, $0x38;
	[tilespmem:$0x1C380] =	vst v63  }
0x3c: {  	_ =	swait.ge @!p1 [sflag:s6], $0x80  }
0x3d: {  	[sflag:s6] =	ssyncset.done @!p1 $0x0  }
0x3e: {  	s22 =	simm.s32 @!p1 $0x4180;
	[sflag:s6] =	ssyncadd.s32 @!p1 $0xFFFFFF80  }
0x3f: {  	[tilespmem:s22], [sflag:$0x4] =	stream.linear.gather @!p1 [hbm4b:s18+s8], $0x80, $0x38;
	[tilespmem:$0x1C380] =	vst v63  }
0x40: {  	_ =	swait.ge @!p1 [sflag:s6], $0x80  }
0x41: {  	s25 =	simm.s32 @!p1 $0x80;
	[sflag:s6] =	ssyncset.done @!p1 $0x0  }
0x42: {  	s8 =	simm.s32 @!p1 $0x1;
	s22 =	simm.s32 @!p1 $0x4200;
	[sflag:s6] =	ssyncadd.s32 @!p1 $0xFFFFFF80  }
0x43: {  	[tilespmem:s22], [sflag:$0x2] =	stream.indirect.gather @!p1 [hbm4b:s4+s25], $0x80, s9, s25, $0xb8;
	[tilespmem:$0x1C380] =	vst v63  }
0x44: {  	s13 =	simm.s32 $0x1;
	_ =	swait.ge @!p1 [sflag:s8], $0x4000  }
0x45: {  	s14 =	sand.u32 $0x1, s13;
	[sflag:s8] =	ssyncset.done @!p1 $0x0  }
0x46: {  	s12 =	simm.s32 @!p1 $0x100;
	s24 =	simm.s32 $0x2;
	[sflag:s8] =	ssyncadd.s32 @!p1 $0xFFFFC000  }
0x47: {  	[spmem:s2] =	stream.indirect.scatter.add.f32 @!p1 [tilespmem:s12], [sflag:$0x4], $0x80, s25, s25, $0xb8;
	[tilespmem:$0x1C380] =	vst v63  }
0x48: {  	s6 =	simm.s32 @p1 $0x3;
	s22 =	sadd.s32 $0x10, s18;
	s25 =	sadd.s32 $0x80, s17  }
0x49: {  	p1 =	seq.s32 s14, $0x1;
	s9 =	sshrl.u32 s25, $0x3;
	_ =	swait.ge [sflag:s6], $0x4000  }
.LBB2_2:
0x4a: {  	s12 =	simm.s32 @p1 $0x0  }
0x4b: {  	s13 =	simm.s32 @p1 $0x4;
	[sflag:s6] =	ssyncset.done $0x0;
	s8 =	smov.u32 s24  }
0x4c: {  	s24 =	sadd.s32 $0x1, s24;
	s9 =	sadd.s32 s5, s9;
	[sflag:s6] =	ssyncadd.s32 $0xFFFFC000  }
0x4d: {  	[tilespmem:s12], [sflag:$0x4] =	stream.linear.gather @p1 [hbm4b:s9+s12], $0x80, $0x38;
	[tilespmem:$0x1C380] =	vst v63  }
0x4e: {  	p2 =	sne.s32 s24, $0x4D;
	_ =	swait.ge @p1 [sflag:s13], $0x80  }
0x4f: {  	s6 =	simm.s32 @p1 $0x80;
	[sflag:s13] =	ssyncset.done @p1 $0x0  }
0x50: {  	[sflag:s13] =	ssyncadd.s32 @p1 $0xFFFFFF80  }
0x51: {  	[tilespmem:s6], [sflag:$0x4] =	stream.linear.gather @p1 [hbm4b:s22+s12], $0x80, $0x38;
	[tilespmem:$0x1C380] =	vst v63  }
0x52: {  	_ =	swait.ge @p1 [sflag:s13], $0x80  }
0x53: {  	s10 =	simm.s32 @p1 $0x100;
	s14 =	simm.s32 @p1 $0x2;
	[sflag:s13] =	ssyncset.done @p1 $0x0  }
0x54: {  	[sflag:s13] =	ssyncadd.s32 @p1 $0xFFFFFF80  }
0x55: {  	[tilespmem:s10], [sflag:$0x1] =	stream.indirect.gather @p1 [hbm4b:s4+s6], $0x80, s12, s6, $0xb8;
	[tilespmem:$0x1C380] =	vst v63  }
0x56: {  	_ =	swait.ge @p1 [sflag:s14], $0x4000  }
0x57: {  	s10 =	simm.s32 @p1 $0x4180;
	s12 =	simm.s32 @p1 $0x4200;
	[sflag:s14] =	ssyncset.done @p1 $0x0  }
0x58: {  	[sflag:s14] =	ssyncadd.s32 @p1 $0xFFFFC000  }
0x59: {  	[spmem:s2] =	stream.indirect.scatter.add.f32 @p1 [tilespmem:s12], [sflag:$0x3], $0x80, s10, s6, $0xb8;
	[tilespmem:$0x1C380] =	vst v63  }
0x5a: {  	s10 =	simm.s32 @!p1 $0x0;
	s12 =	simm.s32 @!p1 $0x4100;
	s6 =	simm.s32 @!p1 $0x4  }
0x5b: {  	[tilespmem:s12], [sflag:$0x4] =	stream.linear.gather @!p1 [hbm4b:s9+s10], $0x80, $0x38;
	[tilespmem:$0x1C380] =	vst v63  }
0x5c: {  	_ =	swait.ge @!p1 [sflag:s6], $0x80  }
0x5d: {  	s9 =	simm.s32 @!p1 $0x4180;
	[sflag:s6] =	ssyncset.done @!p1 $0x0  }
0x5e: {  	[sflag:s6] =	ssyncadd.s32 @!p1 $0xFFFFFF80  }
0x5f: {  	[tilespmem:s9], [sflag:$0x4] =	stream.linear.gather @!p1 [hbm4b:s22+s10], $0x80, $0x38;
	[tilespmem:$0x1C380] =	vst v63  }
0x60: {  	s9 =	simm.s32 @!p1 $0x1;
	_ =	swait.ge @!p1 [sflag:s6], $0x80  }
0x61: {  	s13 =	simm.s32 @!p1 $0x4200;
	s10 =	simm.s32 @!p1 $0x80;
	[sflag:s6] =	ssyncset.done @!p1 $0x0  }
0x62: {  	[sflag:s6] =	ssyncadd.s32 @!p1 $0xFFFFFF80  }
0x63: {  	[tilespmem:s13], [sflag:$0x2] =	stream.indirect.gather @!p1 [hbm4b:s4+s10], $0x80, s12, s10, $0xb8;
	[tilespmem:$0x1C380] =	vst v63  }
.Ltmp0:
0x64: {  	s22 =	sadd.s32 $0x10, s22;
	_ =	swait.ge @!p1 [sflag:s9], $0x4000;
	(pc) =	sbr.rel @p2 .LBB2_2-.Ltmp0, $4  }
0x65: {  	s6 =	simm.s32 @p1 $0x3;
	s12 =	simm.s32 @!p1 $0x100;
	[sflag:s9] =	ssyncset.done @!p1 $0x0  }
0x66: {  	s25 =	sadd.s32 $0x80, s25;
	s8 =	sand.u32 $0x1, s8;
	[sflag:s9] =	ssyncadd.s32 @!p1 $0xFFFFC000  }
0x67: {  	[spmem:s2] =	stream.indirect.scatter.add.f32 @!p1 [tilespmem:s12], [sflag:$0x4], $0x80, s10, s10, $0xb8;
	[tilespmem:$0x1C380] =	vst v63  }
0x68: {  	s9 =	sshrl.u32 s25, $0x3;
	p1 =	seq.s32 s8, $0x1;
	_ =	swait.ge [sflag:s6], $0x4000  }
0x69: {  	s8 =	simm.s32 @p1 $0x0;
	[sflag:s6] =	ssyncset.done $0x0  }
0x6a: {  	s10 =	simm.s32 @p1 $0x4;
	s9 =	sadd.s32 s5, s9;
	[sflag:s6] =	ssyncadd.s32 $0xFFFFC000  }
0x6b: {  	[tilespmem:s8], [sflag:$0x4] =	stream.linear.gather @p1 [hbm4b:s9+s8], $0x80, $0x38;
	[tilespmem:$0x1C380] =	vst v63  }
0x6c: {  	_ =	swait.ge @p1 [sflag:s10], $0x80  }
0x6d: {  	[sflag:s10] =	ssyncset.done @p1 $0x0  }
0x6e: {  	s6 =	simm.s32 @p1 $0x80;
	[sflag:s10] =	ssyncadd.s32 @p1 $0xFFFFFF80  }
0x6f: {  	[tilespmem:s6], [sflag:$0x4] =	stream.linear.gather @p1 [hbm4b:s22+s8], $0x80, $0x38;
	[tilespmem:$0x1C380] =	vst v63  }
0x70: {  	_ =	swait.ge @p1 [sflag:s10], $0x80  }
0x71: {  	[sflag:s10] =	ssyncset.done @p1 $0x0  }
0x72: {  	[sflag:s10] =	ssyncadd.s32 @p1 $0xFFFFFF80;
	s10 =	simm.s32 @p1 $0x100  }
0x73: {  	[tilespmem:s10], [sflag:$0x1] =	stream.indirect.gather @p1 [hbm4b:s4+s6], $0x80, s8, s6, $0xb8;
	[tilespmem:$0x1C380] =	vst v63  }
0x74: {  	s8 =	simm.s32 @p1 $0x2  }
0x75: {  	_ =	swait.ge @p1 [sflag:s8], $0x4000  }
0x76: {  	[sflag:s8] =	ssyncset.done @p1 $0x0  }
0x77: {  	s10 =	simm.s32 @p1 $0x4180;
	[sflag:s8] =	ssyncadd.s32 @p1 $0xFFFFC000;
	s8 =	simm.s32 @p1 $0x4200  }
0x78: {  	[spmem:s2] =	stream.indirect.scatter.add.f32 @p1 [tilespmem:s8], [sflag:$0x3], $0x80, s10, s6, $0xb8;
	[tilespmem:$0x1C380] =	vst v63  }
0x79: {  	s6 =	simm.s32 @!p1 $0x0;
	s8 =	simm.s32 @!p1 $0x4100;
	s10 =	simm.s32 @!p1 $0x4  }
0x7a: {  	[tilespmem:s8], [sflag:$0x4] =	stream.linear.gather @!p1 [hbm4b:s9+s6], $0x80, $0x38;
	[tilespmem:$0x1C380] =	vst v63  }
0x7b: {  	_ =	swait.ge @!p1 [sflag:s10], $0x80  }
0x7c: {  	[sflag:s10] =	ssyncset.done @!p1 $0x0  }
0x7d: {  	s9 =	simm.s32 @!p1 $0x4180;
	[sflag:s10] =	ssyncadd.s32 @!p1 $0xFFFFFF80  }
0x7e: {  	[tilespmem:s9], [sflag:$0x4] =	stream.linear.gather @!p1 [hbm4b:s22+s6], $0x80, $0x38;
	[tilespmem:$0x1C380] =	vst v63  }
0x7f: {  	_ =	swait.ge @!p1 [sflag:s10], $0x80  }
0x80: {  	[sflag:s10] =	ssyncset.done @!p1 $0x0  }
0x81: {  	s6 =	simm.s32 @!p1 $0x80;
	s9 =	simm.s32 @!p1 $0x4200;
	[sflag:s10] =	ssyncadd.s32 @!p1 $0xFFFFFF80  }
0x82: {  	[tilespmem:s9], [sflag:$0x2] =	stream.indirect.gather @!p1 [hbm4b:s4+s6], $0x80, s8, s6, $0xb8;
	[tilespmem:$0x1C380] =	vst v63  }
0x83: {  	s8 =	simm.s32 @!p1 $0x1  }
0x84: {  	_ =	swait.ge @!p1 [sflag:s8], $0x4000  }
0x85: {  	[sflag:s8] =	ssyncset.done @!p1 $0x0  }
0x86: {  	s10 =	simm.s32 @p1 $0x3;
	[sflag:s8] =	ssyncadd.s32 @!p1 $0xFFFFC000;
	s8 =	simm.s32 @!p1 $0x100  }
0x87: {  	[spmem:s2] =	stream.indirect.scatter.add.f32 @!p1 [tilespmem:s8], [sflag:$0x4], $0x80, s6, s6, $0xb8;
	[tilespmem:$0x1C380] =	vst v63  }
0x88: {  	_ =	swait.ge [sflag:s10], $0x4000  }
0x89: {  	[sflag:s10] =	ssyncset.done $0x0  }
0x8a: {  	[sflag:s10] =	ssyncadd.s32 $0xFFFFC000  }
0x8b: {  	_ =	swait.ge [sflag:s23], $0x4000  }
0x8c: {  	[sflag:s23] =	ssyncset.done $0x0  }
0x8d: {  	s13 =	simm.s32 $0x4180;
	s14 =	simm.s32 $0x4200;
	[sflag:s23] =	ssyncadd.s32 $0xFFFFC000  }
0x8e: {  	[spmem:s2] =	stream.indirect.scatter.add.f32 [tilespmem:s14], [sflag:$0x3], $0x80, s13, s21, $0xb8;
	[tilespmem:$0x1C380] =	vst v63  }
0x8f: {  	_ =	swait.ge [sflag:s20], $0x4000  }
0x90: {  	[sflag:s20] =	ssyncset.done $0x0  }
0x91: {  	s22 =	rddreg [dreg:$0x7];
	[sflag:s20] =	ssyncadd.s32 $0xFFFFC000  }
0x92: {  	[tilespmem:s26], [sflag:$0x3] =	stream.linear.gather [hbm4b:s22+s3], $0x10, $0x38;
	[tilespmem:$0x1C380] =	vst v63  }
0x93: {  	_ =	swait.ge [sflag:s20], $0x10  }
0x94: {  	[sflag:s20] =	ssyncset.done $0x0  }
0x95: {  	s24 =	rddreg [dreg:$0x8];
	[sflag:s20] =	ssyncadd.s32 $0xFFFFFFF0  }
0x96: {  	[tilespmem:s28], [sflag:$0x3] =	stream.linear.gather [hbm4b:s24+s3], $0x10, $0x38;
	[tilespmem:$0x1C380] =	vst v63  }
0x97: {  	_ =	swait.ge [sflag:s20], $0x10  }
0x98: {  	[sflag:s20] =	ssyncset.done $0x0  }
0x99: {  	[sflag:s20] =	ssyncadd.s32 $0xFFFFFFF0  }
0x9a: {  	[tilespmem:s30], [sflag:$0x1] =	stream.indirect.gather [hbm4b:s4+s29], $0x80, s26, s29, $0xb8;
	[tilespmem:$0x1C380] =	vst v63  }
0x9b: {  	_ =	swait.ge [sflag:s31], $0x800  }
0x9c: {  	[sflag:s31] =	ssyncset.done $0x0  }
0x9d: {  	[sflag:s31] =	ssyncadd.s32 $0xFFFFF800  }
0x9e: {  	[spmem:s2] =	stream.indirect.scatter.add.f32 [tilespmem:s30], [sflag:$0x3], $0x80, s28, s29, $0xb8;
	[tilespmem:$0x1C380] =	vst v63  }
0x9f: {  	_ =	swait.ge [sflag:s20], $0x800  }
0xa0: {  	[sflag:s20] =	ssyncset.done $0x0  }
0xa1: {  	[sflag:s20] =	ssyncadd.s32 $0xFFFFF800  }
0xa2: {  	[bflag:$0x0] =	sbarrier.arrive $0xFFFF  }
0xa3: {  	s25 =	rddreg [dreg:$0x9]  }
0xa4: {  	[hbm:s25], [sflag:s7] =	dma.local [spmem:s19], $0x2700  }
0xa5: {  	_ =	swait.ge [sflag:s20], $0x2700  }
0xa6: {  	s0 =	sadd.s32 $0x1, s0;
	[sflag:s20] =	ssyncset.done $0x0  }
0xa7: {  	p1 =	sne.s32 s0, s16;
	[sflag:s20] =	ssyncadd.s32 $0xFFFFD900  }
0xa8: {  	[hbm:s15], [sflag:s7] =	dma.local @!p0 [spmem:s1], $0x100  }
.Ltmp1:
0xa9: {  	_ = 	snop;
	(pc) =	sbr.rel @p1 .LBB2_1-.Ltmp1, $4  }
0xaa: {  	s1 =	simm.s32 @!p0 $0x3  }
0xab: {  	_ =	swait.ge @!p0 [sflag:s1], $0x100  }
0xac: {  	[sflag:s1] =	ssyncset.done @!p0 $0x0  }
0xad: {  	[sflag:s1] =	ssyncadd.s32 @!p0 $0xFFFFFF00  }
0xae: {  	_ =	sfence.sel $0x180000  }
0xaf: {  	[bflag:$0x0] =	sbarrier.arrive $0xFFFF  }
0xb0: {  	_ =	strace $0x9000004A  }
0xb1: {  	s0 =	stileid.u32;
	[bflag:$0x2] =	sbarrier.arrive $0xFFFF  }
0xb2: {  	p0 =	sne.s32 s0, $0x0;
	s0 =	rddreg [dreg:$0x2]  }
0xb3: {  	s0 =	sadd.s32 @!p0 $0x100000, s0  }
0xb4: {  	[sflag:s0] =	ssyncadd.tile.s32 @!p0 $0x1;
	_ =	shalt  }
.Lfunc_end2:
_tile_overlayer_lowered:
.L_overlay_start_2:
0xb5: {  	(tag) =	ssettag $0x2  }
0xb6: {  	s0 =	rddreg [dreg:$0x0];
	s2 =	stileid.u32  }
0xb7: {  	s1 =	rddreg [dreg:$0x1];
	p0 =	sne.s32 s2, $0x0  }
0xb8: {  	s3 =	rddreg [dreg:$0x2];
	[bflag:$0x3] =	sbarrier.arrive $0xFFFF;
	s2 =	simm.s32 @!p0 $0x1C03  }
0xb9: {  	[timem:s3], [sflag:s2] =	dma.local @!p0 [hbm:s0], s1  }
0xba: {  	s0 =	simm.s32 @!p0 $0x3  }
0xbb: {  	_ =	swait.ge @!p0 [sflag:s0], s1  }
0xbc: {  	s1 =	ssub.s32 @!p0 $0x0, s1;
	[sflag:s0] =	ssyncset.done @!p0 $0x0  }
0xbd: {  	[sflag:s0] =	ssyncadd.s32 @!p0 s1  }
0xbe: {  	[bflag:$0x3] =	sbarrier.arrive $0xFFFF  }
0xbf: {  	_ =	shalt  }

// kernel: kernel.27.cloned.1.call-start
scs
__scs_entry_jumppad:
0x0: {  	(pc) =	sbr.rel $0x88, $3  }
0x1: {  	(tag) =	ssettag $0x0;
	lr =	simm.s32 $0x1  }
0x2: {  	[smem:$0x3F84] =	sst lr;
	_ =	strace $0xD0000000  }
0x3: {  	_ = 	snop  }
0x4: {  	_ = 	snop  }
0x5: {  	_ = 	snop  }
0x6: {  	_ = 	snop  }
0x7: {  	_ = 	snop  }
__scs_overlays_trampoline_lowered:
0x8: {  	[smem:$0x3F93] =	sst s0  }
0x9: {  	[smem:$0x3F94] =	sst s1  }
0xa: {  	[smem:$0x3F95] =	sst s2  }
0xb: {  	[smem:$0x3F96] =	sst s3  }
0xc: {  	[smem:$0x3F97] =	sst s4  }
0xd: {  	[smem:$0x3F98] =	sst s5  }
0xe: {  	[smem:$0x3F99] =	sst s6  }
0xf: {  	[smem:$0x3F9A] =	sst s7  }
0x10: {  	[smem:$0x3F9B] =	sst s8  }
0x11: {  	[smem:$0x3F9C] =	sst s9;
	s0 =	simm.s32 @!p0 $0x0  }
0x12: {  	s1 =	sld [smem:$0x3F82];
	s0 =	simm.s32 @p0 $0x1  }
0x13: {  	[smem:$0x3F9D] =	sst s0;
	s0 =	simm.s32 @!p1 $0x0  }
0x14: {  	s2 =	sld [smem:$0x3F81];
	s0 =	simm.s32 @p1 $0x1  }
0x15: {  	[smem:$0x3F9E] =	sst s0;
	s0 =	simm.s32 @!p2 $0x0  }
0x16: {  	s3 =	sld [smem:$0x3FDB];
	s0 =	simm.s32 @p2 $0x1  }
0x17: {  	s4 =	simm.s32 $0x1BF5;
	[smem:$0x3FA0] =	sst s0  }
0x18: {  	s0 =	sld [smem:$0x3F83];
	_ =	swait.ge [sflag:s4], $0x0  }
0x19: {  	s7 =	sld [smem:$0x3F84]  }
0x1a: {  	s8 =	sadd.s32 $0xFFFFE003, lr  }
0x1b: {  	s9 =	sadd.s32 $0xFFFFFEF7, lr;
	s5 =	simm.s32 $0xFFFFFFFF;
	p2 =	slt.u32 s8, $0xFFFFF086  }
0x1c: {  	p1 =	slt.u32 s9, $0xF7A;
	s5 =	simm.s32 @!p2 $0x0  }
0x1d: {  	s5 =	simm.s32 @p1 $0x1;
	p0 =	seq.s32 s7, s2  }
0x1e: {  	s7 =	smul.u32 @!p0 $0xF7A, s2;
	p2 =	seq.s32 @!p0 s5, $0x0  }
0x1f: {  	s9 =	smul.u32 $0xF7A, s1;
	s8 =	simm.s32 @!p0 $0x1BF5;
	p2 =	por !p2, p0  }
0x20: {  	[sflag:s8] =	ssyncset.s32 @!p0 $0xFFFFF086;
	s6 =	sadd.s32 @!p0 s3, s7;
	s7 =	simm.s32 @!p0 $0x108  }
0x21: {  	s3 =	sadd.s32 s3, s9;
	s6 =	sadd.s32 @!p0 $0x88, s6;
	s7 =	simm.s32 @p2 $0x1082  }
0x22: {  	[simem:s7], [sflag:s8] =	dma.local @!p0 [hbm:s6], $0xF7A  }
0x23: {  	s9 =	sor.u32 $0xD0000000, s2;
	s6 =	simm.s32 $0x108;
	_ =	swait.ge @!p0 [sflag:s8], $0x0  }
0x24: {  	s3 =	sadd.s32 $0x88, s3;
	s6 =	simm.s32 @!p1 $0x1082;
	[sflag:s4] =	ssyncset.s32 $0xFFFFF086  }
0x25: {  	[simem:s6], [sflag:s4] =	dma.local [hbm:s3], $0xF7A  }
0x26: {  	[smem:$0x3F84] =	sst s1;
	(tag) =	ssettag s2;
	_ =	strace s9  }
0x27: {  	s1 =	sld [smem:$0x3F94]  }
0x28: {  	s2 =	sld [smem:$0x3F95]  }
0x29: {  	s4 =	sld [smem:$0x3F97]  }
0x2a: {  	p0 =	seq.s32 s5, $0x0;
	s5 =	sld [smem:$0x3F98]  }
0x2b: {  	s6 =	sld [smem:$0x3F99]  }
0x2c: {  	s7 =	sld [smem:$0x3F9A]  }
0x2d: {  	s3 =	simm.s32 $0x108;
	s8 =	sld [smem:$0x3F9B]  }
0x2e: {  	s3 =	simm.s32 @!p0 $0x1082;
	s9 =	sld [smem:$0x3F9C]  }
0x2f: {  	lr =	sadd.s32 s0, s3;
	s0 =	sld [smem:$0x3F93]  }
0x30: {  	s3 =	sld [smem:$0x3F96]  }
0x31: {  	[smem:$0x3F9F] =	sst s10  }
0x32: {  	s10 =	sld [smem:$0x3F9D];
	_ =	sdelay $0x3  }
0x33: {  	p0 =	seq.s32 s10, $0x1;
	s10 =	sld [smem:$0x3F9F];
	_ =	sdelay $0x3  }
0x34: {  	[smem:$0x3F9F] =	sst s10  }
0x35: {  	s10 =	sld [smem:$0x3F9E];
	_ =	sdelay $0x3  }
0x36: {  	p1 =	seq.s32 s10, $0x1;
	s10 =	sld [smem:$0x3F9F];
	_ =	sdelay $0x3  }
0x37: {  	[smem:$0x3F9F] =	sst s10  }
0x38: {  	s10 =	sld [smem:$0x3FA0]  }
0x39: {  	_ = 	snop;
	(pc) =	sbr.ind lr, $3  }
0x3a: {  	_ = 	snop  }
0x3b: {  	_ = 	snop  }
0x3c: {  	p2 =	seq.s32 s10, $0x1;
	s10 =	sld [smem:$0x3F9F]  }
0x3d: {  	_ =	shalt  }
0x3e: {  	_ =	shalt  }
0x3f: {  	_ =	shalt  }
0x40: {  	_ =	shalt  }
0x41: {  	_ =	shalt  }
0x42: {  	_ =	shalt  }
0x43: {  	_ =	shalt  }
0x44: {  	_ =	shalt  }
0x45: {  	_ =	shalt  }
0x46: {  	_ =	shalt  }
0x47: {  	_ =	shalt  }
0x48: {  	_ =	shalt  }
0x49: {  	_ =	shalt  }
0x4a: {  	_ =	shalt  }
0x4b: {  	_ =	shalt  }
0x4c: {  	_ =	shalt  }
0x4d: {  	_ =	shalt  }
0x4e: {  	_ =	shalt  }
0x4f: {  	_ =	shalt  }
0x50: {  	_ =	shalt  }
0x51: {  	_ =	shalt  }
0x52: {  	_ =	shalt  }
0x53: {  	_ =	shalt  }
0x54: {  	_ =	shalt  }
0x55: {  	_ =	shalt  }
0x56: {  	_ =	shalt  }
0x57: {  	_ =	shalt  }
0x58: {  	_ =	shalt  }
0x59: {  	_ =	shalt  }
0x5a: {  	_ =	shalt  }
0x5b: {  	_ =	shalt  }
0x5c: {  	_ =	shalt  }
0x5d: {  	_ =	shalt  }
0x5e: {  	_ =	shalt  }
0x5f: {  	_ =	shalt  }
0x60: {  	_ =	shalt  }
0x61: {  	_ =	shalt  }
0x62: {  	_ =	shalt  }
0x63: {  	_ =	shalt  }
0x64: {  	_ =	shalt  }
0x65: {  	_ =	shalt  }
0x66: {  	_ =	shalt  }
0x67: {  	_ =	shalt  }
0x68: {  	_ =	shalt  }
0x69: {  	_ =	shalt  }
0x6a: {  	_ =	shalt  }
0x6b: {  	_ =	shalt  }
0x6c: {  	_ =	shalt  }
0x6d: {  	_ =	shalt  }
0x6e: {  	_ =	shalt  }
0x6f: {  	_ =	shalt  }
0x70: {  	_ =	shalt  }
0x71: {  	_ =	shalt  }
0x72: {  	_ =	shalt  }
0x73: {  	_ =	shalt  }
0x74: {  	_ =	shalt  }
0x75: {  	_ =	shalt  }
0x76: {  	_ =	shalt  }
0x77: {  	_ =	shalt  }
0x78: {  	_ =	shalt  }
0x79: {  	_ =	shalt  }
0x7a: {  	_ =	shalt  }
0x7b: {  	_ =	shalt  }
0x7c: {  	_ =	shalt  }
0x7d: {  	_ =	shalt  }
0x7e: {  	_ =	shalt  }
0x7f: {  	_ =	shalt  }
0x80: {  	_ =	shalt  }
0x81: {  	_ =	shalt  }
0x82: {  	_ =	shalt  }
0x83: {  	_ =	shalt  }
0x84: {  	_ =	shalt  }
0x85: {  	_ =	shalt  }
0x86: {  	_ =	shalt  }
0x87: {  	_ =	shalt  }
.Lfunc_end0:
.L_simem_size_0:
called_computation.2_lowered:
.L_overlay_start_0:
0x88: {  	s2 =	sld [smem:$0x3FD9]  }
0x89: {  	s3 =	sld [smem:$0x3FFE];
	_ =	sdelay $0x1  }
0x8a: {  	s1 =	srdreg.scid  }
0x8b: {  	s0 =	sand.u32 $0x1, s1  }
0x8c: {  	s16 =	sshll.u32 s0, $0xA;
	s2 =	sadd.s32 s3, s2  }
0x8d: {  	s2 =	sadd.s32 s2, s16  }
0x8e: {  	[smem:$0x3FAB] =	sst s2  }
0x8f: {  	_ = 	snop  }
0x90: {  	(tm) =	ssettm $0x1  }
0x91: {  	s17 =	sld [smem:$0x3FFB];
	_ =	sdelay $0x3  }
0x92: {  	_ =	strace s17  }
0x93: {  	s2 =	sld [smem:$0x3FFC];
	_ =	sdelay $0x3  }
0x94: {  	_ =	strace s2  }
0x95: {  	s2 =	sld [smem:$0x3FFD];
	_ =	sdelay $0x3  }
0x96: {  	_ =	strace s2  }
0x97: {  	_ =	strace $0x8FFFFFFF  }
0x98: {  	s18 =	sld [smem:$0x3FDB];
	_ =	sdelay $0x1  }
0x99: {  	s19 =	simm.s32 $_scs_section_size  }
0x9a: {  	s4 =	simm.s32 $_size__tile_overlayer_lowered;
	s5 =	simm.s32 $_tile_overlayer_lowered  }
0x9b: {  	s22 =	simm.s32 $0x1BFF;
	s21 =	sshll.u32 s5, $0x1;
	s2 =	sadd.s32 s19, s18  }
0x9c: {  	s6 =	simm.s32 $0x0;
	s20 =	sshll.u32 s4, $0x1;
	s4 =	sadd.s32 s21, s2  }
0x9d: {  	[timem:s6], [sflag:s22] =	dma.local [hbm:s4], s20  }
0x9e: {  	_ =	swait.ge [sflag:s22], s20  }
0x9f: {  	s3 =	ssub.s32 $0x0, s20;
	[sflag:s22] =	ssyncset.done $0x0  }
0xa0: {  	[sflag:s22] =	ssyncadd.s32 s3;
	_ =	sdelay $0x1  }
0xa1: {  	s23 =	simm.s32 $0x1B8B  }
0xa2: {  	_ =	swait.ge [sflag:s23], $0x1  }
0xa3: {  	[sflag:s23] =	ssyncset.done $0x0  }
0xa4: {  	s25 =	simm.s32 $0x1B8E;
	s24 =	sld [smem:$0x3FFE];
	[sflag:s23] =	ssyncadd.s32 $0xFFFFFFFF  }
0xa5: {  	s26 =	simm.s32 $execute0_lowered;
	[smem:$0x3FD2] =	sst s25  }
0xa6: {  	s4 =	sshll.u32 s26, $0x1;
	_ =	strace $0x8000004C;
	[dreg:$0x1] =	wrdreg $0xFFFFFFFF  }
0xa7: {  	s28 =	simm.s32 $_size_execute0_lowered;
	s2 =	sadd.s32 s2, s4;
	[dreg:$0x0] =	wrdreg $0x0  }
0xa8: {  	s4 =	sshll.u32 s28, $0x1;
	[dreg:$0x2] =	wrdreg s2  }
0xa9: {  	[dreg:$0x3] =	wrdreg s4  }
0xaa: {  	[dreg:$0x4] =	wrdreg $0xC0  }
0xab: {  	_ =	task [dreg:s6], $0x5FFFF  }
0xac: {  	[dreg:$0x1] =	wrdreg $0xFFFFFFFF  }
0xad: {  	[dreg:$0x0] =	wrdreg $0x60  }
0xae: {  	[dreg:$0x2] =	wrdreg s24  }
0xaf: {  	[dreg:$0x3] =	wrdreg $0x8B000  }
0xb0: {  	[dreg:$0x4] =	wrdreg $0x9  }
0xb1: {  	_ =	task.clear_ibuf [dreg:s6], $0x5FFFF;
	_ =	strace $0x9000004C  }
0xb2: {  	s29 =	simm.s32 $0x9;
	_ =	strace $0x8000004E  }
0xb3: {  	_ =	swait.ge [sflag:s29], $0x1  }
0xb4: {  	[sflag:s29] =	ssyncadd.s32 $0xFFFFFFFF  }
0xb5: {  	_ =	strace $0x9000004E  }
0xb6: {  	_ =	sfence  }
0xb7: {  	s30 =	sld [smem:$0x0];
	_ =	sdelay $0x2  }
0xb8: {  	s31 =	sshll.u32 s1, $0xD;
	s1 =	sshrl.u32 s1, $0x2  }
0xb9: {  	s3 =	sand.u32 $0x4000, s31;
	s1 =	sadd.s32 s1, s30  }
0xba: {  	s0 =	sor.u32 s3, s0;
	s1 =	sshll.u32 s1, $0x11  }
0xbb: {  	s0 =	sor.u32 s1, s0  }
0xbc: {  	s0 =	sadd.s32 $0x8F2B, s0  }
0xbd: {  	[sflag:s0] =	ssyncadd.remote.s32 $0x1  }
0xbe: {  	_ =	sfence.sel $0xFFFF  }
0xbf: {  	[dreg:$0x0] =	wrdreg $0xFFFFFFFF;
	(pc) =	sbr.abs _section_cstart, $3  }
0xc0: {  	[dreg:$0x1] =	wrdreg $0xFFFFFFFF  }
0xc1: {  	_ =	task.clear_ibuf [dreg:s6], $0x2FFFF;
	_ =	strace $0x9FFFFFFF  }
0xc2: {  	(tm) =	ssettm $0x7FFFFFFF  }
0xc3: {  	_ =	shalt  }
tec
execute0_lowered:
.L_overlay_start_1:
0x0: {  	(tag) =	ssettag $0x1  }
0x1: {  	s0 =	rddreg [dreg:$0x0]  }
0x2: {  	s2 =	rddreg [dreg:$0x1];
	s3 =	simm.s32 $0x0  }
0x3: {  	s20 =	stileid.u32;
	s7 =	srdreg.scid;
	s28 =	simm.s32 $0x8280  }
0x4: {  	s29 =	simm.s32 $0x10;
	s30 =	simm.s32 $0x8300;
	s31 =	simm.s32 $0x1  }
0x5: {  	[smem:$0x7FF] =	sst s3;
	s4 =	sadd.s32 $0x8B800, s0;
	s1 =	smul.u32 $0x2700, s20  }
0x6: {  	s5 =	sadd.s32 $0xC600, s0;
	s6 =	sadd.s32 $0x6600, s0;
	s26 =	smul.u32 $0x4E000, s20  }
0x7: {  	s9 =	sand.u32 $0x1, s7;
	s14 =	sadd.s32 $0xD9A00, s0;
	s11 =	smul.u32 $0x2710, s20  }
0x8: {  	s17 =	sadd.s32 $0x138000, s2;
	s24 =	smul.u32 $0x4E2, s20;
	p0 =	sne.s32 s20, $0xF  }
0x9: {  	_ =	strace $0x8000004D;
	s10 =	ssub.s32 $0x2, s9;
	s13 =	smul.u32 $0x27100, s9  }
0xa: {  	[dreg:$0x4] =	wrdreg s17;
	s9 =	smul.u32 $0x138800, s9;
	s8 =	sadd.s32 s1, s0  }
0xb: {  	s12 =	sshrl.u32 s10, $0x1;
	s7 =	sshrl.u32 s26, $0x2;
	s0 =	sadd.s32 $0x8B600, s0  }
0xc: {  	s21 =	sshrl.u32 s11, $0x3;
	s26 =	sadd.s32 s24, s6;
	s16 =	ssub.s32 s10, s12  }
0xd: {  	s19 =	sadd.s32 s7, s2;
	s10 =	sshll.u32 s20, $0x6;
	s8 =	sadd.s32 $0x64600, s8  }
0xe: {  	s12 =	sadd.s32 s11, s13;
	[dreg:$0x5] =	wrdreg s0;
	s11 =	sadd.s32 s6, s21  }
0xf: {  	s23 =	sshrl.u32 s9, $0x3;
	s1 =	sadd.s32 s1, s13;
	s20 =	simm.s32 $0x3  }
0x10: {  	s21 =	simm.s32 $0x80;
	[dreg:$0x3] =	wrdreg s8;
	s7 =	sor.u32 $0x1C03, s10  }
0x11: {  	s18 =	sshrl.u32 s12, $0x3;
	s0 =	sadd.s32 s14, s23;
	s25 =	sadd.s32 $0x4E0, s11  }
0x12: {  	s1 =	sadd.s32 s14, s1;
	s16 =	smax.u32 s16, $0x1;
	s17 =	sadd.s32 $0x80, s12  }
0x13: {  	s19 =	sshrl.u32 s19, $0x3;
	s23 =	simm.s32 $0x2;
	[dreg:$0x8] =	wrdreg s25  }
0x14: {  	s10 =	sadd.s32 s5, s18;
	[dreg:$0x9] =	wrdreg s1;
	s15 =	sadd.s32 $0x27000, s0  }
0x15: {  	s18 =	sadd.s32 $0x10, s26;
	[dreg:$0x6] =	wrdreg s10;
	s22 =	sadd.s32 $0x4E0, s10  }
0x16: {  	s26 =	simm.s32 $0x8200;
	s0 =	simm.s32 $0x0;
	[dreg:$0x7] =	wrdreg s22  }
.LBB2_1:
0x17: {  	s1 =	rddreg [dreg:$0x3]  }
0x18: {  	[spmem:s19], [sflag:s7] =	dma.local [hbm:s1], $0x2700  }
0x19: {  	_ =	swait.ge [sflag:s20], $0x2700  }
0x1a: {  	[sflag:s20] =	ssyncset.done $0x0;
	s1 =	rddreg [dreg:$0x4]  }
0x1b: {  	s6 =	rddreg [dreg:$0x5];
	[sflag:s20] =	ssyncadd.s32 $0xFFFFD900;
	s1 =	sshrl.u32 @!p0 s1, $0x3  }
0x1c: {  	[spmem:s1], [sflag:s7] =	dma.local @!p0 [hbm:s6], $0x100  }
0x1d: {  	s6 =	simm.s32 @!p0 $0x3  }
0x1e: {  	_ =	swait.ge @!p0 [sflag:s6], $0x100  }
0x1f: {  	[sflag:s6] =	ssyncset.done @!p0 $0x0  }
0x20: {  	[sflag:s6] =	ssyncadd.s32 @!p0 $0xFFFFFF00  }
0x21: {  	[bflag:$0x0] =	sbarrier.arrive $0xFFFF  }
0x22: {  	s8 =	rddreg [dreg:$0x6]  }
0x23: {  	[tilespmem:s3], [sflag:$0x3] =	stream.linear.gather [hbm4b:s8+s3], $0x80, $0x38;
	[tilespmem:$0x1C380] =	vst v63  }
0x24: {  	_ =	swait.ge [sflag:s20], $0x80  }
0x25: {  	[sflag:s20] =	ssyncset.done $0x0  }
0x26: {  	[sflag:s20] =	ssyncadd.s32 $0xFFFFFF80  }
0x27: {  	[tilespmem:s21], [sflag:$0x3] =	stream.linear.gather [hbm4b:s11+s3], $0x80, $0x38;
	[tilespmem:$0x1C380] =	vst v63  }
0x28: {  	_ =	swait.ge [sflag:s20], $0x80  }
0x29: {  	s9 =	simm.s32 $0x100;
	s10 =	sand.u32 $0x1, s3;
	[sflag:s20] =	ssyncset.done $0x0  }
0x2a: {  	s12 =	sshrl.u32 s17, $0x3;
	p1 =	seq.s32 s10, $0x1;
	[sflag:s20] =	ssyncadd.s32 $0xFFFFFF80  }
0x2b: {  	[tilespmem:s9], [sflag:$0x1] =	stream.indirect.gather [hbm4b:s4+s21], $0x80, s3, s21, $0xb8;
	[tilespmem:$0x1C380] =	vst v63  }
0x2c: {  	s22 =	sadd.s32 s5, s12;
	s8 =	simm.s32 @p1 $0x0;
	s9 =	simm.s32 @p1 $0x4  }
0x2d: {  	[tilespmem:s8], [sflag:$0x4] =	stream.linear.gather @p1 [hbm4b:s22+s8], $0x80, $0x38;
	[tilespmem:$0x1C380] =	vst v63  }
0x2e: {  	_ =	swait.ge @p1 [sflag:s9], $0x80  }
0x2f: {  	[sflag:s9] =	ssyncset.done @p1 $0x0  }
0x30: {  	s6 =	simm.s32 @p1 $0x80;
	[sflag:s9] =	ssyncadd.s32 @p1 $0xFFFFFF80  }
0x31: {  	[tilespmem:s6], [sflag:$0x4] =	stream.linear.gather @p1 [hbm4b:s18+s8], $0x80, $0x38;
	[tilespmem:$0x1C380] =	vst v63  }
0x32: {  	_ =	swait.ge @p1 [sflag:s9], $0x80  }
0x33: {  	[sflag:s9] =	ssyncset.done @p1 $0x0  }
0x34: {  	s24 =	simm.s32 @p1 $0x100;
	s25 =	simm.s32 @p1 $0x2;
	[sflag:s9] =	ssyncadd.s32 @p1 $0xFFFFFF80  }
0x35: {  	[tilespmem:s24], [sflag:$0x1] =	stream.indirect.gather @p1 [hbm4b:s4+s6], $0x80, s8, s6, $0xb8;
	[tilespmem:$0x1C380] =	vst v63  }
0x36: {  	_ =	swait.ge @p1 [sflag:s25], $0x4000  }
0x37: {  	[sflag:s25] =	ssyncset.done @p1 $0x0  }
0x38: {  	s9 =	simm.s32 @p1 $0x4200;
	s8 =	simm.s32 @p1 $0x4180;
	[sflag:s25] =	ssyncadd.s32 @p1 $0xFFFFC000  }
0x39: {  	[spmem:s2] =	stream.indirect.scatter.add.f32 @p1 [tilespmem:s9], [sflag:$0x3], $0x80, s8, s6, $0xb8;
	[tilespmem:$0x1C380] =	vst v63  }
0x3a: {  	s8 =	simm.s32 @!p1 $0x0;
	s9 =	simm.s32 @!p1 $0x4100;
	s6 =	simm.s32 @!p1 $0x4  }
0x3b: {  	[tilespmem:s9], [sflag:$0x4] =	stream.linear.gather @!p1 [hbm4b:s22+s8], $0x80, $0x38;
	[tilespmem:$0x1C380] =	vst v63  }
0x3c: {  	_ =	swait.ge @!p1 [sflag:s6], $0x80  }
0x3d: {  	[sflag:s6] =	ssyncset.done @!p1 $0x0  }
0x3e: {  	s22 =	simm.s32 @!p1 $0x4180;
	[sflag:s6] =	ssyncadd.s32 @!p1 $0xFFFFFF80  }
0x3f: {  	[tilespmem:s22], [sflag:$0x4] =	stream.linear.gather @!p1 [hbm4b:s18+s8], $0x80, $0x38;
	[tilespmem:$0x1C380] =	vst v63  }
0x40: {  	_ =	swait.ge @!p1 [sflag:s6], $0x80  }
0x41: {  	s25 =	simm.s32 @!p1 $0x80;
	[sflag:s6] =	ssyncset.done @!p1 $0x0  }
0x42: {  	s8 =	simm.s32 @!p1 $0x1;
	s22 =	simm.s32 @!p1 $0x4200;
	[sflag:s6] =	ssyncadd.s32 @!p1 $0xFFFFFF80  }
0x43: {  	[tilespmem:s22], [sflag:$0x2] =	stream.indirect.gather @!p1 [hbm4b:s4+s25], $0x80, s9, s25, $0xb8;
	[tilespmem:$0x1C380] =	vst v63  }
0x44: {  	s13 =	simm.s32 $0x1;
	_ =	swait.ge @!p1 [sflag:s8], $0x4000  }
0x45: {  	s14 =	sand.u32 $0x1, s13;
	[sflag:s8] =	ssyncset.done @!p1 $0x0  }
0x46: {  	s12 =	simm.s32 @!p1 $0x100;
	s24 =	simm.s32 $0x2;
	[sflag:s8] =	ssyncadd.s32 @!p1 $0xFFFFC000  }
0x47: {  	[spmem:s2] =	stream.indirect.scatter.add.f32 @!p1 [tilespmem:s12], [sflag:$0x4], $0x80, s25, s25, $0xb8;
	[tilespmem:$0x1C380] =	vst v63  }
0x48: {  	s6 =	simm.s32 @p1 $0x3;
	s22 =	sadd.s32 $0x10, s18;
	s25 =	sadd.s32 $0x80, s17  }
0x49: {  	p1 =	seq.s32 s14, $0x1;
	s9 =	sshrl.u32 s25, $0x3;
	_ =	swait.ge [sflag:s6], $0x4000  }
.LBB2_2:
0x4a: {  	s12 =	simm.s32 @p1 $0x0  }
0x4b: {  	s13 =	simm.s32 @p1 $0x4;
	[sflag:s6] =	ssyncset.done $0x0;
	s8 =	smov.u32 s24  }
0x4c: {  	s24 =	sadd.s32 $0x1, s24;
	s9 =	sadd.s32 s5, s9;
	[sflag:s6] =	ssyncadd.s32 $0xFFFFC000  }
0x4d: {  	[tilespmem:s12], [sflag:$0x4] =	stream.linear.gather @p1 [hbm4b:s9+s12], $0x80, $0x38;
	[tilespmem:$0x1C380] =	vst v63  }
0x4e: {  	p2 =	sne.s32 s24, $0x4D;
	_ =	swait.ge @p1 [sflag:s13], $0x80  }
0x4f: {  	s6 =	simm.s32 @p1 $0x80;
	[sflag:s13] =	ssyncset.done @p1 $0x0  }
0x50: {  	[sflag:s13] =	ssyncadd.s32 @p1 $0xFFFFFF80  }
0x51: {  	[tilespmem:s6], [sflag:$0x4] =	stream.linear.gather @p1 [hbm4b:s22+s12], $0x80, $0x38;
	[tilespmem:$0x1C380] =	vst v63  }
0x52: {  	_ =	swait.ge @p1 [sflag:s13], $0x80  }
0x53: {  	s10 =	simm.s32 @p1 $0x100;
	s14 =	simm.s32 @p1 $0x2;
	[sflag:s13] =	ssyncset.done @p1 $0x0  }
0x54: {  	[sflag:s13] =	ssyncadd.s32 @p1 $0xFFFFFF80  }
0x55: {  	[tilespmem:s10], [sflag:$0x1] =	stream.indirect.gather @p1 [hbm4b:s4+s6], $0x80, s12, s6, $0xb8;
	[tilespmem:$0x1C380] =	vst v63  }
0x56: {  	_ =	swait.ge @p1 [sflag:s14], $0x4000  }
0x57: {  	s10 =	simm.s32 @p1 $0x4180;
	s12 =	simm.s32 @p1 $0x4200;
	[sflag:s14] =	ssyncset.done @p1 $0x0  }
0x58: {  	[sflag:s14] =	ssyncadd.s32 @p1 $0xFFFFC000  }
0x59: {  	[spmem:s2] =	stream.indirect.scatter.add.f32 @p1 [tilespmem:s12], [sflag:$0x3], $0x80, s10, s6, $0xb8;
	[tilespmem:$0x1C380] =	vst v63  }
0x5a: {  	s10 =	simm.s32 @!p1 $0x0;
	s12 =	simm.s32 @!p1 $0x4100;
	s6 =	simm.s32 @!p1 $0x4  }
0x5b: {  	[tilespmem:s12], [sflag:$0x4] =	stream.linear.gather @!p1 [hbm4b:s9+s10], $0x80, $0x38;
	[tilespmem:$0x1C380] =	vst v63  }
0x5c: {  	_ =	swait.ge @!p1 [sflag:s6], $0x80  }
0x5d: {  	s9 =	simm.s32 @!p1 $0x4180;
	[sflag:s6] =	ssyncset.done @!p1 $0x0  }
0x5e: {  	[sflag:s6] =	ssyncadd.s32 @!p1 $0xFFFFFF80  }
0x5f: {  	[tilespmem:s9], [sflag:$0x4] =	stream.linear.gather @!p1 [hbm4b:s22+s10], $0x80, $0x38;
	[tilespmem:$0x1C380] =	vst v63  }
0x60: {  	s9 =	simm.s32 @!p1 $0x1;
	_ =	swait.ge @!p1 [sflag:s6], $0x80  }
0x61: {  	s13 =	simm.s32 @!p1 $0x4200;
	s10 =	simm.s32 @!p1 $0x80;
	[sflag:s6] =	ssyncset.done @!p1 $0x0  }
0x62: {  	[sflag:s6] =	ssyncadd.s32 @!p1 $0xFFFFFF80  }
0x63: {  	[tilespmem:s13], [sflag:$0x2] =	stream.indirect.gather @!p1 [hbm4b:s4+s10], $0x80, s12, s10, $0xb8;
	[tilespmem:$0x1C380] =	vst v63  }
.Ltmp0:
0x64: {  	s22 =	sadd.s32 $0x10, s22;
	_ =	swait.ge @!p1 [sflag:s9], $0x4000;
	(pc) =	sbr.rel @p2 .LBB2_2-.Ltmp0, $4  }
0x65: {  	s6 =	simm.s32 @p1 $0x3;
	s12 =	simm.s32 @!p1 $0x100;
	[sflag:s9] =	ssyncset.done @!p1 $0x0  }
0x66: {  	s25 =	sadd.s32 $0x80, s25;
	s8 =	sand.u32 $0x1, s8;
	[sflag:s9] =	ssyncadd.s32 @!p1 $0xFFFFC000  }
0x67: {  	[spmem:s2] =	stream.indirect.scatter.add.f32 @!p1 [tilespmem:s12], [sflag:$0x4], $0x80, s10, s10, $0xb8;
	[tilespmem:$0x1C380] =	vst v63  }
0x68: {  	s9 =	sshrl.u32 s25, $0x3;
	p1 =	seq.s32 s8, $0x1;
	_ =	swait.ge [sflag:s6], $0x4000  }
0x69: {  	s8 =	simm.s32 @p1 $0x0;
	[sflag:s6] =	ssyncset.done $0x0  }
0x6a: {  	s10 =	simm.s32 @p1 $0x4;
	s9 =	sadd.s32 s5, s9;
	[sflag:s6] =	ssyncadd.s32 $0xFFFFC000  }
0x6b: {  	[tilespmem:s8], [sflag:$0x4] =	stream.linear.gather @p1 [hbm4b:s9+s8], $0x80, $0x38;
	[tilespmem:$0x1C380] =	vst v63  }
0x6c: {  	_ =	swait.ge @p1 [sflag:s10], $0x80  }
0x6d: {  	[sflag:s10] =	ssyncset.done @p1 $0x0  }
0x6e: {  	s6 =	simm.s32 @p1 $0x80;
	[sflag:s10] =	ssyncadd.s32 @p1 $0xFFFFFF80  }
0x6f: {  	[tilespmem:s6], [sflag:$0x4] =	stream.linear.gather @p1 [hbm4b:s22+s8], $0x80, $0x38;
	[tilespmem:$0x1C380] =	vst v63  }
0x70: {  	_ =	swait.ge @p1 [sflag:s10], $0x80  }
0x71: {  	[sflag:s10] =	ssyncset.done @p1 $0x0  }
0x72: {  	[sflag:s10] =	ssyncadd.s32 @p1 $0xFFFFFF80;
	s10 =	simm.s32 @p1 $0x100  }
0x73: {  	[tilespmem:s10], [sflag:$0x1] =	stream.indirect.gather @p1 [hbm4b:s4+s6], $0x80, s8, s6, $0xb8;
	[tilespmem:$0x1C380] =	vst v63  }
0x74: {  	s8 =	simm.s32 @p1 $0x2  }
0x75: {  	_ =	swait.ge @p1 [sflag:s8], $0x4000  }
0x76: {  	[sflag:s8] =	ssyncset.done @p1 $0x0  }
0x77: {  	s10 =	simm.s32 @p1 $0x4180;
	[sflag:s8] =	ssyncadd.s32 @p1 $0xFFFFC000;
	s8 =	simm.s32 @p1 $0x4200  }
0x78: {  	[spmem:s2] =	stream.indirect.scatter.add.f32 @p1 [tilespmem:s8], [sflag:$0x3], $0x80, s10, s6, $0xb8;
	[tilespmem:$0x1C380] =	vst v63  }
0x79: {  	s6 =	simm.s32 @!p1 $0x0;
	s8 =	simm.s32 @!p1 $0x4100;
	s10 =	simm.s32 @!p1 $0x4  }
0x7a: {  	[tilespmem:s8], [sflag:$0x4] =	stream.linear.gather @!p1 [hbm4b:s9+s6], $0x80, $0x38;
	[tilespmem:$0x1C380] =	vst v63  }
0x7b: {  	_ =	swait.ge @!p1 [sflag:s10], $0x80  }
0x7c: {  	[sflag:s10] =	ssyncset.done @!p1 $0x0  }
0x7d: {  	s9 =	simm.s32 @!p1 $0x4180;
	[sflag:s10] =	ssyncadd.s32 @!p1 $0xFFFFFF80  }
0x7e: {  	[tilespmem:s9], [sflag:$0x4] =	stream.linear.gather @!p1 [hbm4b:s22+s6], $0x80, $0x38;
	[tilespmem:$0x1C380] =	vst v63  }
0x7f: {  	_ =	swait.ge @!p1 [sflag:s10], $0x80  }
0x80: {  	[sflag:s10] =	ssyncset.done @!p1 $0x0  }
0x81: {  	s6 =	simm.s32 @!p1 $0x80;
	s9 =	simm.s32 @!p1 $0x4200;
	[sflag:s10] =	ssyncadd.s32 @!p1 $0xFFFFFF80  }
0x82: {  	[tilespmem:s9], [sflag:$0x2] =	stream.indirect.gather @!p1 [hbm4b:s4+s6], $0x80, s8, s6, $0xb8;
	[tilespmem:$0x1C380] =	vst v63  }
0x83: {  	s8 =	simm.s32 @!p1 $0x1  }
0x84: {  	_ =	swait.ge @!p1 [sflag:s8], $0x4000  }
0x85: {  	[sflag:s8] =	ssyncset.done @!p1 $0x0  }
0x86: {  	s10 =	simm.s32 @p1 $0x3;
	[sflag:s8] =	ssyncadd.s32 @!p1 $0xFFFFC000;
	s8 =	simm.s32 @!p1 $0x100  }
0x87: {  	[spmem:s2] =	stream.indirect.scatter.add.f32 @!p1 [tilespmem:s8], [sflag:$0x4], $0x80, s6, s6, $0xb8;
	[tilespmem:$0x1C380] =	vst v63  }
0x88: {  	_ =	swait.ge [sflag:s10], $0x4000  }
0x89: {  	[sflag:s10] =	ssyncset.done $0x0  }
0x8a: {  	[sflag:s10] =	ssyncadd.s32 $0xFFFFC000  }
0x8b: {  	_ =	swait.ge [sflag:s23], $0x4000  }
0x8c: {  	[sflag:s23] =	ssyncset.done $0x0  }
0x8d: {  	s13 =	simm.s32 $0x4180;
	s14 =	simm.s32 $0x4200;
	[sflag:s23] =	ssyncadd.s32 $0xFFFFC000  }
0x8e: {  	[spmem:s2] =	stream.indirect.scatter.add.f32 [tilespmem:s14], [sflag:$0x3], $0x80, s13, s21, $0xb8;
	[tilespmem:$0x1C380] =	vst v63  }
0x8f: {  	_ =	swait.ge [sflag:s20], $0x4000  }
0x90: {  	[sflag:s20] =	ssyncset.done $0x0  }
0x91: {  	s22 =	rddreg [dreg:$0x7];
	[sflag:s20] =	ssyncadd.s32 $0xFFFFC000  }
0x92: {  	[tilespmem:s26], [sflag:$0x3] =	stream.linear.gather [hbm4b:s22+s3], $0x10, $0x38;
	[tilespmem:$0x1C380] =	vst v63  }
0x93: {  	_ =	swait.ge [sflag:s20], $0x10  }
0x94: {  	[sflag:s20] =	ssyncset.done $0x0  }
0x95: {  	s24 =	rddreg [dreg:$0x8];
	[sflag:s20] =	ssyncadd.s32 $0xFFFFFFF0  }
0x96: {  	[tilespmem:s28], [sflag:$0x3] =	stream.linear.gather [hbm4b:s24+s3], $0x10, $0x38;
	[tilespmem:$0x1C380] =	vst v63  }
0x97: {  	_ =	swait.ge [sflag:s20], $0x10  }
0x98: {  	[sflag:s20] =	ssyncset.done $0x0  }
0x99: {  	[sflag:s20] =	ssyncadd.s32 $0xFFFFFFF0  }
0x9a: {  	[tilespmem:s30], [sflag:$0x1] =	stream.indirect.gather [hbm4b:s4+s29], $0x80, s26, s29, $0xb8;
	[tilespmem:$0x1C380] =	vst v63  }
0x9b: {  	_ =	swait.ge [sflag:s31], $0x800  }
0x9c: {  	[sflag:s31] =	ssyncset.done $0x0  }
0x9d: {  	[sflag:s31] =	ssyncadd.s32 $0xFFFFF800  }
0x9e: {  	[spmem:s2] =	stream.indirect.scatter.add.f32 [tilespmem:s30], [sflag:$0x3], $0x80, s28, s29, $0xb8;
	[tilespmem:$0x1C380] =	vst v63  }
0x9f: {  	_ =	swait.ge [sflag:s20], $0x800  }
0xa0: {  	[sflag:s20] =	ssyncset.done $0x0  }
0xa1: {  	[sflag:s20] =	ssyncadd.s32 $0xFFFFF800  }
0xa2: {  	[bflag:$0x0] =	sbarrier.arrive $0xFFFF  }
0xa3: {  	s25 =	rddreg [dreg:$0x9]  }
0xa4: {  	[hbm:s25], [sflag:s7] =	dma.local [spmem:s19], $0x2700  }
0xa5: {  	_ =	swait.ge [sflag:s20], $0x2700  }
0xa6: {  	s0 =	sadd.s32 $0x1, s0;
	[sflag:s20] =	ssyncset.done $0x0  }
0xa7: {  	p1 =	sne.s32 s0, s16;
	[sflag:s20] =	ssyncadd.s32 $0xFFFFD900  }
0xa8: {  	[hbm:s15], [sflag:s7] =	dma.local @!p0 [spmem:s1], $0x100  }
.Ltmp1:
0xa9: {  	_ = 	snop;
	(pc) =	sbr.rel @p1 .LBB2_1-.Ltmp1, $4  }
0xaa: {  	s1 =	simm.s32 @!p0 $0x3  }
0xab: {  	_ =	swait.ge @!p0 [sflag:s1], $0x100  }
0xac: {  	[sflag:s1] =	ssyncset.done @!p0 $0x0  }
0xad: {  	[sflag:s1] =	ssyncadd.s32 @!p0 $0xFFFFFF00  }
0xae: {  	_ =	sfence.sel $0x180000  }
0xaf: {  	[bflag:$0x0] =	sbarrier.arrive $0xFFFF  }
0xb0: {  	_ =	strace $0x9000004D  }
0xb1: {  	s0 =	stileid.u32;
	[bflag:$0x2] =	sbarrier.arrive $0xFFFF  }
0xb2: {  	p0 =	sne.s32 s0, $0x0;
	s0 =	rddreg [dreg:$0x2]  }
0xb3: {  	s0 =	sadd.s32 @!p0 $0x100000, s0  }
0xb4: {  	[sflag:s0] =	ssyncadd.tile.s32 @!p0 $0x1;
	_ =	shalt  }
.Lfunc_end2:
_tile_overlayer_lowered:
.L_overlay_start_2:
0xb5: {  	(tag) =	ssettag $0x2  }
0xb6: {  	s0 =	rddreg [dreg:$0x0];
	s2 =	stileid.u32  }
0xb7: {  	s1 =	rddreg [dreg:$0x1];
	p0 =	sne.s32 s2, $0x0  }
0xb8: {  	s3 =	rddreg [dreg:$0x2];
	[bflag:$0x3] =	sbarrier.arrive $0xFFFF;
	s2 =	simm.s32 @!p0 $0x1C03  }
0xb9: {  	[timem:s3], [sflag:s2] =	dma.local @!p0 [hbm:s0], s1  }
0xba: {  	s0 =	simm.s32 @!p0 $0x3  }
0xbb: {  	_ =	swait.ge @!p0 [sflag:s0], s1  }
0xbc: {  	s1 =	ssub.s32 @!p0 $0x0, s1;
	[sflag:s0] =	ssyncset.done @!p0 $0x0  }
0xbd: {  	[sflag:s0] =	ssyncadd.s32 @!p0 s1  }
0xbe: {  	[bflag:$0x3] =	sbarrier.arrive $0xFFFF  }
0xbf: {  	_ =	shalt  }

// kernel: kernel.30.cloned.1.call-start
scs
__scs_entry_jumppad:
0x0: {  	(pc) =	sbr.rel $0x88, $3  }
0x1: {  	(tag) =	ssettag $0x0;
	lr =	simm.s32 $0x1  }
0x2: {  	[smem:$0x3F84] =	sst lr;
	_ =	strace $0xD0000000  }
0x3: {  	_ = 	snop  }
0x4: {  	_ = 	snop  }
0x5: {  	_ = 	snop  }
0x6: {  	_ = 	snop  }
0x7: {  	_ = 	snop  }
__scs_overlays_trampoline_lowered:
0x8: {  	[smem:$0x3F93] =	sst s0  }
0x9: {  	[smem:$0x3F94] =	sst s1  }
0xa: {  	[smem:$0x3F95] =	sst s2  }
0xb: {  	[smem:$0x3F96] =	sst s3  }
0xc: {  	[smem:$0x3F97] =	sst s4  }
0xd: {  	[smem:$0x3F98] =	sst s5  }
0xe: {  	[smem:$0x3F99] =	sst s6  }
0xf: {  	[smem:$0x3F9A] =	sst s7  }
0x10: {  	[smem:$0x3F9B] =	sst s8  }
0x11: {  	[smem:$0x3F9C] =	sst s9;
	s0 =	simm.s32 @!p0 $0x0  }
0x12: {  	s1 =	sld [smem:$0x3F82];
	s0 =	simm.s32 @p0 $0x1  }
0x13: {  	[smem:$0x3F9D] =	sst s0;
	s0 =	simm.s32 @!p1 $0x0  }
0x14: {  	s2 =	sld [smem:$0x3F81];
	s0 =	simm.s32 @p1 $0x1  }
0x15: {  	[smem:$0x3F9E] =	sst s0;
	s0 =	simm.s32 @!p2 $0x0  }
0x16: {  	s3 =	sld [smem:$0x3FDB];
	s0 =	simm.s32 @p2 $0x1  }
0x17: {  	s4 =	simm.s32 $0x1BF5;
	[smem:$0x3FA0] =	sst s0  }
0x18: {  	s0 =	sld [smem:$0x3F83];
	_ =	swait.ge [sflag:s4], $0x0  }
0x19: {  	s7 =	sld [smem:$0x3F84]  }
0x1a: {  	s8 =	sadd.s32 $0xFFFFE003, lr  }
0x1b: {  	s9 =	sadd.s32 $0xFFFFFEF7, lr;
	s5 =	simm.s32 $0xFFFFFFFF;
	p2 =	slt.u32 s8, $0xFFFFF086  }
0x1c: {  	p1 =	slt.u32 s9, $0xF7A;
	s5 =	simm.s32 @!p2 $0x0  }
0x1d: {  	s5 =	simm.s32 @p1 $0x1;
	p0 =	seq.s32 s7, s2  }
0x1e: {  	s7 =	smul.u32 @!p0 $0xF7A, s2;
	p2 =	seq.s32 @!p0 s5, $0x0  }
0x1f: {  	s9 =	smul.u32 $0xF7A, s1;
	s8 =	simm.s32 @!p0 $0x1BF5;
	p2 =	por !p2, p0  }
0x20: {  	[sflag:s8] =	ssyncset.s32 @!p0 $0xFFFFF086;
	s6 =	sadd.s32 @!p0 s3, s7;
	s7 =	simm.s32 @!p0 $0x108  }
0x21: {  	s3 =	sadd.s32 s3, s9;
	s6 =	sadd.s32 @!p0 $0x88, s6;
	s7 =	simm.s32 @p2 $0x1082  }
0x22: {  	[simem:s7], [sflag:s8] =	dma.local @!p0 [hbm:s6], $0xF7A  }
0x23: {  	s9 =	sor.u32 $0xD0000000, s2;
	s6 =	simm.s32 $0x108;
	_ =	swait.ge @!p0 [sflag:s8], $0x0  }
0x24: {  	s3 =	sadd.s32 $0x88, s3;
	s6 =	simm.s32 @!p1 $0x1082;
	[sflag:s4] =	ssyncset.s32 $0xFFFFF086  }
0x25: {  	[simem:s6], [sflag:s4] =	dma.local [hbm:s3], $0xF7A  }
0x26: {  	[smem:$0x3F84] =	sst s1;
	(tag) =	ssettag s2;
	_ =	strace s9  }
0x27: {  	s1 =	sld [smem:$0x3F94]  }
0x28: {  	s2 =	sld [smem:$0x3F95]  }
0x29: {  	s4 =	sld [smem:$0x3F97]  }
0x2a: {  	p0 =	seq.s32 s5, $0x0;
	s5 =	sld [smem:$0x3F98]  }
0x2b: {  	s6 =	sld [smem:$0x3F99]  }
0x2c: {  	s7 =	sld [smem:$0x3F9A]  }
0x2d: {  	s3 =	simm.s32 $0x108;
	s8 =	sld [smem:$0x3F9B]  }
0x2e: {  	s3 =	simm.s32 @!p0 $0x1082;
	s9 =	sld [smem:$0x3F9C]  }
0x2f: {  	lr =	sadd.s32 s0, s3;
	s0 =	sld [smem:$0x3F93]  }
0x30: {  	s3 =	sld [smem:$0x3F96]  }
0x31: {  	[smem:$0x3F9F] =	sst s10  }
0x32: {  	s10 =	sld [smem:$0x3F9D];
	_ =	sdelay $0x3  }
0x33: {  	p0 =	seq.s32 s10, $0x1;
	s10 =	sld [smem:$0x3F9F];
	_ =	sdelay $0x3  }
0x34: {  	[smem:$0x3F9F] =	sst s10  }
0x35: {  	s10 =	sld [smem:$0x3F9E];
	_ =	sdelay $0x3  }
0x36: {  	p1 =	seq.s32 s10, $0x1;
	s10 =	sld [smem:$0x3F9F];
	_ =	sdelay $0x3  }
0x37: {  	[smem:$0x3F9F] =	sst s10  }
0x38: {  	s10 =	sld [smem:$0x3FA0]  }
0x39: {  	_ = 	snop;
	(pc) =	sbr.ind lr, $3  }
0x3a: {  	_ = 	snop  }
0x3b: {  	_ = 	snop  }
0x3c: {  	p2 =	seq.s32 s10, $0x1;
	s10 =	sld [smem:$0x3F9F]  }
0x3d: {  	_ =	shalt  }
0x3e: {  	_ =	shalt  }
0x3f: {  	_ =	shalt  }
0x40: {  	_ =	shalt  }
0x41: {  	_ =	shalt  }
0x42: {  	_ =	shalt  }
0x43: {  	_ =	shalt  }
0x44: {  	_ =	shalt  }
0x45: {  	_ =	shalt  }
0x46: {  	_ =	shalt  }
0x47: {  	_ =	shalt  }
0x48: {  	_ =	shalt  }
0x49: {  	_ =	shalt  }
0x4a: {  	_ =	shalt  }
0x4b: {  	_ =	shalt  }
0x4c: {  	_ =	shalt  }
0x4d: {  	_ =	shalt  }
0x4e: {  	_ =	shalt  }
0x4f: {  	_ =	shalt  }
0x50: {  	_ =	shalt  }
0x51: {  	_ =	shalt  }
0x52: {  	_ =	shalt  }
0x53: {  	_ =	shalt  }
0x54: {  	_ =	shalt  }
0x55: {  	_ =	shalt  }
0x56: {  	_ =	shalt  }
0x57: {  	_ =	shalt  }
0x58: {  	_ =	shalt  }
0x59: {  	_ =	shalt  }
0x5a: {  	_ =	shalt  }
0x5b: {  	_ =	shalt  }
0x5c: {  	_ =	shalt  }
0x5d: {  	_ =	shalt  }
0x5e: {  	_ =	shalt  }
0x5f: {  	_ =	shalt  }
0x60: {  	_ =	shalt  }
0x61: {  	_ =	shalt  }
0x62: {  	_ =	shalt  }
0x63: {  	_ =	shalt  }
0x64: {  	_ =	shalt  }
0x65: {  	_ =	shalt  }
0x66: {  	_ =	shalt  }
0x67: {  	_ =	shalt  }
0x68: {  	_ =	shalt  }
0x69: {  	_ =	shalt  }
0x6a: {  	_ =	shalt  }
0x6b: {  	_ =	shalt  }
0x6c: {  	_ =	shalt  }
0x6d: {  	_ =	shalt  }
0x6e: {  	_ =	shalt  }
0x6f: {  	_ =	shalt  }
0x70: {  	_ =	shalt  }
0x71: {  	_ =	shalt  }
0x72: {  	_ =	shalt  }
0x73: {  	_ =	shalt  }
0x74: {  	_ =	shalt  }
0x75: {  	_ =	shalt  }
0x76: {  	_ =	shalt  }
0x77: {  	_ =	shalt  }
0x78: {  	_ =	shalt  }
0x79: {  	_ =	shalt  }
0x7a: {  	_ =	shalt  }
0x7b: {  	_ =	shalt  }
0x7c: {  	_ =	shalt  }
0x7d: {  	_ =	shalt  }
0x7e: {  	_ =	shalt  }
0x7f: {  	_ =	shalt  }
0x80: {  	_ =	shalt  }
0x81: {  	_ =	shalt  }
0x82: {  	_ =	shalt  }
0x83: {  	_ =	shalt  }
0x84: {  	_ =	shalt  }
0x85: {  	_ =	shalt  }
0x86: {  	_ =	shalt  }
0x87: {  	_ =	shalt  }
.Lfunc_end0:
.L_simem_size_0:
called_computation.3_lowered:
.L_overlay_start_0:
0x88: {  	s2 =	sld [smem:$0x3FD9]  }
0x89: {  	s3 =	sld [smem:$0x3FFE];
	_ =	sdelay $0x1  }
0x8a: {  	s1 =	srdreg.scid  }
0x8b: {  	s0 =	sand.u32 $0x1, s1  }
0x8c: {  	s16 =	sshll.u32 s0, $0xA;
	s2 =	sadd.s32 s3, s2  }
0x8d: {  	s2 =	sadd.s32 s2, s16  }
0x8e: {  	[smem:$0x3FAB] =	sst s2  }
0x8f: {  	_ = 	snop  }
0x90: {  	(tm) =	ssettm $0x1  }
0x91: {  	s17 =	sld [smem:$0x3FFB];
	_ =	sdelay $0x3  }
0x92: {  	_ =	strace s17  }
0x93: {  	s2 =	sld [smem:$0x3FFC];
	_ =	sdelay $0x3  }
0x94: {  	_ =	strace s2  }
0x95: {  	s2 =	sld [smem:$0x3FFD];
	_ =	sdelay $0x3  }
0x96: {  	_ =	strace s2  }
0x97: {  	_ =	strace $0x8FFFFFFF  }
0x98: {  	s18 =	sld [smem:$0x3FDB];
	_ =	sdelay $0x1  }
0x99: {  	s19 =	simm.s32 $_scs_section_size  }
0x9a: {  	s4 =	simm.s32 $_size__tile_overlayer_lowered;
	s5 =	simm.s32 $_tile_overlayer_lowered  }
0x9b: {  	s22 =	simm.s32 $0x1BFF;
	s21 =	sshll.u32 s5, $0x1;
	s2 =	sadd.s32 s19, s18  }
0x9c: {  	s6 =	simm.s32 $0x0;
	s20 =	sshll.u32 s4, $0x1;
	s4 =	sadd.s32 s21, s2  }
0x9d: {  	[timem:s6], [sflag:s22] =	dma.local [hbm:s4], s20  }
0x9e: {  	_ =	swait.ge [sflag:s22], s20  }
0x9f: {  	s3 =	ssub.s32 $0x0, s20;
	[sflag:s22] =	ssyncset.done $0x0  }
0xa0: {  	[sflag:s22] =	ssyncadd.s32 s3;
	_ =	sdelay $0x1  }
0xa1: {  	s23 =	simm.s32 $0x1B8B  }
0xa2: {  	_ =	swait.ge [sflag:s23], $0x1  }
0xa3: {  	[sflag:s23] =	ssyncset.done $0x0  }
0xa4: {  	s25 =	simm.s32 $0x1B8E;
	s24 =	sld [smem:$0x3FFE];
	[sflag:s23] =	ssyncadd.s32 $0xFFFFFFFF  }
0xa5: {  	s26 =	simm.s32 $execute0_lowered;
	[smem:$0x3FD2] =	sst s25  }
0xa6: {  	s4 =	sshll.u32 s26, $0x1;
	_ =	strace $0x8000004F;
	[dreg:$0x1] =	wrdreg $0xFFFFFFFF  }
0xa7: {  	s28 =	simm.s32 $_size_execute0_lowered;
	s2 =	sadd.s32 s2, s4;
	[dreg:$0x0] =	wrdreg $0x0  }
0xa8: {  	s4 =	sshll.u32 s28, $0x1;
	[dreg:$0x2] =	wrdreg s2  }
0xa9: {  	[dreg:$0x3] =	wrdreg s4  }
0xaa: {  	[dreg:$0x4] =	wrdreg $0xC0  }
0xab: {  	_ =	task [dreg:s6], $0x5FFFF  }
0xac: {  	[dreg:$0x1] =	wrdreg $0xFFFFFFFF  }
0xad: {  	[dreg:$0x0] =	wrdreg $0x60  }
0xae: {  	[dreg:$0x2] =	wrdreg s24  }
0xaf: {  	[dreg:$0x3] =	wrdreg $0x8B000  }
0xb0: {  	[dreg:$0x4] =	wrdreg $0x9  }
0xb1: {  	_ =	task.clear_ibuf [dreg:s6], $0x5FFFF;
	_ =	strace $0x9000004F  }
0xb2: {  	s29 =	simm.s32 $0x9;
	_ =	strace $0x80000051  }
0xb3: {  	_ =	swait.ge [sflag:s29], $0x1  }
0xb4: {  	[sflag:s29] =	ssyncadd.s32 $0xFFFFFFFF  }
0xb5: {  	_ =	strace $0x90000051  }
0xb6: {  	_ =	sfence  }
0xb7: {  	s30 =	sld [smem:$0x0];
	_ =	sdelay $0x2  }
0xb8: {  	s31 =	sshll.u32 s1, $0xD;
	s1 =	sshrl.u32 s1, $0x2  }
0xb9: {  	s3 =	sand.u32 $0x4000, s31;
	s1 =	sadd.s32 s1, s30  }
0xba: {  	s0 =	sor.u32 s3, s0;
	s1 =	sshll.u32 s1, $0x11  }
0xbb: {  	s0 =	sor.u32 s1, s0  }
0xbc: {  	s0 =	sadd.s32 $0x8F2B, s0  }
0xbd: {  	[sflag:s0] =	ssyncadd.remote.s32 $0x1  }
0xbe: {  	_ =	sfence.sel $0xFFFF  }
0xbf: {  	[dreg:$0x0] =	wrdreg $0xFFFFFFFF;
	(pc) =	sbr.abs _section_cstart, $3  }
0xc0: {  	[dreg:$0x1] =	wrdreg $0xFFFFFFFF  }
0xc1: {  	_ =	task.clear_ibuf [dreg:s6], $0x2FFFF;
	_ =	strace $0x9FFFFFFF  }
0xc2: {  	(tm) =	ssettm $0x7FFFFFFF  }
0xc3: {  	_ =	shalt  }
tec
execute0_lowered:
.L_overlay_start_1:
0x0: {  	(tag) =	ssettag $0x1  }
0x1: {  	s0 =	rddreg [dreg:$0x0]  }
0x2: {  	s2 =	rddreg [dreg:$0x1];
	s3 =	simm.s32 $0x0  }
0x3: {  	s20 =	stileid.u32;
	s7 =	srdreg.scid;
	s28 =	simm.s32 $0x8280  }
0x4: {  	s29 =	simm.s32 $0x10;
	s30 =	simm.s32 $0x8300;
	s31 =	simm.s32 $0x1  }
0x5: {  	[smem:$0x7FF] =	sst s3;
	s4 =	sadd.s32 $0x8B800, s0;
	s1 =	smul.u32 $0x2700, s20  }
0x6: {  	s5 =	sadd.s32 $0xC600, s0;
	s6 =	sadd.s32 $0x6600, s0;
	s26 =	smul.u32 $0x4E000, s20  }
0x7: {  	s9 =	sand.u32 $0x1, s7;
	s14 =	sadd.s32 $0xD9A00, s0;
	s11 =	smul.u32 $0x2710, s20  }
0x8: {  	s17 =	sadd.s32 $0x138000, s2;
	s24 =	smul.u32 $0x4E2, s20;
	p0 =	sne.s32 s20, $0xF  }
0x9: {  	_ =	strace $0x80000050;
	s10 =	ssub.s32 $0x2, s9;
	s13 =	smul.u32 $0x27100, s9  }
0xa: {  	[dreg:$0x4] =	wrdreg s17;
	s9 =	smul.u32 $0x138800, s9;
	s8 =	sadd.s32 s1, s0  }
0xb: {  	s12 =	sshrl.u32 s10, $0x1;
	s7 =	sshrl.u32 s26, $0x2;
	s0 =	sadd.s32 $0x8B600, s0  }
0xc: {  	s21 =	sshrl.u32 s11, $0x3;
	s26 =	sadd.s32 s24, s6;
	s16 =	ssub.s32 s10, s12  }
0xd: {  	s19 =	sadd.s32 s7, s2;
	s10 =	sshll.u32 s20, $0x6;
	s8 =	sadd.s32 $0x64600, s8  }
0xe: {  	s12 =	sadd.s32 s11, s13;
	[dreg:$0x5] =	wrdreg s0;
	s11 =	sadd.s32 s6, s21  }
0xf: {  	s23 =	sshrl.u32 s9, $0x3;
	s1 =	sadd.s32 s1, s13;
	s20 =	simm.s32 $0x3  }
0x10: {  	s21 =	simm.s32 $0x80;
	[dreg:$0x3] =	wrdreg s8;
	s7 =	sor.u32 $0x1C03, s10  }
0x11: {  	s18 =	sshrl.u32 s12, $0x3;
	s0 =	sadd.s32 s14, s23;
	s25 =	sadd.s32 $0x4E0, s11  }
0x12: {  	s1 =	sadd.s32 s14, s1;
	s16 =	smax.u32 s16, $0x1;
	s17 =	sadd.s32 $0x80, s12  }
0x13: {  	s19 =	sshrl.u32 s19, $0x3;
	s23 =	simm.s32 $0x2;
	[dreg:$0x8] =	wrdreg s25  }
0x14: {  	s10 =	sadd.s32 s5, s18;
	[dreg:$0x9] =	wrdreg s1;
	s15 =	sadd.s32 $0x27000, s0  }
0x15: {  	s18 =	sadd.s32 $0x10, s26;
	[dreg:$0x6] =	wrdreg s10;
	s22 =	sadd.s32 $0x4E0, s10  }
0x16: {  	s26 =	simm.s32 $0x8200;
	s0 =	simm.s32 $0x0;
	[dreg:$0x7] =	wrdreg s22  }
.LBB2_1:
0x17: {  	s1 =	rddreg [dreg:$0x3]  }
0x18: {  	[spmem:s19], [sflag:s7] =	dma.local [hbm:s1], $0x2700  }
0x19: {  	_ =	swait.ge [sflag:s20], $0x2700  }
0x1a: {  	[sflag:s20] =	ssyncset.done $0x0;
	s1 =	rddreg [dreg:$0x4]  }
0x1b: {  	s6 =	rddreg [dreg:$0x5];
	[sflag:s20] =	ssyncadd.s32 $0xFFFFD900;
	s1 =	sshrl.u32 @!p0 s1, $0x3  }
0x1c: {  	[spmem:s1], [sflag:s7] =	dma.local @!p0 [hbm:s6], $0x100  }
0x1d: {  	s6 =	simm.s32 @!p0 $0x3  }
0x1e: {  	_ =	swait.ge @!p0 [sflag:s6], $0x100  }
0x1f: {  	[sflag:s6] =	ssyncset.done @!p0 $0x0  }
0x20: {  	[sflag:s6] =	ssyncadd.s32 @!p0 $0xFFFFFF00  }
0x21: {  	[bflag:$0x0] =	sbarrier.arrive $0xFFFF  }
0x22: {  	s8 =	rddreg [dreg:$0x6]  }
0x23: {  	[tilespmem:s3], [sflag:$0x3] =	stream.linear.gather [hbm4b:s8+s3], $0x80, $0x38;
	[tilespmem:$0x1C380] =	vst v63  }
0x24: {  	_ =	swait.ge [sflag:s20], $0x80  }
0x25: {  	[sflag:s20] =	ssyncset.done $0x0  }
0x26: {  	[sflag:s20] =	ssyncadd.s32 $0xFFFFFF80  }
0x27: {  	[tilespmem:s21], [sflag:$0x3] =	stream.linear.gather [hbm4b:s11+s3], $0x80, $0x38;
	[tilespmem:$0x1C380] =	vst v63  }
0x28: {  	_ =	swait.ge [sflag:s20], $0x80  }
0x29: {  	s9 =	simm.s32 $0x100;
	s10 =	sand.u32 $0x1, s3;
	[sflag:s20] =	ssyncset.done $0x0  }
0x2a: {  	s12 =	sshrl.u32 s17, $0x3;
	p1 =	seq.s32 s10, $0x1;
	[sflag:s20] =	ssyncadd.s32 $0xFFFFFF80  }
0x2b: {  	[tilespmem:s9], [sflag:$0x1] =	stream.indirect.gather [hbm4b:s4+s21], $0x80, s3, s21, $0xb8;
	[tilespmem:$0x1C380] =	vst v63  }
0x2c: {  	s22 =	sadd.s32 s5, s12;
	s8 =	simm.s32 @p1 $0x0;
	s9 =	simm.s32 @p1 $0x4  }
0x2d: {  	[tilespmem:s8], [sflag:$0x4] =	stream.linear.gather @p1 [hbm4b:s22+s8], $0x80, $0x38;
	[tilespmem:$0x1C380] =	vst v63  }
0x2e: {  	_ =	swait.ge @p1 [sflag:s9], $0x80  }
0x2f: {  	[sflag:s9] =	ssyncset.done @p1 $0x0  }
0x30: {  	s6 =	simm.s32 @p1 $0x80;
	[sflag:s9] =	ssyncadd.s32 @p1 $0xFFFFFF80  }
0x31: {  	[tilespmem:s6], [sflag:$0x4] =	stream.linear.gather @p1 [hbm4b:s18+s8], $0x80, $0x38;
	[tilespmem:$0x1C380] =	vst v63  }
0x32: {  	_ =	swait.ge @p1 [sflag:s9], $0x80  }
0x33: {  	[sflag:s9] =	ssyncset.done @p1 $0x0  }
0x34: {  	s24 =	simm.s32 @p1 $0x100;
	s25 =	simm.s32 @p1 $0x2;
	[sflag:s9] =	ssyncadd.s32 @p1 $0xFFFFFF80  }
0x35: {  	[tilespmem:s24], [sflag:$0x1] =	stream.indirect.gather @p1 [hbm4b:s4+s6], $0x80, s8, s6, $0xb8;
	[tilespmem:$0x1C380] =	vst v63  }
0x36: {  	_ =	swait.ge @p1 [sflag:s25], $0x4000  }
0x37: {  	[sflag:s25] =	ssyncset.done @p1 $0x0  }
0x38: {  	s9 =	simm.s32 @p1 $0x4200;
	s8 =	simm.s32 @p1 $0x4180;
	[sflag:s25] =	ssyncadd.s32 @p1 $0xFFFFC000  }
0x39: {  	[spmem:s2] =	stream.indirect.scatter.add.f32 @p1 [tilespmem:s9], [sflag:$0x3], $0x80, s8, s6, $0xb8;
	[tilespmem:$0x1C380] =	vst v63  }
0x3a: {  	s8 =	simm.s32 @!p1 $0x0;
	s9 =	simm.s32 @!p1 $0x4100;
	s6 =	simm.s32 @!p1 $0x4  }
0x3b: {  	[tilespmem:s9], [sflag:$0x4] =	stream.linear.gather @!p1 [hbm4b:s22+s8], $0x80, $0x38;
	[tilespmem:$0x1C380] =	vst v63  }
0x3c: {  	_ =	swait.ge @!p1 [sflag:s6], $0x80  }
0x3d: {  	[sflag:s6] =	ssyncset.done @!p1 $0x0  }
0x3e: {  	s22 =	simm.s32 @!p1 $0x4180;
	[sflag:s6] =	ssyncadd.s32 @!p1 $0xFFFFFF80  }
0x3f: {  	[tilespmem:s22], [sflag:$0x4] =	stream.linear.gather @!p1 [hbm4b:s18+s8], $0x80, $0x38;
	[tilespmem:$0x1C380] =	vst v63  }
0x40: {  	_ =	swait.ge @!p1 [sflag:s6], $0x80  }
0x41: {  	s25 =	simm.s32 @!p1 $0x80;
	[sflag:s6] =	ssyncset.done @!p1 $0x0  }
0x42: {  	s8 =	simm.s32 @!p1 $0x1;
	s22 =	simm.s32 @!p1 $0x4200;
	[sflag:s6] =	ssyncadd.s32 @!p1 $0xFFFFFF80  }
0x43: {  	[tilespmem:s22], [sflag:$0x2] =	stream.indirect.gather @!p1 [hbm4b:s4+s25], $0x80, s9, s25, $0xb8;
	[tilespmem:$0x1C380] =	vst v63  }
0x44: {  	s13 =	simm.s32 $0x1;
	_ =	swait.ge @!p1 [sflag:s8], $0x4000  }
0x45: {  	s14 =	sand.u32 $0x1, s13;
	[sflag:s8] =	ssyncset.done @!p1 $0x0  }
0x46: {  	s12 =	simm.s32 @!p1 $0x100;
	s24 =	simm.s32 $0x2;
	[sflag:s8] =	ssyncadd.s32 @!p1 $0xFFFFC000  }
0x47: {  	[spmem:s2] =	stream.indirect.scatter.add.f32 @!p1 [tilespmem:s12], [sflag:$0x4], $0x80, s25, s25, $0xb8;
	[tilespmem:$0x1C380] =	vst v63  }
0x48: {  	s6 =	simm.s32 @p1 $0x3;
	s22 =	sadd.s32 $0x10, s18;
	s25 =	sadd.s32 $0x80, s17  }
0x49: {  	p1 =	seq.s32 s14, $0x1;
	s9 =	sshrl.u32 s25, $0x3;
	_ =	swait.ge [sflag:s6], $0x4000  }
.LBB2_2:
0x4a: {  	s12 =	simm.s32 @p1 $0x0  }
0x4b: {  	s13 =	simm.s32 @p1 $0x4;
	[sflag:s6] =	ssyncset.done $0x0;
	s8 =	smov.u32 s24  }
0x4c: {  	s24 =	sadd.s32 $0x1, s24;
	s9 =	sadd.s32 s5, s9;
	[sflag:s6] =	ssyncadd.s32 $0xFFFFC000  }
0x4d: {  	[tilespmem:s12], [sflag:$0x4] =	stream.linear.gather @p1 [hbm4b:s9+s12], $0x80, $0x38;
	[tilespmem:$0x1C380] =	vst v63  }
0x4e: {  	p2 =	sne.s32 s24, $0x4D;
	_ =	swait.ge @p1 [sflag:s13], $0x80  }
0x4f: {  	s6 =	simm.s32 @p1 $0x80;
	[sflag:s13] =	ssyncset.done @p1 $0x0  }
0x50: {  	[sflag:s13] =	ssyncadd.s32 @p1 $0xFFFFFF80  }
0x51: {  	[tilespmem:s6], [sflag:$0x4] =	stream.linear.gather @p1 [hbm4b:s22+s12], $0x80, $0x38;
	[tilespmem:$0x1C380] =	vst v63  }
0x52: {  	_ =	swait.ge @p1 [sflag:s13], $0x80  }
0x53: {  	s10 =	simm.s32 @p1 $0x100;
	s14 =	simm.s32 @p1 $0x2;
	[sflag:s13] =	ssyncset.done @p1 $0x0  }
0x54: {  	[sflag:s13] =	ssyncadd.s32 @p1 $0xFFFFFF80  }
0x55: {  	[tilespmem:s10], [sflag:$0x1] =	stream.indirect.gather @p1 [hbm4b:s4+s6], $0x80, s12, s6, $0xb8;
	[tilespmem:$0x1C380] =	vst v63  }
0x56: {  	_ =	swait.ge @p1 [sflag:s14], $0x4000  }
0x57: {  	s10 =	simm.s32 @p1 $0x4180;
	s12 =	simm.s32 @p1 $0x4200;
	[sflag:s14] =	ssyncset.done @p1 $0x0  }
0x58: {  	[sflag:s14] =	ssyncadd.s32 @p1 $0xFFFFC000  }
0x59: {  	[spmem:s2] =	stream.indirect.scatter.add.f32 @p1 [tilespmem:s12], [sflag:$0x3], $0x80, s10, s6, $0xb8;
	[tilespmem:$0x1C380] =	vst v63  }
0x5a: {  	s10 =	simm.s32 @!p1 $0x0;
	s12 =	simm.s32 @!p1 $0x4100;
	s6 =	simm.s32 @!p1 $0x4  }
0x5b: {  	[tilespmem:s12], [sflag:$0x4] =	stream.linear.gather @!p1 [hbm4b:s9+s10], $0x80, $0x38;
	[tilespmem:$0x1C380] =	vst v63  }
0x5c: {  	_ =	swait.ge @!p1 [sflag:s6], $0x80  }
0x5d: {  	s9 =	simm.s32 @!p1 $0x4180;
	[sflag:s6] =	ssyncset.done @!p1 $0x0  }
0x5e: {  	[sflag:s6] =	ssyncadd.s32 @!p1 $0xFFFFFF80  }
0x5f: {  	[tilespmem:s9], [sflag:$0x4] =	stream.linear.gather @!p1 [hbm4b:s22+s10], $0x80, $0x38;
	[tilespmem:$0x1C380] =	vst v63  }
0x60: {  	s9 =	simm.s32 @!p1 $0x1;
	_ =	swait.ge @!p1 [sflag:s6], $0x80  }
0x61: {  	s13 =	simm.s32 @!p1 $0x4200;
	s10 =	simm.s32 @!p1 $0x80;
	[sflag:s6] =	ssyncset.done @!p1 $0x0  }
0x62: {  	[sflag:s6] =	ssyncadd.s32 @!p1 $0xFFFFFF80  }
0x63: {  	[tilespmem:s13], [sflag:$0x2] =	stream.indirect.gather @!p1 [hbm4b:s4+s10], $0x80, s12, s10, $0xb8;
	[tilespmem:$0x1C380] =	vst v63  }
.Ltmp0:
0x64: {  	s22 =	sadd.s32 $0x10, s22;
	_ =	swait.ge @!p1 [sflag:s9], $0x4000;
	(pc) =	sbr.rel @p2 .LBB2_2-.Ltmp0, $4  }
0x65: {  	s6 =	simm.s32 @p1 $0x3;
	s12 =	simm.s32 @!p1 $0x100;
	[sflag:s9] =	ssyncset.done @!p1 $0x0  }
0x66: {  	s25 =	sadd.s32 $0x80, s25;
	s8 =	sand.u32 $0x1, s8;
	[sflag:s9] =	ssyncadd.s32 @!p1 $0xFFFFC000  }
0x67: {  	[spmem:s2] =	stream.indirect.scatter.add.f32 @!p1 [tilespmem:s12], [sflag:$0x4], $0x80, s10, s10, $0xb8;
	[tilespmem:$0x1C380] =	vst v63  }
0x68: {  	s9 =	sshrl.u32 s25, $0x3;
	p1 =	seq.s32 s8, $0x1;
	_ =	swait.ge [sflag:s6], $0x4000  }
0x69: {  	s8 =	simm.s32 @p1 $0x0;
	[sflag:s6] =	ssyncset.done $0x0  }
0x6a: {  	s10 =	simm.s32 @p1 $0x4;
	s9 =	sadd.s32 s5, s9;
	[sflag:s6] =	ssyncadd.s32 $0xFFFFC000  }
0x6b: {  	[tilespmem:s8], [sflag:$0x4] =	stream.linear.gather @p1 [hbm4b:s9+s8], $0x80, $0x38;
	[tilespmem:$0x1C380] =	vst v63  }
0x6c: {  	_ =	swait.ge @p1 [sflag:s10], $0x80  }
0x6d: {  	[sflag:s10] =	ssyncset.done @p1 $0x0  }
0x6e: {  	s6 =	simm.s32 @p1 $0x80;
	[sflag:s10] =	ssyncadd.s32 @p1 $0xFFFFFF80  }
0x6f: {  	[tilespmem:s6], [sflag:$0x4] =	stream.linear.gather @p1 [hbm4b:s22+s8], $0x80, $0x38;
	[tilespmem:$0x1C380] =	vst v63  }
0x70: {  	_ =	swait.ge @p1 [sflag:s10], $0x80  }
0x71: {  	[sflag:s10] =	ssyncset.done @p1 $0x0  }
0x72: {  	[sflag:s10] =	ssyncadd.s32 @p1 $0xFFFFFF80;
	s10 =	simm.s32 @p1 $0x100  }
0x73: {  	[tilespmem:s10], [sflag:$0x1] =	stream.indirect.gather @p1 [hbm4b:s4+s6], $0x80, s8, s6, $0xb8;
	[tilespmem:$0x1C380] =	vst v63  }
0x74: {  	s8 =	simm.s32 @p1 $0x2  }
0x75: {  	_ =	swait.ge @p1 [sflag:s8], $0x4000  }
0x76: {  	[sflag:s8] =	ssyncset.done @p1 $0x0  }
0x77: {  	s10 =	simm.s32 @p1 $0x4180;
	[sflag:s8] =	ssyncadd.s32 @p1 $0xFFFFC000;
	s8 =	simm.s32 @p1 $0x4200  }
0x78: {  	[spmem:s2] =	stream.indirect.scatter.add.f32 @p1 [tilespmem:s8], [sflag:$0x3], $0x80, s10, s6, $0xb8;
	[tilespmem:$0x1C380] =	vst v63  }
0x79: {  	s6 =	simm.s32 @!p1 $0x0;
	s8 =	simm.s32 @!p1 $0x4100;
	s10 =	simm.s32 @!p1 $0x4  }
0x7a: {  	[tilespmem:s8], [sflag:$0x4] =	stream.linear.gather @!p1 [hbm4b:s9+s6], $0x80, $0x38;
	[tilespmem:$0x1C380] =	vst v63  }
0x7b: {  	_ =	swait.ge @!p1 [sflag:s10], $0x80  }
0x7c: {  	[sflag:s10] =	ssyncset.done @!p1 $0x0  }
0x7d: {  	s9 =	simm.s32 @!p1 $0x4180;
	[sflag:s10] =	ssyncadd.s32 @!p1 $0xFFFFFF80  }
0x7e: {  	[tilespmem:s9], [sflag:$0x4] =	stream.linear.gather @!p1 [hbm4b:s22+s6], $0x80, $0x38;
	[tilespmem:$0x1C380] =	vst v63  }
0x7f: {  	_ =	swait.ge @!p1 [sflag:s10], $0x80  }
0x80: {  	[sflag:s10] =	ssyncset.done @!p1 $0x0  }
0x81: {  	s6 =	simm.s32 @!p1 $0x80;
	s9 =	simm.s32 @!p1 $0x4200;
	[sflag:s10] =	ssyncadd.s32 @!p1 $0xFFFFFF80  }
0x82: {  	[tilespmem:s9], [sflag:$0x2] =	stream.indirect.gather @!p1 [hbm4b:s4+s6], $0x80, s8, s6, $0xb8;
	[tilespmem:$0x1C380] =	vst v63  }
0x83: {  	s8 =	simm.s32 @!p1 $0x1  }
0x84: {  	_ =	swait.ge @!p1 [sflag:s8], $0x4000  }
0x85: {  	[sflag:s8] =	ssyncset.done @!p1 $0x0  }
0x86: {  	s10 =	simm.s32 @p1 $0x3;
	[sflag:s8] =	ssyncadd.s32 @!p1 $0xFFFFC000;
	s8 =	simm.s32 @!p1 $0x100  }
0x87: {  	[spmem:s2] =	stream.indirect.scatter.add.f32 @!p1 [tilespmem:s8], [sflag:$0x4], $0x80, s6, s6, $0xb8;
	[tilespmem:$0x1C380] =	vst v63  }
0x88: {  	_ =	swait.ge [sflag:s10], $0x4000  }
0x89: {  	[sflag:s10] =	ssyncset.done $0x0  }
0x8a: {  	[sflag:s10] =	ssyncadd.s32 $0xFFFFC000  }
0x8b: {  	_ =	swait.ge [sflag:s23], $0x4000  }
0x8c: {  	[sflag:s23] =	ssyncset.done $0x0  }
0x8d: {  	s13 =	simm.s32 $0x4180;
	s14 =	simm.s32 $0x4200;
	[sflag:s23] =	ssyncadd.s32 $0xFFFFC000  }
0x8e: {  	[spmem:s2] =	stream.indirect.scatter.add.f32 [tilespmem:s14], [sflag:$0x3], $0x80, s13, s21, $0xb8;
	[tilespmem:$0x1C380] =	vst v63  }
0x8f: {  	_ =	swait.ge [sflag:s20], $0x4000  }
0x90: {  	[sflag:s20] =	ssyncset.done $0x0  }
0x91: {  	s22 =	rddreg [dreg:$0x7];
	[sflag:s20] =	ssyncadd.s32 $0xFFFFC000  }
0x92: {  	[tilespmem:s26], [sflag:$0x3] =	stream.linear.gather [hbm4b:s22+s3], $0x10, $0x38;
	[tilespmem:$0x1C380] =	vst v63  }
0x93: {  	_ =	swait.ge [sflag:s20], $0x10  }
0x94: {  	[sflag:s20] =	ssyncset.done $0x0  }
0x95: {  	s24 =	rddreg [dreg:$0x8];
	[sflag:s20] =	ssyncadd.s32 $0xFFFFFFF0  }
0x96: {  	[tilespmem:s28], [sflag:$0x3] =	stream.linear.gather [hbm4b:s24+s3], $0x10, $0x38;
	[tilespmem:$0x1C380] =	vst v63  }
0x97: {  	_ =	swait.ge [sflag:s20], $0x10  }
0x98: {  	[sflag:s20] =	ssyncset.done $0x0  }
0x99: {  	[sflag:s20] =	ssyncadd.s32 $0xFFFFFFF0  }
0x9a: {  	[tilespmem:s30], [sflag:$0x1] =	stream.indirect.gather [hbm4b:s4+s29], $0x80, s26, s29, $0xb8;
	[tilespmem:$0x1C380] =	vst v63  }
0x9b: {  	_ =	swait.ge [sflag:s31], $0x800  }
0x9c: {  	[sflag:s31] =	ssyncset.done $0x0  }
0x9d: {  	[sflag:s31] =	ssyncadd.s32 $0xFFFFF800  }
0x9e: {  	[spmem:s2] =	stream.indirect.scatter.add.f32 [tilespmem:s30], [sflag:$0x3], $0x80, s28, s29, $0xb8;
	[tilespmem:$0x1C380] =	vst v63  }
0x9f: {  	_ =	swait.ge [sflag:s20], $0x800  }
0xa0: {  	[sflag:s20] =	ssyncset.done $0x0  }
0xa1: {  	[sflag:s20] =	ssyncadd.s32 $0xFFFFF800  }
0xa2: {  	[bflag:$0x0] =	sbarrier.arrive $0xFFFF  }
0xa3: {  	s25 =	rddreg [dreg:$0x9]  }
0xa4: {  	[hbm:s25], [sflag:s7] =	dma.local [spmem:s19], $0x2700  }
0xa5: {  	_ =	swait.ge [sflag:s20], $0x2700  }
0xa6: {  	s0 =	sadd.s32 $0x1, s0;
	[sflag:s20] =	ssyncset.done $0x0  }
0xa7: {  	p1 =	sne.s32 s0, s16;
	[sflag:s20] =	ssyncadd.s32 $0xFFFFD900  }
0xa8: {  	[hbm:s15], [sflag:s7] =	dma.local @!p0 [spmem:s1], $0x100  }
.Ltmp1:
0xa9: {  	_ = 	snop;
	(pc) =	sbr.rel @p1 .LBB2_1-.Ltmp1, $4  }
0xaa: {  	s1 =	simm.s32 @!p0 $0x3  }
0xab: {  	_ =	swait.ge @!p0 [sflag:s1], $0x100  }
0xac: {  	[sflag:s1] =	ssyncset.done @!p0 $0x0  }
0xad: {  	[sflag:s1] =	ssyncadd.s32 @!p0 $0xFFFFFF00  }
0xae: {  	_ =	sfence.sel $0x180000  }
0xaf: {  	[bflag:$0x0] =	sbarrier.arrive $0xFFFF  }
0xb0: {  	_ =	strace $0x90000050  }
0xb1: {  	s0 =	stileid.u32;
	[bflag:$0x2] =	sbarrier.arrive $0xFFFF  }
0xb2: {  	p0 =	sne.s32 s0, $0x0;
	s0 =	rddreg [dreg:$0x2]  }
0xb3: {  	s0 =	sadd.s32 @!p0 $0x100000, s0  }
0xb4: {  	[sflag:s0] =	ssyncadd.tile.s32 @!p0 $0x1;
	_ =	shalt  }
.Lfunc_end2:
_tile_overlayer_lowered:
.L_overlay_start_2:
0xb5: {  	(tag) =	ssettag $0x2  }
0xb6: {  	s0 =	rddreg [dreg:$0x0];
	s2 =	stileid.u32  }
0xb7: {  	s1 =	rddreg [dreg:$0x1];
	p0 =	sne.s32 s2, $0x0  }
0xb8: {  	s3 =	rddreg [dreg:$0x2];
	[bflag:$0x3] =	sbarrier.arrive $0xFFFF;
	s2 =	simm.s32 @!p0 $0x1C03  }
0xb9: {  	[timem:s3], [sflag:s2] =	dma.local @!p0 [hbm:s0], s1  }
0xba: {  	s0 =	simm.s32 @!p0 $0x3  }
0xbb: {  	_ =	swait.ge @!p0 [sflag:s0], s1  }
0xbc: {  	s1 =	ssub.s32 @!p0 $0x0, s1;
	[sflag:s0] =	ssyncset.done @!p0 $0x0  }
0xbd: {  	[sflag:s0] =	ssyncadd.s32 @!p0 s1  }
0xbe: {  	[bflag:$0x3] =	sbarrier.arrive $0xFFFF  }
0xbf: {  	_ =	shalt  }

// kernel: kernel.33.cloned.1.call-start
scs
__scs_entry_jumppad:
0x0: {  	(pc) =	sbr.rel $0x88, $3  }
0x1: {  	(tag) =	ssettag $0x0;
	lr =	simm.s32 $0x1  }
0x2: {  	[smem:$0x3F84] =	sst lr;
	_ =	strace $0xD0000000  }
0x3: {  	_ = 	snop  }
0x4: {  	_ = 	snop  }
0x5: {  	_ = 	snop  }
0x6: {  	_ = 	snop  }
0x7: {  	_ = 	snop  }
__scs_overlays_trampoline_lowered:
0x8: {  	[smem:$0x3F93] =	sst s0  }
0x9: {  	[smem:$0x3F94] =	sst s1  }
0xa: {  	[smem:$0x3F95] =	sst s2  }
0xb: {  	[smem:$0x3F96] =	sst s3  }
0xc: {  	[smem:$0x3F97] =	sst s4  }
0xd: {  	[smem:$0x3F98] =	sst s5  }
0xe: {  	[smem:$0x3F99] =	sst s6  }
0xf: {  	[smem:$0x3F9A] =	sst s7  }
0x10: {  	[smem:$0x3F9B] =	sst s8  }
0x11: {  	[smem:$0x3F9C] =	sst s9;
	s0 =	simm.s32 @!p0 $0x0  }
0x12: {  	s1 =	sld [smem:$0x3F82];
	s0 =	simm.s32 @p0 $0x1  }
0x13: {  	[smem:$0x3F9D] =	sst s0;
	s0 =	simm.s32 @!p1 $0x0  }
0x14: {  	s2 =	sld [smem:$0x3F81];
	s0 =	simm.s32 @p1 $0x1  }
0x15: {  	[smem:$0x3F9E] =	sst s0;
	s0 =	simm.s32 @!p2 $0x0  }
0x16: {  	s3 =	sld [smem:$0x3FDB];
	s0 =	simm.s32 @p2 $0x1  }
0x17: {  	s4 =	simm.s32 $0x1BF5;
	[smem:$0x3FA0] =	sst s0  }
0x18: {  	s0 =	sld [smem:$0x3F83];
	_ =	swait.ge [sflag:s4], $0x0  }
0x19: {  	s7 =	sld [smem:$0x3F84]  }
0x1a: {  	s8 =	sadd.s32 $0xFFFFE003, lr  }
0x1b: {  	s9 =	sadd.s32 $0xFFFFFEF7, lr;
	s5 =	simm.s32 $0xFFFFFFFF;
	p2 =	slt.u32 s8, $0xFFFFF086  }
0x1c: {  	p1 =	slt.u32 s9, $0xF7A;
	s5 =	simm.s32 @!p2 $0x0  }
0x1d: {  	s5 =	simm.s32 @p1 $0x1;
	p0 =	seq.s32 s7, s2  }
0x1e: {  	s7 =	smul.u32 @!p0 $0xF7A, s2;
	p2 =	seq.s32 @!p0 s5, $0x0  }
0x1f: {  	s9 =	smul.u32 $0xF7A, s1;
	s8 =	simm.s32 @!p0 $0x1BF5;
	p2 =	por !p2, p0  }
0x20: {  	[sflag:s8] =	ssyncset.s32 @!p0 $0xFFFFF086;
	s6 =	sadd.s32 @!p0 s3, s7;
	s7 =	simm.s32 @!p0 $0x108  }
0x21: {  	s3 =	sadd.s32 s3, s9;
	s6 =	sadd.s32 @!p0 $0x88, s6;
	s7 =	simm.s32 @p2 $0x1082  }
0x22: {  	[simem:s7], [sflag:s8] =	dma.local @!p0 [hbm:s6], $0xF7A  }
0x23: {  	s9 =	sor.u32 $0xD0000000, s2;
	s6 =	simm.s32 $0x108;
	_ =	swait.ge @!p0 [sflag:s8], $0x0  }
0x24: {  	s3 =	sadd.s32 $0x88, s3;
	s6 =	simm.s32 @!p1 $0x1082;
	[sflag:s4] =	ssyncset.s32 $0xFFFFF086  }
0x25: {  	[simem:s6], [sflag:s4] =	dma.local [hbm:s3], $0xF7A  }
0x26: {  	[smem:$0x3F84] =	sst s1;
	(tag) =	ssettag s2;
	_ =	strace s9  }
0x27: {  	s1 =	sld [smem:$0x3F94]  }
0x28: {  	s2 =	sld [smem:$0x3F95]  }
0x29: {  	s4 =	sld [smem:$0x3F97]  }
0x2a: {  	p0 =	seq.s32 s5, $0x0;
	s5 =	sld [smem:$0x3F98]  }
0x2b: {  	s6 =	sld [smem:$0x3F99]  }
0x2c: {  	s7 =	sld [smem:$0x3F9A]  }
0x2d: {  	s3 =	simm.s32 $0x108;
	s8 =	sld [smem:$0x3F9B]  }
0x2e: {  	s3 =	simm.s32 @!p0 $0x1082;
	s9 =	sld [smem:$0x3F9C]  }
0x2f: {  	lr =	sadd.s32 s0, s3;
	s0 =	sld [smem:$0x3F93]  }
0x30: {  	s3 =	sld [smem:$0x3F96]  }
0x31: {  	[smem:$0x3F9F] =	sst s10  }
0x32: {  	s10 =	sld [smem:$0x3F9D];
	_ =	sdelay $0x3  }
0x33: {  	p0 =	seq.s32 s10, $0x1;
	s10 =	sld [smem:$0x3F9F];
	_ =	sdelay $0x3  }
0x34: {  	[smem:$0x3F9F] =	sst s10  }
0x35: {  	s10 =	sld [smem:$0x3F9E];
	_ =	sdelay $0x3  }
0x36: {  	p1 =	seq.s32 s10, $0x1;
	s10 =	sld [smem:$0x3F9F];
	_ =	sdelay $0x3  }
0x37: {  	[smem:$0x3F9F] =	sst s10  }
0x38: {  	s10 =	sld [smem:$0x3FA0]  }
0x39: {  	_ = 	snop;
	(pc) =	sbr.ind lr, $3  }
0x3a: {  	_ = 	snop  }
0x3b: {  	_ = 	snop  }
0x3c: {  	p2 =	seq.s32 s10, $0x1;
	s10 =	sld [smem:$0x3F9F]  }
0x3d: {  	_ =	shalt  }
0x3e: {  	_ =	shalt  }
0x3f: {  	_ =	shalt  }
0x40: {  	_ =	shalt  }
0x41: {  	_ =	shalt  }
0x42: {  	_ =	shalt  }
0x43: {  	_ =	shalt  }
0x44: {  	_ =	shalt  }
0x45: {  	_ =	shalt  }
0x46: {  	_ =	shalt  }
0x47: {  	_ =	shalt  }
0x48: {  	_ =	shalt  }
0x49: {  	_ =	shalt  }
0x4a: {  	_ =	shalt  }
0x4b: {  	_ =	shalt  }
0x4c: {  	_ =	shalt  }
0x4d: {  	_ =	shalt  }
0x4e: {  	_ =	shalt  }
0x4f: {  	_ =	shalt  }
0x50: {  	_ =	shalt  }
0x51: {  	_ =	shalt  }
0x52: {  	_ =	shalt  }
0x53: {  	_ =	shalt  }
0x54: {  	_ =	shalt  }
0x55: {  	_ =	shalt  }
0x56: {  	_ =	shalt  }
0x57: {  	_ =	shalt  }
0x58: {  	_ =	shalt  }
0x59: {  	_ =	shalt  }
0x5a: {  	_ =	shalt  }
0x5b: {  	_ =	shalt  }
0x5c: {  	_ =	shalt  }
0x5d: {  	_ =	shalt  }
0x5e: {  	_ =	shalt  }
0x5f: {  	_ =	shalt  }
0x60: {  	_ =	shalt  }
0x61: {  	_ =	shalt  }
0x62: {  	_ =	shalt  }
0x63: {  	_ =	shalt  }
0x64: {  	_ =	shalt  }
0x65: {  	_ =	shalt  }
0x66: {  	_ =	shalt  }
0x67: {  	_ =	shalt  }
0x68: {  	_ =	shalt  }
0x69: {  	_ =	shalt  }
0x6a: {  	_ =	shalt  }
0x6b: {  	_ =	shalt  }
0x6c: {  	_ =	shalt  }
0x6d: {  	_ =	shalt  }
0x6e: {  	_ =	shalt  }
0x6f: {  	_ =	shalt  }
0x70: {  	_ =	shalt  }
0x71: {  	_ =	shalt  }
0x72: {  	_ =	shalt  }
0x73: {  	_ =	shalt  }
0x74: {  	_ =	shalt  }
0x75: {  	_ =	shalt  }
0x76: {  	_ =	shalt  }
0x77: {  	_ =	shalt  }
0x78: {  	_ =	shalt  }
0x79: {  	_ =	shalt  }
0x7a: {  	_ =	shalt  }
0x7b: {  	_ =	shalt  }
0x7c: {  	_ =	shalt  }
0x7d: {  	_ =	shalt  }
0x7e: {  	_ =	shalt  }
0x7f: {  	_ =	shalt  }
0x80: {  	_ =	shalt  }
0x81: {  	_ =	shalt  }
0x82: {  	_ =	shalt  }
0x83: {  	_ =	shalt  }
0x84: {  	_ =	shalt  }
0x85: {  	_ =	shalt  }
0x86: {  	_ =	shalt  }
0x87: {  	_ =	shalt  }
.Lfunc_end0:
.L_simem_size_0:
called_computation.4_lowered:
.L_overlay_start_0:
0x88: {  	s2 =	sld [smem:$0x3FD9]  }
0x89: {  	s3 =	sld [smem:$0x3FFE];
	_ =	sdelay $0x1  }
0x8a: {  	s1 =	srdreg.scid  }
0x8b: {  	s0 =	sand.u32 $0x1, s1  }
0x8c: {  	s16 =	sshll.u32 s0, $0xA;
	s2 =	sadd.s32 s3, s2  }
0x8d: {  	s2 =	sadd.s32 s2, s16  }
0x8e: {  	[smem:$0x3FAB] =	sst s2  }
0x8f: {  	_ = 	snop  }
0x90: {  	(tm) =	ssettm $0x1  }
0x91: {  	s17 =	sld [smem:$0x3FFB];
	_ =	sdelay $0x3  }
0x92: {  	_ =	strace s17  }
0x93: {  	s2 =	sld [smem:$0x3FFC];
	_ =	sdelay $0x3  }
0x94: {  	_ =	strace s2  }
0x95: {  	s2 =	sld [smem:$0x3FFD];
	_ =	sdelay $0x3  }
0x96: {  	_ =	strace s2  }
0x97: {  	_ =	strace $0x8FFFFFFF  }
0x98: {  	s18 =	sld [smem:$0x3FDB];
	_ =	sdelay $0x1  }
0x99: {  	s19 =	simm.s32 $_scs_section_size  }
0x9a: {  	s4 =	simm.s32 $_size__tile_overlayer_lowered;
	s5 =	simm.s32 $_tile_overlayer_lowered  }
0x9b: {  	s22 =	simm.s32 $0x1BFF;
	s21 =	sshll.u32 s5, $0x1;
	s2 =	sadd.s32 s19, s18  }
0x9c: {  	s6 =	simm.s32 $0x0;
	s20 =	sshll.u32 s4, $0x1;
	s4 =	sadd.s32 s21, s2  }
0x9d: {  	[timem:s6], [sflag:s22] =	dma.local [hbm:s4], s20  }
0x9e: {  	_ =	swait.ge [sflag:s22], s20  }
0x9f: {  	s3 =	ssub.s32 $0x0, s20;
	[sflag:s22] =	ssyncset.done $0x0  }
0xa0: {  	[sflag:s22] =	ssyncadd.s32 s3;
	_ =	sdelay $0x1  }
0xa1: {  	s23 =	simm.s32 $0x1B8B  }
0xa2: {  	_ =	swait.ge [sflag:s23], $0x1  }
0xa3: {  	[sflag:s23] =	ssyncset.done $0x0  }
0xa4: {  	s25 =	simm.s32 $0x1B8E;
	s24 =	sld [smem:$0x3FFE];
	[sflag:s23] =	ssyncadd.s32 $0xFFFFFFFF  }
0xa5: {  	s26 =	simm.s32 $execute0_lowered;
	[smem:$0x3FD2] =	sst s25  }
0xa6: {  	s4 =	sshll.u32 s26, $0x1;
	_ =	strace $0x80000052;
	[dreg:$0x1] =	wrdreg $0xFFFFFFFF  }
0xa7: {  	s28 =	simm.s32 $_size_execute0_lowered;
	s2 =	sadd.s32 s2, s4;
	[dreg:$0x0] =	wrdreg $0x0  }
0xa8: {  	s4 =	sshll.u32 s28, $0x1;
	[dreg:$0x2] =	wrdreg s2  }
0xa9: {  	[dreg:$0x3] =	wrdreg s4  }
0xaa: {  	[dreg:$0x4] =	wrdreg $0xC0  }
0xab: {  	_ =	task [dreg:s6], $0x5FFFF  }
0xac: {  	[dreg:$0x1] =	wrdreg $0xFFFFFFFF  }
0xad: {  	[dreg:$0x0] =	wrdreg $0x60  }
0xae: {  	[dreg:$0x2] =	wrdreg s24  }
0xaf: {  	[dreg:$0x3] =	wrdreg $0x8B000  }
0xb0: {  	[dreg:$0x4] =	wrdreg $0x9  }
0xb1: {  	_ =	task.clear_ibuf [dreg:s6], $0x5FFFF;
	_ =	strace $0x90000052  }
0xb2: {  	s29 =	simm.s32 $0x9;
	_ =	strace $0x80000054  }
0xb3: {  	_ =	swait.ge [sflag:s29], $0x1  }
0xb4: {  	[sflag:s29] =	ssyncadd.s32 $0xFFFFFFFF  }
0xb5: {  	_ =	strace $0x90000054  }
0xb6: {  	_ =	sfence  }
0xb7: {  	s30 =	sld [smem:$0x0];
	_ =	sdelay $0x2  }
0xb8: {  	s31 =	sshll.u32 s1, $0xD;
	s1 =	sshrl.u32 s1, $0x2  }
0xb9: {  	s3 =	sand.u32 $0x4000, s31;
	s1 =	sadd.s32 s1, s30  }
0xba: {  	s0 =	sor.u32 s3, s0;
	s1 =	sshll.u32 s1, $0x11  }
0xbb: {  	s0 =	sor.u32 s1, s0  }
0xbc: {  	s0 =	sadd.s32 $0x8F2B, s0  }
0xbd: {  	[sflag:s0] =	ssyncadd.remote.s32 $0x1  }
0xbe: {  	_ =	sfence.sel $0xFFFF  }
0xbf: {  	[dreg:$0x0] =	wrdreg $0xFFFFFFFF;
	(pc) =	sbr.abs _section_cstart, $3  }
0xc0: {  	[dreg:$0x1] =	wrdreg $0xFFFFFFFF  }
0xc1: {  	_ =	task.clear_ibuf [dreg:s6], $0x2FFFF;
	_ =	strace $0x9FFFFFFF  }
0xc2: {  	(tm) =	ssettm $0x7FFFFFFF  }
0xc3: {  	_ =	shalt  }
tec
execute0_lowered:
.L_overlay_start_1:
0x0: {  	(tag) =	ssettag $0x1  }
0x1: {  	s0 =	rddreg [dreg:$0x0]  }
0x2: {  	s2 =	rddreg [dreg:$0x1];
	s3 =	simm.s32 $0x0  }
0x3: {  	s20 =	stileid.u32;
	s7 =	srdreg.scid;
	s28 =	simm.s32 $0x8280  }
0x4: {  	s29 =	simm.s32 $0x10;
	s30 =	simm.s32 $0x8300;
	s31 =	simm.s32 $0x1  }
0x5: {  	[smem:$0x7FF] =	sst s3;
	s4 =	sadd.s32 $0x8B800, s0;
	s1 =	smul.u32 $0x2700, s20  }
0x6: {  	s5 =	sadd.s32 $0xC600, s0;
	s6 =	sadd.s32 $0x6600, s0;
	s26 =	smul.u32 $0x4E000, s20  }
0x7: {  	s9 =	sand.u32 $0x1, s7;
	s14 =	sadd.s32 $0xD9A00, s0;
	s11 =	smul.u32 $0x2710, s20  }
0x8: {  	s17 =	sadd.s32 $0x138000, s2;
	s24 =	smul.u32 $0x4E2, s20;
	p0 =	sne.s32 s20, $0xF  }
0x9: {  	_ =	strace $0x80000053;
	s10 =	ssub.s32 $0x2, s9;
	s13 =	smul.u32 $0x27100, s9  }
0xa: {  	[dreg:$0x4] =	wrdreg s17;
	s9 =	smul.u32 $0x138800, s9;
	s8 =	sadd.s32 s1, s0  }
0xb: {  	s12 =	sshrl.u32 s10, $0x1;
	s7 =	sshrl.u32 s26, $0x2;
	s0 =	sadd.s32 $0x8B600, s0  }
0xc: {  	s21 =	sshrl.u32 s11, $0x3;
	s26 =	sadd.s32 s24, s6;
	s16 =	ssub.s32 s10, s12  }
0xd: {  	s19 =	sadd.s32 s7, s2;
	s10 =	sshll.u32 s20, $0x6;
	s8 =	sadd.s32 $0x64600, s8  }
0xe: {  	s12 =	sadd.s32 s11, s13;
	[dreg:$0x5] =	wrdreg s0;
	s11 =	sadd.s32 s6, s21  }
0xf: {  	s23 =	sshrl.u32 s9, $0x3;
	s1 =	sadd.s32 s1, s13;
	s20 =	simm.s32 $0x3  }
0x10: {  	s21 =	simm.s32 $0x80;
	[dreg:$0x3] =	wrdreg s8;
	s7 =	sor.u32 $0x1C03, s10  }
0x11: {  	s18 =	sshrl.u32 s12, $0x3;
	s0 =	sadd.s32 s14, s23;
	s25 =	sadd.s32 $0x4E0, s11  }
0x12: {  	s1 =	sadd.s32 s14, s1;
	s16 =	smax.u32 s16, $0x1;
	s17 =	sadd.s32 $0x80, s12  }
0x13: {  	s19 =	sshrl.u32 s19, $0x3;
	s23 =	simm.s32 $0x2;
	[dreg:$0x8] =	wrdreg s25  }
0x14: {  	s10 =	sadd.s32 s5, s18;
	[dreg:$0x9] =	wrdreg s1;
	s15 =	sadd.s32 $0x27000, s0  }
0x15: {  	s18 =	sadd.s32 $0x10, s26;
	[dreg:$0x6] =	wrdreg s10;
	s22 =	sadd.s32 $0x4E0, s10  }
0x16: {  	s26 =	simm.s32 $0x8200;
	s0 =	simm.s32 $0x0;
	[dreg:$0x7] =	wrdreg s22  }
.LBB2_1:
0x17: {  	s1 =	rddreg [dreg:$0x3]  }
0x18: {  	[spmem:s19], [sflag:s7] =	dma.local [hbm:s1], $0x2700  }
0x19: {  	_ =	swait.ge [sflag:s20], $0x2700  }
0x1a: {  	[sflag:s20] =	ssyncset.done $0x0;
	s1 =	rddreg [dreg:$0x4]  }
0x1b: {  	s6 =	rddreg [dreg:$0x5];
	[sflag:s20] =	ssyncadd.s32 $0xFFFFD900;
	s1 =	sshrl.u32 @!p0 s1, $0x3  }
0x1c: {  	[spmem:s1], [sflag:s7] =	dma.local @!p0 [hbm:s6], $0x100  }
0x1d: {  	s6 =	simm.s32 @!p0 $0x3  }
0x1e: {  	_ =	swait.ge @!p0 [sflag:s6], $0x100  }
0x1f: {  	[sflag:s6] =	ssyncset.done @!p0 $0x0  }
0x20: {  	[sflag:s6] =	ssyncadd.s32 @!p0 $0xFFFFFF00  }
0x21: {  	[bflag:$0x0] =	sbarrier.arrive $0xFFFF  }
0x22: {  	s8 =	rddreg [dreg:$0x6]  }
0x23: {  	[tilespmem:s3], [sflag:$0x3] =	stream.linear.gather [hbm4b:s8+s3], $0x80, $0x38;
	[tilespmem:$0x1C380] =	vst v63  }
0x24: {  	_ =	swait.ge [sflag:s20], $0x80  }
0x25: {  	[sflag:s20] =	ssyncset.done $0x0  }
0x26: {  	[sflag:s20] =	ssyncadd.s32 $0xFFFFFF80  }
0x27: {  	[tilespmem:s21], [sflag:$0x3] =	stream.linear.gather [hbm4b:s11+s3], $0x80, $0x38;
	[tilespmem:$0x1C380] =	vst v63  }
0x28: {  	_ =	swait.ge [sflag:s20], $0x80  }
0x29: {  	s9 =	simm.s32 $0x100;
	s10 =	sand.u32 $0x1, s3;
	[sflag:s20] =	ssyncset.done $0x0  }
0x2a: {  	s12 =	sshrl.u32 s17, $0x3;
	p1 =	seq.s32 s10, $0x1;
	[sflag:s20] =	ssyncadd.s32 $0xFFFFFF80  }
0x2b: {  	[tilespmem:s9], [sflag:$0x1] =	stream.indirect.gather [hbm4b:s4+s21], $0x80, s3, s21, $0xb8;
	[tilespmem:$0x1C380] =	vst v63  }
0x2c: {  	s22 =	sadd.s32 s5, s12;
	s8 =	simm.s32 @p1 $0x0;
	s9 =	simm.s32 @p1 $0x4  }
0x2d: {  	[tilespmem:s8], [sflag:$0x4] =	stream.linear.gather @p1 [hbm4b:s22+s8], $0x80, $0x38;
	[tilespmem:$0x1C380] =	vst v63  }
0x2e: {  	_ =	swait.ge @p1 [sflag:s9], $0x80  }
0x2f: {  	[sflag:s9] =	ssyncset.done @p1 $0x0  }
0x30: {  	s6 =	simm.s32 @p1 $0x80;
	[sflag:s9] =	ssyncadd.s32 @p1 $0xFFFFFF80  }
0x31: {  	[tilespmem:s6], [sflag:$0x4] =	stream.linear.gather @p1 [hbm4b:s18+s8], $0x80, $0x38;
	[tilespmem:$0x1C380] =	vst v63  }
0x32: {  	_ =	swait.ge @p1 [sflag:s9], $0x80  }
0x33: {  	[sflag:s9] =	ssyncset.done @p1 $0x0  }
0x34: {  	s24 =	simm.s32 @p1 $0x100;
	s25 =	simm.s32 @p1 $0x2;
	[sflag:s9] =	ssyncadd.s32 @p1 $0xFFFFFF80  }
0x35: {  	[tilespmem:s24], [sflag:$0x1] =	stream.indirect.gather @p1 [hbm4b:s4+s6], $0x80, s8, s6, $0xb8;
	[tilespmem:$0x1C380] =	vst v63  }
0x36: {  	_ =	swait.ge @p1 [sflag:s25], $0x4000  }
0x37: {  	[sflag:s25] =	ssyncset.done @p1 $0x0  }
0x38: {  	s9 =	simm.s32 @p1 $0x4200;
	s8 =	simm.s32 @p1 $0x4180;
	[sflag:s25] =	ssyncadd.s32 @p1 $0xFFFFC000  }
0x39: {  	[spmem:s2] =	stream.indirect.scatter.add.f32 @p1 [tilespmem:s9], [sflag:$0x3], $0x80, s8, s6, $0xb8;
	[tilespmem:$0x1C380] =	vst v63  }
0x3a: {  	s8 =	simm.s32 @!p1 $0x0;
	s9 =	simm.s32 @!p1 $0x4100;
	s6 =	simm.s32 @!p1 $0x4  }
0x3b: {  	[tilespmem:s9], [sflag:$0x4] =	stream.linear.gather @!p1 [hbm4b:s22+s8], $0x80, $0x38;
	[tilespmem:$0x1C380] =	vst v63  }
0x3c: {  	_ =	swait.ge @!p1 [sflag:s6], $0x80  }
0x3d: {  	[sflag:s6] =	ssyncset.done @!p1 $0x0  }
0x3e: {  	s22 =	simm.s32 @!p1 $0x4180;
	[sflag:s6] =	ssyncadd.s32 @!p1 $0xFFFFFF80  }
0x3f: {  	[tilespmem:s22], [sflag:$0x4] =	stream.linear.gather @!p1 [hbm4b:s18+s8], $0x80, $0x38;
	[tilespmem:$0x1C380] =	vst v63  }
0x40: {  	_ =	swait.ge @!p1 [sflag:s6], $0x80  }
0x41: {  	s25 =	simm.s32 @!p1 $0x80;
	[sflag:s6] =	ssyncset.done @!p1 $0x0  }
0x42: {  	s8 =	simm.s32 @!p1 $0x1;
	s22 =	simm.s32 @!p1 $0x4200;
	[sflag:s6] =	ssyncadd.s32 @!p1 $0xFFFFFF80  }
0x43: {  	[tilespmem:s22], [sflag:$0x2] =	stream.indirect.gather @!p1 [hbm4b:s4+s25], $0x80, s9, s25, $0xb8;
	[tilespmem:$0x1C380] =	vst v63  }
0x44: {  	s13 =	simm.s32 $0x1;
	_ =	swait.ge @!p1 [sflag:s8], $0x4000  }
0x45: {  	s14 =	sand.u32 $0x1, s13;
	[sflag:s8] =	ssyncset.done @!p1 $0x0  }
0x46: {  	s12 =	simm.s32 @!p1 $0x100;
	s24 =	simm.s32 $0x2;
	[sflag:s8] =	ssyncadd.s32 @!p1 $0xFFFFC000  }
0x47: {  	[spmem:s2] =	stream.indirect.scatter.add.f32 @!p1 [tilespmem:s12], [sflag:$0x4], $0x80, s25, s25, $0xb8;
	[tilespmem:$0x1C380] =	vst v63  }
0x48: {  	s6 =	simm.s32 @p1 $0x3;
	s22 =	sadd.s32 $0x10, s18;
	s25 =	sadd.s32 $0x80, s17  }
0x49: {  	p1 =	seq.s32 s14, $0x1;
	s9 =	sshrl.u32 s25, $0x3;
	_ =	swait.ge [sflag:s6], $0x4000  }
.LBB2_2:
0x4a: {  	s12 =	simm.s32 @p1 $0x0  }
0x4b: {  	s13 =	simm.s32 @p1 $0x4;
	[sflag:s6] =	ssyncset.done $0x0;
	s8 =	smov.u32 s24  }
0x4c: {  	s24 =	sadd.s32 $0x1, s24;
	s9 =	sadd.s32 s5, s9;
	[sflag:s6] =	ssyncadd.s32 $0xFFFFC000  }
0x4d: {  	[tilespmem:s12], [sflag:$0x4] =	stream.linear.gather @p1 [hbm4b:s9+s12], $0x80, $0x38;
	[tilespmem:$0x1C380] =	vst v63  }
0x4e: {  	p2 =	sne.s32 s24, $0x4D;
	_ =	swait.ge @p1 [sflag:s13], $0x80  }
0x4f: {  	s6 =	simm.s32 @p1 $0x80;
	[sflag:s13] =	ssyncset.done @p1 $0x0  }
0x50: {  	[sflag:s13] =	ssyncadd.s32 @p1 $0xFFFFFF80  }
0x51: {  	[tilespmem:s6], [sflag:$0x4] =	stream.linear.gather @p1 [hbm4b:s22+s12], $0x80, $0x38;
	[tilespmem:$0x1C380] =	vst v63  }
0x52: {  	_ =	swait.ge @p1 [sflag:s13], $0x80  }
0x53: {  	s10 =	simm.s32 @p1 $0x100;
	s14 =	simm.s32 @p1 $0x2;
	[sflag:s13] =	ssyncset.done @p1 $0x0  }
0x54: {  	[sflag:s13] =	ssyncadd.s32 @p1 $0xFFFFFF80  }
0x55: {  	[tilespmem:s10], [sflag:$0x1] =	stream.indirect.gather @p1 [hbm4b:s4+s6], $0x80, s12, s6, $0xb8;
	[tilespmem:$0x1C380] =	vst v63  }
0x56: {  	_ =	swait.ge @p1 [sflag:s14], $0x4000  }
0x57: {  	s10 =	simm.s32 @p1 $0x4180;
	s12 =	simm.s32 @p1 $0x4200;
	[sflag:s14] =	ssyncset.done @p1 $0x0  }
0x58: {  	[sflag:s14] =	ssyncadd.s32 @p1 $0xFFFFC000  }
0x59: {  	[spmem:s2] =	stream.indirect.scatter.add.f32 @p1 [tilespmem:s12], [sflag:$0x3], $0x80, s10, s6, $0xb8;
	[tilespmem:$0x1C380] =	vst v63  }
0x5a: {  	s10 =	simm.s32 @!p1 $0x0;
	s12 =	simm.s32 @!p1 $0x4100;
	s6 =	simm.s32 @!p1 $0x4  }
0x5b: {  	[tilespmem:s12], [sflag:$0x4] =	stream.linear.gather @!p1 [hbm4b:s9+s10], $0x80, $0x38;
	[tilespmem:$0x1C380] =	vst v63  }
0x5c: {  	_ =	swait.ge @!p1 [sflag:s6], $0x80  }
0x5d: {  	s9 =	simm.s32 @!p1 $0x4180;
	[sflag:s6] =	ssyncset.done @!p1 $0x0  }
0x5e: {  	[sflag:s6] =	ssyncadd.s32 @!p1 $0xFFFFFF80  }
0x5f: {  	[tilespmem:s9], [sflag:$0x4] =	stream.linear.gather @!p1 [hbm4b:s22+s10], $0x80, $0x38;
	[tilespmem:$0x1C380] =	vst v63  }
0x60: {  	s9 =	simm.s32 @!p1 $0x1;
	_ =	swait.ge @!p1 [sflag:s6], $0x80  }
0x61: {  	s13 =	simm.s32 @!p1 $0x4200;
	s10 =	simm.s32 @!p1 $0x80;
	[sflag:s6] =	ssyncset.done @!p1 $0x0  }
0x62: {  	[sflag:s6] =	ssyncadd.s32 @!p1 $0xFFFFFF80  }
0x63: {  	[tilespmem:s13], [sflag:$0x2] =	stream.indirect.gather @!p1 [hbm4b:s4+s10], $0x80, s12, s10, $0xb8;
	[tilespmem:$0x1C380] =	vst v63  }
.Ltmp0:
0x64: {  	s22 =	sadd.s32 $0x10, s22;
	_ =	swait.ge @!p1 [sflag:s9], $0x4000;
	(pc) =	sbr.rel @p2 .LBB2_2-.Ltmp0, $4  }
0x65: {  	s6 =	simm.s32 @p1 $0x3;
	s12 =	simm.s32 @!p1 $0x100;
	[sflag:s9] =	ssyncset.done @!p1 $0x0  }
0x66: {  	s25 =	sadd.s32 $0x80, s25;
	s8 =	sand.u32 $0x1, s8;
	[sflag:s9] =	ssyncadd.s32 @!p1 $0xFFFFC000  }
0x67: {  	[spmem:s2] =	stream.indirect.scatter.add.f32 @!p1 [tilespmem:s12], [sflag:$0x4], $0x80, s10, s10, $0xb8;
	[tilespmem:$0x1C380] =	vst v63  }
0x68: {  	s9 =	sshrl.u32 s25, $0x3;
	p1 =	seq.s32 s8, $0x1;
	_ =	swait.ge [sflag:s6], $0x4000  }
0x69: {  	s8 =	simm.s32 @p1 $0x0;
	[sflag:s6] =	ssyncset.done $0x0  }
0x6a: {  	s10 =	simm.s32 @p1 $0x4;
	s9 =	sadd.s32 s5, s9;
	[sflag:s6] =	ssyncadd.s32 $0xFFFFC000  }
0x6b: {  	[tilespmem:s8], [sflag:$0x4] =	stream.linear.gather @p1 [hbm4b:s9+s8], $0x80, $0x38;
	[tilespmem:$0x1C380] =	vst v63  }
0x6c: {  	_ =	swait.ge @p1 [sflag:s10], $0x80  }
0x6d: {  	[sflag:s10] =	ssyncset.done @p1 $0x0  }
0x6e: {  	s6 =	simm.s32 @p1 $0x80;
	[sflag:s10] =	ssyncadd.s32 @p1 $0xFFFFFF80  }
0x6f: {  	[tilespmem:s6], [sflag:$0x4] =	stream.linear.gather @p1 [hbm4b:s22+s8], $0x80, $0x38;
	[tilespmem:$0x1C380] =	vst v63  }
0x70: {  	_ =	swait.ge @p1 [sflag:s10], $0x80  }
0x71: {  	[sflag:s10] =	ssyncset.done @p1 $0x0  }
0x72: {  	[sflag:s10] =	ssyncadd.s32 @p1 $0xFFFFFF80;
	s10 =	simm.s32 @p1 $0x100  }
0x73: {  	[tilespmem:s10], [sflag:$0x1] =	stream.indirect.gather @p1 [hbm4b:s4+s6], $0x80, s8, s6, $0xb8;
	[tilespmem:$0x1C380] =	vst v63  }
0x74: {  	s8 =	simm.s32 @p1 $0x2  }
0x75: {  	_ =	swait.ge @p1 [sflag:s8], $0x4000  }
0x76: {  	[sflag:s8] =	ssyncset.done @p1 $0x0  }
0x77: {  	s10 =	simm.s32 @p1 $0x4180;
	[sflag:s8] =	ssyncadd.s32 @p1 $0xFFFFC000;
	s8 =	simm.s32 @p1 $0x4200  }
0x78: {  	[spmem:s2] =	stream.indirect.scatter.add.f32 @p1 [tilespmem:s8], [sflag:$0x3], $0x80, s10, s6, $0xb8;
	[tilespmem:$0x1C380] =	vst v63  }
0x79: {  	s6 =	simm.s32 @!p1 $0x0;
	s8 =	simm.s32 @!p1 $0x4100;
	s10 =	simm.s32 @!p1 $0x4  }
0x7a: {  	[tilespmem:s8], [sflag:$0x4] =	stream.linear.gather @!p1 [hbm4b:s9+s6], $0x80, $0x38;
	[tilespmem:$0x1C380] =	vst v63  }
0x7b: {  	_ =	swait.ge @!p1 [sflag:s10], $0x80  }
0x7c: {  	[sflag:s10] =	ssyncset.done @!p1 $0x0  }
0x7d: {  	s9 =	simm.s32 @!p1 $0x4180;
	[sflag:s10] =	ssyncadd.s32 @!p1 $0xFFFFFF80  }
0x7e: {  	[tilespmem:s9], [sflag:$0x4] =	stream.linear.gather @!p1 [hbm4b:s22+s6], $0x80, $0x38;
	[tilespmem:$0x1C380] =	vst v63  }
0x7f: {  	_ =	swait.ge @!p1 [sflag:s10], $0x80  }
0x80: {  	[sflag:s10] =	ssyncset.done @!p1 $0x0  }
0x81: {  	s6 =	simm.s32 @!p1 $0x80;
	s9 =	simm.s32 @!p1 $0x4200;
	[sflag:s10] =	ssyncadd.s32 @!p1 $0xFFFFFF80  }
0x82: {  	[tilespmem:s9], [sflag:$0x2] =	stream.indirect.gather @!p1 [hbm4b:s4+s6], $0x80, s8, s6, $0xb8;
	[tilespmem:$0x1C380] =	vst v63  }
0x83: {  	s8 =	simm.s32 @!p1 $0x1  }
0x84: {  	_ =	swait.ge @!p1 [sflag:s8], $0x4000  }
0x85: {  	[sflag:s8] =	ssyncset.done @!p1 $0x0  }
0x86: {  	s10 =	simm.s32 @p1 $0x3;
	[sflag:s8] =	ssyncadd.s32 @!p1 $0xFFFFC000;
	s8 =	simm.s32 @!p1 $0x100  }
0x87: {  	[spmem:s2] =	stream.indirect.scatter.add.f32 @!p1 [tilespmem:s8], [sflag:$0x4], $0x80, s6, s6, $0xb8;
	[tilespmem:$0x1C380] =	vst v63  }
0x88: {  	_ =	swait.ge [sflag:s10], $0x4000  }
0x89: {  	[sflag:s10] =	ssyncset.done $0x0  }
0x8a: {  	[sflag:s10] =	ssyncadd.s32 $0xFFFFC000  }
0x8b: {  	_ =	swait.ge [sflag:s23], $0x4000  }
0x8c: {  	[sflag:s23] =	ssyncset.done $0x0  }
0x8d: {  	s13 =	simm.s32 $0x4180;
	s14 =	simm.s32 $0x4200;
	[sflag:s23] =	ssyncadd.s32 $0xFFFFC000  }
0x8e: {  	[spmem:s2] =	stream.indirect.scatter.add.f32 [tilespmem:s14], [sflag:$0x3], $0x80, s13, s21, $0xb8;
	[tilespmem:$0x1C380] =	vst v63  }
0x8f: {  	_ =	swait.ge [sflag:s20], $0x4000  }
0x90: {  	[sflag:s20] =	ssyncset.done $0x0  }
0x91: {  	s22 =	rddreg [dreg:$0x7];
	[sflag:s20] =	ssyncadd.s32 $0xFFFFC000  }
0x92: {  	[tilespmem:s26], [sflag:$0x3] =	stream.linear.gather [hbm4b:s22+s3], $0x10, $0x38;
	[tilespmem:$0x1C380] =	vst v63  }
0x93: {  	_ =	swait.ge [sflag:s20], $0x10  }
0x94: {  	[sflag:s20] =	ssyncset.done $0x0  }
0x95: {  	s24 =	rddreg [dreg:$0x8];
	[sflag:s20] =	ssyncadd.s32 $0xFFFFFFF0  }
0x96: {  	[tilespmem:s28], [sflag:$0x3] =	stream.linear.gather [hbm4b:s24+s3], $0x10, $0x38;
	[tilespmem:$0x1C380] =	vst v63  }
0x97: {  	_ =	swait.ge [sflag:s20], $0x10  }
0x98: {  	[sflag:s20] =	ssyncset.done $0x0  }
0x99: {  	[sflag:s20] =	ssyncadd.s32 $0xFFFFFFF0  }
0x9a: {  	[tilespmem:s30], [sflag:$0x1] =	stream.indirect.gather [hbm4b:s4+s29], $0x80, s26, s29, $0xb8;
	[tilespmem:$0x1C380] =	vst v63  }
0x9b: {  	_ =	swait.ge [sflag:s31], $0x800  }
0x9c: {  	[sflag:s31] =	ssyncset.done $0x0  }
0x9d: {  	[sflag:s31] =	ssyncadd.s32 $0xFFFFF800  }
0x9e: {  	[spmem:s2] =	stream.indirect.scatter.add.f32 [tilespmem:s30], [sflag:$0x3], $0x80, s28, s29, $0xb8;
	[tilespmem:$0x1C380] =	vst v63  }
0x9f: {  	_ =	swait.ge [sflag:s20], $0x800  }
0xa0: {  	[sflag:s20] =	ssyncset.done $0x0  }
0xa1: {  	[sflag:s20] =	ssyncadd.s32 $0xFFFFF800  }
0xa2: {  	[bflag:$0x0] =	sbarrier.arrive $0xFFFF  }
0xa3: {  	s25 =	rddreg [dreg:$0x9]  }
0xa4: {  	[hbm:s25], [sflag:s7] =	dma.local [spmem:s19], $0x2700  }
0xa5: {  	_ =	swait.ge [sflag:s20], $0x2700  }
0xa6: {  	s0 =	sadd.s32 $0x1, s0;
	[sflag:s20] =	ssyncset.done $0x0  }
0xa7: {  	p1 =	sne.s32 s0, s16;
	[sflag:s20] =	ssyncadd.s32 $0xFFFFD900  }
0xa8: {  	[hbm:s15], [sflag:s7] =	dma.local @!p0 [spmem:s1], $0x100  }
.Ltmp1:
0xa9: {  	_ = 	snop;
	(pc) =	sbr.rel @p1 .LBB2_1-.Ltmp1, $4  }
0xaa: {  	s1 =	simm.s32 @!p0 $0x3  }
0xab: {  	_ =	swait.ge @!p0 [sflag:s1], $0x100  }
0xac: {  	[sflag:s1] =	ssyncset.done @!p0 $0x0  }
0xad: {  	[sflag:s1] =	ssyncadd.s32 @!p0 $0xFFFFFF00  }
0xae: {  	_ =	sfence.sel $0x180000  }
0xaf: {  	[bflag:$0x0] =	sbarrier.arrive $0xFFFF  }
0xb0: {  	_ =	strace $0x90000053  }
0xb1: {  	s0 =	stileid.u32;
	[bflag:$0x2] =	sbarrier.arrive $0xFFFF  }
0xb2: {  	p0 =	sne.s32 s0, $0x0;
	s0 =	rddreg [dreg:$0x2]  }
0xb3: {  	s0 =	sadd.s32 @!p0 $0x100000, s0  }
0xb4: {  	[sflag:s0] =	ssyncadd.tile.s32 @!p0 $0x1;
	_ =	shalt  }
.Lfunc_end2:
_tile_overlayer_lowered:
.L_overlay_start_2:
0xb5: {  	(tag) =	ssettag $0x2  }
0xb6: {  	s0 =	rddreg [dreg:$0x0];
	s2 =	stileid.u32  }
0xb7: {  	s1 =	rddreg [dreg:$0x1];
	p0 =	sne.s32 s2, $0x0  }
0xb8: {  	s3 =	rddreg [dreg:$0x2];
	[bflag:$0x3] =	sbarrier.arrive $0xFFFF;
	s2 =	simm.s32 @!p0 $0x1C03  }
0xb9: {  	[timem:s3], [sflag:s2] =	dma.local @!p0 [hbm:s0], s1  }
0xba: {  	s0 =	simm.s32 @!p0 $0x3  }
0xbb: {  	_ =	swait.ge @!p0 [sflag:s0], s1  }
0xbc: {  	s1 =	ssub.s32 @!p0 $0x0, s1;
	[sflag:s0] =	ssyncset.done @!p0 $0x0  }
0xbd: {  	[sflag:s0] =	ssyncadd.s32 @!p0 s1  }
0xbe: {  	[bflag:$0x3] =	sbarrier.arrive $0xFFFF  }
0xbf: {  	_ =	shalt  }

</sc_bundles>
